<compile_context>
chip_gen: v7x
topology: tpu7x:2x2x1
jax: 0.10.2.dev20260603
libtpu: 0.0.44.dev20260713+nightly
codegen_flags: <defaults>
</compile_context>

<pallas_src>
import functools

import jax
import jax.numpy as jnp
from jax import lax
from jax.experimental import pallas as pl
from jax.experimental.pallas import tpu as pltpu
from jax.experimental.pallas import tpu_sc as plsc

N = 100000
E = 6400000
IN_DIM = 5
HIDDEN = 128
NUM_CLASSES = 2

NC = 2
NS = 16
NW = NC * NS

D = 8
NP = 100352
K = 128
SB = 8
EPT = 200704
EPAD = EPT * NW
NSB = EPT // (K * SB)
RPT = EPT // K
NCH = EPT // 2048
ROWS_PER_TILE = NP // NS
NSLOT = 4

BK = 2048

_mesh = plsc.VectorSubcoreMesh(
    core_axis_name="c", subcore_axis_name="s", num_cores=NC, num_subcores=NS)


def _hist_body(dst_hbm, out_hbm, counts, dbuf, sem):
  c = lax.axis_index("c")
  s = lax.axis_index("s")
  wid = s * NC + c

  zeros16 = jnp.zeros((16,), jnp.float32)
  def zero_body(i, carry):
    counts[pl.ds(i * 16, 16)] = zeros16
    return carry
  lax.fori_loop(0, NP // 16, zero_body, 0)

  ones16 = jnp.ones((16,), jnp.float32)
  base = wid * EPT

  def fire(u, slot):
    pltpu.make_async_copy(
        dst_hbm.at[pl.ds(base + u * 2048, 2048)], dbuf.at[slot], sem).start()

  def drain(slot):
    pltpu.make_async_copy(
        dst_hbm.at[pl.ds(base, 2048)], dbuf.at[slot], sem).wait()

  fire(0, 0)
  def chunk(u, carry):
    slot = lax.rem(u, 2)
    drain(slot)
    @pl.when(u + 1 < NCH)
    def _():
      fire(u + 1, 1 - slot)
    for t in range(2048 // 16):
      idx = dbuf[slot, pl.ds(t * 16, 16)]
      plsc.addupdate_scatter(counts, [idx], ones16)
    return carry
  lax.fori_loop(0, NCH, chunk, 0)

  pltpu.sync_copy(counts, out_hbm.at[wid])


_hist_kernel = functools.partial(
    pl.kernel,
    out_type=jax.ShapeDtypeStruct((NW, NP), jnp.float32),
    mesh=_mesh,
    scratch_types=[
        pltpu.VMEM((NP,), jnp.float32),
        pltpu.VMEM((2, 2048), jnp.int32),
        pltpu.SemaphoreType.DMA,
    ],
    compiler_params=pltpu.CompilerParams(needs_layout_passes=False),
)(_hist_body)


def _prop_body(src_hbm, dst_hbm, g_hbm, zrows_hbm, out_hbm,
               acc, sbuf, dbuf, rows, sem_i, sem_g, sem_s):
  c = lax.axis_index("c")
  s = lax.axis_index("s")
  wid = s * NC + c
  rs = s * ROWS_PER_TILE

  pltpu.sync_copy(zrows_hbm, acc.at[pl.ds(rs, ROWS_PER_TILE)])
  plsc.subcore_barrier()

  base_row = wid * RPT

  def fire_idx(j, slot):
    r0 = base_row + j * SB
    pltpu.make_async_copy(
        src_hbm.at[pl.ds(r0, SB)], sbuf.at[slot], sem_i).start()
    pltpu.make_async_copy(
        dst_hbm.at[pl.ds(r0, SB)], dbuf.at[slot], sem_i).start()

  def wait_idx(slot):
    pltpu.make_async_copy(
        src_hbm.at[pl.ds(base_row, SB)], sbuf.at[slot], sem_i).wait()
    pltpu.make_async_copy(
        dst_hbm.at[pl.ds(base_row, SB)], dbuf.at[slot], sem_i).wait()

  def gather(slot, b):
    return pltpu.make_async_copy(
        g_hbm.at[sbuf.at[slot, b]], rows.at[slot, b], sem_g)

  def scatter(slot, b):
    return pltpu.make_async_copy(
        rows.at[slot, b], acc.at[dbuf.at[slot, b]], sem_s)

  fire_idx(0, 0)
  fire_idx(1, 1)

  def superblock(j, carry):
    slot = lax.rem(j, NSLOT)
    wait_idx(slot)
    for b in range(SB):
      gather(slot, b).start()
    for b in range(SB):
      gather(slot, b).wait()
      scatter(slot, b).start(add=True)
    @pl.when(j >= 1)
    def _():
      pslot = lax.rem(j + NSLOT - 1, NSLOT)
      for b in range(SB):
        scatter(pslot, b).wait()
    @pl.when(j + 2 < NSB)
    def _():
      fire_idx(j + 2, lax.rem(j + 2, NSLOT))
    return carry
  lax.fori_loop(0, NSB, superblock, 0)

  for b in range(SB):
    scatter((NSB - 1) % NSLOT, b).wait()

  plsc.subcore_barrier()
  pltpu.sync_copy(acc.at[pl.ds(rs, ROWS_PER_TILE)],
                  out_hbm.at[c, pl.ds(rs, ROWS_PER_TILE)])


_prop_kernel = functools.partial(
    pl.kernel,
    out_type=jax.ShapeDtypeStruct((NC, NP, D), jnp.float32),
    mesh=_mesh,
    scratch_types=[
        pltpu.VMEM_SHARED((NP, D), jnp.float32),
        pltpu.VMEM((NSLOT, SB, K), jnp.int32),
        pltpu.VMEM((NSLOT, SB, K), jnp.int32),
        pltpu.VMEM((NSLOT, SB, K, D), jnp.float32),
        pltpu.SemaphoreType.DMA,
        pltpu.SemaphoreType.DMA,
        pltpu.SemaphoreType.DMA,
    ],
    compiler_params=pltpu.CompilerParams(
        needs_layout_passes=False, use_tc_tiling_on_sc=False),
)(_prop_body)


def _deg_body(hist_ref, x_ref, g_ref, dis_ref):
  deg = 1.0 + jnp.sum(hist_ref[...], axis=0)
  dis = lax.rsqrt(deg)
  dis_ref[...] = dis[:, None]
  g_ref[...] = x_ref[...] * dis[:, None]


def _deg_scale(hist, xpad):
  return pl.pallas_call(
      _deg_body,
      grid=(NP // BK,),
      in_specs=[
          pl.BlockSpec((NW, BK), lambda i: (0, i)),
          pl.BlockSpec((BK, D), lambda i: (i, 0)),
      ],
      out_specs=[
          pl.BlockSpec((BK, D), lambda i: (i, 0)),
          pl.BlockSpec((BK, 1), lambda i: (i, 0)),
      ],
      out_shape=[
          jax.ShapeDtypeStruct((NP, D), jnp.float32),
          jax.ShapeDtypeStruct((NP, 1), jnp.float32),
      ],
  )(hist, xpad)


def _mlp_body(acc_ref, g1_ref, dis_ref, w1_ref, b1_ref, w2_ref, g2_ref):
  dis = dis_ref[...]
  p = (acc_ref[0] + acc_ref[1] + g1_ref[...]) * dis
  h1 = jnp.maximum(
      jnp.dot(p, w1_ref[...], preferred_element_type=jnp.float32)
      + b1_ref[...], 0.0)
  t = jnp.dot(h1, w2_ref[...], preferred_element_type=jnp.float32)
  g2_ref[...] = t * dis


def _mlp(acc1, g1, dis, W1p, b1, W2p):
  return pl.pallas_call(
      _mlp_body,
      grid=(NP // BK,),
      in_specs=[
          pl.BlockSpec((NC, BK, D), lambda i: (0, i, 0)),
          pl.BlockSpec((BK, D), lambda i: (i, 0)),
          pl.BlockSpec((BK, 1), lambda i: (i, 0)),
          pl.BlockSpec((D, HIDDEN), lambda i: (0, 0)),
          pl.BlockSpec((1, HIDDEN), lambda i: (0, 0)),
          pl.BlockSpec((HIDDEN, D), lambda i: (0, 0)),
      ],
      out_specs=pl.BlockSpec((BK, D), lambda i: (i, 0)),
      out_shape=jax.ShapeDtypeStruct((NP, D), jnp.float32),
  )(acc1, g1, dis, W1p, b1.reshape(1, HIDDEN), W2p)


def _out_body(acc_ref, g2_ref, dis_ref, b2_ref, out_ref):
  q = (acc_ref[0] + acc_ref[1] + g2_ref[...]) * dis_ref[...]
  q = q[:, :NUM_CLASSES] + b2_ref[...]
  m = jnp.max(q, axis=1, keepdims=True)
  lse = m + jnp.log(jnp.sum(jnp.exp(q - m), axis=1, keepdims=True))
  out_ref[...] = q - lse


def _logits(acc2, g2, dis, b2):
  return pl.pallas_call(
      _out_body,
      grid=(NP // BK,),
      in_specs=[
          pl.BlockSpec((NC, BK, D), lambda i: (0, i, 0)),
          pl.BlockSpec((BK, D), lambda i: (i, 0)),
          pl.BlockSpec((BK, 1), lambda i: (i, 0)),
          pl.BlockSpec((1, NUM_CLASSES), lambda i: (0, 0)),
      ],
      out_specs=pl.BlockSpec((BK, NUM_CLASSES), lambda i: (i, 0)),
      out_shape=jax.ShapeDtypeStruct((NP, NUM_CLASSES), jnp.float32),
  )(acc2, g2, dis, b2.reshape(1, NUM_CLASSES))


@jax.jit
def kernel(x, edge_index, aff_w, cog_w, W1, b1, W2, b2):
  del aff_w, cog_w

  pad = jnp.full((EPAD - E,), N, dtype=jnp.int32)
  srcp = jnp.concatenate([edge_index[0], pad])
  dstp = jnp.concatenate([edge_index[1], pad])
  src2 = srcp.reshape(EPAD // K, K)
  dst2 = dstp.reshape(EPAD // K, K)

  xpad = jnp.zeros((NP, D), jnp.float32).at[:N, :IN_DIM].set(x)
  W1p = jnp.zeros((D, HIDDEN), jnp.float32).at[:IN_DIM].set(W1)
  W2p = jnp.zeros((HIDDEN, D), jnp.float32).at[:, :NUM_CLASSES].set(W2)
  zrows = jnp.zeros((ROWS_PER_TILE, D), jnp.float32)

  hist = _hist_kernel(dstp)
  g1, dis = _deg_scale(hist, xpad)
  acc1 = _prop_kernel(src2, dst2, g1, zrows)
  g2 = _mlp(acc1, g1, dis, W1p, b1, W2p)
  acc2 = _prop_kernel(src2, dst2, g2, zrows)
  out = _logits(acc2, g2, dis, b2)
  return out[:N]

# --- scband reference (transcript-rebuilt; emitter-appended) ---
"""Pipeline reference for scband-attention-gcn-18107582119990 (READ-ONLY COPY).

The authoritative reference and input builder live on the scoring server;
editing this copy changes nothing except your own understanding.
"""

import jax, jax.numpy as jnp
import numpy as np

N = 100000
E = 6400000
HIDDEN = 128
NUM_CLASSES = 2
AFF_DIM = 3
COG_DIM = 2
IN_DIM = AFF_DIM + COG_DIM


def setup_inputs(seed: int = 0) -> dict:
    key = jax.random.key(seed)
    ks = jax.random.split(key, 8)
    x = jax.random.normal(ks[0], (N, IN_DIM), dtype=jnp.float32)
    edge_index = jax.random.randint(ks[1], (2, E), 0, N, dtype=jnp.int32)
    # xavier-uniform-ish parameter init
    def xavier(k, shape):
        fan_in, fan_out = shape[0], shape[1]
        limit = float(np.sqrt(6.0 / (fan_in + fan_out)))
        return jax.random.uniform(k, shape, dtype=jnp.float32, minval=-limit, maxval=limit)
    aff_w = xavier(ks[2], (AFF_DIM, 1))
    cog_w = xavier(ks[3], (COG_DIM, 1))
    W1 = xavier(ks[4], (IN_DIM, HIDDEN))
    b1 = jnp.zeros((HIDDEN,), dtype=jnp.float32)
    W2 = xavier(ks[5], (HIDDEN, NUM_CLASSES))
    b2 = jnp.zeros((NUM_CLASSES,), dtype=jnp.float32)
    return {"x": x, "edge_index": edge_index, "aff_w": aff_w, "cog_w": cog_w,
            "W1": W1, "b1": b1, "W2": W2, "b2": b2}


def _gcn_conv(h, src, dst, norm, W, b, num_nodes):
    # GCNConv: out[dst] += norm * (h @ W)[src], plus bias.
    hw = h @ W
    msg = hw[src] * norm[:, None]
    out = jnp.zeros((num_nodes, W.shape[1]), dtype=h.dtype).at[dst].add(msg)
    return out + b


def reference(x, edge_index, aff_w, cog_w, W1, b1, W2, b2):
    num_nodes = x.shape[0]
    # add self-loops (GCNConv default) and compute symmetric normalization once
    loop = jnp.arange(num_nodes, dtype=edge_index.dtype)
    src = jnp.concatenate([edge_index[0], loop])
    dst = jnp.concatenate([edge_index[1], loop])
    deg = jnp.zeros((num_nodes,), dtype=jnp.float32).at[dst].add(1.0)
    deg_inv_sqrt = jnp.where(deg > 0, deg ** -0.5, 0.0)
    norm = deg_inv_sqrt[src] * deg_inv_sqrt[dst]

    # attention layers (softmax over dim=1 of an [N,1] tensor -> all ones, but kept faithful)
    aff_x = x[:, :AFF_DIM]
    cog_x = x[:, AFF_DIM:AFF_DIM + COG_DIM]
    aff_scores = jax.nn.softmax(aff_x @ aff_w, axis=1)
    aff_x = aff_x * aff_scores
    cog_scores = jax.nn.softmax(cog_x @ cog_w, axis=1)
    cog_x = cog_x * cog_scores
    h = jnp.concatenate([aff_x, cog_x], axis=1)

    h = _gcn_conv(h, src, dst, norm, W1, b1, num_nodes)
    h = jax.nn.relu(h)
    # F.dropout(training=self.training): identity in eval mode
    h = _gcn_conv(h, src, dst, norm, W2, b2, num_nodes)
    return jax.nn.log_softmax(h, axis=1)

if __name__ == "__main__":
    import jax
    _d = setup_inputs()
    print(jax.jit(kernel)(*tuple(_d.values())))

</pallas_src>

<mosaic_0001>
#map = affine_map<(d0, d1) -> (0, 0)>
#map1 = affine_map<(d0, d1) -> (0, 0, 0)>
module attributes {stable_mosaic.version = 14 : i64} {
  func.func @_prop_body(%arg0: i32, %arg1: i32, %arg2: memref<50176x128xi32, #tpu.memory_space<hbm>>, %arg3: memref<50176x128xi32, #tpu.memory_space<hbm>>, %arg4: memref<100352x8xf32, #tpu.memory_space<hbm>>, %arg5: memref<6272x8xf32, #tpu.memory_space<hbm>>, %arg6: memref<2x100352x8xf32, #tpu.memory_space<hbm>>, %arg7: memref<100352x8xf32, #tpu.memory_space<vmem_shared>>, %arg8: memref<4x8x128xi32, #tpu.memory_space<vmem>>, %arg9: memref<4x8x128xi32, #tpu.memory_space<vmem>>, %arg10: memref<4x8x128x8xf32, #tpu.memory_space<vmem>>, %arg11: memref<!tpu.dma_semaphore, #tpu.memory_space<semaphore_mem>>, %arg12: memref<!tpu.dma_semaphore, #tpu.memory_space<semaphore_mem>>, %arg13: memref<!tpu.dma_semaphore, #tpu.memory_space<semaphore_mem>>) attributes {dimension_semantics = [#tpu.dimension_semantics<core_parallel>, #tpu.dimension_semantics<subcore_parallel>], iteration_bounds = array<i64: 2, 16>, scalar_prefetch = 0 : i64, scratch_operands = 7 : i64, tpu.core_type = #tpu.core_type<sc_vector_subcore>, window_params = [{transform_indices = #map}, {transform_indices = #map}, {transform_indices = #map}, {transform_indices = #map}, {transform_indices = #map1}]} {
    %mul3A = arith.constant 2 : i32
    %mul3A_0 = arith.muli %arg1, %mul3A : i32
    %add3A = arith.addi %mul3A_0, %arg0 : i32
    %mul3A_1 = arith.constant 6272 : i32
    %mul3A_2 = arith.muli %arg1, %mul3A_1 : i32
    "tpu.region"() ({
      %run_scoped3A = tpu.sem_alloc : memref<!tpu.dma_semaphore, #tpu.memory_space<semaphore_mem>>
      %dma_start3A_177 = arith.constant 0 : i32
      %dma_start3A_178 = tpu.memref_slice %arg7[%mul3A_2, %dma_start3A_177] : memref<100352x8xf32, #tpu.memory_space<vmem_shared>> -> memref<6272x8xf32, #tpu.memory_space<vmem_shared>>
      tpu.enqueue_dma source(%arg5 : memref<6272x8xf32, #tpu.memory_space<hbm>>) target(%dma_start3A_178 : memref<6272x8xf32, #tpu.memory_space<vmem_shared>>) target_semaphore(%run_scoped3A : memref<!tpu.dma_semaphore, #tpu.memory_space<semaphore_mem>>)
      %dma_wait3A_179 = arith.constant 0 : i32
      %dma_wait3A_180 = tpu.memref_slice %arg7[%mul3A_2, %dma_wait3A_179] : memref<100352x8xf32, #tpu.memory_space<vmem_shared>> -> memref<6272x8xf32, #tpu.memory_space<vmem_shared>>
      tpu.wait_dma2 semaphore(%run_scoped3A : memref<!tpu.dma_semaphore, #tpu.memory_space<semaphore_mem>>) src(%arg5 : memref<6272x8xf32, #tpu.memory_space<hbm>>) dst(%dma_wait3A_180 : memref<6272x8xf32, #tpu.memory_space<vmem_shared>>)
      tpu.yield
    }) : () -> ()
    %barrier3A = arith.constant 0 : index
    tpu.barrier barrier_id(%barrier3A)
    %mul3A_3 = arith.constant 1568 : i32
    %mul3A_4 = arith.muli %add3A, %mul3A_3 : i32
    %add3A_5 = arith.constant 0 : i32
    %add3A_6 = arith.addi %mul3A_4, %add3A_5 : i32
    %dma_start3A = arith.constant 0 : i32
    %dma_start3A_7 = arith.constant 0 : i32
    %dma_start3A_8 = arith.constant 0 : i32
    %dma_start3A_9 = tpu.memref_slice %arg8[%dma_start3A, %dma_start3A_7, %dma_start3A_8] : memref<4x8x128xi32, #tpu.memory_space<vmem>> -> memref<1x8x128xi32, #tpu.memory_space<vmem>>
    %dma_start3A_10 = tpu.memref_squeeze %dma_start3A_9 : memref<1x8x128xi32, #tpu.memory_space<vmem>> -> memref<8x128xi32, #tpu.memory_space<vmem>>
    %dma_start3A_11 = arith.constant 0 : i32
    %dma_start3A_12 = tpu.memref_slice %arg2[%add3A_6, %dma_start3A_11] : memref<50176x128xi32, #tpu.memory_space<hbm>> -> memref<8x128xi32, #tpu.memory_space<hbm>>
    %dma_start3A_13 = arith.constant 0 : i32
    %dma_start3A_14 = arith.constant 0 : i32
    %dma_start3A_15 = tpu.memref_slice %arg8[%dma_start3A, %dma_start3A_13, %dma_start3A_14] : memref<4x8x128xi32, #tpu.memory_space<vmem>> -> memref<1x8x128xi32, #tpu.memory_space<vmem>>
    %dma_start3A_16 = tpu.memref_squeeze %dma_start3A_15 : memref<1x8x128xi32, #tpu.memory_space<vmem>> -> memref<8x128xi32, #tpu.memory_space<vmem>>
    %dma_start3A_17 = arith.constant 0 : i32
    %dma_start3A_18 = tpu.memref_slice %arg2[%add3A_6, %dma_start3A_17] : memref<50176x128xi32, #tpu.memory_space<hbm>> -> memref<8x128xi32, #tpu.memory_space<hbm>>
    tpu.enqueue_dma source(%dma_start3A_18 : memref<8x128xi32, #tpu.memory_space<hbm>>) target(%dma_start3A_16 : memref<8x128xi32, #tpu.memory_space<vmem>>) target_semaphore(%arg11 : memref<!tpu.dma_semaphore, #tpu.memory_space<semaphore_mem>>)
    %dma_start3A_19 = arith.constant 0 : i32
    %dma_start3A_20 = arith.constant 0 : i32
    %dma_start3A_21 = arith.constant 0 : i32
    %dma_start3A_22 = tpu.memref_slice %arg9[%dma_start3A_19, %dma_start3A_20, %dma_start3A_21] : memref<4x8x128xi32, #tpu.memory_space<vmem>> -> memref<1x8x128xi32, #tpu.memory_space<vmem>>
    %dma_start3A_23 = tpu.memref_squeeze %dma_start3A_22 : memref<1x8x128xi32, #tpu.memory_space<vmem>> -> memref<8x128xi32, #tpu.memory_space<vmem>>
    %dma_start3A_24 = arith.constant 0 : i32
    %dma_start3A_25 = tpu.memref_slice %arg3[%add3A_6, %dma_start3A_24] : memref<50176x128xi32, #tpu.memory_space<hbm>> -> memref<8x128xi32, #tpu.memory_space<hbm>>
    %dma_start3A_26 = arith.constant 0 : i32
    %dma_start3A_27 = arith.constant 0 : i32
    %dma_start3A_28 = tpu.memref_slice %arg9[%dma_start3A_19, %dma_start3A_26, %dma_start3A_27] : memref<4x8x128xi32, #tpu.memory_space<vmem>> -> memref<1x8x128xi32, #tpu.memory_space<vmem>>
    %dma_start3A_29 = tpu.memref_squeeze %dma_start3A_28 : memref<1x8x128xi32, #tpu.memory_space<vmem>> -> memref<8x128xi32, #tpu.memory_space<vmem>>
    %dma_start3A_30 = arith.constant 0 : i32
    %dma_start3A_31 = tpu.memref_slice %arg3[%add3A_6, %dma_start3A_30] : memref<50176x128xi32, #tpu.memory_space<hbm>> -> memref<8x128xi32, #tpu.memory_space<hbm>>
    tpu.enqueue_dma source(%dma_start3A_31 : memref<8x128xi32, #tpu.memory_space<hbm>>) target(%dma_start3A_29 : memref<8x128xi32, #tpu.memory_space<vmem>>) target_semaphore(%arg11 : memref<!tpu.dma_semaphore, #tpu.memory_space<semaphore_mem>>)
    %add3A_32 = arith.constant 8 : i32
    %add3A_33 = arith.addi %mul3A_4, %add3A_32 : i32
    %dma_start3A_34 = arith.constant 1 : i32
    %dma_start3A_35 = arith.constant 0 : i32
    %dma_start3A_36 = arith.constant 0 : i32
    %dma_start3A_37 = tpu.memref_slice %arg8[%dma_start3A_34, %dma_start3A_35, %dma_start3A_36] : memref<4x8x128xi32, #tpu.memory_space<vmem>> -> memref<1x8x128xi32, #tpu.memory_space<vmem>>
    %dma_start3A_38 = tpu.memref_squeeze %dma_start3A_37 : memref<1x8x128xi32, #tpu.memory_space<vmem>> -> memref<8x128xi32, #tpu.memory_space<vmem>>
    %dma_start3A_39 = arith.constant 0 : i32
    %dma_start3A_40 = tpu.memref_slice %arg2[%add3A_33, %dma_start3A_39] : memref<50176x128xi32, #tpu.memory_space<hbm>> -> memref<8x128xi32, #tpu.memory_space<hbm>>
    %dma_start3A_41 = arith.constant 0 : i32
    %dma_start3A_42 = arith.constant 0 : i32
    %dma_start3A_43 = tpu.memref_slice %arg8[%dma_start3A_34, %dma_start3A_41, %dma_start3A_42] : memref<4x8x128xi32, #tpu.memory_space<vmem>> -> memref<1x8x128xi32, #tpu.memory_space<vmem>>
    %dma_start3A_44 = tpu.memref_squeeze %dma_start3A_43 : memref<1x8x128xi32, #tpu.memory_space<vmem>> -> memref<8x128xi32, #tpu.memory_space<vmem>>
    %dma_start3A_45 = arith.constant 0 : i32
    %dma_start3A_46 = tpu.memref_slice %arg2[%add3A_33, %dma_start3A_45] : memref<50176x128xi32, #tpu.memory_space<hbm>> -> memref<8x128xi32, #tpu.memory_space<hbm>>
    tpu.enqueue_dma source(%dma_start3A_46 : memref<8x128xi32, #tpu.memory_space<hbm>>) target(%dma_start3A_44 : memref<8x128xi32, #tpu.memory_space<vmem>>) target_semaphore(%arg11 : memref<!tpu.dma_semaphore, #tpu.memory_space<semaphore_mem>>)
    %dma_start3A_47 = arith.constant 1 : i32
    %dma_start3A_48 = arith.constant 0 : i32
    %dma_start3A_49 = arith.constant 0 : i32
    %dma_start3A_50 = tpu.memref_slice %arg9[%dma_start3A_47, %dma_start3A_48, %dma_start3A_49] : memref<4x8x128xi32, #tpu.memory_space<vmem>> -> memref<1x8x128xi32, #tpu.memory_space<vmem>>
    %dma_start3A_51 = tpu.memref_squeeze %dma_start3A_50 : memref<1x8x128xi32, #tpu.memory_space<vmem>> -> memref<8x128xi32, #tpu.memory_space<vmem>>
    %dma_start3A_52 = arith.constant 0 : i32
    %dma_start3A_53 = tpu.memref_slice %arg3[%add3A_33, %dma_start3A_52] : memref<50176x128xi32, #tpu.memory_space<hbm>> -> memref<8x128xi32, #tpu.memory_space<hbm>>
    %dma_start3A_54 = arith.constant 0 : i32
    %dma_start3A_55 = arith.constant 0 : i32
    %dma_start3A_56 = tpu.memref_slice %arg9[%dma_start3A_47, %dma_start3A_54, %dma_start3A_55] : memref<4x8x128xi32, #tpu.memory_space<vmem>> -> memref<1x8x128xi32, #tpu.memory_space<vmem>>
    %dma_start3A_57 = tpu.memref_squeeze %dma_start3A_56 : memref<1x8x128xi32, #tpu.memory_space<vmem>> -> memref<8x128xi32, #tpu.memory_space<vmem>>
    %dma_start3A_58 = arith.constant 0 : i32
    %dma_start3A_59 = tpu.memref_slice %arg3[%add3A_33, %dma_start3A_58] : memref<50176x128xi32, #tpu.memory_space<hbm>> -> memref<8x128xi32, #tpu.memory_space<hbm>>
    tpu.enqueue_dma source(%dma_start3A_59 : memref<8x128xi32, #tpu.memory_space<hbm>>) target(%dma_start3A_57 : memref<8x128xi32, #tpu.memory_space<vmem>>) target_semaphore(%arg11 : memref<!tpu.dma_semaphore, #tpu.memory_space<semaphore_mem>>)
    %scan3A = arith.constant 0 : i32
    %scan3A_60 = arith.constant 0 : i32
    %scan3A_61 = arith.constant 196 : i32
    %scan3A_62 = arith.addi %scan3A_60, %scan3A_61 : i32
    %scan3A_63 = arith.constant 1 : i32
    scf.for %scan3A_177 = %scan3A_60 to %scan3A_62 step %scan3A_63  : i32 {
      %rem3A = arith.constant 4 : i32
      %rem3A_178 = arith.remsi %scan3A_177, %rem3A : i32
      %dma_wait3A_179 = arith.constant 0 : i32
      %dma_wait3A_180 = arith.constant 0 : i32
      %dma_wait3A_181 = tpu.memref_slice %arg8[%rem3A_178, %dma_wait3A_179, %dma_wait3A_180] : memref<4x8x128xi32, #tpu.memory_space<vmem>> -> memref<1x8x128xi32, #tpu.memory_space<vmem>>
      %dma_wait3A_182 = tpu.memref_squeeze %dma_wait3A_181 : memref<1x8x128xi32, #tpu.memory_space<vmem>> -> memref<8x128xi32, #tpu.memory_space<vmem>>
      %dma_wait3A_183 = arith.constant 0 : i32
      %dma_wait3A_184 = tpu.memref_slice %arg2[%mul3A_4, %dma_wait3A_183] : memref<50176x128xi32, #tpu.memory_space<hbm>> -> memref<8x128xi32, #tpu.memory_space<hbm>>
      %dma_wait3A_185 = arith.constant 0 : i32
      %dma_wait3A_186 = arith.constant 0 : i32
      %dma_wait3A_187 = tpu.memref_slice %arg8[%rem3A_178, %dma_wait3A_185, %dma_wait3A_186] : memref<4x8x128xi32, #tpu.memory_space<vmem>> -> memref<1x8x128xi32, #tpu.memory_space<vmem>>
      %dma_wait3A_188 = tpu.memref_squeeze %dma_wait3A_187 : memref<1x8x128xi32, #tpu.memory_space<vmem>> -> memref<8x128xi32, #tpu.memory_space<vmem>>
      %dma_wait3A_189 = arith.constant 0 : i32
      %dma_wait3A_190 = tpu.memref_slice %arg2[%mul3A_4, %dma_wait3A_189] : memref<50176x128xi32, #tpu.memory_space<hbm>> -> memref<8x128xi32, #tpu.memory_space<hbm>>
      tpu.wait_dma2 semaphore(%arg11 : memref<!tpu.dma_semaphore, #tpu.memory_space<semaphore_mem>>) src(%dma_wait3A_190 : memref<8x128xi32, #tpu.memory_space<hbm>>) dst(%dma_wait3A_188 : memref<8x128xi32, #tpu.memory_space<vmem>>)
      %dma_wait3A_191 = arith.constant 0 : i32
      %dma_wait3A_192 = arith.constant 0 : i32
      %dma_wait3A_193 = tpu.memref_slice %arg9[%rem3A_178, %dma_wait3A_191, %dma_wait3A_192] : memref<4x8x128xi32, #tpu.memory_space<vmem>> -> memref<1x8x128xi32, #tpu.memory_space<vmem>>
      %dma_wait3A_194 = tpu.memref_squeeze %dma_wait3A_193 : memref<1x8x128xi32, #tpu.memory_space<vmem>> -> memref<8x128xi32, #tpu.memory_space<vmem>>
      %dma_wait3A_195 = arith.constant 0 : i32
      %dma_wait3A_196 = tpu.memref_slice %arg3[%mul3A_4, %dma_wait3A_195] : memref<50176x128xi32, #tpu.memory_space<hbm>> -> memref<8x128xi32, #tpu.memory_space<hbm>>
      %dma_wait3A_197 = arith.constant 0 : i32
      %dma_wait3A_198 = arith.constant 0 : i32
      %dma_wait3A_199 = tpu.memref_slice %arg9[%rem3A_178, %dma_wait3A_197, %dma_wait3A_198] : memref<4x8x128xi32, #tpu.memory_space<vmem>> -> memref<1x8x128xi32, #tpu.memory_space<vmem>>
      %dma_wait3A_200 = tpu.memref_squeeze %dma_wait3A_199 : memref<1x8x128xi32, #tpu.memory_space<vmem>> -> memref<8x128xi32, #tpu.memory_space<vmem>>
      %dma_wait3A_201 = arith.constant 0 : i32
      %dma_wait3A_202 = tpu.memref_slice %arg3[%mul3A_4, %dma_wait3A_201] : memref<50176x128xi32, #tpu.memory_space<hbm>> -> memref<8x128xi32, #tpu.memory_space<hbm>>
      tpu.wait_dma2 semaphore(%arg11 : memref<!tpu.dma_semaphore, #tpu.memory_space<semaphore_mem>>) src(%dma_wait3A_202 : memref<8x128xi32, #tpu.memory_space<hbm>>) dst(%dma_wait3A_200 : memref<8x128xi32, #tpu.memory_space<vmem>>)
      %dma_start3A_203 = arith.constant 0 : i32
      %dma_start3A_204 = arith.constant 0 : i32
      %dma_start3A_205 = arith.constant 0 : i32
      %dma_start3A_206 = arith.constant 0 : i32
      %dma_start3A_207 = tpu.memref_slice %arg10[%rem3A_178, %dma_start3A_204, %dma_start3A_205, %dma_start3A_206] : memref<4x8x128x8xf32, #tpu.memory_space<vmem>> -> memref<1x1x128x8xf32, #tpu.memory_space<vmem>>
      %dma_start3A_208 = tpu.memref_squeeze %dma_start3A_207 : memref<1x1x128x8xf32, #tpu.memory_space<vmem>> -> memref<128x8xf32, #tpu.memory_space<vmem>>
      %dma_start3A_209 = arith.constant 0 : i32
      %dma_start3A_210 = tpu.memref_slice %arg8[%rem3A_178, %dma_start3A_203, %dma_start3A_209] : memref<4x8x128xi32, #tpu.memory_space<vmem>> -> memref<1x1x128xi32, #tpu.memory_space<vmem>>
      %dma_start3A_211 = tpu.memref_squeeze %dma_start3A_210 : memref<1x1x128xi32, #tpu.memory_space<vmem>> -> memref<128xi32, #tpu.memory_space<vmem>>
      %dma_start3A_212 = arith.constant 0 : i32
      %dma_start3A_213 = arith.constant 0 : i32
      %dma_start3A_214 = tpu.memref_slice %arg4[%dma_start3A_212, %dma_start3A_213] : memref<100352x8xf32, #tpu.memory_space<hbm>> -> memref<100352x8xf32, #tpu.memory_space<hbm>>
      tpu.enqueue_indirect_dma source(%dma_start3A_214 : memref<100352x8xf32, #tpu.memory_space<hbm>>) target(%dma_start3A_208 : memref<128x8xf32, #tpu.memory_space<vmem>>) offsets(%dma_start3A_211 : memref<128xi32, #tpu.memory_space<vmem>>) semaphore(%arg12 : memref<!tpu.dma_semaphore, #tpu.memory_space<semaphore_mem>>)
      %dma_start3A_215 = arith.constant 1 : i32
      %dma_start3A_216 = arith.constant 1 : i32
      %dma_start3A_217 = arith.constant 0 : i32
      %dma_start3A_218 = arith.constant 0 : i32
      %dma_start3A_219 = tpu.memref_slice %arg10[%rem3A_178, %dma_start3A_216, %dma_start3A_217, %dma_start3A_218] : memref<4x8x128x8xf32, #tpu.memory_space<vmem>> -> memref<1x1x128x8xf32, #tpu.memory_space<vmem>>
      %dma_start3A_220 = tpu.memref_squeeze %dma_start3A_219 : memref<1x1x128x8xf32, #tpu.memory_space<vmem>> -> memref<128x8xf32, #tpu.memory_space<vmem>>
      %dma_start3A_221 = arith.constant 0 : i32
      %dma_start3A_222 = tpu.memref_slice %arg8[%rem3A_178, %dma_start3A_215, %dma_start3A_221] : memref<4x8x128xi32, #tpu.memory_space<vmem>> -> memref<1x1x128xi32, #tpu.memory_space<vmem>>
      %dma_start3A_223 = tpu.memref_squeeze %dma_start3A_222 : memref<1x1x128xi32, #tpu.memory_space<vmem>> -> memref<128xi32, #tpu.memory_space<vmem>>
      %dma_start3A_224 = arith.constant 0 : i32
      %dma_start3A_225 = arith.constant 0 : i32
      %dma_start3A_226 = tpu.memref_slice %arg4[%dma_start3A_224, %dma_start3A_225] : memref<100352x8xf32, #tpu.memory_space<hbm>> -> memref<100352x8xf32, #tpu.memory_space<hbm>>
      tpu.enqueue_indirect_dma source(%dma_start3A_226 : memref<100352x8xf32, #tpu.memory_space<hbm>>) target(%dma_start3A_220 : memref<128x8xf32, #tpu.memory_space<vmem>>) offsets(%dma_start3A_223 : memref<128xi32, #tpu.memory_space<vmem>>) semaphore(%arg12 : memref<!tpu.dma_semaphore, #tpu.memory_space<semaphore_mem>>)
      %dma_start3A_227 = arith.constant 2 : i32
      %dma_start3A_228 = arith.constant 2 : i32
      %dma_start3A_229 = arith.constant 0 : i32
      %dma_start3A_230 = arith.constant 0 : i32
      %dma_start3A_231 = tpu.memref_slice %arg10[%rem3A_178, %dma_start3A_228, %dma_start3A_229, %dma_start3A_230] : memref<4x8x128x8xf32, #tpu.memory_space<vmem>> -> memref<1x1x128x8xf32, #tpu.memory_space<vmem>>
      %dma_start3A_232 = tpu.memref_squeeze %dma_start3A_231 : memref<1x1x128x8xf32, #tpu.memory_space<vmem>> -> memref<128x8xf32, #tpu.memory_space<vmem>>
      %dma_start3A_233 = arith.constant 0 : i32
      %dma_start3A_234 = tpu.memref_slice %arg8[%rem3A_178, %dma_start3A_227, %dma_start3A_233] : memref<4x8x128xi32, #tpu.memory_space<vmem>> -> memref<1x1x128xi32, #tpu.memory_space<vmem>>
      %dma_start3A_235 = tpu.memref_squeeze %dma_start3A_234 : memref<1x1x128xi32, #tpu.memory_space<vmem>> -> memref<128xi32, #tpu.memory_space<vmem>>
      %dma_start3A_236 = arith.constant 0 : i32
      %dma_start3A_237 = arith.constant 0 : i32
      %dma_start3A_238 = tpu.memref_slice %arg4[%dma_start3A_236, %dma_start3A_237] : memref<100352x8xf32, #tpu.memory_space<hbm>> -> memref<100352x8xf32, #tpu.memory_space<hbm>>
      tpu.enqueue_indirect_dma source(%dma_start3A_238 : memref<100352x8xf32, #tpu.memory_space<hbm>>) target(%dma_start3A_232 : memref<128x8xf32, #tpu.memory_space<vmem>>) offsets(%dma_start3A_235 : memref<128xi32, #tpu.memory_space<vmem>>) semaphore(%arg12 : memref<!tpu.dma_semaphore, #tpu.memory_space<semaphore_mem>>)
      %dma_start3A_239 = arith.constant 3 : i32
      %dma_start3A_240 = arith.constant 3 : i32
      %dma_start3A_241 = arith.constant 0 : i32
      %dma_start3A_242 = arith.constant 0 : i32
      %dma_start3A_243 = tpu.memref_slice %arg10[%rem3A_178, %dma_start3A_240, %dma_start3A_241, %dma_start3A_242] : memref<4x8x128x8xf32, #tpu.memory_space<vmem>> -> memref<1x1x128x8xf32, #tpu.memory_space<vmem>>
      %dma_start3A_244 = tpu.memref_squeeze %dma_start3A_243 : memref<1x1x128x8xf32, #tpu.memory_space<vmem>> -> memref<128x8xf32, #tpu.memory_space<vmem>>
      %dma_start3A_245 = arith.constant 0 : i32
      %dma_start3A_246 = tpu.memref_slice %arg8[%rem3A_178, %dma_start3A_239, %dma_start3A_245] : memref<4x8x128xi32, #tpu.memory_space<vmem>> -> memref<1x1x128xi32, #tpu.memory_space<vmem>>
      %dma_start3A_247 = tpu.memref_squeeze %dma_start3A_246 : memref<1x1x128xi32, #tpu.memory_space<vmem>> -> memref<128xi32, #tpu.memory_space<vmem>>
      %dma_start3A_248 = arith.constant 0 : i32
      %dma_start3A_249 = arith.constant 0 : i32
      %dma_start3A_250 = tpu.memref_slice %arg4[%dma_start3A_248, %dma_start3A_249] : memref<100352x8xf32, #tpu.memory_space<hbm>> -> memref<100352x8xf32, #tpu.memory_space<hbm>>
      tpu.enqueue_indirect_dma source(%dma_start3A_250 : memref<100352x8xf32, #tpu.memory_space<hbm>>) target(%dma_start3A_244 : memref<128x8xf32, #tpu.memory_space<vmem>>) offsets(%dma_start3A_247 : memref<128xi32, #tpu.memory_space<vmem>>) semaphore(%arg12 : memref<!tpu.dma_semaphore, #tpu.memory_space<semaphore_mem>>)
      %dma_start3A_251 = arith.constant 4 : i32
      %dma_start3A_252 = arith.constant 4 : i32
      %dma_start3A_253 = arith.constant 0 : i32
      %dma_start3A_254 = arith.constant 0 : i32
      %dma_start3A_255 = tpu.memref_slice %arg10[%rem3A_178, %dma_start3A_252, %dma_start3A_253, %dma_start3A_254] : memref<4x8x128x8xf32, #tpu.memory_space<vmem>> -> memref<1x1x128x8xf32, #tpu.memory_space<vmem>>
      %dma_start3A_256 = tpu.memref_squeeze %dma_start3A_255 : memref<1x1x128x8xf32, #tpu.memory_space<vmem>> -> memref<128x8xf32, #tpu.memory_space<vmem>>
      %dma_start3A_257 = arith.constant 0 : i32
      %dma_start3A_258 = tpu.memref_slice %arg8[%rem3A_178, %dma_start3A_251, %dma_start3A_257] : memref<4x8x128xi32, #tpu.memory_space<vmem>> -> memref<1x1x128xi32, #tpu.memory_space<vmem>>
      %dma_start3A_259 = tpu.memref_squeeze %dma_start3A_258 : memref<1x1x128xi32, #tpu.memory_space<vmem>> -> memref<128xi32, #tpu.memory_space<vmem>>
      %dma_start3A_260 = arith.constant 0 : i32
      %dma_start3A_261 = arith.constant 0 : i32
      %dma_start3A_262 = tpu.memref_slice %arg4[%dma_start3A_260, %dma_start3A_261] : memref<100352x8xf32, #tpu.memory_space<hbm>> -> memref<100352x8xf32, #tpu.memory_space<hbm>>
      tpu.enqueue_indirect_dma source(%dma_start3A_262 : memref<100352x8xf32, #tpu.memory_space<hbm>>) target(%dma_start3A_256 : memref<128x8xf32, #tpu.memory_space<vmem>>) offsets(%dma_start3A_259 : memref<128xi32, #tpu.memory_space<vmem>>) semaphore(%arg12 : memref<!tpu.dma_semaphore, #tpu.memory_space<semaphore_mem>>)
      %dma_start3A_263 = arith.constant 5 : i32
      %dma_start3A_264 = arith.constant 5 : i32
      %dma_start3A_265 = arith.constant 0 : i32
      %dma_start3A_266 = arith.constant 0 : i32
      %dma_start3A_267 = tpu.memref_slice %arg10[%rem3A_178, %dma_start3A_264, %dma_start3A_265, %dma_start3A_266] : memref<4x8x128x8xf32, #tpu.memory_space<vmem>> -> memref<1x1x128x8xf32, #tpu.memory_space<vmem>>
      %dma_start3A_268 = tpu.memref_squeeze %dma_start3A_267 : memref<1x1x128x8xf32, #tpu.memory_space<vmem>> -> memref<128x8xf32, #tpu.memory_space<vmem>>
      %dma_start3A_269 = arith.constant 0 : i32
      %dma_start3A_270 = tpu.memref_slice %arg8[%rem3A_178, %dma_start3A_263, %dma_start3A_269] : memref<4x8x128xi32, #tpu.memory_space<vmem>> -> memref<1x1x128xi32, #tpu.memory_space<vmem>>
      %dma_start3A_271 = tpu.memref_squeeze %dma_start3A_270 : memref<1x1x128xi32, #tpu.memory_space<vmem>> -> memref<128xi32, #tpu.memory_space<vmem>>
      %dma_start3A_272 = arith.constant 0 : i32
      %dma_start3A_273 = arith.constant 0 : i32
      %dma_start3A_274 = tpu.memref_slice %arg4[%dma_start3A_272, %dma_start3A_273] : memref<100352x8xf32, #tpu.memory_space<hbm>> -> memref<100352x8xf32, #tpu.memory_space<hbm>>
      tpu.enqueue_indirect_dma source(%dma_start3A_274 : memref<100352x8xf32, #tpu.memory_space<hbm>>) target(%dma_start3A_268 : memref<128x8xf32, #tpu.memory_space<vmem>>) offsets(%dma_start3A_271 : memref<128xi32, #tpu.memory_space<vmem>>) semaphore(%arg12 : memref<!tpu.dma_semaphore, #tpu.memory_space<semaphore_mem>>)
      %dma_start3A_275 = arith.constant 6 : i32
      %dma_start3A_276 = arith.constant 6 : i32
      %dma_start3A_277 = arith.constant 0 : i32
      %dma_start3A_278 = arith.constant 0 : i32
      %dma_start3A_279 = tpu.memref_slice %arg10[%rem3A_178, %dma_start3A_276, %dma_start3A_277, %dma_start3A_278] : memref<4x8x128x8xf32, #tpu.memory_space<vmem>> -> memref<1x1x128x8xf32, #tpu.memory_space<vmem>>
      %dma_start3A_280 = tpu.memref_squeeze %dma_start3A_279 : memref<1x1x128x8xf32, #tpu.memory_space<vmem>> -> memref<128x8xf32, #tpu.memory_space<vmem>>
      %dma_start3A_281 = arith.constant 0 : i32
      %dma_start3A_282 = tpu.memref_slice %arg8[%rem3A_178, %dma_start3A_275, %dma_start3A_281] : memref<4x8x128xi32, #tpu.memory_space<vmem>> -> memref<1x1x128xi32, #tpu.memory_space<vmem>>
      %dma_start3A_283 = tpu.memref_squeeze %dma_start3A_282 : memref<1x1x128xi32, #tpu.memory_space<vmem>> -> memref<128xi32, #tpu.memory_space<vmem>>
      %dma_start3A_284 = arith.constant 0 : i32
      %dma_start3A_285 = arith.constant 0 : i32
      %dma_start3A_286 = tpu.memref_slice %arg4[%dma_start3A_284, %dma_start3A_285] : memref<100352x8xf32, #tpu.memory_space<hbm>> -> memref<100352x8xf32, #tpu.memory_space<hbm>>
      tpu.enqueue_indirect_dma source(%dma_start3A_286 : memref<100352x8xf32, #tpu.memory_space<hbm>>) target(%dma_start3A_280 : memref<128x8xf32, #tpu.memory_space<vmem>>) offsets(%dma_start3A_283 : memref<128xi32, #tpu.memory_space<vmem>>) semaphore(%arg12 : memref<!tpu.dma_semaphore, #tpu.memory_space<semaphore_mem>>)
      %dma_start3A_287 = arith.constant 7 : i32
      %dma_start3A_288 = arith.constant 7 : i32
      %dma_start3A_289 = arith.constant 0 : i32
      %dma_start3A_290 = arith.constant 0 : i32
      %dma_start3A_291 = tpu.memref_slice %arg10[%rem3A_178, %dma_start3A_288, %dma_start3A_289, %dma_start3A_290] : memref<4x8x128x8xf32, #tpu.memory_space<vmem>> -> memref<1x1x128x8xf32, #tpu.memory_space<vmem>>
      %dma_start3A_292 = tpu.memref_squeeze %dma_start3A_291 : memref<1x1x128x8xf32, #tpu.memory_space<vmem>> -> memref<128x8xf32, #tpu.memory_space<vmem>>
      %dma_start3A_293 = arith.constant 0 : i32
      %dma_start3A_294 = tpu.memref_slice %arg8[%rem3A_178, %dma_start3A_287, %dma_start3A_293] : memref<4x8x128xi32, #tpu.memory_space<vmem>> -> memref<1x1x128xi32, #tpu.memory_space<vmem>>
      %dma_start3A_295 = tpu.memref_squeeze %dma_start3A_294 : memref<1x1x128xi32, #tpu.memory_space<vmem>> -> memref<128xi32, #tpu.memory_space<vmem>>
      %dma_start3A_296 = arith.constant 0 : i32
      %dma_start3A_297 = arith.constant 0 : i32
      %dma_start3A_298 = tpu.memref_slice %arg4[%dma_start3A_296, %dma_start3A_297] : memref<100352x8xf32, #tpu.memory_space<hbm>> -> memref<100352x8xf32, #tpu.memory_space<hbm>>
      tpu.enqueue_indirect_dma source(%dma_start3A_298 : memref<100352x8xf32, #tpu.memory_space<hbm>>) target(%dma_start3A_292 : memref<128x8xf32, #tpu.memory_space<vmem>>) offsets(%dma_start3A_295 : memref<128xi32, #tpu.memory_space<vmem>>) semaphore(%arg12 : memref<!tpu.dma_semaphore, #tpu.memory_space<semaphore_mem>>)
      %dma_wait3A_299 = arith.constant 0 : i32
      %dma_wait3A_300 = arith.constant 0 : i32
      %dma_wait3A_301 = arith.constant 0 : i32
      %dma_wait3A_302 = arith.constant 0 : i32
      %dma_wait3A_303 = tpu.memref_slice %arg10[%rem3A_178, %dma_wait3A_300, %dma_wait3A_301, %dma_wait3A_302] : memref<4x8x128x8xf32, #tpu.memory_space<vmem>> -> memref<1x1x128x8xf32, #tpu.memory_space<vmem>>
      %dma_wait3A_304 = tpu.memref_squeeze %dma_wait3A_303 : memref<1x1x128x8xf32, #tpu.memory_space<vmem>> -> memref<128x8xf32, #tpu.memory_space<vmem>>
      %dma_wait3A_305 = arith.constant 0 : i32
      %dma_wait3A_306 = tpu.memref_slice %arg8[%rem3A_178, %dma_wait3A_299, %dma_wait3A_305] : memref<4x8x128xi32, #tpu.memory_space<vmem>> -> memref<1x1x128xi32, #tpu.memory_space<vmem>>
      %dma_wait3A_307 = tpu.memref_squeeze %dma_wait3A_306 : memref<1x1x128xi32, #tpu.memory_space<vmem>> -> memref<128xi32, #tpu.memory_space<vmem>>
      %dma_wait3A_308 = arith.constant 0 : i32
      %dma_wait3A_309 = arith.constant 0 : i32
      %dma_wait3A_310 = tpu.memref_slice %arg4[%dma_wait3A_308, %dma_wait3A_309] : memref<100352x8xf32, #tpu.memory_space<hbm>> -> memref<100352x8xf32, #tpu.memory_space<hbm>>
      tpu.wait_indirect_dma semaphore(%arg12 : memref<!tpu.dma_semaphore, #tpu.memory_space<semaphore_mem>>) src(%dma_wait3A_310 : memref<100352x8xf32, #tpu.memory_space<hbm>>) dst(%dma_wait3A_304 : memref<128x8xf32, #tpu.memory_space<vmem>>)
      %dma_start3A_311 = arith.constant 0 : i32
      %dma_start3A_312 = arith.constant 0 : i32
      %dma_start3A_313 = arith.constant 0 : i32
      %dma_start3A_314 = arith.constant 0 : i32
      %dma_start3A_315 = tpu.memref_slice %arg10[%rem3A_178, %dma_start3A_311, %dma_start3A_313, %dma_start3A_314] : memref<4x8x128x8xf32, #tpu.memory_space<vmem>> -> memref<1x1x128x8xf32, #tpu.memory_space<vmem>>
      %dma_start3A_316 = tpu.memref_squeeze %dma_start3A_315 : memref<1x1x128x8xf32, #tpu.memory_space<vmem>> -> memref<128x8xf32, #tpu.memory_space<vmem>>
      %dma_start3A_317 = arith.constant 0 : i32
      %dma_start3A_318 = tpu.memref_slice %arg9[%rem3A_178, %dma_start3A_312, %dma_start3A_317] : memref<4x8x128xi32, #tpu.memory_space<vmem>> -> memref<1x1x128xi32, #tpu.memory_space<vmem>>
      %dma_start3A_319 = tpu.memref_squeeze %dma_start3A_318 : memref<1x1x128xi32, #tpu.memory_space<vmem>> -> memref<128xi32, #tpu.memory_space<vmem>>
      %dma_start3A_320 = arith.constant 0 : i32
      %dma_start3A_321 = arith.constant 0 : i32
      %dma_start3A_322 = tpu.memref_slice %arg7[%dma_start3A_320, %dma_start3A_321] : memref<100352x8xf32, #tpu.memory_space<vmem_shared>> -> memref<100352x8xf32, #tpu.memory_space<vmem_shared>>
      tpu.enqueue_indirect_dma source(%dma_start3A_316 : memref<128x8xf32, #tpu.memory_space<vmem>>) target(%dma_start3A_322 : memref<100352x8xf32, #tpu.memory_space<vmem_shared>>) offsets(%dma_start3A_319 : memref<128xi32, #tpu.memory_space<vmem>>) semaphore(%arg13 : memref<!tpu.dma_semaphore, #tpu.memory_space<semaphore_mem>>) {add = true}
      %dma_wait3A_323 = arith.constant 1 : i32
      %dma_wait3A_324 = arith.constant 1 : i32
      %dma_wait3A_325 = arith.constant 0 : i32
      %dma_wait3A_326 = arith.constant 0 : i32
      %dma_wait3A_327 = tpu.memref_slice %arg10[%rem3A_178, %dma_wait3A_324, %dma_wait3A_325, %dma_wait3A_326] : memref<4x8x128x8xf32, #tpu.memory_space<vmem>> -> memref<1x1x128x8xf32, #tpu.memory_space<vmem>>
      %dma_wait3A_328 = tpu.memref_squeeze %dma_wait3A_327 : memref<1x1x128x8xf32, #tpu.memory_space<vmem>> -> memref<128x8xf32, #tpu.memory_space<vmem>>
      %dma_wait3A_329 = arith.constant 0 : i32
      %dma_wait3A_330 = tpu.memref_slice %arg8[%rem3A_178, %dma_wait3A_323, %dma_wait3A_329] : memref<4x8x128xi32, #tpu.memory_space<vmem>> -> memref<1x1x128xi32, #tpu.memory_space<vmem>>
      %dma_wait3A_331 = tpu.memref_squeeze %dma_wait3A_330 : memref<1x1x128xi32, #tpu.memory_space<vmem>> -> memref<128xi32, #tpu.memory_space<vmem>>
      %dma_wait3A_332 = arith.constant 0 : i32
      %dma_wait3A_333 = arith.constant 0 : i32
      %dma_wait3A_334 = tpu.memref_slice %arg4[%dma_wait3A_332, %dma_wait3A_333] : memref<100352x8xf32, #tpu.memory_space<hbm>> -> memref<100352x8xf32, #tpu.memory_space<hbm>>
      tpu.wait_indirect_dma semaphore(%arg12 : memref<!tpu.dma_semaphore, #tpu.memory_space<semaphore_mem>>) src(%dma_wait3A_334 : memref<100352x8xf32, #tpu.memory_space<hbm>>) dst(%dma_wait3A_328 : memref<128x8xf32, #tpu.memory_space<vmem>>)
      %dma_start3A_335 = arith.constant 1 : i32
      %dma_start3A_336 = arith.constant 1 : i32
      %dma_start3A_337 = arith.constant 0 : i32
      %dma_start3A_338 = arith.constant 0 : i32
      %dma_start3A_339 = tpu.memref_slice %arg10[%rem3A_178, %dma_start3A_335, %dma_start3A_337, %dma_start3A_338] : memref<4x8x128x8xf32, #tpu.memory_space<vmem>> -> memref<1x1x128x8xf32, #tpu.memory_space<vmem>>
      %dma_start3A_340 = tpu.memref_squeeze %dma_start3A_339 : memref<1x1x128x8xf32, #tpu.memory_space<vmem>> -> memref<128x8xf32, #tpu.memory_space<vmem>>
      %dma_start3A_341 = arith.constant 0 : i32
      %dma_start3A_342 = tpu.memref_slice %arg9[%rem3A_178, %dma_start3A_336, %dma_start3A_341] : memref<4x8x128xi32, #tpu.memory_space<vmem>> -> memref<1x1x128xi32, #tpu.memory_space<vmem>>
      %dma_start3A_343 = tpu.memref_squeeze %dma_start3A_342 : memref<1x1x128xi32, #tpu.memory_space<vmem>> -> memref<128xi32, #tpu.memory_space<vmem>>
      %dma_start3A_344 = arith.constant 0 : i32
      %dma_start3A_345 = arith.constant 0 : i32
      %dma_start3A_346 = tpu.memref_slice %arg7[%dma_start3A_344, %dma_start3A_345] : memref<100352x8xf32, #tpu.memory_space<vmem_shared>> -> memref<100352x8xf32, #tpu.memory_space<vmem_shared>>
      tpu.enqueue_indirect_dma source(%dma_start3A_340 : memref<128x8xf32, #tpu.memory_space<vmem>>) target(%dma_start3A_346 : memref<100352x8xf32, #tpu.memory_space<vmem_shared>>) offsets(%dma_start3A_343 : memref<128xi32, #tpu.memory_space<vmem>>) semaphore(%arg13 : memref<!tpu.dma_semaphore, #tpu.memory_space<semaphore_mem>>) {add = true}
      %dma_wait3A_347 = arith.constant 2 : i32
      %dma_wait3A_348 = arith.constant 2 : i32
      %dma_wait3A_349 = arith.constant 0 : i32
      %dma_wait3A_350 = arith.constant 0 : i32
      %dma_wait3A_351 = tpu.memref_slice %arg10[%rem3A_178, %dma_wait3A_348, %dma_wait3A_349, %dma_wait3A_350] : memref<4x8x128x8xf32, #tpu.memory_space<vmem>> -> memref<1x1x128x8xf32, #tpu.memory_space<vmem>>
      %dma_wait3A_352 = tpu.memref_squeeze %dma_wait3A_351 : memref<1x1x128x8xf32, #tpu.memory_space<vmem>> -> memref<128x8xf32, #tpu.memory_space<vmem>>
      %dma_wait3A_353 = arith.constant 0 : i32
      %dma_wait3A_354 = tpu.memref_slice %arg8[%rem3A_178, %dma_wait3A_347, %dma_wait3A_353] : memref<4x8x128xi32, #tpu.memory_space<vmem>> -> memref<1x1x128xi32, #tpu.memory_space<vmem>>
      %dma_wait3A_355 = tpu.memref_squeeze %dma_wait3A_354 : memref<1x1x128xi32, #tpu.memory_space<vmem>> -> memref<128xi32, #tpu.memory_space<vmem>>
      %dma_wait3A_356 = arith.constant 0 : i32
      %dma_wait3A_357 = arith.constant 0 : i32
      %dma_wait3A_358 = tpu.memref_slice %arg4[%dma_wait3A_356, %dma_wait3A_357] : memref<100352x8xf32, #tpu.memory_space<hbm>> -> memref<100352x8xf32, #tpu.memory_space<hbm>>
      tpu.wait_indirect_dma semaphore(%arg12 : memref<!tpu.dma_semaphore, #tpu.memory_space<semaphore_mem>>) src(%dma_wait3A_358 : memref<100352x8xf32, #tpu.memory_space<hbm>>) dst(%dma_wait3A_352 : memref<128x8xf32, #tpu.memory_space<vmem>>)
      %dma_start3A_359 = arith.constant 2 : i32
      %dma_start3A_360 = arith.constant 2 : i32
      %dma_start3A_361 = arith.constant 0 : i32
      %dma_start3A_362 = arith.constant 0 : i32
      %dma_start3A_363 = tpu.memref_slice %arg10[%rem3A_178, %dma_start3A_359, %dma_start3A_361, %dma_start3A_362] : memref<4x8x128x8xf32, #tpu.memory_space<vmem>> -> memref<1x1x128x8xf32, #tpu.memory_space<vmem>>
      %dma_start3A_364 = tpu.memref_squeeze %dma_start3A_363 : memref<1x1x128x8xf32, #tpu.memory_space<vmem>> -> memref<128x8xf32, #tpu.memory_space<vmem>>
      %dma_start3A_365 = arith.constant 0 : i32
      %dma_start3A_366 = tpu.memref_slice %arg9[%rem3A_178, %dma_start3A_360, %dma_start3A_365] : memref<4x8x128xi32, #tpu.memory_space<vmem>> -> memref<1x1x128xi32, #tpu.memory_space<vmem>>
      %dma_start3A_367 = tpu.memref_squeeze %dma_start3A_366 : memref<1x1x128xi32, #tpu.memory_space<vmem>> -> memref<128xi32, #tpu.memory_space<vmem>>
      %dma_start3A_368 = arith.constant 0 : i32
      %dma_start3A_369 = arith.constant 0 : i32
      %dma_start3A_370 = tpu.memref_slice %arg7[%dma_start3A_368, %dma_start3A_369] : memref<100352x8xf32, #tpu.memory_space<vmem_shared>> -> memref<100352x8xf32, #tpu.memory_space<vmem_shared>>
      tpu.enqueue_indirect_dma source(%dma_start3A_364 : memref<128x8xf32, #tpu.memory_space<vmem>>) target(%dma_start3A_370 : memref<100352x8xf32, #tpu.memory_space<vmem_shared>>) offsets(%dma_start3A_367 : memref<128xi32, #tpu.memory_space<vmem>>) semaphore(%arg13 : memref<!tpu.dma_semaphore, #tpu.memory_space<semaphore_mem>>) {add = true}
      %dma_wait3A_371 = arith.constant 3 : i32
      %dma_wait3A_372 = arith.constant 3 : i32
      %dma_wait3A_373 = arith.constant 0 : i32
      %dma_wait3A_374 = arith.constant 0 : i32
      %dma_wait3A_375 = tpu.memref_slice %arg10[%rem3A_178, %dma_wait3A_372, %dma_wait3A_373, %dma_wait3A_374] : memref<4x8x128x8xf32, #tpu.memory_space<vmem>> -> memref<1x1x128x8xf32, #tpu.memory_space<vmem>>
      %dma_wait3A_376 = tpu.memref_squeeze %dma_wait3A_375 : memref<1x1x128x8xf32, #tpu.memory_space<vmem>> -> memref<128x8xf32, #tpu.memory_space<vmem>>
      %dma_wait3A_377 = arith.constant 0 : i32
      %dma_wait3A_378 = tpu.memref_slice %arg8[%rem3A_178, %dma_wait3A_371, %dma_wait3A_377] : memref<4x8x128xi32, #tpu.memory_space<vmem>> -> memref<1x1x128xi32, #tpu.memory_space<vmem>>
      %dma_wait3A_379 = tpu.memref_squeeze %dma_wait3A_378 : memref<1x1x128xi32, #tpu.memory_space<vmem>> -> memref<128xi32, #tpu.memory_space<vmem>>
      %dma_wait3A_380 = arith.constant 0 : i32
      %dma_wait3A_381 = arith.constant 0 : i32
      %dma_wait3A_382 = tpu.memref_slice %arg4[%dma_wait3A_380, %dma_wait3A_381] : memref<100352x8xf32, #tpu.memory_space<hbm>> -> memref<100352x8xf32, #tpu.memory_space<hbm>>
      tpu.wait_indirect_dma semaphore(%arg12 : memref<!tpu.dma_semaphore, #tpu.memory_space<semaphore_mem>>) src(%dma_wait3A_382 : memref<100352x8xf32, #tpu.memory_space<hbm>>) dst(%dma_wait3A_376 : memref<128x8xf32, #tpu.memory_space<vmem>>)
      %dma_start3A_383 = arith.constant 3 : i32
      %dma_start3A_384 = arith.constant 3 : i32
      %dma_start3A_385 = arith.constant 0 : i32
      %dma_start3A_386 = arith.constant 0 : i32
      %dma_start3A_387 = tpu.memref_slice %arg10[%rem3A_178, %dma_start3A_383, %dma_start3A_385, %dma_start3A_386] : memref<4x8x128x8xf32, #tpu.memory_space<vmem>> -> memref<1x1x128x8xf32, #tpu.memory_space<vmem>>
      %dma_start3A_388 = tpu.memref_squeeze %dma_start3A_387 : memref<1x1x128x8xf32, #tpu.memory_space<vmem>> -> memref<128x8xf32, #tpu.memory_space<vmem>>
      %dma_start3A_389 = arith.constant 0 : i32
      %dma_start3A_390 = tpu.memref_slice %arg9[%rem3A_178, %dma_start3A_384, %dma_start3A_389] : memref<4x8x128xi32, #tpu.memory_space<vmem>> -> memref<1x1x128xi32, #tpu.memory_space<vmem>>
      %dma_start3A_391 = tpu.memref_squeeze %dma_start3A_390 : memref<1x1x128xi32, #tpu.memory_space<vmem>> -> memref<128xi32, #tpu.memory_space<vmem>>
      %dma_start3A_392 = arith.constant 0 : i32
      %dma_start3A_393 = arith.constant 0 : i32
      %dma_start3A_394 = tpu.memref_slice %arg7[%dma_start3A_392, %dma_start3A_393] : memref<100352x8xf32, #tpu.memory_space<vmem_shared>> -> memref<100352x8xf32, #tpu.memory_space<vmem_shared>>
      tpu.enqueue_indirect_dma source(%dma_start3A_388 : memref<128x8xf32, #tpu.memory_space<vmem>>) target(%dma_start3A_394 : memref<100352x8xf32, #tpu.memory_space<vmem_shared>>) offsets(%dma_start3A_391 : memref<128xi32, #tpu.memory_space<vmem>>) semaphore(%arg13 : memref<!tpu.dma_semaphore, #tpu.memory_space<semaphore_mem>>) {add = true}
      %dma_wait3A_395 = arith.constant 4 : i32
      %dma_wait3A_396 = arith.constant 4 : i32
      %dma_wait3A_397 = arith.constant 0 : i32
      %dma_wait3A_398 = arith.constant 0 : i32
      %dma_wait3A_399 = tpu.memref_slice %arg10[%rem3A_178, %dma_wait3A_396, %dma_wait3A_397, %dma_wait3A_398] : memref<4x8x128x8xf32, #tpu.memory_space<vmem>> -> memref<1x1x128x8xf32, #tpu.memory_space<vmem>>
      %dma_wait3A_400 = tpu.memref_squeeze %dma_wait3A_399 : memref<1x1x128x8xf32, #tpu.memory_space<vmem>> -> memref<128x8xf32, #tpu.memory_space<vmem>>
      %dma_wait3A_401 = arith.constant 0 : i32
      %dma_wait3A_402 = tpu.memref_slice %arg8[%rem3A_178, %dma_wait3A_395, %dma_wait3A_401] : memref<4x8x128xi32, #tpu.memory_space<vmem>> -> memref<1x1x128xi32, #tpu.memory_space<vmem>>
      %dma_wait3A_403 = tpu.memref_squeeze %dma_wait3A_402 : memref<1x1x128xi32, #tpu.memory_space<vmem>> -> memref<128xi32, #tpu.memory_space<vmem>>
      %dma_wait3A_404 = arith.constant 0 : i32
      %dma_wait3A_405 = arith.constant 0 : i32
      %dma_wait3A_406 = tpu.memref_slice %arg4[%dma_wait3A_404, %dma_wait3A_405] : memref<100352x8xf32, #tpu.memory_space<hbm>> -> memref<100352x8xf32, #tpu.memory_space<hbm>>
      tpu.wait_indirect_dma semaphore(%arg12 : memref<!tpu.dma_semaphore, #tpu.memory_space<semaphore_mem>>) src(%dma_wait3A_406 : memref<100352x8xf32, #tpu.memory_space<hbm>>) dst(%dma_wait3A_400 : memref<128x8xf32, #tpu.memory_space<vmem>>)
      %dma_start3A_407 = arith.constant 4 : i32
      %dma_start3A_408 = arith.constant 4 : i32
      %dma_start3A_409 = arith.constant 0 : i32
      %dma_start3A_410 = arith.constant 0 : i32
      %dma_start3A_411 = tpu.memref_slice %arg10[%rem3A_178, %dma_start3A_407, %dma_start3A_409, %dma_start3A_410] : memref<4x8x128x8xf32, #tpu.memory_space<vmem>> -> memref<1x1x128x8xf32, #tpu.memory_space<vmem>>
      %dma_start3A_412 = tpu.memref_squeeze %dma_start3A_411 : memref<1x1x128x8xf32, #tpu.memory_space<vmem>> -> memref<128x8xf32, #tpu.memory_space<vmem>>
      %dma_start3A_413 = arith.constant 0 : i32
      %dma_start3A_414 = tpu.memref_slice %arg9[%rem3A_178, %dma_start3A_408, %dma_start3A_413] : memref<4x8x128xi32, #tpu.memory_space<vmem>> -> memref<1x1x128xi32, #tpu.memory_space<vmem>>
      %dma_start3A_415 = tpu.memref_squeeze %dma_start3A_414 : memref<1x1x128xi32, #tpu.memory_space<vmem>> -> memref<128xi32, #tpu.memory_space<vmem>>
      %dma_start3A_416 = arith.constant 0 : i32
      %dma_start3A_417 = arith.constant 0 : i32
      %dma_start3A_418 = tpu.memref_slice %arg7[%dma_start3A_416, %dma_start3A_417] : memref<100352x8xf32, #tpu.memory_space<vmem_shared>> -> memref<100352x8xf32, #tpu.memory_space<vmem_shared>>
      tpu.enqueue_indirect_dma source(%dma_start3A_412 : memref<128x8xf32, #tpu.memory_space<vmem>>) target(%dma_start3A_418 : memref<100352x8xf32, #tpu.memory_space<vmem_shared>>) offsets(%dma_start3A_415 : memref<128xi32, #tpu.memory_space<vmem>>) semaphore(%arg13 : memref<!tpu.dma_semaphore, #tpu.memory_space<semaphore_mem>>) {add = true}
      %dma_wait3A_419 = arith.constant 5 : i32
      %dma_wait3A_420 = arith.constant 5 : i32
      %dma_wait3A_421 = arith.constant 0 : i32
      %dma_wait3A_422 = arith.constant 0 : i32
      %dma_wait3A_423 = tpu.memref_slice %arg10[%rem3A_178, %dma_wait3A_420, %dma_wait3A_421, %dma_wait3A_422] : memref<4x8x128x8xf32, #tpu.memory_space<vmem>> -> memref<1x1x128x8xf32, #tpu.memory_space<vmem>>
      %dma_wait3A_424 = tpu.memref_squeeze %dma_wait3A_423 : memref<1x1x128x8xf32, #tpu.memory_space<vmem>> -> memref<128x8xf32, #tpu.memory_space<vmem>>
      %dma_wait3A_425 = arith.constant 0 : i32
      %dma_wait3A_426 = tpu.memref_slice %arg8[%rem3A_178, %dma_wait3A_419, %dma_wait3A_425] : memref<4x8x128xi32, #tpu.memory_space<vmem>> -> memref<1x1x128xi32, #tpu.memory_space<vmem>>
      %dma_wait3A_427 = tpu.memref_squeeze %dma_wait3A_426 : memref<1x1x128xi32, #tpu.memory_space<vmem>> -> memref<128xi32, #tpu.memory_space<vmem>>
      %dma_wait3A_428 = arith.constant 0 : i32
      %dma_wait3A_429 = arith.constant 0 : i32
      %dma_wait3A_430 = tpu.memref_slice %arg4[%dma_wait3A_428, %dma_wait3A_429] : memref<100352x8xf32, #tpu.memory_space<hbm>> -> memref<100352x8xf32, #tpu.memory_space<hbm>>
      tpu.wait_indirect_dma semaphore(%arg12 : memref<!tpu.dma_semaphore, #tpu.memory_space<semaphore_mem>>) src(%dma_wait3A_430 : memref<100352x8xf32, #tpu.memory_space<hbm>>) dst(%dma_wait3A_424 : memref<128x8xf32, #tpu.memory_space<vmem>>)
      %dma_start3A_431 = arith.constant 5 : i32
      %dma_start3A_432 = arith.constant 5 : i32
      %dma_start3A_433 = arith.constant 0 : i32
      %dma_start3A_434 = arith.constant 0 : i32
      %dma_start3A_435 = tpu.memref_slice %arg10[%rem3A_178, %dma_start3A_431, %dma_start3A_433, %dma_start3A_434] : memref<4x8x128x8xf32, #tpu.memory_space<vmem>> -> memref<1x1x128x8xf32, #tpu.memory_space<vmem>>
      %dma_start3A_436 = tpu.memref_squeeze %dma_start3A_435 : memref<1x1x128x8xf32, #tpu.memory_space<vmem>> -> memref<128x8xf32, #tpu.memory_space<vmem>>
      %dma_start3A_437 = arith.constant 0 : i32
      %dma_start3A_438 = tpu.memref_slice %arg9[%rem3A_178, %dma_start3A_432, %dma_start3A_437] : memref<4x8x128xi32, #tpu.memory_space<vmem>> -> memref<1x1x128xi32, #tpu.memory_space<vmem>>
      %dma_start3A_439 = tpu.memref_squeeze %dma_start3A_438 : memref<1x1x128xi32, #tpu.memory_space<vmem>> -> memref<128xi32, #tpu.memory_space<vmem>>
      %dma_start3A_440 = arith.constant 0 : i32
      %dma_start3A_441 = arith.constant 0 : i32
      %dma_start3A_442 = tpu.memref_slice %arg7[%dma_start3A_440, %dma_start3A_441] : memref<100352x8xf32, #tpu.memory_space<vmem_shared>> -> memref<100352x8xf32, #tpu.memory_space<vmem_shared>>
      tpu.enqueue_indirect_dma source(%dma_start3A_436 : memref<128x8xf32, #tpu.memory_space<vmem>>) target(%dma_start3A_442 : memref<100352x8xf32, #tpu.memory_space<vmem_shared>>) offsets(%dma_start3A_439 : memref<128xi32, #tpu.memory_space<vmem>>) semaphore(%arg13 : memref<!tpu.dma_semaphore, #tpu.memory_space<semaphore_mem>>) {add = true}
      %dma_wait3A_443 = arith.constant 6 : i32
      %dma_wait3A_444 = arith.constant 6 : i32
      %dma_wait3A_445 = arith.constant 0 : i32
      %dma_wait3A_446 = arith.constant 0 : i32
      %dma_wait3A_447 = tpu.memref_slice %arg10[%rem3A_178, %dma_wait3A_444, %dma_wait3A_445, %dma_wait3A_446] : memref<4x8x128x8xf32, #tpu.memory_space<vmem>> -> memref<1x1x128x8xf32, #tpu.memory_space<vmem>>
      %dma_wait3A_448 = tpu.memref_squeeze %dma_wait3A_447 : memref<1x1x128x8xf32, #tpu.memory_space<vmem>> -> memref<128x8xf32, #tpu.memory_space<vmem>>
      %dma_wait3A_449 = arith.constant 0 : i32
      %dma_wait3A_450 = tpu.memref_slice %arg8[%rem3A_178, %dma_wait3A_443, %dma_wait3A_449] : memref<4x8x128xi32, #tpu.memory_space<vmem>> -> memref<1x1x128xi32, #tpu.memory_space<vmem>>
      %dma_wait3A_451 = tpu.memref_squeeze %dma_wait3A_450 : memref<1x1x128xi32, #tpu.memory_space<vmem>> -> memref<128xi32, #tpu.memory_space<vmem>>
      %dma_wait3A_452 = arith.constant 0 : i32
      %dma_wait3A_453 = arith.constant 0 : i32
      %dma_wait3A_454 = tpu.memref_slice %arg4[%dma_wait3A_452, %dma_wait3A_453] : memref<100352x8xf32, #tpu.memory_space<hbm>> -> memref<100352x8xf32, #tpu.memory_space<hbm>>
      tpu.wait_indirect_dma semaphore(%arg12 : memref<!tpu.dma_semaphore, #tpu.memory_space<semaphore_mem>>) src(%dma_wait3A_454 : memref<100352x8xf32, #tpu.memory_space<hbm>>) dst(%dma_wait3A_448 : memref<128x8xf32, #tpu.memory_space<vmem>>)
      %dma_start3A_455 = arith.constant 6 : i32
      %dma_start3A_456 = arith.constant 6 : i32
      %dma_start3A_457 = arith.constant 0 : i32
      %dma_start3A_458 = arith.constant 0 : i32
      %dma_start3A_459 = tpu.memref_slice %arg10[%rem3A_178, %dma_start3A_455, %dma_start3A_457, %dma_start3A_458] : memref<4x8x128x8xf32, #tpu.memory_space<vmem>> -> memref<1x1x128x8xf32, #tpu.memory_space<vmem>>
      %dma_start3A_460 = tpu.memref_squeeze %dma_start3A_459 : memref<1x1x128x8xf32, #tpu.memory_space<vmem>> -> memref<128x8xf32, #tpu.memory_space<vmem>>
      %dma_start3A_461 = arith.constant 0 : i32
      %dma_start3A_462 = tpu.memref_slice %arg9[%rem3A_178, %dma_start3A_456, %dma_start3A_461] : memref<4x8x128xi32, #tpu.memory_space<vmem>> -> memref<1x1x128xi32, #tpu.memory_space<vmem>>
      %dma_start3A_463 = tpu.memref_squeeze %dma_start3A_462 : memref<1x1x128xi32, #tpu.memory_space<vmem>> -> memref<128xi32, #tpu.memory_space<vmem>>
      %dma_start3A_464 = arith.constant 0 : i32
      %dma_start3A_465 = arith.constant 0 : i32
      %dma_start3A_466 = tpu.memref_slice %arg7[%dma_start3A_464, %dma_start3A_465] : memref<100352x8xf32, #tpu.memory_space<vmem_shared>> -> memref<100352x8xf32, #tpu.memory_space<vmem_shared>>
      tpu.enqueue_indirect_dma source(%dma_start3A_460 : memref<128x8xf32, #tpu.memory_space<vmem>>) target(%dma_start3A_466 : memref<100352x8xf32, #tpu.memory_space<vmem_shared>>) offsets(%dma_start3A_463 : memref<128xi32, #tpu.memory_space<vmem>>) semaphore(%arg13 : memref<!tpu.dma_semaphore, #tpu.memory_space<semaphore_mem>>) {add = true}
      %dma_wait3A_467 = arith.constant 7 : i32
      %dma_wait3A_468 = arith.constant 7 : i32
      %dma_wait3A_469 = arith.constant 0 : i32
      %dma_wait3A_470 = arith.constant 0 : i32
      %dma_wait3A_471 = tpu.memref_slice %arg10[%rem3A_178, %dma_wait3A_468, %dma_wait3A_469, %dma_wait3A_470] : memref<4x8x128x8xf32, #tpu.memory_space<vmem>> -> memref<1x1x128x8xf32, #tpu.memory_space<vmem>>
      %dma_wait3A_472 = tpu.memref_squeeze %dma_wait3A_471 : memref<1x1x128x8xf32, #tpu.memory_space<vmem>> -> memref<128x8xf32, #tpu.memory_space<vmem>>
      %dma_wait3A_473 = arith.constant 0 : i32
      %dma_wait3A_474 = tpu.memref_slice %arg8[%rem3A_178, %dma_wait3A_467, %dma_wait3A_473] : memref<4x8x128xi32, #tpu.memory_space<vmem>> -> memref<1x1x128xi32, #tpu.memory_space<vmem>>
      %dma_wait3A_475 = tpu.memref_squeeze %dma_wait3A_474 : memref<1x1x128xi32, #tpu.memory_space<vmem>> -> memref<128xi32, #tpu.memory_space<vmem>>
      %dma_wait3A_476 = arith.constant 0 : i32
      %dma_wait3A_477 = arith.constant 0 : i32
      %dma_wait3A_478 = tpu.memref_slice %arg4[%dma_wait3A_476, %dma_wait3A_477] : memref<100352x8xf32, #tpu.memory_space<hbm>> -> memref<100352x8xf32, #tpu.memory_space<hbm>>
      tpu.wait_indirect_dma semaphore(%arg12 : memref<!tpu.dma_semaphore, #tpu.memory_space<semaphore_mem>>) src(%dma_wait3A_478 : memref<100352x8xf32, #tpu.memory_space<hbm>>) dst(%dma_wait3A_472 : memref<128x8xf32, #tpu.memory_space<vmem>>)
      %dma_start3A_479 = arith.constant 7 : i32
      %dma_start3A_480 = arith.constant 7 : i32
      %dma_start3A_481 = arith.constant 0 : i32
      %dma_start3A_482 = arith.constant 0 : i32
      %dma_start3A_483 = tpu.memref_slice %arg10[%rem3A_178, %dma_start3A_479, %dma_start3A_481, %dma_start3A_482] : memref<4x8x128x8xf32, #tpu.memory_space<vmem>> -> memref<1x1x128x8xf32, #tpu.memory_space<vmem>>
      %dma_start3A_484 = tpu.memref_squeeze %dma_start3A_483 : memref<1x1x128x8xf32, #tpu.memory_space<vmem>> -> memref<128x8xf32, #tpu.memory_space<vmem>>
      %dma_start3A_485 = arith.constant 0 : i32
      %dma_start3A_486 = tpu.memref_slice %arg9[%rem3A_178, %dma_start3A_480, %dma_start3A_485] : memref<4x8x128xi32, #tpu.memory_space<vmem>> -> memref<1x1x128xi32, #tpu.memory_space<vmem>>
      %dma_start3A_487 = tpu.memref_squeeze %dma_start3A_486 : memref<1x1x128xi32, #tpu.memory_space<vmem>> -> memref<128xi32, #tpu.memory_space<vmem>>
      %dma_start3A_488 = arith.constant 0 : i32
      %dma_start3A_489 = arith.constant 0 : i32
      %dma_start3A_490 = tpu.memref_slice %arg7[%dma_start3A_488, %dma_start3A_489] : memref<100352x8xf32, #tpu.memory_space<vmem_shared>> -> memref<100352x8xf32, #tpu.memory_space<vmem_shared>>
      tpu.enqueue_indirect_dma source(%dma_start3A_484 : memref<128x8xf32, #tpu.memory_space<vmem>>) target(%dma_start3A_490 : memref<100352x8xf32, #tpu.memory_space<vmem_shared>>) offsets(%dma_start3A_487 : memref<128xi32, #tpu.memory_space<vmem>>) semaphore(%arg13 : memref<!tpu.dma_semaphore, #tpu.memory_space<semaphore_mem>>) {add = true}
      %ge3A = arith.constant 1 : i32
      %ge3A_491 = arith.cmpi sge, %scan3A_177, %ge3A : i32
      %convert_element_type3A = arith.extui %ge3A_491 : i1 to i32
      %cond3A = arith.constant 0 : i32
      %cond3A_492 = arith.cmpi ne, %convert_element_type3A, %cond3A : i32
      scf.if %cond3A_492 {
        %add3A_499 = arith.constant 4 : i32
        %add3A_500 = arith.addi %scan3A_177, %add3A_499 : i32
        %sub3A = arith.constant 1 : i32
        %sub3A_501 = arith.subi %add3A_500, %sub3A : i32
        %rem3A_502 = arith.constant 4 : i32
        %rem3A_503 = arith.remsi %sub3A_501, %rem3A_502 : i32
        %dma_wait3A_504 = arith.constant 0 : i32
        %dma_wait3A_505 = arith.constant 0 : i32
        %dma_wait3A_506 = arith.constant 0 : i32
        %dma_wait3A_507 = arith.constant 0 : i32
        %dma_wait3A_508 = tpu.memref_slice %arg10[%rem3A_503, %dma_wait3A_504, %dma_wait3A_506, %dma_wait3A_507] : memref<4x8x128x8xf32, #tpu.memory_space<vmem>> -> memref<1x1x128x8xf32, #tpu.memory_space<vmem>>
        %dma_wait3A_509 = tpu.memref_squeeze %dma_wait3A_508 : memref<1x1x128x8xf32, #tpu.memory_space<vmem>> -> memref<128x8xf32, #tpu.memory_space<vmem>>
        %dma_wait3A_510 = arith.constant 0 : i32
        %dma_wait3A_511 = tpu.memref_slice %arg9[%rem3A_503, %dma_wait3A_505, %dma_wait3A_510] : memref<4x8x128xi32, #tpu.memory_space<vmem>> -> memref<1x1x128xi32, #tpu.memory_space<vmem>>
        %dma_wait3A_512 = tpu.memref_squeeze %dma_wait3A_511 : memref<1x1x128xi32, #tpu.memory_space<vmem>> -> memref<128xi32, #tpu.memory_space<vmem>>
        %dma_wait3A_513 = arith.constant 0 : i32
        %dma_wait3A_514 = arith.constant 0 : i32
        %dma_wait3A_515 = tpu.memref_slice %arg7[%dma_wait3A_513, %dma_wait3A_514] : memref<100352x8xf32, #tpu.memory_space<vmem_shared>> -> memref<100352x8xf32, #tpu.memory_space<vmem_shared>>
        tpu.wait_indirect_dma semaphore(%arg13 : memref<!tpu.dma_semaphore, #tpu.memory_space<semaphore_mem>>) src(%dma_wait3A_509 : memref<128x8xf32, #tpu.memory_space<vmem>>) dst(%dma_wait3A_515 : memref<100352x8xf32, #tpu.memory_space<vmem_shared>>)
        %dma_wait3A_516 = arith.constant 1 : i32
        %dma_wait3A_517 = arith.constant 1 : i32
        %dma_wait3A_518 = arith.constant 0 : i32
        %dma_wait3A_519 = arith.constant 0 : i32
        %dma_wait3A_520 = tpu.memref_slice %arg10[%rem3A_503, %dma_wait3A_516, %dma_wait3A_518, %dma_wait3A_519] : memref<4x8x128x8xf32, #tpu.memory_space<vmem>> -> memref<1x1x128x8xf32, #tpu.memory_space<vmem>>
        %dma_wait3A_521 = tpu.memref_squeeze %dma_wait3A_520 : memref<1x1x128x8xf32, #tpu.memory_space<vmem>> -> memref<128x8xf32, #tpu.memory_space<vmem>>
        %dma_wait3A_522 = arith.constant 0 : i32
        %dma_wait3A_523 = tpu.memref_slice %arg9[%rem3A_503, %dma_wait3A_517, %dma_wait3A_522] : memref<4x8x128xi32, #tpu.memory_space<vmem>> -> memref<1x1x128xi32, #tpu.memory_space<vmem>>
        %dma_wait3A_524 = tpu.memref_squeeze %dma_wait3A_523 : memref<1x1x128xi32, #tpu.memory_space<vmem>> -> memref<128xi32, #tpu.memory_space<vmem>>
        %dma_wait3A_525 = arith.constant 0 : i32
        %dma_wait3A_526 = arith.constant 0 : i32
        %dma_wait3A_527 = tpu.memref_slice %arg7[%dma_wait3A_525, %dma_wait3A_526] : memref<100352x8xf32, #tpu.memory_space<vmem_shared>> -> memref<100352x8xf32, #tpu.memory_space<vmem_shared>>
        tpu.wait_indirect_dma semaphore(%arg13 : memref<!tpu.dma_semaphore, #tpu.memory_space<semaphore_mem>>) src(%dma_wait3A_521 : memref<128x8xf32, #tpu.memory_space<vmem>>) dst(%dma_wait3A_527 : memref<100352x8xf32, #tpu.memory_space<vmem_shared>>)
        %dma_wait3A_528 = arith.constant 2 : i32
        %dma_wait3A_529 = arith.constant 2 : i32
        %dma_wait3A_530 = arith.constant 0 : i32
        %dma_wait3A_531 = arith.constant 0 : i32
        %dma_wait3A_532 = tpu.memref_slice %arg10[%rem3A_503, %dma_wait3A_528, %dma_wait3A_530, %dma_wait3A_531] : memref<4x8x128x8xf32, #tpu.memory_space<vmem>> -> memref<1x1x128x8xf32, #tpu.memory_space<vmem>>
        %dma_wait3A_533 = tpu.memref_squeeze %dma_wait3A_532 : memref<1x1x128x8xf32, #tpu.memory_space<vmem>> -> memref<128x8xf32, #tpu.memory_space<vmem>>
        %dma_wait3A_534 = arith.constant 0 : i32
        %dma_wait3A_535 = tpu.memref_slice %arg9[%rem3A_503, %dma_wait3A_529, %dma_wait3A_534] : memref<4x8x128xi32, #tpu.memory_space<vmem>> -> memref<1x1x128xi32, #tpu.memory_space<vmem>>
        %dma_wait3A_536 = tpu.memref_squeeze %dma_wait3A_535 : memref<1x1x128xi32, #tpu.memory_space<vmem>> -> memref<128xi32, #tpu.memory_space<vmem>>
        %dma_wait3A_537 = arith.constant 0 : i32
        %dma_wait3A_538 = arith.constant 0 : i32
        %dma_wait3A_539 = tpu.memref_slice %arg7[%dma_wait3A_537, %dma_wait3A_538] : memref<100352x8xf32, #tpu.memory_space<vmem_shared>> -> memref<100352x8xf32, #tpu.memory_space<vmem_shared>>
        tpu.wait_indirect_dma semaphore(%arg13 : memref<!tpu.dma_semaphore, #tpu.memory_space<semaphore_mem>>) src(%dma_wait3A_533 : memref<128x8xf32, #tpu.memory_space<vmem>>) dst(%dma_wait3A_539 : memref<100352x8xf32, #tpu.memory_space<vmem_shared>>)
        %dma_wait3A_540 = arith.constant 3 : i32
        %dma_wait3A_541 = arith.constant 3 : i32
        %dma_wait3A_542 = arith.constant 0 : i32
        %dma_wait3A_543 = arith.constant 0 : i32
        %dma_wait3A_544 = tpu.memref_slice %arg10[%rem3A_503, %dma_wait3A_540, %dma_wait3A_542, %dma_wait3A_543] : memref<4x8x128x8xf32, #tpu.memory_space<vmem>> -> memref<1x1x128x8xf32, #tpu.memory_space<vmem>>
        %dma_wait3A_545 = tpu.memref_squeeze %dma_wait3A_544 : memref<1x1x128x8xf32, #tpu.memory_space<vmem>> -> memref<128x8xf32, #tpu.memory_space<vmem>>
        %dma_wait3A_546 = arith.constant 0 : i32
        %dma_wait3A_547 = tpu.memref_slice %arg9[%rem3A_503, %dma_wait3A_541, %dma_wait3A_546] : memref<4x8x128xi32, #tpu.memory_space<vmem>> -> memref<1x1x128xi32, #tpu.memory_space<vmem>>
        %dma_wait3A_548 = tpu.memref_squeeze %dma_wait3A_547 : memref<1x1x128xi32, #tpu.memory_space<vmem>> -> memref<128xi32, #tpu.memory_space<vmem>>
        %dma_wait3A_549 = arith.constant 0 : i32
        %dma_wait3A_550 = arith.constant 0 : i32
        %dma_wait3A_551 = tpu.memref_slice %arg7[%dma_wait3A_549, %dma_wait3A_550] : memref<100352x8xf32, #tpu.memory_space<vmem_shared>> -> memref<100352x8xf32, #tpu.memory_space<vmem_shared>>
        tpu.wait_indirect_dma semaphore(%arg13 : memref<!tpu.dma_semaphore, #tpu.memory_space<semaphore_mem>>) src(%dma_wait3A_545 : memref<128x8xf32, #tpu.memory_space<vmem>>) dst(%dma_wait3A_551 : memref<100352x8xf32, #tpu.memory_space<vmem_shared>>)
        %dma_wait3A_552 = arith.constant 4 : i32
        %dma_wait3A_553 = arith.constant 4 : i32
        %dma_wait3A_554 = arith.constant 0 : i32
        %dma_wait3A_555 = arith.constant 0 : i32
        %dma_wait3A_556 = tpu.memref_slice %arg10[%rem3A_503, %dma_wait3A_552, %dma_wait3A_554, %dma_wait3A_555] : memref<4x8x128x8xf32, #tpu.memory_space<vmem>> -> memref<1x1x128x8xf32, #tpu.memory_space<vmem>>
        %dma_wait3A_557 = tpu.memref_squeeze %dma_wait3A_556 : memref<1x1x128x8xf32, #tpu.memory_space<vmem>> -> memref<128x8xf32, #tpu.memory_space<vmem>>
        %dma_wait3A_558 = arith.constant 0 : i32
        %dma_wait3A_559 = tpu.memref_slice %arg9[%rem3A_503, %dma_wait3A_553, %dma_wait3A_558] : memref<4x8x128xi32, #tpu.memory_space<vmem>> -> memref<1x1x128xi32, #tpu.memory_space<vmem>>
        %dma_wait3A_560 = tpu.memref_squeeze %dma_wait3A_559 : memref<1x1x128xi32, #tpu.memory_space<vmem>> -> memref<128xi32, #tpu.memory_space<vmem>>
        %dma_wait3A_561 = arith.constant 0 : i32
        %dma_wait3A_562 = arith.constant 0 : i32
        %dma_wait3A_563 = tpu.memref_slice %arg7[%dma_wait3A_561, %dma_wait3A_562] : memref<100352x8xf32, #tpu.memory_space<vmem_shared>> -> memref<100352x8xf32, #tpu.memory_space<vmem_shared>>
        tpu.wait_indirect_dma semaphore(%arg13 : memref<!tpu.dma_semaphore, #tpu.memory_space<semaphore_mem>>) src(%dma_wait3A_557 : memref<128x8xf32, #tpu.memory_space<vmem>>) dst(%dma_wait3A_563 : memref<100352x8xf32, #tpu.memory_space<vmem_shared>>)
        %dma_wait3A_564 = arith.constant 5 : i32
        %dma_wait3A_565 = arith.constant 5 : i32
        %dma_wait3A_566 = arith.constant 0 : i32
        %dma_wait3A_567 = arith.constant 0 : i32
        %dma_wait3A_568 = tpu.memref_slice %arg10[%rem3A_503, %dma_wait3A_564, %dma_wait3A_566, %dma_wait3A_567] : memref<4x8x128x8xf32, #tpu.memory_space<vmem>> -> memref<1x1x128x8xf32, #tpu.memory_space<vmem>>
        %dma_wait3A_569 = tpu.memref_squeeze %dma_wait3A_568 : memref<1x1x128x8xf32, #tpu.memory_space<vmem>> -> memref<128x8xf32, #tpu.memory_space<vmem>>
        %dma_wait3A_570 = arith.constant 0 : i32
        %dma_wait3A_571 = tpu.memref_slice %arg9[%rem3A_503, %dma_wait3A_565, %dma_wait3A_570] : memref<4x8x128xi32, #tpu.memory_space<vmem>> -> memref<1x1x128xi32, #tpu.memory_space<vmem>>
        %dma_wait3A_572 = tpu.memref_squeeze %dma_wait3A_571 : memref<1x1x128xi32, #tpu.memory_space<vmem>> -> memref<128xi32, #tpu.memory_space<vmem>>
        %dma_wait3A_573 = arith.constant 0 : i32
        %dma_wait3A_574 = arith.constant 0 : i32
        %dma_wait3A_575 = tpu.memref_slice %arg7[%dma_wait3A_573, %dma_wait3A_574] : memref<100352x8xf32, #tpu.memory_space<vmem_shared>> -> memref<100352x8xf32, #tpu.memory_space<vmem_shared>>
        tpu.wait_indirect_dma semaphore(%arg13 : memref<!tpu.dma_semaphore, #tpu.memory_space<semaphore_mem>>) src(%dma_wait3A_569 : memref<128x8xf32, #tpu.memory_space<vmem>>) dst(%dma_wait3A_575 : memref<100352x8xf32, #tpu.memory_space<vmem_shared>>)
        %dma_wait3A_576 = arith.constant 6 : i32
        %dma_wait3A_577 = arith.constant 6 : i32
        %dma_wait3A_578 = arith.constant 0 : i32
        %dma_wait3A_579 = arith.constant 0 : i32
        %dma_wait3A_580 = tpu.memref_slice %arg10[%rem3A_503, %dma_wait3A_576, %dma_wait3A_578, %dma_wait3A_579] : memref<4x8x128x8xf32, #tpu.memory_space<vmem>> -> memref<1x1x128x8xf32, #tpu.memory_space<vmem>>
        %dma_wait3A_581 = tpu.memref_squeeze %dma_wait3A_580 : memref<1x1x128x8xf32, #tpu.memory_space<vmem>> -> memref<128x8xf32, #tpu.memory_space<vmem>>
        %dma_wait3A_582 = arith.constant 0 : i32
        %dma_wait3A_583 = tpu.memref_slice %arg9[%rem3A_503, %dma_wait3A_577, %dma_wait3A_582] : memref<4x8x128xi32, #tpu.memory_space<vmem>> -> memref<1x1x128xi32, #tpu.memory_space<vmem>>
        %dma_wait3A_584 = tpu.memref_squeeze %dma_wait3A_583 : memref<1x1x128xi32, #tpu.memory_space<vmem>> -> memref<128xi32, #tpu.memory_space<vmem>>
        %dma_wait3A_585 = arith.constant 0 : i32
        %dma_wait3A_586 = arith.constant 0 : i32
        %dma_wait3A_587 = tpu.memref_slice %arg7[%dma_wait3A_585, %dma_wait3A_586] : memref<100352x8xf32, #tpu.memory_space<vmem_shared>> -> memref<100352x8xf32, #tpu.memory_space<vmem_shared>>
        tpu.wait_indirect_dma semaphore(%arg13 : memref<!tpu.dma_semaphore, #tpu.memory_space<semaphore_mem>>) src(%dma_wait3A_581 : memref<128x8xf32, #tpu.memory_space<vmem>>) dst(%dma_wait3A_587 : memref<100352x8xf32, #tpu.memory_space<vmem_shared>>)
        %dma_wait3A_588 = arith.constant 7 : i32
        %dma_wait3A_589 = arith.constant 7 : i32
        %dma_wait3A_590 = arith.constant 0 : i32
        %dma_wait3A_591 = arith.constant 0 : i32
        %dma_wait3A_592 = tpu.memref_slice %arg10[%rem3A_503, %dma_wait3A_588, %dma_wait3A_590, %dma_wait3A_591] : memref<4x8x128x8xf32, #tpu.memory_space<vmem>> -> memref<1x1x128x8xf32, #tpu.memory_space<vmem>>
        %dma_wait3A_593 = tpu.memref_squeeze %dma_wait3A_592 : memref<1x1x128x8xf32, #tpu.memory_space<vmem>> -> memref<128x8xf32, #tpu.memory_space<vmem>>
        %dma_wait3A_594 = arith.constant 0 : i32
        %dma_wait3A_595 = tpu.memref_slice %arg9[%rem3A_503, %dma_wait3A_589, %dma_wait3A_594] : memref<4x8x128xi32, #tpu.memory_space<vmem>> -> memref<1x1x128xi32, #tpu.memory_space<vmem>>
        %dma_wait3A_596 = tpu.memref_squeeze %dma_wait3A_595 : memref<1x1x128xi32, #tpu.memory_space<vmem>> -> memref<128xi32, #tpu.memory_space<vmem>>
        %dma_wait3A_597 = arith.constant 0 : i32
        %dma_wait3A_598 = arith.constant 0 : i32
        %dma_wait3A_599 = tpu.memref_slice %arg7[%dma_wait3A_597, %dma_wait3A_598] : memref<100352x8xf32, #tpu.memory_space<vmem_shared>> -> memref<100352x8xf32, #tpu.memory_space<vmem_shared>>
        tpu.wait_indirect_dma semaphore(%arg13 : memref<!tpu.dma_semaphore, #tpu.memory_space<semaphore_mem>>) src(%dma_wait3A_593 : memref<128x8xf32, #tpu.memory_space<vmem>>) dst(%dma_wait3A_599 : memref<100352x8xf32, #tpu.memory_space<vmem_shared>>)
      } else {
      }
      %add3A_493 = arith.constant 2 : i32
      %add3A_494 = arith.addi %scan3A_177, %add3A_493 : i32
      %lt3A = arith.constant 196 : i32
      %lt3A_495 = arith.cmpi slt, %add3A_494, %lt3A : i32
      %convert_element_type3A_496 = arith.extui %lt3A_495 : i1 to i32
      %cond3A_497 = arith.constant 0 : i32
      %cond3A_498 = arith.cmpi ne, %convert_element_type3A_496, %cond3A_497 : i32
      scf.if %cond3A_498 {
        %add3A_499 = arith.constant 2 : i32
        %add3A_500 = arith.addi %scan3A_177, %add3A_499 : i32
        %add3A_501 = arith.constant 2 : i32
        %add3A_502 = arith.addi %scan3A_177, %add3A_501 : i32
        %rem3A_503 = arith.constant 4 : i32
        %rem3A_504 = arith.remsi %add3A_502, %rem3A_503 : i32
        %mul3A_505 = arith.constant 8 : i32
        %mul3A_506 = arith.muli %add3A_500, %mul3A_505 : i32
        %add3A_507 = arith.addi %mul3A_4, %mul3A_506 : i32
        %dma_start3A_508 = arith.constant 0 : i32
        %dma_start3A_509 = arith.constant 0 : i32
        %dma_start3A_510 = tpu.memref_slice %arg8[%rem3A_504, %dma_start3A_508, %dma_start3A_509] : memref<4x8x128xi32, #tpu.memory_space<vmem>> -> memref<1x8x128xi32, #tpu.memory_space<vmem>>
        %dma_start3A_511 = tpu.memref_squeeze %dma_start3A_510 : memref<1x8x128xi32, #tpu.memory_space<vmem>> -> memref<8x128xi32, #tpu.memory_space<vmem>>
        %dma_start3A_512 = arith.constant 0 : i32
        %dma_start3A_513 = tpu.memref_slice %arg2[%add3A_507, %dma_start3A_512] : memref<50176x128xi32, #tpu.memory_space<hbm>> -> memref<8x128xi32, #tpu.memory_space<hbm>>
        %dma_start3A_514 = arith.constant 0 : i32
        %dma_start3A_515 = arith.constant 0 : i32
        %dma_start3A_516 = tpu.memref_slice %arg8[%rem3A_504, %dma_start3A_514, %dma_start3A_515] : memref<4x8x128xi32, #tpu.memory_space<vmem>> -> memref<1x8x128xi32, #tpu.memory_space<vmem>>
        %dma_start3A_517 = tpu.memref_squeeze %dma_start3A_516 : memref<1x8x128xi32, #tpu.memory_space<vmem>> -> memref<8x128xi32, #tpu.memory_space<vmem>>
        %dma_start3A_518 = arith.constant 0 : i32
        %dma_start3A_519 = tpu.memref_slice %arg2[%add3A_507, %dma_start3A_518] : memref<50176x128xi32, #tpu.memory_space<hbm>> -> memref<8x128xi32, #tpu.memory_space<hbm>>
        tpu.enqueue_dma source(%dma_start3A_519 : memref<8x128xi32, #tpu.memory_space<hbm>>) target(%dma_start3A_517 : memref<8x128xi32, #tpu.memory_space<vmem>>) target_semaphore(%arg11 : memref<!tpu.dma_semaphore, #tpu.memory_space<semaphore_mem>>)
        %dma_start3A_520 = arith.constant 0 : i32
        %dma_start3A_521 = arith.constant 0 : i32
        %dma_start3A_522 = tpu.memref_slice %arg9[%rem3A_504, %dma_start3A_520, %dma_start3A_521] : memref<4x8x128xi32, #tpu.memory_space<vmem>> -> memref<1x8x128xi32, #tpu.memory_space<vmem>>
        %dma_start3A_523 = tpu.memref_squeeze %dma_start3A_522 : memref<1x8x128xi32, #tpu.memory_space<vmem>> -> memref<8x128xi32, #tpu.memory_space<vmem>>
        %dma_start3A_524 = arith.constant 0 : i32
        %dma_start3A_525 = tpu.memref_slice %arg3[%add3A_507, %dma_start3A_524] : memref<50176x128xi32, #tpu.memory_space<hbm>> -> memref<8x128xi32, #tpu.memory_space<hbm>>
        %dma_start3A_526 = arith.constant 0 : i32
        %dma_start3A_527 = arith.constant 0 : i32
        %dma_start3A_528 = tpu.memref_slice %arg9[%rem3A_504, %dma_start3A_526, %dma_start3A_527] : memref<4x8x128xi32, #tpu.memory_space<vmem>> -> memref<1x8x128xi32, #tpu.memory_space<vmem>>
        %dma_start3A_529 = tpu.memref_squeeze %dma_start3A_528 : memref<1x8x128xi32, #tpu.memory_space<vmem>> -> memref<8x128xi32, #tpu.memory_space<vmem>>
        %dma_start3A_530 = arith.constant 0 : i32
        %dma_start3A_531 = tpu.memref_slice %arg3[%add3A_507, %dma_start3A_530] : memref<50176x128xi32, #tpu.memory_space<hbm>> -> memref<8x128xi32, #tpu.memory_space<hbm>>
        tpu.enqueue_dma source(%dma_start3A_531 : memref<8x128xi32, #tpu.memory_space<hbm>>) target(%dma_start3A_529 : memref<8x128xi32, #tpu.memory_space<vmem>>) target_semaphore(%arg11 : memref<!tpu.dma_semaphore, #tpu.memory_space<semaphore_mem>>)
      } else {
      }
    }
    %scan3A_64 = arith.constant 196 : i32
    %dma_wait3A = arith.constant 3 : i32
    %dma_wait3A_65 = arith.constant 0 : i32
    %dma_wait3A_66 = arith.constant 3 : i32
    %dma_wait3A_67 = arith.constant 0 : i32
    %dma_wait3A_68 = arith.constant 0 : i32
    %dma_wait3A_69 = arith.constant 0 : i32
    %dma_wait3A_70 = tpu.memref_slice %arg10[%dma_wait3A, %dma_wait3A_65, %dma_wait3A_68, %dma_wait3A_69] : memref<4x8x128x8xf32, #tpu.memory_space<vmem>> -> memref<1x1x128x8xf32, #tpu.memory_space<vmem>>
    %dma_wait3A_71 = tpu.memref_squeeze %dma_wait3A_70 : memref<1x1x128x8xf32, #tpu.memory_space<vmem>> -> memref<128x8xf32, #tpu.memory_space<vmem>>
    %dma_wait3A_72 = arith.constant 0 : i32
    %dma_wait3A_73 = tpu.memref_slice %arg9[%dma_wait3A_66, %dma_wait3A_67, %dma_wait3A_72] : memref<4x8x128xi32, #tpu.memory_space<vmem>> -> memref<1x1x128xi32, #tpu.memory_space<vmem>>
    %dma_wait3A_74 = tpu.memref_squeeze %dma_wait3A_73 : memref<1x1x128xi32, #tpu.memory_space<vmem>> -> memref<128xi32, #tpu.memory_space<vmem>>
    %dma_wait3A_75 = arith.constant 0 : i32
    %dma_wait3A_76 = arith.constant 0 : i32
    %dma_wait3A_77 = tpu.memref_slice %arg7[%dma_wait3A_75, %dma_wait3A_76] : memref<100352x8xf32, #tpu.memory_space<vmem_shared>> -> memref<100352x8xf32, #tpu.memory_space<vmem_shared>>
    tpu.wait_indirect_dma semaphore(%arg13 : memref<!tpu.dma_semaphore, #tpu.memory_space<semaphore_mem>>) src(%dma_wait3A_71 : memref<128x8xf32, #tpu.memory_space<vmem>>) dst(%dma_wait3A_77 : memref<100352x8xf32, #tpu.memory_space<vmem_shared>>)
    %dma_wait3A_78 = arith.constant 3 : i32
    %dma_wait3A_79 = arith.constant 1 : i32
    %dma_wait3A_80 = arith.constant 3 : i32
    %dma_wait3A_81 = arith.constant 1 : i32
    %dma_wait3A_82 = arith.constant 0 : i32
    %dma_wait3A_83 = arith.constant 0 : i32
    %dma_wait3A_84 = tpu.memref_slice %arg10[%dma_wait3A_78, %dma_wait3A_79, %dma_wait3A_82, %dma_wait3A_83] : memref<4x8x128x8xf32, #tpu.memory_space<vmem>> -> memref<1x1x128x8xf32, #tpu.memory_space<vmem>>
    %dma_wait3A_85 = tpu.memref_squeeze %dma_wait3A_84 : memref<1x1x128x8xf32, #tpu.memory_space<vmem>> -> memref<128x8xf32, #tpu.memory_space<vmem>>
    %dma_wait3A_86 = arith.constant 0 : i32
    %dma_wait3A_87 = tpu.memref_slice %arg9[%dma_wait3A_80, %dma_wait3A_81, %dma_wait3A_86] : memref<4x8x128xi32, #tpu.memory_space<vmem>> -> memref<1x1x128xi32, #tpu.memory_space<vmem>>
    %dma_wait3A_88 = tpu.memref_squeeze %dma_wait3A_87 : memref<1x1x128xi32, #tpu.memory_space<vmem>> -> memref<128xi32, #tpu.memory_space<vmem>>
    %dma_wait3A_89 = arith.constant 0 : i32
    %dma_wait3A_90 = arith.constant 0 : i32
    %dma_wait3A_91 = tpu.memref_slice %arg7[%dma_wait3A_89, %dma_wait3A_90] : memref<100352x8xf32, #tpu.memory_space<vmem_shared>> -> memref<100352x8xf32, #tpu.memory_space<vmem_shared>>
    tpu.wait_indirect_dma semaphore(%arg13 : memref<!tpu.dma_semaphore, #tpu.memory_space<semaphore_mem>>) src(%dma_wait3A_85 : memref<128x8xf32, #tpu.memory_space<vmem>>) dst(%dma_wait3A_91 : memref<100352x8xf32, #tpu.memory_space<vmem_shared>>)
    %dma_wait3A_92 = arith.constant 3 : i32
    %dma_wait3A_93 = arith.constant 2 : i32
    %dma_wait3A_94 = arith.constant 3 : i32
    %dma_wait3A_95 = arith.constant 2 : i32
    %dma_wait3A_96 = arith.constant 0 : i32
    %dma_wait3A_97 = arith.constant 0 : i32
    %dma_wait3A_98 = tpu.memref_slice %arg10[%dma_wait3A_92, %dma_wait3A_93, %dma_wait3A_96, %dma_wait3A_97] : memref<4x8x128x8xf32, #tpu.memory_space<vmem>> -> memref<1x1x128x8xf32, #tpu.memory_space<vmem>>
    %dma_wait3A_99 = tpu.memref_squeeze %dma_wait3A_98 : memref<1x1x128x8xf32, #tpu.memory_space<vmem>> -> memref<128x8xf32, #tpu.memory_space<vmem>>
    %dma_wait3A_100 = arith.constant 0 : i32
    %dma_wait3A_101 = tpu.memref_slice %arg9[%dma_wait3A_94, %dma_wait3A_95, %dma_wait3A_100] : memref<4x8x128xi32, #tpu.memory_space<vmem>> -> memref<1x1x128xi32, #tpu.memory_space<vmem>>
    %dma_wait3A_102 = tpu.memref_squeeze %dma_wait3A_101 : memref<1x1x128xi32, #tpu.memory_space<vmem>> -> memref<128xi32, #tpu.memory_space<vmem>>
    %dma_wait3A_103 = arith.constant 0 : i32
    %dma_wait3A_104 = arith.constant 0 : i32
    %dma_wait3A_105 = tpu.memref_slice %arg7[%dma_wait3A_103, %dma_wait3A_104] : memref<100352x8xf32, #tpu.memory_space<vmem_shared>> -> memref<100352x8xf32, #tpu.memory_space<vmem_shared>>
    tpu.wait_indirect_dma semaphore(%arg13 : memref<!tpu.dma_semaphore, #tpu.memory_space<semaphore_mem>>) src(%dma_wait3A_99 : memref<128x8xf32, #tpu.memory_space<vmem>>) dst(%dma_wait3A_105 : memref<100352x8xf32, #tpu.memory_space<vmem_shared>>)
    %dma_wait3A_106 = arith.constant 3 : i32
    %dma_wait3A_107 = arith.constant 3 : i32
    %dma_wait3A_108 = arith.constant 3 : i32
    %dma_wait3A_109 = arith.constant 3 : i32
    %dma_wait3A_110 = arith.constant 0 : i32
    %dma_wait3A_111 = arith.constant 0 : i32
    %dma_wait3A_112 = tpu.memref_slice %arg10[%dma_wait3A_106, %dma_wait3A_107, %dma_wait3A_110, %dma_wait3A_111] : memref<4x8x128x8xf32, #tpu.memory_space<vmem>> -> memref<1x1x128x8xf32, #tpu.memory_space<vmem>>
    %dma_wait3A_113 = tpu.memref_squeeze %dma_wait3A_112 : memref<1x1x128x8xf32, #tpu.memory_space<vmem>> -> memref<128x8xf32, #tpu.memory_space<vmem>>
    %dma_wait3A_114 = arith.constant 0 : i32
    %dma_wait3A_115 = tpu.memref_slice %arg9[%dma_wait3A_108, %dma_wait3A_109, %dma_wait3A_114] : memref<4x8x128xi32, #tpu.memory_space<vmem>> -> memref<1x1x128xi32, #tpu.memory_space<vmem>>
    %dma_wait3A_116 = tpu.memref_squeeze %dma_wait3A_115 : memref<1x1x128xi32, #tpu.memory_space<vmem>> -> memref<128xi32, #tpu.memory_space<vmem>>
    %dma_wait3A_117 = arith.constant 0 : i32
    %dma_wait3A_118 = arith.constant 0 : i32
    %dma_wait3A_119 = tpu.memref_slice %arg7[%dma_wait3A_117, %dma_wait3A_118] : memref<100352x8xf32, #tpu.memory_space<vmem_shared>> -> memref<100352x8xf32, #tpu.memory_space<vmem_shared>>
    tpu.wait_indirect_dma semaphore(%arg13 : memref<!tpu.dma_semaphore, #tpu.memory_space<semaphore_mem>>) src(%dma_wait3A_113 : memref<128x8xf32, #tpu.memory_space<vmem>>) dst(%dma_wait3A_119 : memref<100352x8xf32, #tpu.memory_space<vmem_shared>>)
    %dma_wait3A_120 = arith.constant 3 : i32
    %dma_wait3A_121 = arith.constant 4 : i32
    %dma_wait3A_122 = arith.constant 3 : i32
    %dma_wait3A_123 = arith.constant 4 : i32
    %dma_wait3A_124 = arith.constant 0 : i32
    %dma_wait3A_125 = arith.constant 0 : i32
    %dma_wait3A_126 = tpu.memref_slice %arg10[%dma_wait3A_120, %dma_wait3A_121, %dma_wait3A_124, %dma_wait3A_125] : memref<4x8x128x8xf32, #tpu.memory_space<vmem>> -> memref<1x1x128x8xf32, #tpu.memory_space<vmem>>
    %dma_wait3A_127 = tpu.memref_squeeze %dma_wait3A_126 : memref<1x1x128x8xf32, #tpu.memory_space<vmem>> -> memref<128x8xf32, #tpu.memory_space<vmem>>
    %dma_wait3A_128 = arith.constant 0 : i32
    %dma_wait3A_129 = tpu.memref_slice %arg9[%dma_wait3A_122, %dma_wait3A_123, %dma_wait3A_128] : memref<4x8x128xi32, #tpu.memory_space<vmem>> -> memref<1x1x128xi32, #tpu.memory_space<vmem>>
    %dma_wait3A_130 = tpu.memref_squeeze %dma_wait3A_129 : memref<1x1x128xi32, #tpu.memory_space<vmem>> -> memref<128xi32, #tpu.memory_space<vmem>>
    %dma_wait3A_131 = arith.constant 0 : i32
    %dma_wait3A_132 = arith.constant 0 : i32
    %dma_wait3A_133 = tpu.memref_slice %arg7[%dma_wait3A_131, %dma_wait3A_132] : memref<100352x8xf32, #tpu.memory_space<vmem_shared>> -> memref<100352x8xf32, #tpu.memory_space<vmem_shared>>
    tpu.wait_indirect_dma semaphore(%arg13 : memref<!tpu.dma_semaphore, #tpu.memory_space<semaphore_mem>>) src(%dma_wait3A_127 : memref<128x8xf32, #tpu.memory_space<vmem>>) dst(%dma_wait3A_133 : memref<100352x8xf32, #tpu.memory_space<vmem_shared>>)
    %dma_wait3A_134 = arith.constant 3 : i32
    %dma_wait3A_135 = arith.constant 5 : i32
    %dma_wait3A_136 = arith.constant 3 : i32
    %dma_wait3A_137 = arith.constant 5 : i32
    %dma_wait3A_138 = arith.constant 0 : i32
    %dma_wait3A_139 = arith.constant 0 : i32
    %dma_wait3A_140 = tpu.memref_slice %arg10[%dma_wait3A_134, %dma_wait3A_135, %dma_wait3A_138, %dma_wait3A_139] : memref<4x8x128x8xf32, #tpu.memory_space<vmem>> -> memref<1x1x128x8xf32, #tpu.memory_space<vmem>>
    %dma_wait3A_141 = tpu.memref_squeeze %dma_wait3A_140 : memref<1x1x128x8xf32, #tpu.memory_space<vmem>> -> memref<128x8xf32, #tpu.memory_space<vmem>>
    %dma_wait3A_142 = arith.constant 0 : i32
    %dma_wait3A_143 = tpu.memref_slice %arg9[%dma_wait3A_136, %dma_wait3A_137, %dma_wait3A_142] : memref<4x8x128xi32, #tpu.memory_space<vmem>> -> memref<1x1x128xi32, #tpu.memory_space<vmem>>
    %dma_wait3A_144 = tpu.memref_squeeze %dma_wait3A_143 : memref<1x1x128xi32, #tpu.memory_space<vmem>> -> memref<128xi32, #tpu.memory_space<vmem>>
    %dma_wait3A_145 = arith.constant 0 : i32
    %dma_wait3A_146 = arith.constant 0 : i32
    %dma_wait3A_147 = tpu.memref_slice %arg7[%dma_wait3A_145, %dma_wait3A_146] : memref<100352x8xf32, #tpu.memory_space<vmem_shared>> -> memref<100352x8xf32, #tpu.memory_space<vmem_shared>>
    tpu.wait_indirect_dma semaphore(%arg13 : memref<!tpu.dma_semaphore, #tpu.memory_space<semaphore_mem>>) src(%dma_wait3A_141 : memref<128x8xf32, #tpu.memory_space<vmem>>) dst(%dma_wait3A_147 : memref<100352x8xf32, #tpu.memory_space<vmem_shared>>)
    %dma_wait3A_148 = arith.constant 3 : i32
    %dma_wait3A_149 = arith.constant 6 : i32
    %dma_wait3A_150 = arith.constant 3 : i32
    %dma_wait3A_151 = arith.constant 6 : i32
    %dma_wait3A_152 = arith.constant 0 : i32
    %dma_wait3A_153 = arith.constant 0 : i32
    %dma_wait3A_154 = tpu.memref_slice %arg10[%dma_wait3A_148, %dma_wait3A_149, %dma_wait3A_152, %dma_wait3A_153] : memref<4x8x128x8xf32, #tpu.memory_space<vmem>> -> memref<1x1x128x8xf32, #tpu.memory_space<vmem>>
    %dma_wait3A_155 = tpu.memref_squeeze %dma_wait3A_154 : memref<1x1x128x8xf32, #tpu.memory_space<vmem>> -> memref<128x8xf32, #tpu.memory_space<vmem>>
    %dma_wait3A_156 = arith.constant 0 : i32
    %dma_wait3A_157 = tpu.memref_slice %arg9[%dma_wait3A_150, %dma_wait3A_151, %dma_wait3A_156] : memref<4x8x128xi32, #tpu.memory_space<vmem>> -> memref<1x1x128xi32, #tpu.memory_space<vmem>>
    %dma_wait3A_158 = tpu.memref_squeeze %dma_wait3A_157 : memref<1x1x128xi32, #tpu.memory_space<vmem>> -> memref<128xi32, #tpu.memory_space<vmem>>
    %dma_wait3A_159 = arith.constant 0 : i32
    %dma_wait3A_160 = arith.constant 0 : i32
    %dma_wait3A_161 = tpu.memref_slice %arg7[%dma_wait3A_159, %dma_wait3A_160] : memref<100352x8xf32, #tpu.memory_space<vmem_shared>> -> memref<100352x8xf32, #tpu.memory_space<vmem_shared>>
    tpu.wait_indirect_dma semaphore(%arg13 : memref<!tpu.dma_semaphore, #tpu.memory_space<semaphore_mem>>) src(%dma_wait3A_155 : memref<128x8xf32, #tpu.memory_space<vmem>>) dst(%dma_wait3A_161 : memref<100352x8xf32, #tpu.memory_space<vmem_shared>>)
    %dma_wait3A_162 = arith.constant 3 : i32
    %dma_wait3A_163 = arith.constant 7 : i32
    %dma_wait3A_164 = arith.constant 3 : i32
    %dma_wait3A_165 = arith.constant 7 : i32
    %dma_wait3A_166 = arith.constant 0 : i32
    %dma_wait3A_167 = arith.constant 0 : i32
    %dma_wait3A_168 = tpu.memref_slice %arg10[%dma_wait3A_162, %dma_wait3A_163, %dma_wait3A_166, %dma_wait3A_167] : memref<4x8x128x8xf32, #tpu.memory_space<vmem>> -> memref<1x1x128x8xf32, #tpu.memory_space<vmem>>
    %dma_wait3A_169 = tpu.memref_squeeze %dma_wait3A_168 : memref<1x1x128x8xf32, #tpu.memory_space<vmem>> -> memref<128x8xf32, #tpu.memory_space<vmem>>
    %dma_wait3A_170 = arith.constant 0 : i32
    %dma_wait3A_171 = tpu.memref_slice %arg9[%dma_wait3A_164, %dma_wait3A_165, %dma_wait3A_170] : memref<4x8x128xi32, #tpu.memory_space<vmem>> -> memref<1x1x128xi32, #tpu.memory_space<vmem>>
    %dma_wait3A_172 = tpu.memref_squeeze %dma_wait3A_171 : memref<1x1x128xi32, #tpu.memory_space<vmem>> -> memref<128xi32, #tpu.memory_space<vmem>>
    %dma_wait3A_173 = arith.constant 0 : i32
    %dma_wait3A_174 = arith.constant 0 : i32
    %dma_wait3A_175 = tpu.memref_slice %arg7[%dma_wait3A_173, %dma_wait3A_174] : memref<100352x8xf32, #tpu.memory_space<vmem_shared>> -> memref<100352x8xf32, #tpu.memory_space<vmem_shared>>
    tpu.wait_indirect_dma semaphore(%arg13 : memref<!tpu.dma_semaphore, #tpu.memory_space<semaphore_mem>>) src(%dma_wait3A_169 : memref<128x8xf32, #tpu.memory_space<vmem>>) dst(%dma_wait3A_175 : memref<100352x8xf32, #tpu.memory_space<vmem_shared>>)
    %barrier3A_176 = arith.constant 0 : index
    tpu.barrier barrier_id(%barrier3A_176)
    "tpu.region"() ({
      %run_scoped3A = tpu.sem_alloc : memref<!tpu.dma_semaphore, #tpu.memory_space<semaphore_mem>>
      %dma_start3A_177 = arith.constant 0 : i32
      %dma_start3A_178 = tpu.memref_slice %arg6[%arg0, %mul3A_2, %dma_start3A_177] : memref<2x100352x8xf32, #tpu.memory_space<hbm>> -> memref<1x6272x8xf32, #tpu.memory_space<hbm>>
      %dma_start3A_179 = tpu.memref_squeeze %dma_start3A_178 : memref<1x6272x8xf32, #tpu.memory_space<hbm>> -> memref<6272x8xf32, #tpu.memory_space<hbm>>
      %dma_start3A_180 = arith.constant 0 : i32
      %dma_start3A_181 = tpu.memref_slice %arg7[%mul3A_2, %dma_start3A_180] : memref<100352x8xf32, #tpu.memory_space<vmem_shared>> -> memref<6272x8xf32, #tpu.memory_space<vmem_shared>>
      tpu.enqueue_dma source(%dma_start3A_181 : memref<6272x8xf32, #tpu.memory_space<vmem_shared>>) target(%dma_start3A_179 : memref<6272x8xf32, #tpu.memory_space<hbm>>) target_semaphore(%run_scoped3A : memref<!tpu.dma_semaphore, #tpu.memory_space<semaphore_mem>>)
      %dma_wait3A_182 = arith.constant 0 : i32
      %dma_wait3A_183 = tpu.memref_slice %arg6[%arg0, %mul3A_2, %dma_wait3A_182] : memref<2x100352x8xf32, #tpu.memory_space<hbm>> -> memref<1x6272x8xf32, #tpu.memory_space<hbm>>
      %dma_wait3A_184 = tpu.memref_squeeze %dma_wait3A_183 : memref<1x6272x8xf32, #tpu.memory_space<hbm>> -> memref<6272x8xf32, #tpu.memory_space<hbm>>
      %dma_wait3A_185 = arith.constant 0 : i32
      %dma_wait3A_186 = tpu.memref_slice %arg7[%mul3A_2, %dma_wait3A_185] : memref<100352x8xf32, #tpu.memory_space<vmem_shared>> -> memref<6272x8xf32, #tpu.memory_space<vmem_shared>>
      tpu.wait_dma2 semaphore(%run_scoped3A : memref<!tpu.dma_semaphore, #tpu.memory_space<semaphore_mem>>) src(%dma_wait3A_186 : memref<6272x8xf32, #tpu.memory_space<vmem_shared>>) dst(%dma_wait3A_184 : memref<6272x8xf32, #tpu.memory_space<hbm>>)
      tpu.yield
    }) : () -> ()
    return
  }
}

#map = affine_map<(d0, d1) -> (0)>
#map1 = affine_map<(d0, d1) -> (0, 0)>
module attributes {stable_mosaic.version = 14 : i64} {
  func.func @_hist_body(%arg0: i32, %arg1: i32, %arg2: memref<6422528xi32, #tpu.memory_space<hbm>>, %arg3: memref<32x100352xf32, #tpu.memory_space<hbm>>, %arg4: memref<100352xf32, #tpu.memory_space<vmem>>, %arg5: memref<2x2048xi32, #tpu.memory_space<vmem>>, %arg6: memref<!tpu.dma_semaphore, #tpu.memory_space<semaphore_mem>>) attributes {dimension_semantics = [#tpu.dimension_semantics<core_parallel>, #tpu.dimension_semantics<subcore_parallel>], iteration_bounds = array<i64: 2, 16>, scalar_prefetch = 0 : i64, scratch_operands = 3 : i64, tpu.core_type = #tpu.core_type<sc_vector_subcore>, window_params = [{transform_indices = #map}, {transform_indices = #map1}]} {
    %mul3A = arith.constant 2 : i32
    %mul3A_0 = arith.muli %arg1, %mul3A : i32
    %add3A = arith.addi %mul3A_0, %arg0 : i32
    %broadcast_in_dim3A = arith.constant 0.000000e+00 : f32
    %broadcast_in_dim3A_1 = vector.broadcast %broadcast_in_dim3A : f32 to vector<16xf32>
    %scan3A = arith.constant 0 : i32
    %scan3A_2 = arith.constant 0 : i32
    %scan3A_3 = arith.constant 6272 : i32
    %scan3A_4 = arith.addi %scan3A_2, %scan3A_3 : i32
    %scan3A_5 = arith.constant 1 : i32
    scf.for %scan3A_27 = %scan3A_2 to %scan3A_4 step %scan3A_5  : i32 {
      %mul3A_28 = arith.constant 16 : i32
      %mul3A_29 = arith.muli %scan3A_27, %mul3A_28 : i32
      %swap3A = arith.index_cast %mul3A_29 : i32 to index
      %swap3A_30 = tpu.vector_load %arg4[%swap3A] {strides = array<i32>} : memref<100352xf32, #tpu.memory_space<vmem>>, vector<16xf32>,
      tpu.vector_store %arg4[%swap3A], %broadcast_in_dim3A_1 {strides = array<i32>} : memref<100352xf32, #tpu.memory_space<vmem>>, vector<16xf32>,
    }
    %scan3A_6 = arith.constant 6272 : i32
    %broadcast_in_dim3A_7 = arith.constant 1.000000e+00 : f32
    %broadcast_in_dim3A_8 = vector.broadcast %broadcast_in_dim3A_7 : f32 to vector<16xf32>
    %mul3A_9 = arith.constant 200704 : i32
    %mul3A_10 = arith.muli %add3A, %mul3A_9 : i32
    %add3A_11 = arith.constant 0 : i32
    %add3A_12 = arith.addi %mul3A_10, %add3A_11 : i32
    %dma_start3A = arith.constant 0 : i32
    %dma_start3A_13 = arith.constant 0 : i32
    %dma_start3A_14 = tpu.memref_slice %arg5[%dma_start3A, %dma_start3A_13] : memref<2x2048xi32, #tpu.memory_space<vmem>> -> memref<1x2048xi32, #tpu.memory_space<vmem>>
    %dma_start3A_15 = tpu.memref_squeeze %dma_start3A_14 : memref<1x2048xi32, #tpu.memory_space<vmem>> -> memref<2048xi32, #tpu.memory_space<vmem>>
    %dma_start3A_16 = tpu.memref_slice %arg2[%add3A_12] : memref<6422528xi32, #tpu.memory_space<hbm>> -> memref<2048xi32, #tpu.memory_space<hbm>>
    %dma_start3A_17 = arith.constant 0 : i32
    %dma_start3A_18 = tpu.memref_slice %arg5[%dma_start3A, %dma_start3A_17] : memref<2x2048xi32, #tpu.memory_space<vmem>> -> memref<1x2048xi32, #tpu.memory_space<vmem>>
    %dma_start3A_19 = tpu.memref_squeeze %dma_start3A_18 : memref<1x2048xi32, #tpu.memory_space<vmem>> -> memref<2048xi32, #tpu.memory_space<vmem>>
    %dma_start3A_20 = tpu.memref_slice %arg2[%add3A_12] : memref<6422528xi32, #tpu.memory_space<hbm>> -> memref<2048xi32, #tpu.memory_space<hbm>>
    tpu.enqueue_dma source(%dma_start3A_20 : memref<2048xi32, #tpu.memory_space<hbm>>) target(%dma_start3A_19 : memref<2048xi32, #tpu.memory_space<vmem>>) target_semaphore(%arg6 : memref<!tpu.dma_semaphore, #tpu.memory_space<semaphore_mem>>)
    %scan3A_21 = arith.constant 0 : i32
    %scan3A_22 = arith.constant 0 : i32
    %scan3A_23 = arith.constant 98 : i32
    %scan3A_24 = arith.addi %scan3A_22, %scan3A_23 : i32
    %scan3A_25 = arith.constant 1 : i32
    scf.for %scan3A_27 = %scan3A_22 to %scan3A_24 step %scan3A_25  : i32 {
      %rem3A = arith.constant 2 : i32
      %rem3A_28 = arith.remsi %scan3A_27, %rem3A : i32
      %dma_wait3A = arith.constant 0 : i32
      %dma_wait3A_29 = tpu.memref_slice %arg5[%rem3A_28, %dma_wait3A] : memref<2x2048xi32, #tpu.memory_space<vmem>> -> memref<1x2048xi32, #tpu.memory_space<vmem>>
      %dma_wait3A_30 = tpu.memref_squeeze %dma_wait3A_29 : memref<1x2048xi32, #tpu.memory_space<vmem>> -> memref<2048xi32, #tpu.memory_space<vmem>>
      %dma_wait3A_31 = tpu.memref_slice %arg2[%mul3A_10] : memref<6422528xi32, #tpu.memory_space<hbm>> -> memref<2048xi32, #tpu.memory_space<hbm>>
      %dma_wait3A_32 = arith.constant 0 : i32
      %dma_wait3A_33 = tpu.memref_slice %arg5[%rem3A_28, %dma_wait3A_32] : memref<2x2048xi32, #tpu.memory_space<vmem>> -> memref<1x2048xi32, #tpu.memory_space<vmem>>
      %dma_wait3A_34 = tpu.memref_squeeze %dma_wait3A_33 : memref<1x2048xi32, #tpu.memory_space<vmem>> -> memref<2048xi32, #tpu.memory_space<vmem>>
      %dma_wait3A_35 = tpu.memref_slice %arg2[%mul3A_10] : memref<6422528xi32, #tpu.memory_space<hbm>> -> memref<2048xi32, #tpu.memory_space<hbm>>
      tpu.wait_dma2 semaphore(%arg6 : memref<!tpu.dma_semaphore, #tpu.memory_space<semaphore_mem>>) src(%dma_wait3A_35 : memref<2048xi32, #tpu.memory_space<hbm>>) dst(%dma_wait3A_34 : memref<2048xi32, #tpu.memory_space<vmem>>)
      %add3A_36 = arith.constant 1 : i32
      %add3A_37 = arith.addi %scan3A_27, %add3A_36 : i32
      %lt3A = arith.constant 98 : i32
      %lt3A_38 = arith.cmpi slt, %add3A_37, %lt3A : i32
      %convert_element_type3A = arith.extui %lt3A_38 : i1 to i32
      %cond3A = arith.constant 0 : i32
      %cond3A_39 = arith.cmpi ne, %convert_element_type3A, %cond3A : i32
      scf.if %cond3A_39 {
        %add3A_423 = arith.constant 1 : i32
        %add3A_424 = arith.addi %scan3A_27, %add3A_423 : i32
        %sub3A = arith.constant 1 : i32
        %sub3A_425 = arith.subi %sub3A, %rem3A_28 : i32
        %mul3A_426 = arith.constant 2048 : i32
        %mul3A_427 = arith.muli %add3A_424, %mul3A_426 : i32
        %add3A_428 = arith.addi %mul3A_10, %mul3A_427 : i32
        %dma_start3A_429 = arith.constant 0 : i32
        %dma_start3A_430 = tpu.memref_slice %arg5[%sub3A_425, %dma_start3A_429] : memref<2x2048xi32, #tpu.memory_space<vmem>> -> memref<1x2048xi32, #tpu.memory_space<vmem>>
        %dma_start3A_431 = tpu.memref_squeeze %dma_start3A_430 : memref<1x2048xi32, #tpu.memory_space<vmem>> -> memref<2048xi32, #tpu.memory_space<vmem>>
        %dma_start3A_432 = tpu.memref_slice %arg2[%add3A_428] : memref<6422528xi32, #tpu.memory_space<hbm>> -> memref<2048xi32, #tpu.memory_space<hbm>>
        %dma_start3A_433 = arith.constant 0 : i32
        %dma_start3A_434 = tpu.memref_slice %arg5[%sub3A_425, %dma_start3A_433] : memref<2x2048xi32, #tpu.memory_space<vmem>> -> memref<1x2048xi32, #tpu.memory_space<vmem>>
        %dma_start3A_435 = tpu.memref_squeeze %dma_start3A_434 : memref<1x2048xi32, #tpu.memory_space<vmem>> -> memref<2048xi32, #tpu.memory_space<vmem>>
        %dma_start3A_436 = tpu.memref_slice %arg2[%add3A_428] : memref<6422528xi32, #tpu.memory_space<hbm>> -> memref<2048xi32, #tpu.memory_space<hbm>>
        tpu.enqueue_dma source(%dma_start3A_436 : memref<2048xi32, #tpu.memory_space<hbm>>) target(%dma_start3A_435 : memref<2048xi32, #tpu.memory_space<vmem>>) target_semaphore(%arg6 : memref<!tpu.dma_semaphore, #tpu.memory_space<semaphore_mem>>)
      } else {
      }
      %get3A = arith.index_cast %rem3A_28 : i32 to index
      %get3A_40 = arith.constant 0 : index
      %get3A_41 = tpu.vector_load %arg5[%get3A, %get3A_40] {strides = array<i32>} : memref<2x2048xi32, #tpu.memory_space<vmem>>, vector<16xi32>,
      tpu.vector_store_idx %arg4[%get3A_41], %broadcast_in_dim3A_8 {add = true} : memref<100352xf32, #tpu.memory_space<vmem>>[vector<16xi32>], vector<16xf32>,
      %get3A_42 = arith.index_cast %rem3A_28 : i32 to index
      %get3A_43 = arith.constant 16 : index
      %get3A_44 = tpu.vector_load %arg5[%get3A_42, %get3A_43] {strides = array<i32>} : memref<2x2048xi32, #tpu.memory_space<vmem>>, vector<16xi32>,
      tpu.vector_store_idx %arg4[%get3A_44], %broadcast_in_dim3A_8 {add = true} : memref<100352xf32, #tpu.memory_space<vmem>>[vector<16xi32>], vector<16xf32>,
      %get3A_45 = arith.index_cast %rem3A_28 : i32 to index
      %get3A_46 = arith.constant 32 : index
      %get3A_47 = tpu.vector_load %arg5[%get3A_45, %get3A_46] {strides = array<i32>} : memref<2x2048xi32, #tpu.memory_space<vmem>>, vector<16xi32>,
      tpu.vector_store_idx %arg4[%get3A_47], %broadcast_in_dim3A_8 {add = true} : memref<100352xf32, #tpu.memory_space<vmem>>[vector<16xi32>], vector<16xf32>,
      %get3A_48 = arith.index_cast %rem3A_28 : i32 to index
      %get3A_49 = arith.constant 48 : index
      %get3A_50 = tpu.vector_load %arg5[%get3A_48, %get3A_49] {strides = array<i32>} : memref<2x2048xi32, #tpu.memory_space<vmem>>, vector<16xi32>,
      tpu.vector_store_idx %arg4[%get3A_50], %broadcast_in_dim3A_8 {add = true} : memref<100352xf32, #tpu.memory_space<vmem>>[vector<16xi32>], vector<16xf32>,
      %get3A_51 = arith.index_cast %rem3A_28 : i32 to index
      %get3A_52 = arith.constant 64 : index
      %get3A_53 = tpu.vector_load %arg5[%get3A_51, %get3A_52] {strides = array<i32>} : memref<2x2048xi32, #tpu.memory_space<vmem>>, vector<16xi32>,
      tpu.vector_store_idx %arg4[%get3A_53], %broadcast_in_dim3A_8 {add = true} : memref<100352xf32, #tpu.memory_space<vmem>>[vector<16xi32>], vector<16xf32>,
      %get3A_54 = arith.index_cast %rem3A_28 : i32 to index
      %get3A_55 = arith.constant 80 : index
      %get3A_56 = tpu.vector_load %arg5[%get3A_54, %get3A_55] {strides = array<i32>} : memref<2x2048xi32, #tpu.memory_space<vmem>>, vector<16xi32>,
      tpu.vector_store_idx %arg4[%get3A_56], %broadcast_in_dim3A_8 {add = true} : memref<100352xf32, #tpu.memory_space<vmem>>[vector<16xi32>], vector<16xf32>,
      %get3A_57 = arith.index_cast %rem3A_28 : i32 to index
      %get3A_58 = arith.constant 96 : index
      %get3A_59 = tpu.vector_load %arg5[%get3A_57, %get3A_58] {strides = array<i32>} : memref<2x2048xi32, #tpu.memory_space<vmem>>, vector<16xi32>,
      tpu.vector_store_idx %arg4[%get3A_59], %broadcast_in_dim3A_8 {add = true} : memref<100352xf32, #tpu.memory_space<vmem>>[vector<16xi32>], vector<16xf32>,
      %get3A_60 = arith.index_cast %rem3A_28 : i32 to index
      %get3A_61 = arith.constant 112 : index
      %get3A_62 = tpu.vector_load %arg5[%get3A_60, %get3A_61] {strides = array<i32>} : memref<2x2048xi32, #tpu.memory_space<vmem>>, vector<16xi32>,
      tpu.vector_store_idx %arg4[%get3A_62], %broadcast_in_dim3A_8 {add = true} : memref<100352xf32, #tpu.memory_space<vmem>>[vector<16xi32>], vector<16xf32>,
      %get3A_63 = arith.index_cast %rem3A_28 : i32 to index
      %get3A_64 = arith.constant 128 : index
      %get3A_65 = tpu.vector_load %arg5[%get3A_63, %get3A_64] {strides = array<i32>} : memref<2x2048xi32, #tpu.memory_space<vmem>>, vector<16xi32>,
      tpu.vector_store_idx %arg4[%get3A_65], %broadcast_in_dim3A_8 {add = true} : memref<100352xf32, #tpu.memory_space<vmem>>[vector<16xi32>], vector<16xf32>,
      %get3A_66 = arith.index_cast %rem3A_28 : i32 to index
      %get3A_67 = arith.constant 144 : index
      %get3A_68 = tpu.vector_load %arg5[%get3A_66, %get3A_67] {strides = array<i32>} : memref<2x2048xi32, #tpu.memory_space<vmem>>, vector<16xi32>,
      tpu.vector_store_idx %arg4[%get3A_68], %broadcast_in_dim3A_8 {add = true} : memref<100352xf32, #tpu.memory_space<vmem>>[vector<16xi32>], vector<16xf32>,
      %get3A_69 = arith.index_cast %rem3A_28 : i32 to index
      %get3A_70 = arith.constant 160 : index
      %get3A_71 = tpu.vector_load %arg5[%get3A_69, %get3A_70] {strides = array<i32>} : memref<2x2048xi32, #tpu.memory_space<vmem>>, vector<16xi32>,
      tpu.vector_store_idx %arg4[%get3A_71], %broadcast_in_dim3A_8 {add = true} : memref<100352xf32, #tpu.memory_space<vmem>>[vector<16xi32>], vector<16xf32>,
      %get3A_72 = arith.index_cast %rem3A_28 : i32 to index
      %get3A_73 = arith.constant 176 : index
      %get3A_74 = tpu.vector_load %arg5[%get3A_72, %get3A_73] {strides = array<i32>} : memref<2x2048xi32, #tpu.memory_space<vmem>>, vector<16xi32>,
      tpu.vector_store_idx %arg4[%get3A_74], %broadcast_in_dim3A_8 {add = true} : memref<100352xf32, #tpu.memory_space<vmem>>[vector<16xi32>], vector<16xf32>,
      %get3A_75 = arith.index_cast %rem3A_28 : i32 to index
      %get3A_76 = arith.constant 192 : index
      %get3A_77 = tpu.vector_load %arg5[%get3A_75, %get3A_76] {strides = array<i32>} : memref<2x2048xi32, #tpu.memory_space<vmem>>, vector<16xi32>,
      tpu.vector_store_idx %arg4[%get3A_77], %broadcast_in_dim3A_8 {add = true} : memref<100352xf32, #tpu.memory_space<vmem>>[vector<16xi32>], vector<16xf32>,
      %get3A_78 = arith.index_cast %rem3A_28 : i32 to index
      %get3A_79 = arith.constant 208 : index
      %get3A_80 = tpu.vector_load %arg5[%get3A_78, %get3A_79] {strides = array<i32>} : memref<2x2048xi32, #tpu.memory_space<vmem>>, vector<16xi32>,
      tpu.vector_store_idx %arg4[%get3A_80], %broadcast_in_dim3A_8 {add = true} : memref<100352xf32, #tpu.memory_space<vmem>>[vector<16xi32>], vector<16xf32>,
      %get3A_81 = arith.index_cast %rem3A_28 : i32 to index
      %get3A_82 = arith.constant 224 : index
      %get3A_83 = tpu.vector_load %arg5[%get3A_81, %get3A_82] {strides = array<i32>} : memref<2x2048xi32, #tpu.memory_space<vmem>>, vector<16xi32>,
      tpu.vector_store_idx %arg4[%get3A_83], %broadcast_in_dim3A_8 {add = true} : memref<100352xf32, #tpu.memory_space<vmem>>[vector<16xi32>], vector<16xf32>,
      %get3A_84 = arith.index_cast %rem3A_28 : i32 to index
      %get3A_85 = arith.constant 240 : index
      %get3A_86 = tpu.vector_load %arg5[%get3A_84, %get3A_85] {strides = array<i32>} : memref<2x2048xi32, #tpu.memory_space<vmem>>, vector<16xi32>,
      tpu.vector_store_idx %arg4[%get3A_86], %broadcast_in_dim3A_8 {add = true} : memref<100352xf32, #tpu.memory_space<vmem>>[vector<16xi32>], vector<16xf32>,
      %get3A_87 = arith.index_cast %rem3A_28 : i32 to index
      %get3A_88 = arith.constant 256 : index
      %get3A_89 = tpu.vector_load %arg5[%get3A_87, %get3A_88] {strides = array<i32>} : memref<2x2048xi32, #tpu.memory_space<vmem>>, vector<16xi32>,
      tpu.vector_store_idx %arg4[%get3A_89], %broadcast_in_dim3A_8 {add = true} : memref<100352xf32, #tpu.memory_space<vmem>>[vector<16xi32>], vector<16xf32>,
      %get3A_90 = arith.index_cast %rem3A_28 : i32 to index
      %get3A_91 = arith.constant 272 : index
      %get3A_92 = tpu.vector_load %arg5[%get3A_90, %get3A_91] {strides = array<i32>} : memref<2x2048xi32, #tpu.memory_space<vmem>>, vector<16xi32>,
      tpu.vector_store_idx %arg4[%get3A_92], %broadcast_in_dim3A_8 {add = true} : memref<100352xf32, #tpu.memory_space<vmem>>[vector<16xi32>], vector<16xf32>,
      %get3A_93 = arith.index_cast %rem3A_28 : i32 to index
      %get3A_94 = arith.constant 288 : index
      %get3A_95 = tpu.vector_load %arg5[%get3A_93, %get3A_94] {strides = array<i32>} : memref<2x2048xi32, #tpu.memory_space<vmem>>, vector<16xi32>,
      tpu.vector_store_idx %arg4[%get3A_95], %broadcast_in_dim3A_8 {add = true} : memref<100352xf32, #tpu.memory_space<vmem>>[vector<16xi32>], vector<16xf32>,
      %get3A_96 = arith.index_cast %rem3A_28 : i32 to index
      %get3A_97 = arith.constant 304 : index
      %get3A_98 = tpu.vector_load %arg5[%get3A_96, %get3A_97] {strides = array<i32>} : memref<2x2048xi32, #tpu.memory_space<vmem>>, vector<16xi32>,
      tpu.vector_store_idx %arg4[%get3A_98], %broadcast_in_dim3A_8 {add = true} : memref<100352xf32, #tpu.memory_space<vmem>>[vector<16xi32>], vector<16xf32>,
      %get3A_99 = arith.index_cast %rem3A_28 : i32 to index
      %get3A_100 = arith.constant 320 : index
      %get3A_101 = tpu.vector_load %arg5[%get3A_99, %get3A_100] {strides = array<i32>} : memref<2x2048xi32, #tpu.memory_space<vmem>>, vector<16xi32>,
      tpu.vector_store_idx %arg4[%get3A_101], %broadcast_in_dim3A_8 {add = true} : memref<100352xf32, #tpu.memory_space<vmem>>[vector<16xi32>], vector<16xf32>,
      %get3A_102 = arith.index_cast %rem3A_28 : i32 to index
      %get3A_103 = arith.constant 336 : index
      %get3A_104 = tpu.vector_load %arg5[%get3A_102, %get3A_103] {strides = array<i32>} : memref<2x2048xi32, #tpu.memory_space<vmem>>, vector<16xi32>,
      tpu.vector_store_idx %arg4[%get3A_104], %broadcast_in_dim3A_8 {add = true} : memref<100352xf32, #tpu.memory_space<vmem>>[vector<16xi32>], vector<16xf32>,
      %get3A_105 = arith.index_cast %rem3A_28 : i32 to index
      %get3A_106 = arith.constant 352 : index
      %get3A_107 = tpu.vector_load %arg5[%get3A_105, %get3A_106] {strides = array<i32>} : memref<2x2048xi32, #tpu.memory_space<vmem>>, vector<16xi32>,
      tpu.vector_store_idx %arg4[%get3A_107], %broadcast_in_dim3A_8 {add = true} : memref<100352xf32, #tpu.memory_space<vmem>>[vector<16xi32>], vector<16xf32>,
      %get3A_108 = arith.index_cast %rem3A_28 : i32 to index
      %get3A_109 = arith.constant 368 : index
      %get3A_110 = tpu.vector_load %arg5[%get3A_108, %get3A_109] {strides = array<i32>} : memref<2x2048xi32, #tpu.memory_space<vmem>>, vector<16xi32>,
      tpu.vector_store_idx %arg4[%get3A_110], %broadcast_in_dim3A_8 {add = true} : memref<100352xf32, #tpu.memory_space<vmem>>[vector<16xi32>], vector<16xf32>,
      %get3A_111 = arith.index_cast %rem3A_28 : i32 to index
      %get3A_112 = arith.constant 384 : index
      %get3A_113 = tpu.vector_load %arg5[%get3A_111, %get3A_112] {strides = array<i32>} : memref<2x2048xi32, #tpu.memory_space<vmem>>, vector<16xi32>,
      tpu.vector_store_idx %arg4[%get3A_113], %broadcast_in_dim3A_8 {add = true} : memref<100352xf32, #tpu.memory_space<vmem>>[vector<16xi32>], vector<16xf32>,
      %get3A_114 = arith.index_cast %rem3A_28 : i32 to index
      %get3A_115 = arith.constant 400 : index
      %get3A_116 = tpu.vector_load %arg5[%get3A_114, %get3A_115] {strides = array<i32>} : memref<2x2048xi32, #tpu.memory_space<vmem>>, vector<16xi32>,
      tpu.vector_store_idx %arg4[%get3A_116], %broadcast_in_dim3A_8 {add = true} : memref<100352xf32, #tpu.memory_space<vmem>>[vector<16xi32>], vector<16xf32>,
      %get3A_117 = arith.index_cast %rem3A_28 : i32 to index
      %get3A_118 = arith.constant 416 : index
      %get3A_119 = tpu.vector_load %arg5[%get3A_117, %get3A_118] {strides = array<i32>} : memref<2x2048xi32, #tpu.memory_space<vmem>>, vector<16xi32>,
      tpu.vector_store_idx %arg4[%get3A_119], %broadcast_in_dim3A_8 {add = true} : memref<100352xf32, #tpu.memory_space<vmem>>[vector<16xi32>], vector<16xf32>,
      %get3A_120 = arith.index_cast %rem3A_28 : i32 to index
      %get3A_121 = arith.constant 432 : index
      %get3A_122 = tpu.vector_load %arg5[%get3A_120, %get3A_121] {strides = array<i32>} : memref<2x2048xi32, #tpu.memory_space<vmem>>, vector<16xi32>,
      tpu.vector_store_idx %arg4[%get3A_122], %broadcast_in_dim3A_8 {add = true} : memref<100352xf32, #tpu.memory_space<vmem>>[vector<16xi32>], vector<16xf32>,
      %get3A_123 = arith.index_cast %rem3A_28 : i32 to index
      %get3A_124 = arith.constant 448 : index
      %get3A_125 = tpu.vector_load %arg5[%get3A_123, %get3A_124] {strides = array<i32>} : memref<2x2048xi32, #tpu.memory_space<vmem>>, vector<16xi32>,
      tpu.vector_store_idx %arg4[%get3A_125], %broadcast_in_dim3A_8 {add = true} : memref<100352xf32, #tpu.memory_space<vmem>>[vector<16xi32>], vector<16xf32>,
      %get3A_126 = arith.index_cast %rem3A_28 : i32 to index
      %get3A_127 = arith.constant 464 : index
      %get3A_128 = tpu.vector_load %arg5[%get3A_126, %get3A_127] {strides = array<i32>} : memref<2x2048xi32, #tpu.memory_space<vmem>>, vector<16xi32>,
      tpu.vector_store_idx %arg4[%get3A_128], %broadcast_in_dim3A_8 {add = true} : memref<100352xf32, #tpu.memory_space<vmem>>[vector<16xi32>], vector<16xf32>,
      %get3A_129 = arith.index_cast %rem3A_28 : i32 to index
      %get3A_130 = arith.constant 480 : index
      %get3A_131 = tpu.vector_load %arg5[%get3A_129, %get3A_130] {strides = array<i32>} : memref<2x2048xi32, #tpu.memory_space<vmem>>, vector<16xi32>,
      tpu.vector_store_idx %arg4[%get3A_131], %broadcast_in_dim3A_8 {add = true} : memref<100352xf32, #tpu.memory_space<vmem>>[vector<16xi32>], vector<16xf32>,
      %get3A_132 = arith.index_cast %rem3A_28 : i32 to index
      %get3A_133 = arith.constant 496 : index
      %get3A_134 = tpu.vector_load %arg5[%get3A_132, %get3A_133] {strides = array<i32>} : memref<2x2048xi32, #tpu.memory_space<vmem>>, vector<16xi32>,
      tpu.vector_store_idx %arg4[%get3A_134], %broadcast_in_dim3A_8 {add = true} : memref<100352xf32, #tpu.memory_space<vmem>>[vector<16xi32>], vector<16xf32>,
      %get3A_135 = arith.index_cast %rem3A_28 : i32 to index
      %get3A_136 = arith.constant 512 : index
      %get3A_137 = tpu.vector_load %arg5[%get3A_135, %get3A_136] {strides = array<i32>} : memref<2x2048xi32, #tpu.memory_space<vmem>>, vector<16xi32>,
      tpu.vector_store_idx %arg4[%get3A_137], %broadcast_in_dim3A_8 {add = true} : memref<100352xf32, #tpu.memory_space<vmem>>[vector<16xi32>], vector<16xf32>,
      %get3A_138 = arith.index_cast %rem3A_28 : i32 to index
      %get3A_139 = arith.constant 528 : index
      %get3A_140 = tpu.vector_load %arg5[%get3A_138, %get3A_139] {strides = array<i32>} : memref<2x2048xi32, #tpu.memory_space<vmem>>, vector<16xi32>,
      tpu.vector_store_idx %arg4[%get3A_140], %broadcast_in_dim3A_8 {add = true} : memref<100352xf32, #tpu.memory_space<vmem>>[vector<16xi32>], vector<16xf32>,
      %get3A_141 = arith.index_cast %rem3A_28 : i32 to index
      %get3A_142 = arith.constant 544 : index
      %get3A_143 = tpu.vector_load %arg5[%get3A_141, %get3A_142] {strides = array<i32>} : memref<2x2048xi32, #tpu.memory_space<vmem>>, vector<16xi32>,
      tpu.vector_store_idx %arg4[%get3A_143], %broadcast_in_dim3A_8 {add = true} : memref<100352xf32, #tpu.memory_space<vmem>>[vector<16xi32>], vector<16xf32>,
      %get3A_144 = arith.index_cast %rem3A_28 : i32 to index
      %get3A_145 = arith.constant 560 : index
      %get3A_146 = tpu.vector_load %arg5[%get3A_144, %get3A_145] {strides = array<i32>} : memref<2x2048xi32, #tpu.memory_space<vmem>>, vector<16xi32>,
      tpu.vector_store_idx %arg4[%get3A_146], %broadcast_in_dim3A_8 {add = true} : memref<100352xf32, #tpu.memory_space<vmem>>[vector<16xi32>], vector<16xf32>,
      %get3A_147 = arith.index_cast %rem3A_28 : i32 to index
      %get3A_148 = arith.constant 576 : index
      %get3A_149 = tpu.vector_load %arg5[%get3A_147, %get3A_148] {strides = array<i32>} : memref<2x2048xi32, #tpu.memory_space<vmem>>, vector<16xi32>,
      tpu.vector_store_idx %arg4[%get3A_149], %broadcast_in_dim3A_8 {add = true} : memref<100352xf32, #tpu.memory_space<vmem>>[vector<16xi32>], vector<16xf32>,
      %get3A_150 = arith.index_cast %rem3A_28 : i32 to index
      %get3A_151 = arith.constant 592 : index
      %get3A_152 = tpu.vector_load %arg5[%get3A_150, %get3A_151] {strides = array<i32>} : memref<2x2048xi32, #tpu.memory_space<vmem>>, vector<16xi32>,
      tpu.vector_store_idx %arg4[%get3A_152], %broadcast_in_dim3A_8 {add = true} : memref<100352xf32, #tpu.memory_space<vmem>>[vector<16xi32>], vector<16xf32>,
      %get3A_153 = arith.index_cast %rem3A_28 : i32 to index
      %get3A_154 = arith.constant 608 : index
      %get3A_155 = tpu.vector_load %arg5[%get3A_153, %get3A_154] {strides = array<i32>} : memref<2x2048xi32, #tpu.memory_space<vmem>>, vector<16xi32>,
      tpu.vector_store_idx %arg4[%get3A_155], %broadcast_in_dim3A_8 {add = true} : memref<100352xf32, #tpu.memory_space<vmem>>[vector<16xi32>], vector<16xf32>,
      %get3A_156 = arith.index_cast %rem3A_28 : i32 to index
      %get3A_157 = arith.constant 624 : index
      %get3A_158 = tpu.vector_load %arg5[%get3A_156, %get3A_157] {strides = array<i32>} : memref<2x2048xi32, #tpu.memory_space<vmem>>, vector<16xi32>,
      tpu.vector_store_idx %arg4[%get3A_158], %broadcast_in_dim3A_8 {add = true} : memref<100352xf32, #tpu.memory_space<vmem>>[vector<16xi32>], vector<16xf32>,
      %get3A_159 = arith.index_cast %rem3A_28 : i32 to index
      %get3A_160 = arith.constant 640 : index
      %get3A_161 = tpu.vector_load %arg5[%get3A_159, %get3A_160] {strides = array<i32>} : memref<2x2048xi32, #tpu.memory_space<vmem>>, vector<16xi32>,
      tpu.vector_store_idx %arg4[%get3A_161], %broadcast_in_dim3A_8 {add = true} : memref<100352xf32, #tpu.memory_space<vmem>>[vector<16xi32>], vector<16xf32>,
      %get3A_162 = arith.index_cast %rem3A_28 : i32 to index
      %get3A_163 = arith.constant 656 : index
      %get3A_164 = tpu.vector_load %arg5[%get3A_162, %get3A_163] {strides = array<i32>} : memref<2x2048xi32, #tpu.memory_space<vmem>>, vector<16xi32>,
      tpu.vector_store_idx %arg4[%get3A_164], %broadcast_in_dim3A_8 {add = true} : memref<100352xf32, #tpu.memory_space<vmem>>[vector<16xi32>], vector<16xf32>,
      %get3A_165 = arith.index_cast %rem3A_28 : i32 to index
      %get3A_166 = arith.constant 672 : index
      %get3A_167 = tpu.vector_load %arg5[%get3A_165, %get3A_166] {strides = array<i32>} : memref<2x2048xi32, #tpu.memory_space<vmem>>, vector<16xi32>,
      tpu.vector_store_idx %arg4[%get3A_167], %broadcast_in_dim3A_8 {add = true} : memref<100352xf32, #tpu.memory_space<vmem>>[vector<16xi32>], vector<16xf32>,
      %get3A_168 = arith.index_cast %rem3A_28 : i32 to index
      %get3A_169 = arith.constant 688 : index
      %get3A_170 = tpu.vector_load %arg5[%get3A_168, %get3A_169] {strides = array<i32>} : memref<2x2048xi32, #tpu.memory_space<vmem>>, vector<16xi32>,
      tpu.vector_store_idx %arg4[%get3A_170], %broadcast_in_dim3A_8 {add = true} : memref<100352xf32, #tpu.memory_space<vmem>>[vector<16xi32>], vector<16xf32>,
      %get3A_171 = arith.index_cast %rem3A_28 : i32 to index
      %get3A_172 = arith.constant 704 : index
      %get3A_173 = tpu.vector_load %arg5[%get3A_171, %get3A_172] {strides = array<i32>} : memref<2x2048xi32, #tpu.memory_space<vmem>>, vector<16xi32>,
      tpu.vector_store_idx %arg4[%get3A_173], %broadcast_in_dim3A_8 {add = true} : memref<100352xf32, #tpu.memory_space<vmem>>[vector<16xi32>], vector<16xf32>,
      %get3A_174 = arith.index_cast %rem3A_28 : i32 to index
      %get3A_175 = arith.constant 720 : index
      %get3A_176 = tpu.vector_load %arg5[%get3A_174, %get3A_175] {strides = array<i32>} : memref<2x2048xi32, #tpu.memory_space<vmem>>, vector<16xi32>,
      tpu.vector_store_idx %arg4[%get3A_176], %broadcast_in_dim3A_8 {add = true} : memref<100352xf32, #tpu.memory_space<vmem>>[vector<16xi32>], vector<16xf32>,
      %get3A_177 = arith.index_cast %rem3A_28 : i32 to index
      %get3A_178 = arith.constant 736 : index
      %get3A_179 = tpu.vector_load %arg5[%get3A_177, %get3A_178] {strides = array<i32>} : memref<2x2048xi32, #tpu.memory_space<vmem>>, vector<16xi32>,
      tpu.vector_store_idx %arg4[%get3A_179], %broadcast_in_dim3A_8 {add = true} : memref<100352xf32, #tpu.memory_space<vmem>>[vector<16xi32>], vector<16xf32>,
      %get3A_180 = arith.index_cast %rem3A_28 : i32 to index
      %get3A_181 = arith.constant 752 : index
      %get3A_182 = tpu.vector_load %arg5[%get3A_180, %get3A_181] {strides = array<i32>} : memref<2x2048xi32, #tpu.memory_space<vmem>>, vector<16xi32>,
      tpu.vector_store_idx %arg4[%get3A_182], %broadcast_in_dim3A_8 {add = true} : memref<100352xf32, #tpu.memory_space<vmem>>[vector<16xi32>], vector<16xf32>,
      %get3A_183 = arith.index_cast %rem3A_28 : i32 to index
      %get3A_184 = arith.constant 768 : index
      %get3A_185 = tpu.vector_load %arg5[%get3A_183, %get3A_184] {strides = array<i32>} : memref<2x2048xi32, #tpu.memory_space<vmem>>, vector<16xi32>,
      tpu.vector_store_idx %arg4[%get3A_185], %broadcast_in_dim3A_8 {add = true} : memref<100352xf32, #tpu.memory_space<vmem>>[vector<16xi32>], vector<16xf32>,
      %get3A_186 = arith.index_cast %rem3A_28 : i32 to index
      %get3A_187 = arith.constant 784 : index
      %get3A_188 = tpu.vector_load %arg5[%get3A_186, %get3A_187] {strides = array<i32>} : memref<2x2048xi32, #tpu.memory_space<vmem>>, vector<16xi32>,
      tpu.vector_store_idx %arg4[%get3A_188], %broadcast_in_dim3A_8 {add = true} : memref<100352xf32, #tpu.memory_space<vmem>>[vector<16xi32>], vector<16xf32>,
      %get3A_189 = arith.index_cast %rem3A_28 : i32 to index
      %get3A_190 = arith.constant 800 : index
      %get3A_191 = tpu.vector_load %arg5[%get3A_189, %get3A_190] {strides = array<i32>} : memref<2x2048xi32, #tpu.memory_space<vmem>>, vector<16xi32>,
      tpu.vector_store_idx %arg4[%get3A_191], %broadcast_in_dim3A_8 {add = true} : memref<100352xf32, #tpu.memory_space<vmem>>[vector<16xi32>], vector<16xf32>,
      %get3A_192 = arith.index_cast %rem3A_28 : i32 to index
      %get3A_193 = arith.constant 816 : index
      %get3A_194 = tpu.vector_load %arg5[%get3A_192, %get3A_193] {strides = array<i32>} : memref<2x2048xi32, #tpu.memory_space<vmem>>, vector<16xi32>,
      tpu.vector_store_idx %arg4[%get3A_194], %broadcast_in_dim3A_8 {add = true} : memref<100352xf32, #tpu.memory_space<vmem>>[vector<16xi32>], vector<16xf32>,
      %get3A_195 = arith.index_cast %rem3A_28 : i32 to index
      %get3A_196 = arith.constant 832 : index
      %get3A_197 = tpu.vector_load %arg5[%get3A_195, %get3A_196] {strides = array<i32>} : memref<2x2048xi32, #tpu.memory_space<vmem>>, vector<16xi32>,
      tpu.vector_store_idx %arg4[%get3A_197], %broadcast_in_dim3A_8 {add = true} : memref<100352xf32, #tpu.memory_space<vmem>>[vector<16xi32>], vector<16xf32>,
      %get3A_198 = arith.index_cast %rem3A_28 : i32 to index
      %get3A_199 = arith.constant 848 : index
      %get3A_200 = tpu.vector_load %arg5[%get3A_198, %get3A_199] {strides = array<i32>} : memref<2x2048xi32, #tpu.memory_space<vmem>>, vector<16xi32>,
      tpu.vector_store_idx %arg4[%get3A_200], %broadcast_in_dim3A_8 {add = true} : memref<100352xf32, #tpu.memory_space<vmem>>[vector<16xi32>], vector<16xf32>,
      %get3A_201 = arith.index_cast %rem3A_28 : i32 to index
      %get3A_202 = arith.constant 864 : index
      %get3A_203 = tpu.vector_load %arg5[%get3A_201, %get3A_202] {strides = array<i32>} : memref<2x2048xi32, #tpu.memory_space<vmem>>, vector<16xi32>,
      tpu.vector_store_idx %arg4[%get3A_203], %broadcast_in_dim3A_8 {add = true} : memref<100352xf32, #tpu.memory_space<vmem>>[vector<16xi32>], vector<16xf32>,
      %get3A_204 = arith.index_cast %rem3A_28 : i32 to index
      %get3A_205 = arith.constant 880 : index
      %get3A_206 = tpu.vector_load %arg5[%get3A_204, %get3A_205] {strides = array<i32>} : memref<2x2048xi32, #tpu.memory_space<vmem>>, vector<16xi32>,
      tpu.vector_store_idx %arg4[%get3A_206], %broadcast_in_dim3A_8 {add = true} : memref<100352xf32, #tpu.memory_space<vmem>>[vector<16xi32>], vector<16xf32>,
      %get3A_207 = arith.index_cast %rem3A_28 : i32 to index
      %get3A_208 = arith.constant 896 : index
      %get3A_209 = tpu.vector_load %arg5[%get3A_207, %get3A_208] {strides = array<i32>} : memref<2x2048xi32, #tpu.memory_space<vmem>>, vector<16xi32>,
      tpu.vector_store_idx %arg4[%get3A_209], %broadcast_in_dim3A_8 {add = true} : memref<100352xf32, #tpu.memory_space<vmem>>[vector<16xi32>], vector<16xf32>,
      %get3A_210 = arith.index_cast %rem3A_28 : i32 to index
      %get3A_211 = arith.constant 912 : index
      %get3A_212 = tpu.vector_load %arg5[%get3A_210, %get3A_211] {strides = array<i32>} : memref<2x2048xi32, #tpu.memory_space<vmem>>, vector<16xi32>,
      tpu.vector_store_idx %arg4[%get3A_212], %broadcast_in_dim3A_8 {add = true} : memref<100352xf32, #tpu.memory_space<vmem>>[vector<16xi32>], vector<16xf32>,
      %get3A_213 = arith.index_cast %rem3A_28 : i32 to index
      %get3A_214 = arith.constant 928 : index
      %get3A_215 = tpu.vector_load %arg5[%get3A_213, %get3A_214] {strides = array<i32>} : memref<2x2048xi32, #tpu.memory_space<vmem>>, vector<16xi32>,
      tpu.vector_store_idx %arg4[%get3A_215], %broadcast_in_dim3A_8 {add = true} : memref<100352xf32, #tpu.memory_space<vmem>>[vector<16xi32>], vector<16xf32>,
      %get3A_216 = arith.index_cast %rem3A_28 : i32 to index
      %get3A_217 = arith.constant 944 : index
      %get3A_218 = tpu.vector_load %arg5[%get3A_216, %get3A_217] {strides = array<i32>} : memref<2x2048xi32, #tpu.memory_space<vmem>>, vector<16xi32>,
      tpu.vector_store_idx %arg4[%get3A_218], %broadcast_in_dim3A_8 {add = true} : memref<100352xf32, #tpu.memory_space<vmem>>[vector<16xi32>], vector<16xf32>,
      %get3A_219 = arith.index_cast %rem3A_28 : i32 to index
      %get3A_220 = arith.constant 960 : index
      %get3A_221 = tpu.vector_load %arg5[%get3A_219, %get3A_220] {strides = array<i32>} : memref<2x2048xi32, #tpu.memory_space<vmem>>, vector<16xi32>,
      tpu.vector_store_idx %arg4[%get3A_221], %broadcast_in_dim3A_8 {add = true} : memref<100352xf32, #tpu.memory_space<vmem>>[vector<16xi32>], vector<16xf32>,
      %get3A_222 = arith.index_cast %rem3A_28 : i32 to index
      %get3A_223 = arith.constant 976 : index
      %get3A_224 = tpu.vector_load %arg5[%get3A_222, %get3A_223] {strides = array<i32>} : memref<2x2048xi32, #tpu.memory_space<vmem>>, vector<16xi32>,
      tpu.vector_store_idx %arg4[%get3A_224], %broadcast_in_dim3A_8 {add = true} : memref<100352xf32, #tpu.memory_space<vmem>>[vector<16xi32>], vector<16xf32>,
      %get3A_225 = arith.index_cast %rem3A_28 : i32 to index
      %get3A_226 = arith.constant 992 : index
      %get3A_227 = tpu.vector_load %arg5[%get3A_225, %get3A_226] {strides = array<i32>} : memref<2x2048xi32, #tpu.memory_space<vmem>>, vector<16xi32>,
      tpu.vector_store_idx %arg4[%get3A_227], %broadcast_in_dim3A_8 {add = true} : memref<100352xf32, #tpu.memory_space<vmem>>[vector<16xi32>], vector<16xf32>,
      %get3A_228 = arith.index_cast %rem3A_28 : i32 to index
      %get3A_229 = arith.constant 1008 : index
      %get3A_230 = tpu.vector_load %arg5[%get3A_228, %get3A_229] {strides = array<i32>} : memref<2x2048xi32, #tpu.memory_space<vmem>>, vector<16xi32>,
      tpu.vector_store_idx %arg4[%get3A_230], %broadcast_in_dim3A_8 {add = true} : memref<100352xf32, #tpu.memory_space<vmem>>[vector<16xi32>], vector<16xf32>,
      %get3A_231 = arith.index_cast %rem3A_28 : i32 to index
      %get3A_232 = arith.constant 1024 : index
      %get3A_233 = tpu.vector_load %arg5[%get3A_231, %get3A_232] {strides = array<i32>} : memref<2x2048xi32, #tpu.memory_space<vmem>>, vector<16xi32>,
      tpu.vector_store_idx %arg4[%get3A_233], %broadcast_in_dim3A_8 {add = true} : memref<100352xf32, #tpu.memory_space<vmem>>[vector<16xi32>], vector<16xf32>,
      %get3A_234 = arith.index_cast %rem3A_28 : i32 to index
      %get3A_235 = arith.constant 1040 : index
      %get3A_236 = tpu.vector_load %arg5[%get3A_234, %get3A_235] {strides = array<i32>} : memref<2x2048xi32, #tpu.memory_space<vmem>>, vector<16xi32>,
      tpu.vector_store_idx %arg4[%get3A_236], %broadcast_in_dim3A_8 {add = true} : memref<100352xf32, #tpu.memory_space<vmem>>[vector<16xi32>], vector<16xf32>,
      %get3A_237 = arith.index_cast %rem3A_28 : i32 to index
      %get3A_238 = arith.constant 1056 : index
      %get3A_239 = tpu.vector_load %arg5[%get3A_237, %get3A_238] {strides = array<i32>} : memref<2x2048xi32, #tpu.memory_space<vmem>>, vector<16xi32>,
      tpu.vector_store_idx %arg4[%get3A_239], %broadcast_in_dim3A_8 {add = true} : memref<100352xf32, #tpu.memory_space<vmem>>[vector<16xi32>], vector<16xf32>,
      %get3A_240 = arith.index_cast %rem3A_28 : i32 to index
      %get3A_241 = arith.constant 1072 : index
      %get3A_242 = tpu.vector_load %arg5[%get3A_240, %get3A_241] {strides = array<i32>} : memref<2x2048xi32, #tpu.memory_space<vmem>>, vector<16xi32>,
      tpu.vector_store_idx %arg4[%get3A_242], %broadcast_in_dim3A_8 {add = true} : memref<100352xf32, #tpu.memory_space<vmem>>[vector<16xi32>], vector<16xf32>,
      %get3A_243 = arith.index_cast %rem3A_28 : i32 to index
      %get3A_244 = arith.constant 1088 : index
      %get3A_245 = tpu.vector_load %arg5[%get3A_243, %get3A_244] {strides = array<i32>} : memref<2x2048xi32, #tpu.memory_space<vmem>>, vector<16xi32>,
      tpu.vector_store_idx %arg4[%get3A_245], %broadcast_in_dim3A_8 {add = true} : memref<100352xf32, #tpu.memory_space<vmem>>[vector<16xi32>], vector<16xf32>,
      %get3A_246 = arith.index_cast %rem3A_28 : i32 to index
      %get3A_247 = arith.constant 1104 : index
      %get3A_248 = tpu.vector_load %arg5[%get3A_246, %get3A_247] {strides = array<i32>} : memref<2x2048xi32, #tpu.memory_space<vmem>>, vector<16xi32>,
      tpu.vector_store_idx %arg4[%get3A_248], %broadcast_in_dim3A_8 {add = true} : memref<100352xf32, #tpu.memory_space<vmem>>[vector<16xi32>], vector<16xf32>,
      %get3A_249 = arith.index_cast %rem3A_28 : i32 to index
      %get3A_250 = arith.constant 1120 : index
      %get3A_251 = tpu.vector_load %arg5[%get3A_249, %get3A_250] {strides = array<i32>} : memref<2x2048xi32, #tpu.memory_space<vmem>>, vector<16xi32>,
      tpu.vector_store_idx %arg4[%get3A_251], %broadcast_in_dim3A_8 {add = true} : memref<100352xf32, #tpu.memory_space<vmem>>[vector<16xi32>], vector<16xf32>,
      %get3A_252 = arith.index_cast %rem3A_28 : i32 to index
      %get3A_253 = arith.constant 1136 : index
      %get3A_254 = tpu.vector_load %arg5[%get3A_252, %get3A_253] {strides = array<i32>} : memref<2x2048xi32, #tpu.memory_space<vmem>>, vector<16xi32>,
      tpu.vector_store_idx %arg4[%get3A_254], %broadcast_in_dim3A_8 {add = true} : memref<100352xf32, #tpu.memory_space<vmem>>[vector<16xi32>], vector<16xf32>,
      %get3A_255 = arith.index_cast %rem3A_28 : i32 to index
      %get3A_256 = arith.constant 1152 : index
      %get3A_257 = tpu.vector_load %arg5[%get3A_255, %get3A_256] {strides = array<i32>} : memref<2x2048xi32, #tpu.memory_space<vmem>>, vector<16xi32>,
      tpu.vector_store_idx %arg4[%get3A_257], %broadcast_in_dim3A_8 {add = true} : memref<100352xf32, #tpu.memory_space<vmem>>[vector<16xi32>], vector<16xf32>,
      %get3A_258 = arith.index_cast %rem3A_28 : i32 to index
      %get3A_259 = arith.constant 1168 : index
      %get3A_260 = tpu.vector_load %arg5[%get3A_258, %get3A_259] {strides = array<i32>} : memref<2x2048xi32, #tpu.memory_space<vmem>>, vector<16xi32>,
      tpu.vector_store_idx %arg4[%get3A_260], %broadcast_in_dim3A_8 {add = true} : memref<100352xf32, #tpu.memory_space<vmem>>[vector<16xi32>], vector<16xf32>,
      %get3A_261 = arith.index_cast %rem3A_28 : i32 to index
      %get3A_262 = arith.constant 1184 : index
      %get3A_263 = tpu.vector_load %arg5[%get3A_261, %get3A_262] {strides = array<i32>} : memref<2x2048xi32, #tpu.memory_space<vmem>>, vector<16xi32>,
      tpu.vector_store_idx %arg4[%get3A_263], %broadcast_in_dim3A_8 {add = true} : memref<100352xf32, #tpu.memory_space<vmem>>[vector<16xi32>], vector<16xf32>,
      %get3A_264 = arith.index_cast %rem3A_28 : i32 to index
      %get3A_265 = arith.constant 1200 : index
      %get3A_266 = tpu.vector_load %arg5[%get3A_264, %get3A_265] {strides = array<i32>} : memref<2x2048xi32, #tpu.memory_space<vmem>>, vector<16xi32>,
      tpu.vector_store_idx %arg4[%get3A_266], %broadcast_in_dim3A_8 {add = true} : memref<100352xf32, #tpu.memory_space<vmem>>[vector<16xi32>], vector<16xf32>,
      %get3A_267 = arith.index_cast %rem3A_28 : i32 to index
      %get3A_268 = arith.constant 1216 : index
      %get3A_269 = tpu.vector_load %arg5[%get3A_267, %get3A_268] {strides = array<i32>} : memref<2x2048xi32, #tpu.memory_space<vmem>>, vector<16xi32>,
      tpu.vector_store_idx %arg4[%get3A_269], %broadcast_in_dim3A_8 {add = true} : memref<100352xf32, #tpu.memory_space<vmem>>[vector<16xi32>], vector<16xf32>,
      %get3A_270 = arith.index_cast %rem3A_28 : i32 to index
      %get3A_271 = arith.constant 1232 : index
      %get3A_272 = tpu.vector_load %arg5[%get3A_270, %get3A_271] {strides = array<i32>} : memref<2x2048xi32, #tpu.memory_space<vmem>>, vector<16xi32>,
      tpu.vector_store_idx %arg4[%get3A_272], %broadcast_in_dim3A_8 {add = true} : memref<100352xf32, #tpu.memory_space<vmem>>[vector<16xi32>], vector<16xf32>,
      %get3A_273 = arith.index_cast %rem3A_28 : i32 to index
      %get3A_274 = arith.constant 1248 : index
      %get3A_275 = tpu.vector_load %arg5[%get3A_273, %get3A_274] {strides = array<i32>} : memref<2x2048xi32, #tpu.memory_space<vmem>>, vector<16xi32>,
      tpu.vector_store_idx %arg4[%get3A_275], %broadcast_in_dim3A_8 {add = true} : memref<100352xf32, #tpu.memory_space<vmem>>[vector<16xi32>], vector<16xf32>,
      %get3A_276 = arith.index_cast %rem3A_28 : i32 to index
      %get3A_277 = arith.constant 1264 : index
      %get3A_278 = tpu.vector_load %arg5[%get3A_276, %get3A_277] {strides = array<i32>} : memref<2x2048xi32, #tpu.memory_space<vmem>>, vector<16xi32>,
      tpu.vector_store_idx %arg4[%get3A_278], %broadcast_in_dim3A_8 {add = true} : memref<100352xf32, #tpu.memory_space<vmem>>[vector<16xi32>], vector<16xf32>,
      %get3A_279 = arith.index_cast %rem3A_28 : i32 to index
      %get3A_280 = arith.constant 1280 : index
      %get3A_281 = tpu.vector_load %arg5[%get3A_279, %get3A_280] {strides = array<i32>} : memref<2x2048xi32, #tpu.memory_space<vmem>>, vector<16xi32>,
      tpu.vector_store_idx %arg4[%get3A_281], %broadcast_in_dim3A_8 {add = true} : memref<100352xf32, #tpu.memory_space<vmem>>[vector<16xi32>], vector<16xf32>,
      %get3A_282 = arith.index_cast %rem3A_28 : i32 to index
      %get3A_283 = arith.constant 1296 : index
      %get3A_284 = tpu.vector_load %arg5[%get3A_282, %get3A_283] {strides = array<i32>} : memref<2x2048xi32, #tpu.memory_space<vmem>>, vector<16xi32>,
      tpu.vector_store_idx %arg4[%get3A_284], %broadcast_in_dim3A_8 {add = true} : memref<100352xf32, #tpu.memory_space<vmem>>[vector<16xi32>], vector<16xf32>,
      %get3A_285 = arith.index_cast %rem3A_28 : i32 to index
      %get3A_286 = arith.constant 1312 : index
      %get3A_287 = tpu.vector_load %arg5[%get3A_285, %get3A_286] {strides = array<i32>} : memref<2x2048xi32, #tpu.memory_space<vmem>>, vector<16xi32>,
      tpu.vector_store_idx %arg4[%get3A_287], %broadcast_in_dim3A_8 {add = true} : memref<100352xf32, #tpu.memory_space<vmem>>[vector<16xi32>], vector<16xf32>,
      %get3A_288 = arith.index_cast %rem3A_28 : i32 to index
      %get3A_289 = arith.constant 1328 : index
      %get3A_290 = tpu.vector_load %arg5[%get3A_288, %get3A_289] {strides = array<i32>} : memref<2x2048xi32, #tpu.memory_space<vmem>>, vector<16xi32>,
      tpu.vector_store_idx %arg4[%get3A_290], %broadcast_in_dim3A_8 {add = true} : memref<100352xf32, #tpu.memory_space<vmem>>[vector<16xi32>], vector<16xf32>,
      %get3A_291 = arith.index_cast %rem3A_28 : i32 to index
      %get3A_292 = arith.constant 1344 : index
      %get3A_293 = tpu.vector_load %arg5[%get3A_291, %get3A_292] {strides = array<i32>} : memref<2x2048xi32, #tpu.memory_space<vmem>>, vector<16xi32>,
      tpu.vector_store_idx %arg4[%get3A_293], %broadcast_in_dim3A_8 {add = true} : memref<100352xf32, #tpu.memory_space<vmem>>[vector<16xi32>], vector<16xf32>,
      %get3A_294 = arith.index_cast %rem3A_28 : i32 to index
      %get3A_295 = arith.constant 1360 : index
      %get3A_296 = tpu.vector_load %arg5[%get3A_294, %get3A_295] {strides = array<i32>} : memref<2x2048xi32, #tpu.memory_space<vmem>>, vector<16xi32>,
      tpu.vector_store_idx %arg4[%get3A_296], %broadcast_in_dim3A_8 {add = true} : memref<100352xf32, #tpu.memory_space<vmem>>[vector<16xi32>], vector<16xf32>,
      %get3A_297 = arith.index_cast %rem3A_28 : i32 to index
      %get3A_298 = arith.constant 1376 : index
      %get3A_299 = tpu.vector_load %arg5[%get3A_297, %get3A_298] {strides = array<i32>} : memref<2x2048xi32, #tpu.memory_space<vmem>>, vector<16xi32>,
      tpu.vector_store_idx %arg4[%get3A_299], %broadcast_in_dim3A_8 {add = true} : memref<100352xf32, #tpu.memory_space<vmem>>[vector<16xi32>], vector<16xf32>,
      %get3A_300 = arith.index_cast %rem3A_28 : i32 to index
      %get3A_301 = arith.constant 1392 : index
      %get3A_302 = tpu.vector_load %arg5[%get3A_300, %get3A_301] {strides = array<i32>} : memref<2x2048xi32, #tpu.memory_space<vmem>>, vector<16xi32>,
      tpu.vector_store_idx %arg4[%get3A_302], %broadcast_in_dim3A_8 {add = true} : memref<100352xf32, #tpu.memory_space<vmem>>[vector<16xi32>], vector<16xf32>,
      %get3A_303 = arith.index_cast %rem3A_28 : i32 to index
      %get3A_304 = arith.constant 1408 : index
      %get3A_305 = tpu.vector_load %arg5[%get3A_303, %get3A_304] {strides = array<i32>} : memref<2x2048xi32, #tpu.memory_space<vmem>>, vector<16xi32>,
      tpu.vector_store_idx %arg4[%get3A_305], %broadcast_in_dim3A_8 {add = true} : memref<100352xf32, #tpu.memory_space<vmem>>[vector<16xi32>], vector<16xf32>,
      %get3A_306 = arith.index_cast %rem3A_28 : i32 to index
      %get3A_307 = arith.constant 1424 : index
      %get3A_308 = tpu.vector_load %arg5[%get3A_306, %get3A_307] {strides = array<i32>} : memref<2x2048xi32, #tpu.memory_space<vmem>>, vector<16xi32>,
      tpu.vector_store_idx %arg4[%get3A_308], %broadcast_in_dim3A_8 {add = true} : memref<100352xf32, #tpu.memory_space<vmem>>[vector<16xi32>], vector<16xf32>,
      %get3A_309 = arith.index_cast %rem3A_28 : i32 to index
      %get3A_310 = arith.constant 1440 : index
      %get3A_311 = tpu.vector_load %arg5[%get3A_309, %get3A_310] {strides = array<i32>} : memref<2x2048xi32, #tpu.memory_space<vmem>>, vector<16xi32>,
      tpu.vector_store_idx %arg4[%get3A_311], %broadcast_in_dim3A_8 {add = true} : memref<100352xf32, #tpu.memory_space<vmem>>[vector<16xi32>], vector<16xf32>,
      %get3A_312 = arith.index_cast %rem3A_28 : i32 to index
      %get3A_313 = arith.constant 1456 : index
      %get3A_314 = tpu.vector_load %arg5[%get3A_312, %get3A_313] {strides = array<i32>} : memref<2x2048xi32, #tpu.memory_space<vmem>>, vector<16xi32>,
      tpu.vector_store_idx %arg4[%get3A_314], %broadcast_in_dim3A_8 {add = true} : memref<100352xf32, #tpu.memory_space<vmem>>[vector<16xi32>], vector<16xf32>,
      %get3A_315 = arith.index_cast %rem3A_28 : i32 to index
      %get3A_316 = arith.constant 1472 : index
      %get3A_317 = tpu.vector_load %arg5[%get3A_315, %get3A_316] {strides = array<i32>} : memref<2x2048xi32, #tpu.memory_space<vmem>>, vector<16xi32>,
      tpu.vector_store_idx %arg4[%get3A_317], %broadcast_in_dim3A_8 {add = true} : memref<100352xf32, #tpu.memory_space<vmem>>[vector<16xi32>], vector<16xf32>,
      %get3A_318 = arith.index_cast %rem3A_28 : i32 to index
      %get3A_319 = arith.constant 1488 : index
      %get3A_320 = tpu.vector_load %arg5[%get3A_318, %get3A_319] {strides = array<i32>} : memref<2x2048xi32, #tpu.memory_space<vmem>>, vector<16xi32>,
      tpu.vector_store_idx %arg4[%get3A_320], %broadcast_in_dim3A_8 {add = true} : memref<100352xf32, #tpu.memory_space<vmem>>[vector<16xi32>], vector<16xf32>,
      %get3A_321 = arith.index_cast %rem3A_28 : i32 to index
      %get3A_322 = arith.constant 1504 : index
      %get3A_323 = tpu.vector_load %arg5[%get3A_321, %get3A_322] {strides = array<i32>} : memref<2x2048xi32, #tpu.memory_space<vmem>>, vector<16xi32>,
      tpu.vector_store_idx %arg4[%get3A_323], %broadcast_in_dim3A_8 {add = true} : memref<100352xf32, #tpu.memory_space<vmem>>[vector<16xi32>], vector<16xf32>,
      %get3A_324 = arith.index_cast %rem3A_28 : i32 to index
      %get3A_325 = arith.constant 1520 : index
      %get3A_326 = tpu.vector_load %arg5[%get3A_324, %get3A_325] {strides = array<i32>} : memref<2x2048xi32, #tpu.memory_space<vmem>>, vector<16xi32>,
      tpu.vector_store_idx %arg4[%get3A_326], %broadcast_in_dim3A_8 {add = true} : memref<100352xf32, #tpu.memory_space<vmem>>[vector<16xi32>], vector<16xf32>,
      %get3A_327 = arith.index_cast %rem3A_28 : i32 to index
      %get3A_328 = arith.constant 1536 : index
      %get3A_329 = tpu.vector_load %arg5[%get3A_327, %get3A_328] {strides = array<i32>} : memref<2x2048xi32, #tpu.memory_space<vmem>>, vector<16xi32>,
      tpu.vector_store_idx %arg4[%get3A_329], %broadcast_in_dim3A_8 {add = true} : memref<100352xf32, #tpu.memory_space<vmem>>[vector<16xi32>], vector<16xf32>,
      %get3A_330 = arith.index_cast %rem3A_28 : i32 to index
      %get3A_331 = arith.constant 1552 : index
      %get3A_332 = tpu.vector_load %arg5[%get3A_330, %get3A_331] {strides = array<i32>} : memref<2x2048xi32, #tpu.memory_space<vmem>>, vector<16xi32>,
      tpu.vector_store_idx %arg4[%get3A_332], %broadcast_in_dim3A_8 {add = true} : memref<100352xf32, #tpu.memory_space<vmem>>[vector<16xi32>], vector<16xf32>,
      %get3A_333 = arith.index_cast %rem3A_28 : i32 to index
      %get3A_334 = arith.constant 1568 : index
      %get3A_335 = tpu.vector_load %arg5[%get3A_333, %get3A_334] {strides = array<i32>} : memref<2x2048xi32, #tpu.memory_space<vmem>>, vector<16xi32>,
      tpu.vector_store_idx %arg4[%get3A_335], %broadcast_in_dim3A_8 {add = true} : memref<100352xf32, #tpu.memory_space<vmem>>[vector<16xi32>], vector<16xf32>,
      %get3A_336 = arith.index_cast %rem3A_28 : i32 to index
      %get3A_337 = arith.constant 1584 : index
      %get3A_338 = tpu.vector_load %arg5[%get3A_336, %get3A_337] {strides = array<i32>} : memref<2x2048xi32, #tpu.memory_space<vmem>>, vector<16xi32>,
      tpu.vector_store_idx %arg4[%get3A_338], %broadcast_in_dim3A_8 {add = true} : memref<100352xf32, #tpu.memory_space<vmem>>[vector<16xi32>], vector<16xf32>,
      %get3A_339 = arith.index_cast %rem3A_28 : i32 to index
      %get3A_340 = arith.constant 1600 : index
      %get3A_341 = tpu.vector_load %arg5[%get3A_339, %get3A_340] {strides = array<i32>} : memref<2x2048xi32, #tpu.memory_space<vmem>>, vector<16xi32>,
      tpu.vector_store_idx %arg4[%get3A_341], %broadcast_in_dim3A_8 {add = true} : memref<100352xf32, #tpu.memory_space<vmem>>[vector<16xi32>], vector<16xf32>,
      %get3A_342 = arith.index_cast %rem3A_28 : i32 to index
      %get3A_343 = arith.constant 1616 : index
      %get3A_344 = tpu.vector_load %arg5[%get3A_342, %get3A_343] {strides = array<i32>} : memref<2x2048xi32, #tpu.memory_space<vmem>>, vector<16xi32>,
      tpu.vector_store_idx %arg4[%get3A_344], %broadcast_in_dim3A_8 {add = true} : memref<100352xf32, #tpu.memory_space<vmem>>[vector<16xi32>], vector<16xf32>,
      %get3A_345 = arith.index_cast %rem3A_28 : i32 to index
      %get3A_346 = arith.constant 1632 : index
      %get3A_347 = tpu.vector_load %arg5[%get3A_345, %get3A_346] {strides = array<i32>} : memref<2x2048xi32, #tpu.memory_space<vmem>>, vector<16xi32>,
      tpu.vector_store_idx %arg4[%get3A_347], %broadcast_in_dim3A_8 {add = true} : memref<100352xf32, #tpu.memory_space<vmem>>[vector<16xi32>], vector<16xf32>,
      %get3A_348 = arith.index_cast %rem3A_28 : i32 to index
      %get3A_349 = arith.constant 1648 : index
      %get3A_350 = tpu.vector_load %arg5[%get3A_348, %get3A_349] {strides = array<i32>} : memref<2x2048xi32, #tpu.memory_space<vmem>>, vector<16xi32>,
      tpu.vector_store_idx %arg4[%get3A_350], %broadcast_in_dim3A_8 {add = true} : memref<100352xf32, #tpu.memory_space<vmem>>[vector<16xi32>], vector<16xf32>,
      %get3A_351 = arith.index_cast %rem3A_28 : i32 to index
      %get3A_352 = arith.constant 1664 : index
      %get3A_353 = tpu.vector_load %arg5[%get3A_351, %get3A_352] {strides = array<i32>} : memref<2x2048xi32, #tpu.memory_space<vmem>>, vector<16xi32>,
      tpu.vector_store_idx %arg4[%get3A_353], %broadcast_in_dim3A_8 {add = true} : memref<100352xf32, #tpu.memory_space<vmem>>[vector<16xi32>], vector<16xf32>,
      %get3A_354 = arith.index_cast %rem3A_28 : i32 to index
      %get3A_355 = arith.constant 1680 : index
      %get3A_356 = tpu.vector_load %arg5[%get3A_354, %get3A_355] {strides = array<i32>} : memref<2x2048xi32, #tpu.memory_space<vmem>>, vector<16xi32>,
      tpu.vector_store_idx %arg4[%get3A_356], %broadcast_in_dim3A_8 {add = true} : memref<100352xf32, #tpu.memory_space<vmem>>[vector<16xi32>], vector<16xf32>,
      %get3A_357 = arith.index_cast %rem3A_28 : i32 to index
      %get3A_358 = arith.constant 1696 : index
      %get3A_359 = tpu.vector_load %arg5[%get3A_357, %get3A_358] {strides = array<i32>} : memref<2x2048xi32, #tpu.memory_space<vmem>>, vector<16xi32>,
      tpu.vector_store_idx %arg4[%get3A_359], %broadcast_in_dim3A_8 {add = true} : memref<100352xf32, #tpu.memory_space<vmem>>[vector<16xi32>], vector<16xf32>,
      %get3A_360 = arith.index_cast %rem3A_28 : i32 to index
      %get3A_361 = arith.constant 1712 : index
      %get3A_362 = tpu.vector_load %arg5[%get3A_360, %get3A_361] {strides = array<i32>} : memref<2x2048xi32, #tpu.memory_space<vmem>>, vector<16xi32>,
      tpu.vector_store_idx %arg4[%get3A_362], %broadcast_in_dim3A_8 {add = true} : memref<100352xf32, #tpu.memory_space<vmem>>[vector<16xi32>], vector<16xf32>,
      %get3A_363 = arith.index_cast %rem3A_28 : i32 to index
      %get3A_364 = arith.constant 1728 : index
      %get3A_365 = tpu.vector_load %arg5[%get3A_363, %get3A_364] {strides = array<i32>} : memref<2x2048xi32, #tpu.memory_space<vmem>>, vector<16xi32>,
      tpu.vector_store_idx %arg4[%get3A_365], %broadcast_in_dim3A_8 {add = true} : memref<100352xf32, #tpu.memory_space<vmem>>[vector<16xi32>], vector<16xf32>,
      %get3A_366 = arith.index_cast %rem3A_28 : i32 to index
      %get3A_367 = arith.constant 1744 : index
      %get3A_368 = tpu.vector_load %arg5[%get3A_366, %get3A_367] {strides = array<i32>} : memref<2x2048xi32, #tpu.memory_space<vmem>>, vector<16xi32>,
      tpu.vector_store_idx %arg4[%get3A_368], %broadcast_in_dim3A_8 {add = true} : memref<100352xf32, #tpu.memory_space<vmem>>[vector<16xi32>], vector<16xf32>,
      %get3A_369 = arith.index_cast %rem3A_28 : i32 to index
      %get3A_370 = arith.constant 1760 : index
      %get3A_371 = tpu.vector_load %arg5[%get3A_369, %get3A_370] {strides = array<i32>} : memref<2x2048xi32, #tpu.memory_space<vmem>>, vector<16xi32>,
      tpu.vector_store_idx %arg4[%get3A_371], %broadcast_in_dim3A_8 {add = true} : memref<100352xf32, #tpu.memory_space<vmem>>[vector<16xi32>], vector<16xf32>,
      %get3A_372 = arith.index_cast %rem3A_28 : i32 to index
      %get3A_373 = arith.constant 1776 : index
      %get3A_374 = tpu.vector_load %arg5[%get3A_372, %get3A_373] {strides = array<i32>} : memref<2x2048xi32, #tpu.memory_space<vmem>>, vector<16xi32>,
      tpu.vector_store_idx %arg4[%get3A_374], %broadcast_in_dim3A_8 {add = true} : memref<100352xf32, #tpu.memory_space<vmem>>[vector<16xi32>], vector<16xf32>,
      %get3A_375 = arith.index_cast %rem3A_28 : i32 to index
      %get3A_376 = arith.constant 1792 : index
      %get3A_377 = tpu.vector_load %arg5[%get3A_375, %get3A_376] {strides = array<i32>} : memref<2x2048xi32, #tpu.memory_space<vmem>>, vector<16xi32>,
      tpu.vector_store_idx %arg4[%get3A_377], %broadcast_in_dim3A_8 {add = true} : memref<100352xf32, #tpu.memory_space<vmem>>[vector<16xi32>], vector<16xf32>,
      %get3A_378 = arith.index_cast %rem3A_28 : i32 to index
      %get3A_379 = arith.constant 1808 : index
      %get3A_380 = tpu.vector_load %arg5[%get3A_378, %get3A_379] {strides = array<i32>} : memref<2x2048xi32, #tpu.memory_space<vmem>>, vector<16xi32>,
      tpu.vector_store_idx %arg4[%get3A_380], %broadcast_in_dim3A_8 {add = true} : memref<100352xf32, #tpu.memory_space<vmem>>[vector<16xi32>], vector<16xf32>,
      %get3A_381 = arith.index_cast %rem3A_28 : i32 to index
      %get3A_382 = arith.constant 1824 : index
      %get3A_383 = tpu.vector_load %arg5[%get3A_381, %get3A_382] {strides = array<i32>} : memref<2x2048xi32, #tpu.memory_space<vmem>>, vector<16xi32>,
      tpu.vector_store_idx %arg4[%get3A_383], %broadcast_in_dim3A_8 {add = true} : memref<100352xf32, #tpu.memory_space<vmem>>[vector<16xi32>], vector<16xf32>,
      %get3A_384 = arith.index_cast %rem3A_28 : i32 to index
      %get3A_385 = arith.constant 1840 : index
      %get3A_386 = tpu.vector_load %arg5[%get3A_384, %get3A_385] {strides = array<i32>} : memref<2x2048xi32, #tpu.memory_space<vmem>>, vector<16xi32>,
      tpu.vector_store_idx %arg4[%get3A_386], %broadcast_in_dim3A_8 {add = true} : memref<100352xf32, #tpu.memory_space<vmem>>[vector<16xi32>], vector<16xf32>,
      %get3A_387 = arith.index_cast %rem3A_28 : i32 to index
      %get3A_388 = arith.constant 1856 : index
      %get3A_389 = tpu.vector_load %arg5[%get3A_387, %get3A_388] {strides = array<i32>} : memref<2x2048xi32, #tpu.memory_space<vmem>>, vector<16xi32>,
      tpu.vector_store_idx %arg4[%get3A_389], %broadcast_in_dim3A_8 {add = true} : memref<100352xf32, #tpu.memory_space<vmem>>[vector<16xi32>], vector<16xf32>,
      %get3A_390 = arith.index_cast %rem3A_28 : i32 to index
      %get3A_391 = arith.constant 1872 : index
      %get3A_392 = tpu.vector_load %arg5[%get3A_390, %get3A_391] {strides = array<i32>} : memref<2x2048xi32, #tpu.memory_space<vmem>>, vector<16xi32>,
      tpu.vector_store_idx %arg4[%get3A_392], %broadcast_in_dim3A_8 {add = true} : memref<100352xf32, #tpu.memory_space<vmem>>[vector<16xi32>], vector<16xf32>,
      %get3A_393 = arith.index_cast %rem3A_28 : i32 to index
      %get3A_394 = arith.constant 1888 : index
      %get3A_395 = tpu.vector_load %arg5[%get3A_393, %get3A_394] {strides = array<i32>} : memref<2x2048xi32, #tpu.memory_space<vmem>>, vector<16xi32>,
      tpu.vector_store_idx %arg4[%get3A_395], %broadcast_in_dim3A_8 {add = true} : memref<100352xf32, #tpu.memory_space<vmem>>[vector<16xi32>], vector<16xf32>,
      %get3A_396 = arith.index_cast %rem3A_28 : i32 to index
      %get3A_397 = arith.constant 1904 : index
      %get3A_398 = tpu.vector_load %arg5[%get3A_396, %get3A_397] {strides = array<i32>} : memref<2x2048xi32, #tpu.memory_space<vmem>>, vector<16xi32>,
      tpu.vector_store_idx %arg4[%get3A_398], %broadcast_in_dim3A_8 {add = true} : memref<100352xf32, #tpu.memory_space<vmem>>[vector<16xi32>], vector<16xf32>,
      %get3A_399 = arith.index_cast %rem3A_28 : i32 to index
      %get3A_400 = arith.constant 1920 : index
      %get3A_401 = tpu.vector_load %arg5[%get3A_399, %get3A_400] {strides = array<i32>} : memref<2x2048xi32, #tpu.memory_space<vmem>>, vector<16xi32>,
      tpu.vector_store_idx %arg4[%get3A_401], %broadcast_in_dim3A_8 {add = true} : memref<100352xf32, #tpu.memory_space<vmem>>[vector<16xi32>], vector<16xf32>,
      %get3A_402 = arith.index_cast %rem3A_28 : i32 to index
      %get3A_403 = arith.constant 1936 : index
      %get3A_404 = tpu.vector_load %arg5[%get3A_402, %get3A_403] {strides = array<i32>} : memref<2x2048xi32, #tpu.memory_space<vmem>>, vector<16xi32>,
      tpu.vector_store_idx %arg4[%get3A_404], %broadcast_in_dim3A_8 {add = true} : memref<100352xf32, #tpu.memory_space<vmem>>[vector<16xi32>], vector<16xf32>,
      %get3A_405 = arith.index_cast %rem3A_28 : i32 to index
      %get3A_406 = arith.constant 1952 : index
      %get3A_407 = tpu.vector_load %arg5[%get3A_405, %get3A_406] {strides = array<i32>} : memref<2x2048xi32, #tpu.memory_space<vmem>>, vector<16xi32>,
      tpu.vector_store_idx %arg4[%get3A_407], %broadcast_in_dim3A_8 {add = true} : memref<100352xf32, #tpu.memory_space<vmem>>[vector<16xi32>], vector<16xf32>,
      %get3A_408 = arith.index_cast %rem3A_28 : i32 to index
      %get3A_409 = arith.constant 1968 : index
      %get3A_410 = tpu.vector_load %arg5[%get3A_408, %get3A_409] {strides = array<i32>} : memref<2x2048xi32, #tpu.memory_space<vmem>>, vector<16xi32>,
      tpu.vector_store_idx %arg4[%get3A_410], %broadcast_in_dim3A_8 {add = true} : memref<100352xf32, #tpu.memory_space<vmem>>[vector<16xi32>], vector<16xf32>,
      %get3A_411 = arith.index_cast %rem3A_28 : i32 to index
      %get3A_412 = arith.constant 1984 : index
      %get3A_413 = tpu.vector_load %arg5[%get3A_411, %get3A_412] {strides = array<i32>} : memref<2x2048xi32, #tpu.memory_space<vmem>>, vector<16xi32>,
      tpu.vector_store_idx %arg4[%get3A_413], %broadcast_in_dim3A_8 {add = true} : memref<100352xf32, #tpu.memory_space<vmem>>[vector<16xi32>], vector<16xf32>,
      %get3A_414 = arith.index_cast %rem3A_28 : i32 to index
      %get3A_415 = arith.constant 2000 : index
      %get3A_416 = tpu.vector_load %arg5[%get3A_414, %get3A_415] {strides = array<i32>} : memref<2x2048xi32, #tpu.memory_space<vmem>>, vector<16xi32>,
      tpu.vector_store_idx %arg4[%get3A_416], %broadcast_in_dim3A_8 {add = true} : memref<100352xf32, #tpu.memory_space<vmem>>[vector<16xi32>], vector<16xf32>,
      %get3A_417 = arith.index_cast %rem3A_28 : i32 to index
      %get3A_418 = arith.constant 2016 : index
      %get3A_419 = tpu.vector_load %arg5[%get3A_417, %get3A_418] {strides = array<i32>} : memref<2x2048xi32, #tpu.memory_space<vmem>>, vector<16xi32>,
      tpu.vector_store_idx %arg4[%get3A_419], %broadcast_in_dim3A_8 {add = true} : memref<100352xf32, #tpu.memory_space<vmem>>[vector<16xi32>], vector<16xf32>,
      %get3A_420 = arith.index_cast %rem3A_28 : i32 to index
      %get3A_421 = arith.constant 2032 : index
      %get3A_422 = tpu.vector_load %arg5[%get3A_420, %get3A_421] {strides = array<i32>} : memref<2x2048xi32, #tpu.memory_space<vmem>>, vector<16xi32>,
      tpu.vector_store_idx %arg4[%get3A_422], %broadcast_in_dim3A_8 {add = true} : memref<100352xf32, #tpu.memory_space<vmem>>[vector<16xi32>], vector<16xf32>,
    }
    %scan3A_26 = arith.constant 98 : i32
    "tpu.region"() ({
      %run_scoped3A = tpu.sem_alloc : memref<!tpu.dma_semaphore, #tpu.memory_space<semaphore_mem>>
      %dma_start3A_27 = arith.constant 0 : i32
      %dma_start3A_28 = tpu.memref_slice %arg3[%add3A, %dma_start3A_27] : memref<32x100352xf32, #tpu.memory_space<hbm>> -> memref<1x100352xf32, #tpu.memory_space<hbm>>
      %dma_start3A_29 = tpu.memref_squeeze %dma_start3A_28 : memref<1x100352xf32, #tpu.memory_space<hbm>> -> memref<100352xf32, #tpu.memory_space<hbm>>
      %dma_start3A_30 = arith.constant 0 : i32
      %dma_start3A_31 = tpu.memref_slice %arg3[%add3A, %dma_start3A_30] : memref<32x100352xf32, #tpu.memory_space<hbm>> -> memref<1x100352xf32, #tpu.memory_space<hbm>>
      %dma_start3A_32 = tpu.memref_squeeze %dma_start3A_31 : memref<1x100352xf32, #tpu.memory_space<hbm>> -> memref<100352xf32, #tpu.memory_space<hbm>>
      tpu.enqueue_dma source(%arg4 : memref<100352xf32, #tpu.memory_space<vmem>>) target(%dma_start3A_32 : memref<100352xf32, #tpu.memory_space<hbm>>) target_semaphore(%run_scoped3A : memref<!tpu.dma_semaphore, #tpu.memory_space<semaphore_mem>>)
      %dma_wait3A = arith.constant 0 : i32
      %dma_wait3A_33 = tpu.memref_slice %arg3[%add3A, %dma_wait3A] : memref<32x100352xf32, #tpu.memory_space<hbm>> -> memref<1x100352xf32, #tpu.memory_space<hbm>>
      %dma_wait3A_34 = tpu.memref_squeeze %dma_wait3A_33 : memref<1x100352xf32, #tpu.memory_space<hbm>> -> memref<100352xf32, #tpu.memory_space<hbm>>
      %dma_wait3A_35 = arith.constant 0 : i32
      %dma_wait3A_36 = tpu.memref_slice %arg3[%add3A, %dma_wait3A_35] : memref<32x100352xf32, #tpu.memory_space<hbm>> -> memref<1x100352xf32, #tpu.memory_space<hbm>>
      %dma_wait3A_37 = tpu.memref_squeeze %dma_wait3A_36 : memref<1x100352xf32, #tpu.memory_space<hbm>> -> memref<100352xf32, #tpu.memory_space<hbm>>
      tpu.wait_dma2 semaphore(%run_scoped3A : memref<!tpu.dma_semaphore, #tpu.memory_space<semaphore_mem>>) src(%arg4 : memref<100352xf32, #tpu.memory_space<vmem>>) dst(%dma_wait3A_37 : memref<100352xf32, #tpu.memory_space<hbm>>)
      tpu.yield
    }) : () -> ()
    return
  }
}

#map = affine_map<(d0, d1) -> (0, 0)>
#map1 = affine_map<(d0, d1) -> (0, 0, 0)>
module attributes {stable_mosaic.version = 14 : i64} {
  func.func @_prop_body(%arg0: i32, %arg1: i32, %arg2: memref<50176x128xi32, #tpu.memory_space<hbm>>, %arg3: memref<50176x128xi32, #tpu.memory_space<hbm>>, %arg4: memref<100352x8xf32, #tpu.memory_space<hbm>>, %arg5: memref<6272x8xf32, #tpu.memory_space<hbm>>, %arg6: memref<2x100352x8xf32, #tpu.memory_space<hbm>>, %arg7: memref<100352x8xf32, #tpu.memory_space<vmem_shared>>, %arg8: memref<4x8x128xi32, #tpu.memory_space<vmem>>, %arg9: memref<4x8x128xi32, #tpu.memory_space<vmem>>, %arg10: memref<4x8x128x8xf32, #tpu.memory_space<vmem>>, %arg11: memref<!tpu.dma_semaphore, #tpu.memory_space<semaphore_mem>>, %arg12: memref<!tpu.dma_semaphore, #tpu.memory_space<semaphore_mem>>, %arg13: memref<!tpu.dma_semaphore, #tpu.memory_space<semaphore_mem>>) attributes {dimension_semantics = [#tpu.dimension_semantics<core_parallel>, #tpu.dimension_semantics<subcore_parallel>], iteration_bounds = array<i64: 2, 16>, scalar_prefetch = 0 : i64, scratch_operands = 7 : i64, tpu.core_type = #tpu.core_type<sc_vector_subcore>, window_params = [{transform_indices = #map}, {transform_indices = #map}, {transform_indices = #map}, {transform_indices = #map}, {transform_indices = #map1}]} {
    %mul3A = arith.constant 2 : i32
    %mul3A_0 = arith.muli %arg1, %mul3A : i32
    %add3A = arith.addi %mul3A_0, %arg0 : i32
    %mul3A_1 = arith.constant 6272 : i32
    %mul3A_2 = arith.muli %arg1, %mul3A_1 : i32
    "tpu.region"() ({
      %run_scoped3A = tpu.sem_alloc : memref<!tpu.dma_semaphore, #tpu.memory_space<semaphore_mem>>
      %dma_start3A_177 = arith.constant 0 : i32
      %dma_start3A_178 = tpu.memref_slice %arg7[%mul3A_2, %dma_start3A_177] : memref<100352x8xf32, #tpu.memory_space<vmem_shared>> -> memref<6272x8xf32, #tpu.memory_space<vmem_shared>>
      tpu.enqueue_dma source(%arg5 : memref<6272x8xf32, #tpu.memory_space<hbm>>) target(%dma_start3A_178 : memref<6272x8xf32, #tpu.memory_space<vmem_shared>>) target_semaphore(%run_scoped3A : memref<!tpu.dma_semaphore, #tpu.memory_space<semaphore_mem>>)
      %dma_wait3A_179 = arith.constant 0 : i32
      %dma_wait3A_180 = tpu.memref_slice %arg7[%mul3A_2, %dma_wait3A_179] : memref<100352x8xf32, #tpu.memory_space<vmem_shared>> -> memref<6272x8xf32, #tpu.memory_space<vmem_shared>>
      tpu.wait_dma2 semaphore(%run_scoped3A : memref<!tpu.dma_semaphore, #tpu.memory_space<semaphore_mem>>) src(%arg5 : memref<6272x8xf32, #tpu.memory_space<hbm>>) dst(%dma_wait3A_180 : memref<6272x8xf32, #tpu.memory_space<vmem_shared>>)
      tpu.yield
    }) : () -> ()
    %barrier3A = arith.constant 0 : index
    tpu.barrier barrier_id(%barrier3A)
    %mul3A_3 = arith.constant 1568 : i32
    %mul3A_4 = arith.muli %add3A, %mul3A_3 : i32
    %add3A_5 = arith.constant 0 : i32
    %add3A_6 = arith.addi %mul3A_4, %add3A_5 : i32
    %dma_start3A = arith.constant 0 : i32
    %dma_start3A_7 = arith.constant 0 : i32
    %dma_start3A_8 = arith.constant 0 : i32
    %dma_start3A_9 = tpu.memref_slice %arg8[%dma_start3A, %dma_start3A_7, %dma_start3A_8] : memref<4x8x128xi32, #tpu.memory_space<vmem>> -> memref<1x8x128xi32, #tpu.memory_space<vmem>>
    %dma_start3A_10 = tpu.memref_squeeze %dma_start3A_9 : memref<1x8x128xi32, #tpu.memory_space<vmem>> -> memref<8x128xi32, #tpu.memory_space<vmem>>
    %dma_start3A_11 = arith.constant 0 : i32
    %dma_start3A_12 = tpu.memref_slice %arg2[%add3A_6, %dma_start3A_11] : memref<50176x128xi32, #tpu.memory_space<hbm>> -> memref<8x128xi32, #tpu.memory_space<hbm>>
    %dma_start3A_13 = arith.constant 0 : i32
    %dma_start3A_14 = arith.constant 0 : i32
    %dma_start3A_15 = tpu.memref_slice %arg8[%dma_start3A, %dma_start3A_13, %dma_start3A_14] : memref<4x8x128xi32, #tpu.memory_space<vmem>> -> memref<1x8x128xi32, #tpu.memory_space<vmem>>
    %dma_start3A_16 = tpu.memref_squeeze %dma_start3A_15 : memref<1x8x128xi32, #tpu.memory_space<vmem>> -> memref<8x128xi32, #tpu.memory_space<vmem>>
    %dma_start3A_17 = arith.constant 0 : i32
    %dma_start3A_18 = tpu.memref_slice %arg2[%add3A_6, %dma_start3A_17] : memref<50176x128xi32, #tpu.memory_space<hbm>> -> memref<8x128xi32, #tpu.memory_space<hbm>>
    tpu.enqueue_dma source(%dma_start3A_18 : memref<8x128xi32, #tpu.memory_space<hbm>>) target(%dma_start3A_16 : memref<8x128xi32, #tpu.memory_space<vmem>>) target_semaphore(%arg11 : memref<!tpu.dma_semaphore, #tpu.memory_space<semaphore_mem>>)
    %dma_start3A_19 = arith.constant 0 : i32
    %dma_start3A_20 = arith.constant 0 : i32
    %dma_start3A_21 = arith.constant 0 : i32
    %dma_start3A_22 = tpu.memref_slice %arg9[%dma_start3A_19, %dma_start3A_20, %dma_start3A_21] : memref<4x8x128xi32, #tpu.memory_space<vmem>> -> memref<1x8x128xi32, #tpu.memory_space<vmem>>
    %dma_start3A_23 = tpu.memref_squeeze %dma_start3A_22 : memref<1x8x128xi32, #tpu.memory_space<vmem>> -> memref<8x128xi32, #tpu.memory_space<vmem>>
    %dma_start3A_24 = arith.constant 0 : i32
    %dma_start3A_25 = tpu.memref_slice %arg3[%add3A_6, %dma_start3A_24] : memref<50176x128xi32, #tpu.memory_space<hbm>> -> memref<8x128xi32, #tpu.memory_space<hbm>>
    %dma_start3A_26 = arith.constant 0 : i32
    %dma_start3A_27 = arith.constant 0 : i32
    %dma_start3A_28 = tpu.memref_slice %arg9[%dma_start3A_19, %dma_start3A_26, %dma_start3A_27] : memref<4x8x128xi32, #tpu.memory_space<vmem>> -> memref<1x8x128xi32, #tpu.memory_space<vmem>>
    %dma_start3A_29 = tpu.memref_squeeze %dma_start3A_28 : memref<1x8x128xi32, #tpu.memory_space<vmem>> -> memref<8x128xi32, #tpu.memory_space<vmem>>
    %dma_start3A_30 = arith.constant 0 : i32
    %dma_start3A_31 = tpu.memref_slice %arg3[%add3A_6, %dma_start3A_30] : memref<50176x128xi32, #tpu.memory_space<hbm>> -> memref<8x128xi32, #tpu.memory_space<hbm>>
    tpu.enqueue_dma source(%dma_start3A_31 : memref<8x128xi32, #tpu.memory_space<hbm>>) target(%dma_start3A_29 : memref<8x128xi32, #tpu.memory_space<vmem>>) target_semaphore(%arg11 : memref<!tpu.dma_semaphore, #tpu.memory_space<semaphore_mem>>)
    %add3A_32 = arith.constant 8 : i32
    %add3A_33 = arith.addi %mul3A_4, %add3A_32 : i32
    %dma_start3A_34 = arith.constant 1 : i32
    %dma_start3A_35 = arith.constant 0 : i32
    %dma_start3A_36 = arith.constant 0 : i32
    %dma_start3A_37 = tpu.memref_slice %arg8[%dma_start3A_34, %dma_start3A_35, %dma_start3A_36] : memref<4x8x128xi32, #tpu.memory_space<vmem>> -> memref<1x8x128xi32, #tpu.memory_space<vmem>>
    %dma_start3A_38 = tpu.memref_squeeze %dma_start3A_37 : memref<1x8x128xi32, #tpu.memory_space<vmem>> -> memref<8x128xi32, #tpu.memory_space<vmem>>
    %dma_start3A_39 = arith.constant 0 : i32
    %dma_start3A_40 = tpu.memref_slice %arg2[%add3A_33, %dma_start3A_39] : memref<50176x128xi32, #tpu.memory_space<hbm>> -> memref<8x128xi32, #tpu.memory_space<hbm>>
    %dma_start3A_41 = arith.constant 0 : i32
    %dma_start3A_42 = arith.constant 0 : i32
    %dma_start3A_43 = tpu.memref_slice %arg8[%dma_start3A_34, %dma_start3A_41, %dma_start3A_42] : memref<4x8x128xi32, #tpu.memory_space<vmem>> -> memref<1x8x128xi32, #tpu.memory_space<vmem>>
    %dma_start3A_44 = tpu.memref_squeeze %dma_start3A_43 : memref<1x8x128xi32, #tpu.memory_space<vmem>> -> memref<8x128xi32, #tpu.memory_space<vmem>>
    %dma_start3A_45 = arith.constant 0 : i32
    %dma_start3A_46 = tpu.memref_slice %arg2[%add3A_33, %dma_start3A_45] : memref<50176x128xi32, #tpu.memory_space<hbm>> -> memref<8x128xi32, #tpu.memory_space<hbm>>
    tpu.enqueue_dma source(%dma_start3A_46 : memref<8x128xi32, #tpu.memory_space<hbm>>) target(%dma_start3A_44 : memref<8x128xi32, #tpu.memory_space<vmem>>) target_semaphore(%arg11 : memref<!tpu.dma_semaphore, #tpu.memory_space<semaphore_mem>>)
    %dma_start3A_47 = arith.constant 1 : i32
    %dma_start3A_48 = arith.constant 0 : i32
    %dma_start3A_49 = arith.constant 0 : i32
    %dma_start3A_50 = tpu.memref_slice %arg9[%dma_start3A_47, %dma_start3A_48, %dma_start3A_49] : memref<4x8x128xi32, #tpu.memory_space<vmem>> -> memref<1x8x128xi32, #tpu.memory_space<vmem>>
    %dma_start3A_51 = tpu.memref_squeeze %dma_start3A_50 : memref<1x8x128xi32, #tpu.memory_space<vmem>> -> memref<8x128xi32, #tpu.memory_space<vmem>>
    %dma_start3A_52 = arith.constant 0 : i32
    %dma_start3A_53 = tpu.memref_slice %arg3[%add3A_33, %dma_start3A_52] : memref<50176x128xi32, #tpu.memory_space<hbm>> -> memref<8x128xi32, #tpu.memory_space<hbm>>
    %dma_start3A_54 = arith.constant 0 : i32
    %dma_start3A_55 = arith.constant 0 : i32
    %dma_start3A_56 = tpu.memref_slice %arg9[%dma_start3A_47, %dma_start3A_54, %dma_start3A_55] : memref<4x8x128xi32, #tpu.memory_space<vmem>> -> memref<1x8x128xi32, #tpu.memory_space<vmem>>
    %dma_start3A_57 = tpu.memref_squeeze %dma_start3A_56 : memref<1x8x128xi32, #tpu.memory_space<vmem>> -> memref<8x128xi32, #tpu.memory_space<vmem>>
    %dma_start3A_58 = arith.constant 0 : i32
    %dma_start3A_59 = tpu.memref_slice %arg3[%add3A_33, %dma_start3A_58] : memref<50176x128xi32, #tpu.memory_space<hbm>> -> memref<8x128xi32, #tpu.memory_space<hbm>>
    tpu.enqueue_dma source(%dma_start3A_59 : memref<8x128xi32, #tpu.memory_space<hbm>>) target(%dma_start3A_57 : memref<8x128xi32, #tpu.memory_space<vmem>>) target_semaphore(%arg11 : memref<!tpu.dma_semaphore, #tpu.memory_space<semaphore_mem>>)
    %scan3A = arith.constant 0 : i32
    %scan3A_60 = arith.constant 0 : i32
    %scan3A_61 = arith.constant 196 : i32
    %scan3A_62 = arith.addi %scan3A_60, %scan3A_61 : i32
    %scan3A_63 = arith.constant 1 : i32
    scf.for %scan3A_177 = %scan3A_60 to %scan3A_62 step %scan3A_63  : i32 {
      %rem3A = arith.constant 4 : i32
      %rem3A_178 = arith.remsi %scan3A_177, %rem3A : i32
      %dma_wait3A_179 = arith.constant 0 : i32
      %dma_wait3A_180 = arith.constant 0 : i32
      %dma_wait3A_181 = tpu.memref_slice %arg8[%rem3A_178, %dma_wait3A_179, %dma_wait3A_180] : memref<4x8x128xi32, #tpu.memory_space<vmem>> -> memref<1x8x128xi32, #tpu.memory_space<vmem>>
      %dma_wait3A_182 = tpu.memref_squeeze %dma_wait3A_181 : memref<1x8x128xi32, #tpu.memory_space<vmem>> -> memref<8x128xi32, #tpu.memory_space<vmem>>
      %dma_wait3A_183 = arith.constant 0 : i32
      %dma_wait3A_184 = tpu.memref_slice %arg2[%mul3A_4, %dma_wait3A_183] : memref<50176x128xi32, #tpu.memory_space<hbm>> -> memref<8x128xi32, #tpu.memory_space<hbm>>
      %dma_wait3A_185 = arith.constant 0 : i32
      %dma_wait3A_186 = arith.constant 0 : i32
      %dma_wait3A_187 = tpu.memref_slice %arg8[%rem3A_178, %dma_wait3A_185, %dma_wait3A_186] : memref<4x8x128xi32, #tpu.memory_space<vmem>> -> memref<1x8x128xi32, #tpu.memory_space<vmem>>
      %dma_wait3A_188 = tpu.memref_squeeze %dma_wait3A_187 : memref<1x8x128xi32, #tpu.memory_space<vmem>> -> memref<8x128xi32, #tpu.memory_space<vmem>>
      %dma_wait3A_189 = arith.constant 0 : i32
      %dma_wait3A_190 = tpu.memref_slice %arg2[%mul3A_4, %dma_wait3A_189] : memref<50176x128xi32, #tpu.memory_space<hbm>> -> memref<8x128xi32, #tpu.memory_space<hbm>>
      tpu.wait_dma2 semaphore(%arg11 : memref<!tpu.dma_semaphore, #tpu.memory_space<semaphore_mem>>) src(%dma_wait3A_190 : memref<8x128xi32, #tpu.memory_space<hbm>>) dst(%dma_wait3A_188 : memref<8x128xi32, #tpu.memory_space<vmem>>)
      %dma_wait3A_191 = arith.constant 0 : i32
      %dma_wait3A_192 = arith.constant 0 : i32
      %dma_wait3A_193 = tpu.memref_slice %arg9[%rem3A_178, %dma_wait3A_191, %dma_wait3A_192] : memref<4x8x128xi32, #tpu.memory_space<vmem>> -> memref<1x8x128xi32, #tpu.memory_space<vmem>>
      %dma_wait3A_194 = tpu.memref_squeeze %dma_wait3A_193 : memref<1x8x128xi32, #tpu.memory_space<vmem>> -> memref<8x128xi32, #tpu.memory_space<vmem>>
      %dma_wait3A_195 = arith.constant 0 : i32
      %dma_wait3A_196 = tpu.memref_slice %arg3[%mul3A_4, %dma_wait3A_195] : memref<50176x128xi32, #tpu.memory_space<hbm>> -> memref<8x128xi32, #tpu.memory_space<hbm>>
      %dma_wait3A_197 = arith.constant 0 : i32
      %dma_wait3A_198 = arith.constant 0 : i32
      %dma_wait3A_199 = tpu.memref_slice %arg9[%rem3A_178, %dma_wait3A_197, %dma_wait3A_198] : memref<4x8x128xi32, #tpu.memory_space<vmem>> -> memref<1x8x128xi32, #tpu.memory_space<vmem>>
      %dma_wait3A_200 = tpu.memref_squeeze %dma_wait3A_199 : memref<1x8x128xi32, #tpu.memory_space<vmem>> -> memref<8x128xi32, #tpu.memory_space<vmem>>
      %dma_wait3A_201 = arith.constant 0 : i32
      %dma_wait3A_202 = tpu.memref_slice %arg3[%mul3A_4, %dma_wait3A_201] : memref<50176x128xi32, #tpu.memory_space<hbm>> -> memref<8x128xi32, #tpu.memory_space<hbm>>
      tpu.wait_dma2 semaphore(%arg11 : memref<!tpu.dma_semaphore, #tpu.memory_space<semaphore_mem>>) src(%dma_wait3A_202 : memref<8x128xi32, #tpu.memory_space<hbm>>) dst(%dma_wait3A_200 : memref<8x128xi32, #tpu.memory_space<vmem>>)
      %dma_start3A_203 = arith.constant 0 : i32
      %dma_start3A_204 = arith.constant 0 : i32
      %dma_start3A_205 = arith.constant 0 : i32
      %dma_start3A_206 = arith.constant 0 : i32
      %dma_start3A_207 = tpu.memref_slice %arg10[%rem3A_178, %dma_start3A_204, %dma_start3A_205, %dma_start3A_206] : memref<4x8x128x8xf32, #tpu.memory_space<vmem>> -> memref<1x1x128x8xf32, #tpu.memory_space<vmem>>
      %dma_start3A_208 = tpu.memref_squeeze %dma_start3A_207 : memref<1x1x128x8xf32, #tpu.memory_space<vmem>> -> memref<128x8xf32, #tpu.memory_space<vmem>>
      %dma_start3A_209 = arith.constant 0 : i32
      %dma_start3A_210 = tpu.memref_slice %arg8[%rem3A_178, %dma_start3A_203, %dma_start3A_209] : memref<4x8x128xi32, #tpu.memory_space<vmem>> -> memref<1x1x128xi32, #tpu.memory_space<vmem>>
      %dma_start3A_211 = tpu.memref_squeeze %dma_start3A_210 : memref<1x1x128xi32, #tpu.memory_space<vmem>> -> memref<128xi32, #tpu.memory_space<vmem>>
      %dma_start3A_212 = arith.constant 0 : i32
      %dma_start3A_213 = arith.constant 0 : i32
      %dma_start3A_214 = tpu.memref_slice %arg4[%dma_start3A_212, %dma_start3A_213] : memref<100352x8xf32, #tpu.memory_space<hbm>> -> memref<100352x8xf32, #tpu.memory_space<hbm>>
      tpu.enqueue_indirect_dma source(%dma_start3A_214 : memref<100352x8xf32, #tpu.memory_space<hbm>>) target(%dma_start3A_208 : memref<128x8xf32, #tpu.memory_space<vmem>>) offsets(%dma_start3A_211 : memref<128xi32, #tpu.memory_space<vmem>>) semaphore(%arg12 : memref<!tpu.dma_semaphore, #tpu.memory_space<semaphore_mem>>)
      %dma_start3A_215 = arith.constant 1 : i32
      %dma_start3A_216 = arith.constant 1 : i32
      %dma_start3A_217 = arith.constant 0 : i32
      %dma_start3A_218 = arith.constant 0 : i32
      %dma_start3A_219 = tpu.memref_slice %arg10[%rem3A_178, %dma_start3A_216, %dma_start3A_217, %dma_start3A_218] : memref<4x8x128x8xf32, #tpu.memory_space<vmem>> -> memref<1x1x128x8xf32, #tpu.memory_space<vmem>>
      %dma_start3A_220 = tpu.memref_squeeze %dma_start3A_219 : memref<1x1x128x8xf32, #tpu.memory_space<vmem>> -> memref<128x8xf32, #tpu.memory_space<vmem>>
      %dma_start3A_221 = arith.constant 0 : i32
      %dma_start3A_222 = tpu.memref_slice %arg8[%rem3A_178, %dma_start3A_215, %dma_start3A_221] : memref<4x8x128xi32, #tpu.memory_space<vmem>> -> memref<1x1x128xi32, #tpu.memory_space<vmem>>
      %dma_start3A_223 = tpu.memref_squeeze %dma_start3A_222 : memref<1x1x128xi32, #tpu.memory_space<vmem>> -> memref<128xi32, #tpu.memory_space<vmem>>
      %dma_start3A_224 = arith.constant 0 : i32
      %dma_start3A_225 = arith.constant 0 : i32
      %dma_start3A_226 = tpu.memref_slice %arg4[%dma_start3A_224, %dma_start3A_225] : memref<100352x8xf32, #tpu.memory_space<hbm>> -> memref<100352x8xf32, #tpu.memory_space<hbm>>
      tpu.enqueue_indirect_dma source(%dma_start3A_226 : memref<100352x8xf32, #tpu.memory_space<hbm>>) target(%dma_start3A_220 : memref<128x8xf32, #tpu.memory_space<vmem>>) offsets(%dma_start3A_223 : memref<128xi32, #tpu.memory_space<vmem>>) semaphore(%arg12 : memref<!tpu.dma_semaphore, #tpu.memory_space<semaphore_mem>>)
      %dma_start3A_227 = arith.constant 2 : i32
      %dma_start3A_228 = arith.constant 2 : i32
      %dma_start3A_229 = arith.constant 0 : i32
      %dma_start3A_230 = arith.constant 0 : i32
      %dma_start3A_231 = tpu.memref_slice %arg10[%rem3A_178, %dma_start3A_228, %dma_start3A_229, %dma_start3A_230] : memref<4x8x128x8xf32, #tpu.memory_space<vmem>> -> memref<1x1x128x8xf32, #tpu.memory_space<vmem>>
      %dma_start3A_232 = tpu.memref_squeeze %dma_start3A_231 : memref<1x1x128x8xf32, #tpu.memory_space<vmem>> -> memref<128x8xf32, #tpu.memory_space<vmem>>
      %dma_start3A_233 = arith.constant 0 : i32
      %dma_start3A_234 = tpu.memref_slice %arg8[%rem3A_178, %dma_start3A_227, %dma_start3A_233] : memref<4x8x128xi32, #tpu.memory_space<vmem>> -> memref<1x1x128xi32, #tpu.memory_space<vmem>>
      %dma_start3A_235 = tpu.memref_squeeze %dma_start3A_234 : memref<1x1x128xi32, #tpu.memory_space<vmem>> -> memref<128xi32, #tpu.memory_space<vmem>>
      %dma_start3A_236 = arith.constant 0 : i32
      %dma_start3A_237 = arith.constant 0 : i32
      %dma_start3A_238 = tpu.memref_slice %arg4[%dma_start3A_236, %dma_start3A_237] : memref<100352x8xf32, #tpu.memory_space<hbm>> -> memref<100352x8xf32, #tpu.memory_space<hbm>>
      tpu.enqueue_indirect_dma source(%dma_start3A_238 : memref<100352x8xf32, #tpu.memory_space<hbm>>) target(%dma_start3A_232 : memref<128x8xf32, #tpu.memory_space<vmem>>) offsets(%dma_start3A_235 : memref<128xi32, #tpu.memory_space<vmem>>) semaphore(%arg12 : memref<!tpu.dma_semaphore, #tpu.memory_space<semaphore_mem>>)
      %dma_start3A_239 = arith.constant 3 : i32
      %dma_start3A_240 = arith.constant 3 : i32
      %dma_start3A_241 = arith.constant 0 : i32
      %dma_start3A_242 = arith.constant 0 : i32
      %dma_start3A_243 = tpu.memref_slice %arg10[%rem3A_178, %dma_start3A_240, %dma_start3A_241, %dma_start3A_242] : memref<4x8x128x8xf32, #tpu.memory_space<vmem>> -> memref<1x1x128x8xf32, #tpu.memory_space<vmem>>
      %dma_start3A_244 = tpu.memref_squeeze %dma_start3A_243 : memref<1x1x128x8xf32, #tpu.memory_space<vmem>> -> memref<128x8xf32, #tpu.memory_space<vmem>>
      %dma_start3A_245 = arith.constant 0 : i32
      %dma_start3A_246 = tpu.memref_slice %arg8[%rem3A_178, %dma_start3A_239, %dma_start3A_245] : memref<4x8x128xi32, #tpu.memory_space<vmem>> -> memref<1x1x128xi32, #tpu.memory_space<vmem>>
      %dma_start3A_247 = tpu.memref_squeeze %dma_start3A_246 : memref<1x1x128xi32, #tpu.memory_space<vmem>> -> memref<128xi32, #tpu.memory_space<vmem>>
      %dma_start3A_248 = arith.constant 0 : i32
      %dma_start3A_249 = arith.constant 0 : i32
      %dma_start3A_250 = tpu.memref_slice %arg4[%dma_start3A_248, %dma_start3A_249] : memref<100352x8xf32, #tpu.memory_space<hbm>> -> memref<100352x8xf32, #tpu.memory_space<hbm>>
      tpu.enqueue_indirect_dma source(%dma_start3A_250 : memref<100352x8xf32, #tpu.memory_space<hbm>>) target(%dma_start3A_244 : memref<128x8xf32, #tpu.memory_space<vmem>>) offsets(%dma_start3A_247 : memref<128xi32, #tpu.memory_space<vmem>>) semaphore(%arg12 : memref<!tpu.dma_semaphore, #tpu.memory_space<semaphore_mem>>)
      %dma_start3A_251 = arith.constant 4 : i32
      %dma_start3A_252 = arith.constant 4 : i32
      %dma_start3A_253 = arith.constant 0 : i32
      %dma_start3A_254 = arith.constant 0 : i32
      %dma_start3A_255 = tpu.memref_slice %arg10[%rem3A_178, %dma_start3A_252, %dma_start3A_253, %dma_start3A_254] : memref<4x8x128x8xf32, #tpu.memory_space<vmem>> -> memref<1x1x128x8xf32, #tpu.memory_space<vmem>>
      %dma_start3A_256 = tpu.memref_squeeze %dma_start3A_255 : memref<1x1x128x8xf32, #tpu.memory_space<vmem>> -> memref<128x8xf32, #tpu.memory_space<vmem>>
      %dma_start3A_257 = arith.constant 0 : i32
      %dma_start3A_258 = tpu.memref_slice %arg8[%rem3A_178, %dma_start3A_251, %dma_start3A_257] : memref<4x8x128xi32, #tpu.memory_space<vmem>> -> memref<1x1x128xi32, #tpu.memory_space<vmem>>
      %dma_start3A_259 = tpu.memref_squeeze %dma_start3A_258 : memref<1x1x128xi32, #tpu.memory_space<vmem>> -> memref<128xi32, #tpu.memory_space<vmem>>
      %dma_start3A_260 = arith.constant 0 : i32
      %dma_start3A_261 = arith.constant 0 : i32
      %dma_start3A_262 = tpu.memref_slice %arg4[%dma_start3A_260, %dma_start3A_261] : memref<100352x8xf32, #tpu.memory_space<hbm>> -> memref<100352x8xf32, #tpu.memory_space<hbm>>
      tpu.enqueue_indirect_dma source(%dma_start3A_262 : memref<100352x8xf32, #tpu.memory_space<hbm>>) target(%dma_start3A_256 : memref<128x8xf32, #tpu.memory_space<vmem>>) offsets(%dma_start3A_259 : memref<128xi32, #tpu.memory_space<vmem>>) semaphore(%arg12 : memref<!tpu.dma_semaphore, #tpu.memory_space<semaphore_mem>>)
      %dma_start3A_263 = arith.constant 5 : i32
      %dma_start3A_264 = arith.constant 5 : i32
      %dma_start3A_265 = arith.constant 0 : i32
      %dma_start3A_266 = arith.constant 0 : i32
      %dma_start3A_267 = tpu.memref_slice %arg10[%rem3A_178, %dma_start3A_264, %dma_start3A_265, %dma_start3A_266] : memref<4x8x128x8xf32, #tpu.memory_space<vmem>> -> memref<1x1x128x8xf32, #tpu.memory_space<vmem>>
      %dma_start3A_268 = tpu.memref_squeeze %dma_start3A_267 : memref<1x1x128x8xf32, #tpu.memory_space<vmem>> -> memref<128x8xf32, #tpu.memory_space<vmem>>
      %dma_start3A_269 = arith.constant 0 : i32
      %dma_start3A_270 = tpu.memref_slice %arg8[%rem3A_178, %dma_start3A_263, %dma_start3A_269] : memref<4x8x128xi32, #tpu.memory_space<vmem>> -> memref<1x1x128xi32, #tpu.memory_space<vmem>>
      %dma_start3A_271 = tpu.memref_squeeze %dma_start3A_270 : memref<1x1x128xi32, #tpu.memory_space<vmem>> -> memref<128xi32, #tpu.memory_space<vmem>>
      %dma_start3A_272 = arith.constant 0 : i32
      %dma_start3A_273 = arith.constant 0 : i32
      %dma_start3A_274 = tpu.memref_slice %arg4[%dma_start3A_272, %dma_start3A_273] : memref<100352x8xf32, #tpu.memory_space<hbm>> -> memref<100352x8xf32, #tpu.memory_space<hbm>>
      tpu.enqueue_indirect_dma source(%dma_start3A_274 : memref<100352x8xf32, #tpu.memory_space<hbm>>) target(%dma_start3A_268 : memref<128x8xf32, #tpu.memory_space<vmem>>) offsets(%dma_start3A_271 : memref<128xi32, #tpu.memory_space<vmem>>) semaphore(%arg12 : memref<!tpu.dma_semaphore, #tpu.memory_space<semaphore_mem>>)
      %dma_start3A_275 = arith.constant 6 : i32
      %dma_start3A_276 = arith.constant 6 : i32
      %dma_start3A_277 = arith.constant 0 : i32
      %dma_start3A_278 = arith.constant 0 : i32
      %dma_start3A_279 = tpu.memref_slice %arg10[%rem3A_178, %dma_start3A_276, %dma_start3A_277, %dma_start3A_278] : memref<4x8x128x8xf32, #tpu.memory_space<vmem>> -> memref<1x1x128x8xf32, #tpu.memory_space<vmem>>
      %dma_start3A_280 = tpu.memref_squeeze %dma_start3A_279 : memref<1x1x128x8xf32, #tpu.memory_space<vmem>> -> memref<128x8xf32, #tpu.memory_space<vmem>>
      %dma_start3A_281 = arith.constant 0 : i32
      %dma_start3A_282 = tpu.memref_slice %arg8[%rem3A_178, %dma_start3A_275, %dma_start3A_281] : memref<4x8x128xi32, #tpu.memory_space<vmem>> -> memref<1x1x128xi32, #tpu.memory_space<vmem>>
      %dma_start3A_283 = tpu.memref_squeeze %dma_start3A_282 : memref<1x1x128xi32, #tpu.memory_space<vmem>> -> memref<128xi32, #tpu.memory_space<vmem>>
      %dma_start3A_284 = arith.constant 0 : i32
      %dma_start3A_285 = arith.constant 0 : i32
      %dma_start3A_286 = tpu.memref_slice %arg4[%dma_start3A_284, %dma_start3A_285] : memref<100352x8xf32, #tpu.memory_space<hbm>> -> memref<100352x8xf32, #tpu.memory_space<hbm>>
      tpu.enqueue_indirect_dma source(%dma_start3A_286 : memref<100352x8xf32, #tpu.memory_space<hbm>>) target(%dma_start3A_280 : memref<128x8xf32, #tpu.memory_space<vmem>>) offsets(%dma_start3A_283 : memref<128xi32, #tpu.memory_space<vmem>>) semaphore(%arg12 : memref<!tpu.dma_semaphore, #tpu.memory_space<semaphore_mem>>)
      %dma_start3A_287 = arith.constant 7 : i32
      %dma_start3A_288 = arith.constant 7 : i32
      %dma_start3A_289 = arith.constant 0 : i32
      %dma_start3A_290 = arith.constant 0 : i32
      %dma_start3A_291 = tpu.memref_slice %arg10[%rem3A_178, %dma_start3A_288, %dma_start3A_289, %dma_start3A_290] : memref<4x8x128x8xf32, #tpu.memory_space<vmem>> -> memref<1x1x128x8xf32, #tpu.memory_space<vmem>>
      %dma_start3A_292 = tpu.memref_squeeze %dma_start3A_291 : memref<1x1x128x8xf32, #tpu.memory_space<vmem>> -> memref<128x8xf32, #tpu.memory_space<vmem>>
      %dma_start3A_293 = arith.constant 0 : i32
      %dma_start3A_294 = tpu.memref_slice %arg8[%rem3A_178, %dma_start3A_287, %dma_start3A_293] : memref<4x8x128xi32, #tpu.memory_space<vmem>> -> memref<1x1x128xi32, #tpu.memory_space<vmem>>
      %dma_start3A_295 = tpu.memref_squeeze %dma_start3A_294 : memref<1x1x128xi32, #tpu.memory_space<vmem>> -> memref<128xi32, #tpu.memory_space<vmem>>
      %dma_start3A_296 = arith.constant 0 : i32
      %dma_start3A_297 = arith.constant 0 : i32
      %dma_start3A_298 = tpu.memref_slice %arg4[%dma_start3A_296, %dma_start3A_297] : memref<100352x8xf32, #tpu.memory_space<hbm>> -> memref<100352x8xf32, #tpu.memory_space<hbm>>
      tpu.enqueue_indirect_dma source(%dma_start3A_298 : memref<100352x8xf32, #tpu.memory_space<hbm>>) target(%dma_start3A_292 : memref<128x8xf32, #tpu.memory_space<vmem>>) offsets(%dma_start3A_295 : memref<128xi32, #tpu.memory_space<vmem>>) semaphore(%arg12 : memref<!tpu.dma_semaphore, #tpu.memory_space<semaphore_mem>>)
      %dma_wait3A_299 = arith.constant 0 : i32
      %dma_wait3A_300 = arith.constant 0 : i32
      %dma_wait3A_301 = arith.constant 0 : i32
      %dma_wait3A_302 = arith.constant 0 : i32
      %dma_wait3A_303 = tpu.memref_slice %arg10[%rem3A_178, %dma_wait3A_300, %dma_wait3A_301, %dma_wait3A_302] : memref<4x8x128x8xf32, #tpu.memory_space<vmem>> -> memref<1x1x128x8xf32, #tpu.memory_space<vmem>>
      %dma_wait3A_304 = tpu.memref_squeeze %dma_wait3A_303 : memref<1x1x128x8xf32, #tpu.memory_space<vmem>> -> memref<128x8xf32, #tpu.memory_space<vmem>>
      %dma_wait3A_305 = arith.constant 0 : i32
      %dma_wait3A_306 = tpu.memref_slice %arg8[%rem3A_178, %dma_wait3A_299, %dma_wait3A_305] : memref<4x8x128xi32, #tpu.memory_space<vmem>> -> memref<1x1x128xi32, #tpu.memory_space<vmem>>
      %dma_wait3A_307 = tpu.memref_squeeze %dma_wait3A_306 : memref<1x1x128xi32, #tpu.memory_space<vmem>> -> memref<128xi32, #tpu.memory_space<vmem>>
      %dma_wait3A_308 = arith.constant 0 : i32
      %dma_wait3A_309 = arith.constant 0 : i32
      %dma_wait3A_310 = tpu.memref_slice %arg4[%dma_wait3A_308, %dma_wait3A_309] : memref<100352x8xf32, #tpu.memory_space<hbm>> -> memref<100352x8xf32, #tpu.memory_space<hbm>>
      tpu.wait_indirect_dma semaphore(%arg12 : memref<!tpu.dma_semaphore, #tpu.memory_space<semaphore_mem>>) src(%dma_wait3A_310 : memref<100352x8xf32, #tpu.memory_space<hbm>>) dst(%dma_wait3A_304 : memref<128x8xf32, #tpu.memory_space<vmem>>)
      %dma_start3A_311 = arith.constant 0 : i32
      %dma_start3A_312 = arith.constant 0 : i32
      %dma_start3A_313 = arith.constant 0 : i32
      %dma_start3A_314 = arith.constant 0 : i32
      %dma_start3A_315 = tpu.memref_slice %arg10[%rem3A_178, %dma_start3A_311, %dma_start3A_313, %dma_start3A_314] : memref<4x8x128x8xf32, #tpu.memory_space<vmem>> -> memref<1x1x128x8xf32, #tpu.memory_space<vmem>>
      %dma_start3A_316 = tpu.memref_squeeze %dma_start3A_315 : memref<1x1x128x8xf32, #tpu.memory_space<vmem>> -> memref<128x8xf32, #tpu.memory_space<vmem>>
      %dma_start3A_317 = arith.constant 0 : i32
      %dma_start3A_318 = tpu.memref_slice %arg9[%rem3A_178, %dma_start3A_312, %dma_start3A_317] : memref<4x8x128xi32, #tpu.memory_space<vmem>> -> memref<1x1x128xi32, #tpu.memory_space<vmem>>
      %dma_start3A_319 = tpu.memref_squeeze %dma_start3A_318 : memref<1x1x128xi32, #tpu.memory_space<vmem>> -> memref<128xi32, #tpu.memory_space<vmem>>
      %dma_start3A_320 = arith.constant 0 : i32
      %dma_start3A_321 = arith.constant 0 : i32
      %dma_start3A_322 = tpu.memref_slice %arg7[%dma_start3A_320, %dma_start3A_321] : memref<100352x8xf32, #tpu.memory_space<vmem_shared>> -> memref<100352x8xf32, #tpu.memory_space<vmem_shared>>
      tpu.enqueue_indirect_dma source(%dma_start3A_316 : memref<128x8xf32, #tpu.memory_space<vmem>>) target(%dma_start3A_322 : memref<100352x8xf32, #tpu.memory_space<vmem_shared>>) offsets(%dma_start3A_319 : memref<128xi32, #tpu.memory_space<vmem>>) semaphore(%arg13 : memref<!tpu.dma_semaphore, #tpu.memory_space<semaphore_mem>>) {add = true}
      %dma_wait3A_323 = arith.constant 1 : i32
      %dma_wait3A_324 = arith.constant 1 : i32
      %dma_wait3A_325 = arith.constant 0 : i32
      %dma_wait3A_326 = arith.constant 0 : i32
      %dma_wait3A_327 = tpu.memref_slice %arg10[%rem3A_178, %dma_wait3A_324, %dma_wait3A_325, %dma_wait3A_326] : memref<4x8x128x8xf32, #tpu.memory_space<vmem>> -> memref<1x1x128x8xf32, #tpu.memory_space<vmem>>
      %dma_wait3A_328 = tpu.memref_squeeze %dma_wait3A_327 : memref<1x1x128x8xf32, #tpu.memory_space<vmem>> -> memref<128x8xf32, #tpu.memory_space<vmem>>
      %dma_wait3A_329 = arith.constant 0 : i32
      %dma_wait3A_330 = tpu.memref_slice %arg8[%rem3A_178, %dma_wait3A_323, %dma_wait3A_329] : memref<4x8x128xi32, #tpu.memory_space<vmem>> -> memref<1x1x128xi32, #tpu.memory_space<vmem>>
      %dma_wait3A_331 = tpu.memref_squeeze %dma_wait3A_330 : memref<1x1x128xi32, #tpu.memory_space<vmem>> -> memref<128xi32, #tpu.memory_space<vmem>>
      %dma_wait3A_332 = arith.constant 0 : i32
      %dma_wait3A_333 = arith.constant 0 : i32
      %dma_wait3A_334 = tpu.memref_slice %arg4[%dma_wait3A_332, %dma_wait3A_333] : memref<100352x8xf32, #tpu.memory_space<hbm>> -> memref<100352x8xf32, #tpu.memory_space<hbm>>
      tpu.wait_indirect_dma semaphore(%arg12 : memref<!tpu.dma_semaphore, #tpu.memory_space<semaphore_mem>>) src(%dma_wait3A_334 : memref<100352x8xf32, #tpu.memory_space<hbm>>) dst(%dma_wait3A_328 : memref<128x8xf32, #tpu.memory_space<vmem>>)
      %dma_start3A_335 = arith.constant 1 : i32
      %dma_start3A_336 = arith.constant 1 : i32
      %dma_start3A_337 = arith.constant 0 : i32
      %dma_start3A_338 = arith.constant 0 : i32
      %dma_start3A_339 = tpu.memref_slice %arg10[%rem3A_178, %dma_start3A_335, %dma_start3A_337, %dma_start3A_338] : memref<4x8x128x8xf32, #tpu.memory_space<vmem>> -> memref<1x1x128x8xf32, #tpu.memory_space<vmem>>
      %dma_start3A_340 = tpu.memref_squeeze %dma_start3A_339 : memref<1x1x128x8xf32, #tpu.memory_space<vmem>> -> memref<128x8xf32, #tpu.memory_space<vmem>>
      %dma_start3A_341 = arith.constant 0 : i32
      %dma_start3A_342 = tpu.memref_slice %arg9[%rem3A_178, %dma_start3A_336, %dma_start3A_341] : memref<4x8x128xi32, #tpu.memory_space<vmem>> -> memref<1x1x128xi32, #tpu.memory_space<vmem>>
      %dma_start3A_343 = tpu.memref_squeeze %dma_start3A_342 : memref<1x1x128xi32, #tpu.memory_space<vmem>> -> memref<128xi32, #tpu.memory_space<vmem>>
      %dma_start3A_344 = arith.constant 0 : i32
      %dma_start3A_345 = arith.constant 0 : i32
      %dma_start3A_346 = tpu.memref_slice %arg7[%dma_start3A_344, %dma_start3A_345] : memref<100352x8xf32, #tpu.memory_space<vmem_shared>> -> memref<100352x8xf32, #tpu.memory_space<vmem_shared>>
      tpu.enqueue_indirect_dma source(%dma_start3A_340 : memref<128x8xf32, #tpu.memory_space<vmem>>) target(%dma_start3A_346 : memref<100352x8xf32, #tpu.memory_space<vmem_shared>>) offsets(%dma_start3A_343 : memref<128xi32, #tpu.memory_space<vmem>>) semaphore(%arg13 : memref<!tpu.dma_semaphore, #tpu.memory_space<semaphore_mem>>) {add = true}
      %dma_wait3A_347 = arith.constant 2 : i32
      %dma_wait3A_348 = arith.constant 2 : i32
      %dma_wait3A_349 = arith.constant 0 : i32
      %dma_wait3A_350 = arith.constant 0 : i32
      %dma_wait3A_351 = tpu.memref_slice %arg10[%rem3A_178, %dma_wait3A_348, %dma_wait3A_349, %dma_wait3A_350] : memref<4x8x128x8xf32, #tpu.memory_space<vmem>> -> memref<1x1x128x8xf32, #tpu.memory_space<vmem>>
      %dma_wait3A_352 = tpu.memref_squeeze %dma_wait3A_351 : memref<1x1x128x8xf32, #tpu.memory_space<vmem>> -> memref<128x8xf32, #tpu.memory_space<vmem>>
      %dma_wait3A_353 = arith.constant 0 : i32
      %dma_wait3A_354 = tpu.memref_slice %arg8[%rem3A_178, %dma_wait3A_347, %dma_wait3A_353] : memref<4x8x128xi32, #tpu.memory_space<vmem>> -> memref<1x1x128xi32, #tpu.memory_space<vmem>>
      %dma_wait3A_355 = tpu.memref_squeeze %dma_wait3A_354 : memref<1x1x128xi32, #tpu.memory_space<vmem>> -> memref<128xi32, #tpu.memory_space<vmem>>
      %dma_wait3A_356 = arith.constant 0 : i32
      %dma_wait3A_357 = arith.constant 0 : i32
      %dma_wait3A_358 = tpu.memref_slice %arg4[%dma_wait3A_356, %dma_wait3A_357] : memref<100352x8xf32, #tpu.memory_space<hbm>> -> memref<100352x8xf32, #tpu.memory_space<hbm>>
      tpu.wait_indirect_dma semaphore(%arg12 : memref<!tpu.dma_semaphore, #tpu.memory_space<semaphore_mem>>) src(%dma_wait3A_358 : memref<100352x8xf32, #tpu.memory_space<hbm>>) dst(%dma_wait3A_352 : memref<128x8xf32, #tpu.memory_space<vmem>>)
      %dma_start3A_359 = arith.constant 2 : i32
      %dma_start3A_360 = arith.constant 2 : i32
      %dma_start3A_361 = arith.constant 0 : i32
      %dma_start3A_362 = arith.constant 0 : i32
      %dma_start3A_363 = tpu.memref_slice %arg10[%rem3A_178, %dma_start3A_359, %dma_start3A_361, %dma_start3A_362] : memref<4x8x128x8xf32, #tpu.memory_space<vmem>> -> memref<1x1x128x8xf32, #tpu.memory_space<vmem>>
      %dma_start3A_364 = tpu.memref_squeeze %dma_start3A_363 : memref<1x1x128x8xf32, #tpu.memory_space<vmem>> -> memref<128x8xf32, #tpu.memory_space<vmem>>
      %dma_start3A_365 = arith.constant 0 : i32
      %dma_start3A_366 = tpu.memref_slice %arg9[%rem3A_178, %dma_start3A_360, %dma_start3A_365] : memref<4x8x128xi32, #tpu.memory_space<vmem>> -> memref<1x1x128xi32, #tpu.memory_space<vmem>>
      %dma_start3A_367 = tpu.memref_squeeze %dma_start3A_366 : memref<1x1x128xi32, #tpu.memory_space<vmem>> -> memref<128xi32, #tpu.memory_space<vmem>>
      %dma_start3A_368 = arith.constant 0 : i32
      %dma_start3A_369 = arith.constant 0 : i32
      %dma_start3A_370 = tpu.memref_slice %arg7[%dma_start3A_368, %dma_start3A_369] : memref<100352x8xf32, #tpu.memory_space<vmem_shared>> -> memref<100352x8xf32, #tpu.memory_space<vmem_shared>>
      tpu.enqueue_indirect_dma source(%dma_start3A_364 : memref<128x8xf32, #tpu.memory_space<vmem>>) target(%dma_start3A_370 : memref<100352x8xf32, #tpu.memory_space<vmem_shared>>) offsets(%dma_start3A_367 : memref<128xi32, #tpu.memory_space<vmem>>) semaphore(%arg13 : memref<!tpu.dma_semaphore, #tpu.memory_space<semaphore_mem>>) {add = true}
      %dma_wait3A_371 = arith.constant 3 : i32
      %dma_wait3A_372 = arith.constant 3 : i32
      %dma_wait3A_373 = arith.constant 0 : i32
      %dma_wait3A_374 = arith.constant 0 : i32
      %dma_wait3A_375 = tpu.memref_slice %arg10[%rem3A_178, %dma_wait3A_372, %dma_wait3A_373, %dma_wait3A_374] : memref<4x8x128x8xf32, #tpu.memory_space<vmem>> -> memref<1x1x128x8xf32, #tpu.memory_space<vmem>>
      %dma_wait3A_376 = tpu.memref_squeeze %dma_wait3A_375 : memref<1x1x128x8xf32, #tpu.memory_space<vmem>> -> memref<128x8xf32, #tpu.memory_space<vmem>>
      %dma_wait3A_377 = arith.constant 0 : i32
      %dma_wait3A_378 = tpu.memref_slice %arg8[%rem3A_178, %dma_wait3A_371, %dma_wait3A_377] : memref<4x8x128xi32, #tpu.memory_space<vmem>> -> memref<1x1x128xi32, #tpu.memory_space<vmem>>
      %dma_wait3A_379 = tpu.memref_squeeze %dma_wait3A_378 : memref<1x1x128xi32, #tpu.memory_space<vmem>> -> memref<128xi32, #tpu.memory_space<vmem>>
      %dma_wait3A_380 = arith.constant 0 : i32
      %dma_wait3A_381 = arith.constant 0 : i32
      %dma_wait3A_382 = tpu.memref_slice %arg4[%dma_wait3A_380, %dma_wait3A_381] : memref<100352x8xf32, #tpu.memory_space<hbm>> -> memref<100352x8xf32, #tpu.memory_space<hbm>>
      tpu.wait_indirect_dma semaphore(%arg12 : memref<!tpu.dma_semaphore, #tpu.memory_space<semaphore_mem>>) src(%dma_wait3A_382 : memref<100352x8xf32, #tpu.memory_space<hbm>>) dst(%dma_wait3A_376 : memref<128x8xf32, #tpu.memory_space<vmem>>)
      %dma_start3A_383 = arith.constant 3 : i32
      %dma_start3A_384 = arith.constant 3 : i32
      %dma_start3A_385 = arith.constant 0 : i32
      %dma_start3A_386 = arith.constant 0 : i32
      %dma_start3A_387 = tpu.memref_slice %arg10[%rem3A_178, %dma_start3A_383, %dma_start3A_385, %dma_start3A_386] : memref<4x8x128x8xf32, #tpu.memory_space<vmem>> -> memref<1x1x128x8xf32, #tpu.memory_space<vmem>>
      %dma_start3A_388 = tpu.memref_squeeze %dma_start3A_387 : memref<1x1x128x8xf32, #tpu.memory_space<vmem>> -> memref<128x8xf32, #tpu.memory_space<vmem>>
      %dma_start3A_389 = arith.constant 0 : i32
      %dma_start3A_390 = tpu.memref_slice %arg9[%rem3A_178, %dma_start3A_384, %dma_start3A_389] : memref<4x8x128xi32, #tpu.memory_space<vmem>> -> memref<1x1x128xi32, #tpu.memory_space<vmem>>
      %dma_start3A_391 = tpu.memref_squeeze %dma_start3A_390 : memref<1x1x128xi32, #tpu.memory_space<vmem>> -> memref<128xi32, #tpu.memory_space<vmem>>
      %dma_start3A_392 = arith.constant 0 : i32
      %dma_start3A_393 = arith.constant 0 : i32
      %dma_start3A_394 = tpu.memref_slice %arg7[%dma_start3A_392, %dma_start3A_393] : memref<100352x8xf32, #tpu.memory_space<vmem_shared>> -> memref<100352x8xf32, #tpu.memory_space<vmem_shared>>
      tpu.enqueue_indirect_dma source(%dma_start3A_388 : memref<128x8xf32, #tpu.memory_space<vmem>>) target(%dma_start3A_394 : memref<100352x8xf32, #tpu.memory_space<vmem_shared>>) offsets(%dma_start3A_391 : memref<128xi32, #tpu.memory_space<vmem>>) semaphore(%arg13 : memref<!tpu.dma_semaphore, #tpu.memory_space<semaphore_mem>>) {add = true}
      %dma_wait3A_395 = arith.constant 4 : i32
      %dma_wait3A_396 = arith.constant 4 : i32
      %dma_wait3A_397 = arith.constant 0 : i32
      %dma_wait3A_398 = arith.constant 0 : i32
      %dma_wait3A_399 = tpu.memref_slice %arg10[%rem3A_178, %dma_wait3A_396, %dma_wait3A_397, %dma_wait3A_398] : memref<4x8x128x8xf32, #tpu.memory_space<vmem>> -> memref<1x1x128x8xf32, #tpu.memory_space<vmem>>
      %dma_wait3A_400 = tpu.memref_squeeze %dma_wait3A_399 : memref<1x1x128x8xf32, #tpu.memory_space<vmem>> -> memref<128x8xf32, #tpu.memory_space<vmem>>
      %dma_wait3A_401 = arith.constant 0 : i32
      %dma_wait3A_402 = tpu.memref_slice %arg8[%rem3A_178, %dma_wait3A_395, %dma_wait3A_401] : memref<4x8x128xi32, #tpu.memory_space<vmem>> -> memref<1x1x128xi32, #tpu.memory_space<vmem>>
      %dma_wait3A_403 = tpu.memref_squeeze %dma_wait3A_402 : memref<1x1x128xi32, #tpu.memory_space<vmem>> -> memref<128xi32, #tpu.memory_space<vmem>>
      %dma_wait3A_404 = arith.constant 0 : i32
      %dma_wait3A_405 = arith.constant 0 : i32
      %dma_wait3A_406 = tpu.memref_slice %arg4[%dma_wait3A_404, %dma_wait3A_405] : memref<100352x8xf32, #tpu.memory_space<hbm>> -> memref<100352x8xf32, #tpu.memory_space<hbm>>
      tpu.wait_indirect_dma semaphore(%arg12 : memref<!tpu.dma_semaphore, #tpu.memory_space<semaphore_mem>>) src(%dma_wait3A_406 : memref<100352x8xf32, #tpu.memory_space<hbm>>) dst(%dma_wait3A_400 : memref<128x8xf32, #tpu.memory_space<vmem>>)
      %dma_start3A_407 = arith.constant 4 : i32
      %dma_start3A_408 = arith.constant 4 : i32
      %dma_start3A_409 = arith.constant 0 : i32
      %dma_start3A_410 = arith.constant 0 : i32
      %dma_start3A_411 = tpu.memref_slice %arg10[%rem3A_178, %dma_start3A_407, %dma_start3A_409, %dma_start3A_410] : memref<4x8x128x8xf32, #tpu.memory_space<vmem>> -> memref<1x1x128x8xf32, #tpu.memory_space<vmem>>
      %dma_start3A_412 = tpu.memref_squeeze %dma_start3A_411 : memref<1x1x128x8xf32, #tpu.memory_space<vmem>> -> memref<128x8xf32, #tpu.memory_space<vmem>>
      %dma_start3A_413 = arith.constant 0 : i32
      %dma_start3A_414 = tpu.memref_slice %arg9[%rem3A_178, %dma_start3A_408, %dma_start3A_413] : memref<4x8x128xi32, #tpu.memory_space<vmem>> -> memref<1x1x128xi32, #tpu.memory_space<vmem>>
      %dma_start3A_415 = tpu.memref_squeeze %dma_start3A_414 : memref<1x1x128xi32, #tpu.memory_space<vmem>> -> memref<128xi32, #tpu.memory_space<vmem>>
      %dma_start3A_416 = arith.constant 0 : i32
      %dma_start3A_417 = arith.constant 0 : i32
      %dma_start3A_418 = tpu.memref_slice %arg7[%dma_start3A_416, %dma_start3A_417] : memref<100352x8xf32, #tpu.memory_space<vmem_shared>> -> memref<100352x8xf32, #tpu.memory_space<vmem_shared>>
      tpu.enqueue_indirect_dma source(%dma_start3A_412 : memref<128x8xf32, #tpu.memory_space<vmem>>) target(%dma_start3A_418 : memref<100352x8xf32, #tpu.memory_space<vmem_shared>>) offsets(%dma_start3A_415 : memref<128xi32, #tpu.memory_space<vmem>>) semaphore(%arg13 : memref<!tpu.dma_semaphore, #tpu.memory_space<semaphore_mem>>) {add = true}
      %dma_wait3A_419 = arith.constant 5 : i32
      %dma_wait3A_420 = arith.constant 5 : i32
      %dma_wait3A_421 = arith.constant 0 : i32
      %dma_wait3A_422 = arith.constant 0 : i32
      %dma_wait3A_423 = tpu.memref_slice %arg10[%rem3A_178, %dma_wait3A_420, %dma_wait3A_421, %dma_wait3A_422] : memref<4x8x128x8xf32, #tpu.memory_space<vmem>> -> memref<1x1x128x8xf32, #tpu.memory_space<vmem>>
      %dma_wait3A_424 = tpu.memref_squeeze %dma_wait3A_423 : memref<1x1x128x8xf32, #tpu.memory_space<vmem>> -> memref<128x8xf32, #tpu.memory_space<vmem>>
      %dma_wait3A_425 = arith.constant 0 : i32
      %dma_wait3A_426 = tpu.memref_slice %arg8[%rem3A_178, %dma_wait3A_419, %dma_wait3A_425] : memref<4x8x128xi32, #tpu.memory_space<vmem>> -> memref<1x1x128xi32, #tpu.memory_space<vmem>>
      %dma_wait3A_427 = tpu.memref_squeeze %dma_wait3A_426 : memref<1x1x128xi32, #tpu.memory_space<vmem>> -> memref<128xi32, #tpu.memory_space<vmem>>
      %dma_wait3A_428 = arith.constant 0 : i32
      %dma_wait3A_429 = arith.constant 0 : i32
      %dma_wait3A_430 = tpu.memref_slice %arg4[%dma_wait3A_428, %dma_wait3A_429] : memref<100352x8xf32, #tpu.memory_space<hbm>> -> memref<100352x8xf32, #tpu.memory_space<hbm>>
      tpu.wait_indirect_dma semaphore(%arg12 : memref<!tpu.dma_semaphore, #tpu.memory_space<semaphore_mem>>) src(%dma_wait3A_430 : memref<100352x8xf32, #tpu.memory_space<hbm>>) dst(%dma_wait3A_424 : memref<128x8xf32, #tpu.memory_space<vmem>>)
      %dma_start3A_431 = arith.constant 5 : i32
      %dma_start3A_432 = arith.constant 5 : i32
      %dma_start3A_433 = arith.constant 0 : i32
      %dma_start3A_434 = arith.constant 0 : i32
      %dma_start3A_435 = tpu.memref_slice %arg10[%rem3A_178, %dma_start3A_431, %dma_start3A_433, %dma_start3A_434] : memref<4x8x128x8xf32, #tpu.memory_space<vmem>> -> memref<1x1x128x8xf32, #tpu.memory_space<vmem>>
      %dma_start3A_436 = tpu.memref_squeeze %dma_start3A_435 : memref<1x1x128x8xf32, #tpu.memory_space<vmem>> -> memref<128x8xf32, #tpu.memory_space<vmem>>
      %dma_start3A_437 = arith.constant 0 : i32
      %dma_start3A_438 = tpu.memref_slice %arg9[%rem3A_178, %dma_start3A_432, %dma_start3A_437] : memref<4x8x128xi32, #tpu.memory_space<vmem>> -> memref<1x1x128xi32, #tpu.memory_space<vmem>>
      %dma_start3A_439 = tpu.memref_squeeze %dma_start3A_438 : memref<1x1x128xi32, #tpu.memory_space<vmem>> -> memref<128xi32, #tpu.memory_space<vmem>>
      %dma_start3A_440 = arith.constant 0 : i32
      %dma_start3A_441 = arith.constant 0 : i32
      %dma_start3A_442 = tpu.memref_slice %arg7[%dma_start3A_440, %dma_start3A_441] : memref<100352x8xf32, #tpu.memory_space<vmem_shared>> -> memref<100352x8xf32, #tpu.memory_space<vmem_shared>>
      tpu.enqueue_indirect_dma source(%dma_start3A_436 : memref<128x8xf32, #tpu.memory_space<vmem>>) target(%dma_start3A_442 : memref<100352x8xf32, #tpu.memory_space<vmem_shared>>) offsets(%dma_start3A_439 : memref<128xi32, #tpu.memory_space<vmem>>) semaphore(%arg13 : memref<!tpu.dma_semaphore, #tpu.memory_space<semaphore_mem>>) {add = true}
      %dma_wait3A_443 = arith.constant 6 : i32
      %dma_wait3A_444 = arith.constant 6 : i32
      %dma_wait3A_445 = arith.constant 0 : i32
      %dma_wait3A_446 = arith.constant 0 : i32
      %dma_wait3A_447 = tpu.memref_slice %arg10[%rem3A_178, %dma_wait3A_444, %dma_wait3A_445, %dma_wait3A_446] : memref<4x8x128x8xf32, #tpu.memory_space<vmem>> -> memref<1x1x128x8xf32, #tpu.memory_space<vmem>>
      %dma_wait3A_448 = tpu.memref_squeeze %dma_wait3A_447 : memref<1x1x128x8xf32, #tpu.memory_space<vmem>> -> memref<128x8xf32, #tpu.memory_space<vmem>>
      %dma_wait3A_449 = arith.constant 0 : i32
      %dma_wait3A_450 = tpu.memref_slice %arg8[%rem3A_178, %dma_wait3A_443, %dma_wait3A_449] : memref<4x8x128xi32, #tpu.memory_space<vmem>> -> memref<1x1x128xi32, #tpu.memory_space<vmem>>
      %dma_wait3A_451 = tpu.memref_squeeze %dma_wait3A_450 : memref<1x1x128xi32, #tpu.memory_space<vmem>> -> memref<128xi32, #tpu.memory_space<vmem>>
      %dma_wait3A_452 = arith.constant 0 : i32
      %dma_wait3A_453 = arith.constant 0 : i32
      %dma_wait3A_454 = tpu.memref_slice %arg4[%dma_wait3A_452, %dma_wait3A_453] : memref<100352x8xf32, #tpu.memory_space<hbm>> -> memref<100352x8xf32, #tpu.memory_space<hbm>>
      tpu.wait_indirect_dma semaphore(%arg12 : memref<!tpu.dma_semaphore, #tpu.memory_space<semaphore_mem>>) src(%dma_wait3A_454 : memref<100352x8xf32, #tpu.memory_space<hbm>>) dst(%dma_wait3A_448 : memref<128x8xf32, #tpu.memory_space<vmem>>)
      %dma_start3A_455 = arith.constant 6 : i32
      %dma_start3A_456 = arith.constant 6 : i32
      %dma_start3A_457 = arith.constant 0 : i32
      %dma_start3A_458 = arith.constant 0 : i32
      %dma_start3A_459 = tpu.memref_slice %arg10[%rem3A_178, %dma_start3A_455, %dma_start3A_457, %dma_start3A_458] : memref<4x8x128x8xf32, #tpu.memory_space<vmem>> -> memref<1x1x128x8xf32, #tpu.memory_space<vmem>>
      %dma_start3A_460 = tpu.memref_squeeze %dma_start3A_459 : memref<1x1x128x8xf32, #tpu.memory_space<vmem>> -> memref<128x8xf32, #tpu.memory_space<vmem>>
      %dma_start3A_461 = arith.constant 0 : i32
      %dma_start3A_462 = tpu.memref_slice %arg9[%rem3A_178, %dma_start3A_456, %dma_start3A_461] : memref<4x8x128xi32, #tpu.memory_space<vmem>> -> memref<1x1x128xi32, #tpu.memory_space<vmem>>
      %dma_start3A_463 = tpu.memref_squeeze %dma_start3A_462 : memref<1x1x128xi32, #tpu.memory_space<vmem>> -> memref<128xi32, #tpu.memory_space<vmem>>
      %dma_start3A_464 = arith.constant 0 : i32
      %dma_start3A_465 = arith.constant 0 : i32
      %dma_start3A_466 = tpu.memref_slice %arg7[%dma_start3A_464, %dma_start3A_465] : memref<100352x8xf32, #tpu.memory_space<vmem_shared>> -> memref<100352x8xf32, #tpu.memory_space<vmem_shared>>
      tpu.enqueue_indirect_dma source(%dma_start3A_460 : memref<128x8xf32, #tpu.memory_space<vmem>>) target(%dma_start3A_466 : memref<100352x8xf32, #tpu.memory_space<vmem_shared>>) offsets(%dma_start3A_463 : memref<128xi32, #tpu.memory_space<vmem>>) semaphore(%arg13 : memref<!tpu.dma_semaphore, #tpu.memory_space<semaphore_mem>>) {add = true}
      %dma_wait3A_467 = arith.constant 7 : i32
      %dma_wait3A_468 = arith.constant 7 : i32
      %dma_wait3A_469 = arith.constant 0 : i32
      %dma_wait3A_470 = arith.constant 0 : i32
      %dma_wait3A_471 = tpu.memref_slice %arg10[%rem3A_178, %dma_wait3A_468, %dma_wait3A_469, %dma_wait3A_470] : memref<4x8x128x8xf32, #tpu.memory_space<vmem>> -> memref<1x1x128x8xf32, #tpu.memory_space<vmem>>
      %dma_wait3A_472 = tpu.memref_squeeze %dma_wait3A_471 : memref<1x1x128x8xf32, #tpu.memory_space<vmem>> -> memref<128x8xf32, #tpu.memory_space<vmem>>
      %dma_wait3A_473 = arith.constant 0 : i32
      %dma_wait3A_474 = tpu.memref_slice %arg8[%rem3A_178, %dma_wait3A_467, %dma_wait3A_473] : memref<4x8x128xi32, #tpu.memory_space<vmem>> -> memref<1x1x128xi32, #tpu.memory_space<vmem>>
      %dma_wait3A_475 = tpu.memref_squeeze %dma_wait3A_474 : memref<1x1x128xi32, #tpu.memory_space<vmem>> -> memref<128xi32, #tpu.memory_space<vmem>>
      %dma_wait3A_476 = arith.constant 0 : i32
      %dma_wait3A_477 = arith.constant 0 : i32
      %dma_wait3A_478 = tpu.memref_slice %arg4[%dma_wait3A_476, %dma_wait3A_477] : memref<100352x8xf32, #tpu.memory_space<hbm>> -> memref<100352x8xf32, #tpu.memory_space<hbm>>
      tpu.wait_indirect_dma semaphore(%arg12 : memref<!tpu.dma_semaphore, #tpu.memory_space<semaphore_mem>>) src(%dma_wait3A_478 : memref<100352x8xf32, #tpu.memory_space<hbm>>) dst(%dma_wait3A_472 : memref<128x8xf32, #tpu.memory_space<vmem>>)
      %dma_start3A_479 = arith.constant 7 : i32
      %dma_start3A_480 = arith.constant 7 : i32
      %dma_start3A_481 = arith.constant 0 : i32
      %dma_start3A_482 = arith.constant 0 : i32
      %dma_start3A_483 = tpu.memref_slice %arg10[%rem3A_178, %dma_start3A_479, %dma_start3A_481, %dma_start3A_482] : memref<4x8x128x8xf32, #tpu.memory_space<vmem>> -> memref<1x1x128x8xf32, #tpu.memory_space<vmem>>
      %dma_start3A_484 = tpu.memref_squeeze %dma_start3A_483 : memref<1x1x128x8xf32, #tpu.memory_space<vmem>> -> memref<128x8xf32, #tpu.memory_space<vmem>>
      %dma_start3A_485 = arith.constant 0 : i32
      %dma_start3A_486 = tpu.memref_slice %arg9[%rem3A_178, %dma_start3A_480, %dma_start3A_485] : memref<4x8x128xi32, #tpu.memory_space<vmem>> -> memref<1x1x128xi32, #tpu.memory_space<vmem>>
      %dma_start3A_487 = tpu.memref_squeeze %dma_start3A_486 : memref<1x1x128xi32, #tpu.memory_space<vmem>> -> memref<128xi32, #tpu.memory_space<vmem>>
      %dma_start3A_488 = arith.constant 0 : i32
      %dma_start3A_489 = arith.constant 0 : i32
      %dma_start3A_490 = tpu.memref_slice %arg7[%dma_start3A_488, %dma_start3A_489] : memref<100352x8xf32, #tpu.memory_space<vmem_shared>> -> memref<100352x8xf32, #tpu.memory_space<vmem_shared>>
      tpu.enqueue_indirect_dma source(%dma_start3A_484 : memref<128x8xf32, #tpu.memory_space<vmem>>) target(%dma_start3A_490 : memref<100352x8xf32, #tpu.memory_space<vmem_shared>>) offsets(%dma_start3A_487 : memref<128xi32, #tpu.memory_space<vmem>>) semaphore(%arg13 : memref<!tpu.dma_semaphore, #tpu.memory_space<semaphore_mem>>) {add = true}
      %ge3A = arith.constant 1 : i32
      %ge3A_491 = arith.cmpi sge, %scan3A_177, %ge3A : i32
      %convert_element_type3A = arith.extui %ge3A_491 : i1 to i32
      %cond3A = arith.constant 0 : i32
      %cond3A_492 = arith.cmpi ne, %convert_element_type3A, %cond3A : i32
      scf.if %cond3A_492 {
        %add3A_499 = arith.constant 4 : i32
        %add3A_500 = arith.addi %scan3A_177, %add3A_499 : i32
        %sub3A = arith.constant 1 : i32
        %sub3A_501 = arith.subi %add3A_500, %sub3A : i32
        %rem3A_502 = arith.constant 4 : i32
        %rem3A_503 = arith.remsi %sub3A_501, %rem3A_502 : i32
        %dma_wait3A_504 = arith.constant 0 : i32
        %dma_wait3A_505 = arith.constant 0 : i32
        %dma_wait3A_506 = arith.constant 0 : i32
        %dma_wait3A_507 = arith.constant 0 : i32
        %dma_wait3A_508 = tpu.memref_slice %arg10[%rem3A_503, %dma_wait3A_504, %dma_wait3A_506, %dma_wait3A_507] : memref<4x8x128x8xf32, #tpu.memory_space<vmem>> -> memref<1x1x128x8xf32, #tpu.memory_space<vmem>>
        %dma_wait3A_509 = tpu.memref_squeeze %dma_wait3A_508 : memref<1x1x128x8xf32, #tpu.memory_space<vmem>> -> memref<128x8xf32, #tpu.memory_space<vmem>>
        %dma_wait3A_510 = arith.constant 0 : i32
        %dma_wait3A_511 = tpu.memref_slice %arg9[%rem3A_503, %dma_wait3A_505, %dma_wait3A_510] : memref<4x8x128xi32, #tpu.memory_space<vmem>> -> memref<1x1x128xi32, #tpu.memory_space<vmem>>
        %dma_wait3A_512 = tpu.memref_squeeze %dma_wait3A_511 : memref<1x1x128xi32, #tpu.memory_space<vmem>> -> memref<128xi32, #tpu.memory_space<vmem>>
        %dma_wait3A_513 = arith.constant 0 : i32
        %dma_wait3A_514 = arith.constant 0 : i32
        %dma_wait3A_515 = tpu.memref_slice %arg7[%dma_wait3A_513, %dma_wait3A_514] : memref<100352x8xf32, #tpu.memory_space<vmem_shared>> -> memref<100352x8xf32, #tpu.memory_space<vmem_shared>>
        tpu.wait_indirect_dma semaphore(%arg13 : memref<!tpu.dma_semaphore, #tpu.memory_space<semaphore_mem>>) src(%dma_wait3A_509 : memref<128x8xf32, #tpu.memory_space<vmem>>) dst(%dma_wait3A_515 : memref<100352x8xf32, #tpu.memory_space<vmem_shared>>)
        %dma_wait3A_516 = arith.constant 1 : i32
        %dma_wait3A_517 = arith.constant 1 : i32
        %dma_wait3A_518 = arith.constant 0 : i32
        %dma_wait3A_519 = arith.constant 0 : i32
        %dma_wait3A_520 = tpu.memref_slice %arg10[%rem3A_503, %dma_wait3A_516, %dma_wait3A_518, %dma_wait3A_519] : memref<4x8x128x8xf32, #tpu.memory_space<vmem>> -> memref<1x1x128x8xf32, #tpu.memory_space<vmem>>
        %dma_wait3A_521 = tpu.memref_squeeze %dma_wait3A_520 : memref<1x1x128x8xf32, #tpu.memory_space<vmem>> -> memref<128x8xf32, #tpu.memory_space<vmem>>
        %dma_wait3A_522 = arith.constant 0 : i32
        %dma_wait3A_523 = tpu.memref_slice %arg9[%rem3A_503, %dma_wait3A_517, %dma_wait3A_522] : memref<4x8x128xi32, #tpu.memory_space<vmem>> -> memref<1x1x128xi32, #tpu.memory_space<vmem>>
        %dma_wait3A_524 = tpu.memref_squeeze %dma_wait3A_523 : memref<1x1x128xi32, #tpu.memory_space<vmem>> -> memref<128xi32, #tpu.memory_space<vmem>>
        %dma_wait3A_525 = arith.constant 0 : i32
        %dma_wait3A_526 = arith.constant 0 : i32
        %dma_wait3A_527 = tpu.memref_slice %arg7[%dma_wait3A_525, %dma_wait3A_526] : memref<100352x8xf32, #tpu.memory_space<vmem_shared>> -> memref<100352x8xf32, #tpu.memory_space<vmem_shared>>
        tpu.wait_indirect_dma semaphore(%arg13 : memref<!tpu.dma_semaphore, #tpu.memory_space<semaphore_mem>>) src(%dma_wait3A_521 : memref<128x8xf32, #tpu.memory_space<vmem>>) dst(%dma_wait3A_527 : memref<100352x8xf32, #tpu.memory_space<vmem_shared>>)
        %dma_wait3A_528 = arith.constant 2 : i32
        %dma_wait3A_529 = arith.constant 2 : i32
        %dma_wait3A_530 = arith.constant 0 : i32
        %dma_wait3A_531 = arith.constant 0 : i32
        %dma_wait3A_532 = tpu.memref_slice %arg10[%rem3A_503, %dma_wait3A_528, %dma_wait3A_530, %dma_wait3A_531] : memref<4x8x128x8xf32, #tpu.memory_space<vmem>> -> memref<1x1x128x8xf32, #tpu.memory_space<vmem>>
        %dma_wait3A_533 = tpu.memref_squeeze %dma_wait3A_532 : memref<1x1x128x8xf32, #tpu.memory_space<vmem>> -> memref<128x8xf32, #tpu.memory_space<vmem>>
        %dma_wait3A_534 = arith.constant 0 : i32
        %dma_wait3A_535 = tpu.memref_slice %arg9[%rem3A_503, %dma_wait3A_529, %dma_wait3A_534] : memref<4x8x128xi32, #tpu.memory_space<vmem>> -> memref<1x1x128xi32, #tpu.memory_space<vmem>>
        %dma_wait3A_536 = tpu.memref_squeeze %dma_wait3A_535 : memref<1x1x128xi32, #tpu.memory_space<vmem>> -> memref<128xi32, #tpu.memory_space<vmem>>
        %dma_wait3A_537 = arith.constant 0 : i32
        %dma_wait3A_538 = arith.constant 0 : i32
        %dma_wait3A_539 = tpu.memref_slice %arg7[%dma_wait3A_537, %dma_wait3A_538] : memref<100352x8xf32, #tpu.memory_space<vmem_shared>> -> memref<100352x8xf32, #tpu.memory_space<vmem_shared>>
        tpu.wait_indirect_dma semaphore(%arg13 : memref<!tpu.dma_semaphore, #tpu.memory_space<semaphore_mem>>) src(%dma_wait3A_533 : memref<128x8xf32, #tpu.memory_space<vmem>>) dst(%dma_wait3A_539 : memref<100352x8xf32, #tpu.memory_space<vmem_shared>>)
        %dma_wait3A_540 = arith.constant 3 : i32
        %dma_wait3A_541 = arith.constant 3 : i32
        %dma_wait3A_542 = arith.constant 0 : i32
        %dma_wait3A_543 = arith.constant 0 : i32
        %dma_wait3A_544 = tpu.memref_slice %arg10[%rem3A_503, %dma_wait3A_540, %dma_wait3A_542, %dma_wait3A_543] : memref<4x8x128x8xf32, #tpu.memory_space<vmem>> -> memref<1x1x128x8xf32, #tpu.memory_space<vmem>>
        %dma_wait3A_545 = tpu.memref_squeeze %dma_wait3A_544 : memref<1x1x128x8xf32, #tpu.memory_space<vmem>> -> memref<128x8xf32, #tpu.memory_space<vmem>>
        %dma_wait3A_546 = arith.constant 0 : i32
        %dma_wait3A_547 = tpu.memref_slice %arg9[%rem3A_503, %dma_wait3A_541, %dma_wait3A_546] : memref<4x8x128xi32, #tpu.memory_space<vmem>> -> memref<1x1x128xi32, #tpu.memory_space<vmem>>
        %dma_wait3A_548 = tpu.memref_squeeze %dma_wait3A_547 : memref<1x1x128xi32, #tpu.memory_space<vmem>> -> memref<128xi32, #tpu.memory_space<vmem>>
        %dma_wait3A_549 = arith.constant 0 : i32
        %dma_wait3A_550 = arith.constant 0 : i32
        %dma_wait3A_551 = tpu.memref_slice %arg7[%dma_wait3A_549, %dma_wait3A_550] : memref<100352x8xf32, #tpu.memory_space<vmem_shared>> -> memref<100352x8xf32, #tpu.memory_space<vmem_shared>>
        tpu.wait_indirect_dma semaphore(%arg13 : memref<!tpu.dma_semaphore, #tpu.memory_space<semaphore_mem>>) src(%dma_wait3A_545 : memref<128x8xf32, #tpu.memory_space<vmem>>) dst(%dma_wait3A_551 : memref<100352x8xf32, #tpu.memory_space<vmem_shared>>)
        %dma_wait3A_552 = arith.constant 4 : i32
        %dma_wait3A_553 = arith.constant 4 : i32
        %dma_wait3A_554 = arith.constant 0 : i32
        %dma_wait3A_555 = arith.constant 0 : i32
        %dma_wait3A_556 = tpu.memref_slice %arg10[%rem3A_503, %dma_wait3A_552, %dma_wait3A_554, %dma_wait3A_555] : memref<4x8x128x8xf32, #tpu.memory_space<vmem>> -> memref<1x1x128x8xf32, #tpu.memory_space<vmem>>
        %dma_wait3A_557 = tpu.memref_squeeze %dma_wait3A_556 : memref<1x1x128x8xf32, #tpu.memory_space<vmem>> -> memref<128x8xf32, #tpu.memory_space<vmem>>
        %dma_wait3A_558 = arith.constant 0 : i32
        %dma_wait3A_559 = tpu.memref_slice %arg9[%rem3A_503, %dma_wait3A_553, %dma_wait3A_558] : memref<4x8x128xi32, #tpu.memory_space<vmem>> -> memref<1x1x128xi32, #tpu.memory_space<vmem>>
        %dma_wait3A_560 = tpu.memref_squeeze %dma_wait3A_559 : memref<1x1x128xi32, #tpu.memory_space<vmem>> -> memref<128xi32, #tpu.memory_space<vmem>>
        %dma_wait3A_561 = arith.constant 0 : i32
        %dma_wait3A_562 = arith.constant 0 : i32
        %dma_wait3A_563 = tpu.memref_slice %arg7[%dma_wait3A_561, %dma_wait3A_562] : memref<100352x8xf32, #tpu.memory_space<vmem_shared>> -> memref<100352x8xf32, #tpu.memory_space<vmem_shared>>
        tpu.wait_indirect_dma semaphore(%arg13 : memref<!tpu.dma_semaphore, #tpu.memory_space<semaphore_mem>>) src(%dma_wait3A_557 : memref<128x8xf32, #tpu.memory_space<vmem>>) dst(%dma_wait3A_563 : memref<100352x8xf32, #tpu.memory_space<vmem_shared>>)
        %dma_wait3A_564 = arith.constant 5 : i32
        %dma_wait3A_565 = arith.constant 5 : i32
        %dma_wait3A_566 = arith.constant 0 : i32
        %dma_wait3A_567 = arith.constant 0 : i32
        %dma_wait3A_568 = tpu.memref_slice %arg10[%rem3A_503, %dma_wait3A_564, %dma_wait3A_566, %dma_wait3A_567] : memref<4x8x128x8xf32, #tpu.memory_space<vmem>> -> memref<1x1x128x8xf32, #tpu.memory_space<vmem>>
        %dma_wait3A_569 = tpu.memref_squeeze %dma_wait3A_568 : memref<1x1x128x8xf32, #tpu.memory_space<vmem>> -> memref<128x8xf32, #tpu.memory_space<vmem>>
        %dma_wait3A_570 = arith.constant 0 : i32
        %dma_wait3A_571 = tpu.memref_slice %arg9[%rem3A_503, %dma_wait3A_565, %dma_wait3A_570] : memref<4x8x128xi32, #tpu.memory_space<vmem>> -> memref<1x1x128xi32, #tpu.memory_space<vmem>>
        %dma_wait3A_572 = tpu.memref_squeeze %dma_wait3A_571 : memref<1x1x128xi32, #tpu.memory_space<vmem>> -> memref<128xi32, #tpu.memory_space<vmem>>
        %dma_wait3A_573 = arith.constant 0 : i32
        %dma_wait3A_574 = arith.constant 0 : i32
        %dma_wait3A_575 = tpu.memref_slice %arg7[%dma_wait3A_573, %dma_wait3A_574] : memref<100352x8xf32, #tpu.memory_space<vmem_shared>> -> memref<100352x8xf32, #tpu.memory_space<vmem_shared>>
        tpu.wait_indirect_dma semaphore(%arg13 : memref<!tpu.dma_semaphore, #tpu.memory_space<semaphore_mem>>) src(%dma_wait3A_569 : memref<128x8xf32, #tpu.memory_space<vmem>>) dst(%dma_wait3A_575 : memref<100352x8xf32, #tpu.memory_space<vmem_shared>>)
        %dma_wait3A_576 = arith.constant 6 : i32
        %dma_wait3A_577 = arith.constant 6 : i32
        %dma_wait3A_578 = arith.constant 0 : i32
        %dma_wait3A_579 = arith.constant 0 : i32
        %dma_wait3A_580 = tpu.memref_slice %arg10[%rem3A_503, %dma_wait3A_576, %dma_wait3A_578, %dma_wait3A_579] : memref<4x8x128x8xf32, #tpu.memory_space<vmem>> -> memref<1x1x128x8xf32, #tpu.memory_space<vmem>>
        %dma_wait3A_581 = tpu.memref_squeeze %dma_wait3A_580 : memref<1x1x128x8xf32, #tpu.memory_space<vmem>> -> memref<128x8xf32, #tpu.memory_space<vmem>>
        %dma_wait3A_582 = arith.constant 0 : i32
        %dma_wait3A_583 = tpu.memref_slice %arg9[%rem3A_503, %dma_wait3A_577, %dma_wait3A_582] : memref<4x8x128xi32, #tpu.memory_space<vmem>> -> memref<1x1x128xi32, #tpu.memory_space<vmem>>
        %dma_wait3A_584 = tpu.memref_squeeze %dma_wait3A_583 : memref<1x1x128xi32, #tpu.memory_space<vmem>> -> memref<128xi32, #tpu.memory_space<vmem>>
        %dma_wait3A_585 = arith.constant 0 : i32
        %dma_wait3A_586 = arith.constant 0 : i32
        %dma_wait3A_587 = tpu.memref_slice %arg7[%dma_wait3A_585, %dma_wait3A_586] : memref<100352x8xf32, #tpu.memory_space<vmem_shared>> -> memref<100352x8xf32, #tpu.memory_space<vmem_shared>>
        tpu.wait_indirect_dma semaphore(%arg13 : memref<!tpu.dma_semaphore, #tpu.memory_space<semaphore_mem>>) src(%dma_wait3A_581 : memref<128x8xf32, #tpu.memory_space<vmem>>) dst(%dma_wait3A_587 : memref<100352x8xf32, #tpu.memory_space<vmem_shared>>)
        %dma_wait3A_588 = arith.constant 7 : i32
        %dma_wait3A_589 = arith.constant 7 : i32
        %dma_wait3A_590 = arith.constant 0 : i32
        %dma_wait3A_591 = arith.constant 0 : i32
        %dma_wait3A_592 = tpu.memref_slice %arg10[%rem3A_503, %dma_wait3A_588, %dma_wait3A_590, %dma_wait3A_591] : memref<4x8x128x8xf32, #tpu.memory_space<vmem>> -> memref<1x1x128x8xf32, #tpu.memory_space<vmem>>
        %dma_wait3A_593 = tpu.memref_squeeze %dma_wait3A_592 : memref<1x1x128x8xf32, #tpu.memory_space<vmem>> -> memref<128x8xf32, #tpu.memory_space<vmem>>
        %dma_wait3A_594 = arith.constant 0 : i32
        %dma_wait3A_595 = tpu.memref_slice %arg9[%rem3A_503, %dma_wait3A_589, %dma_wait3A_594] : memref<4x8x128xi32, #tpu.memory_space<vmem>> -> memref<1x1x128xi32, #tpu.memory_space<vmem>>
        %dma_wait3A_596 = tpu.memref_squeeze %dma_wait3A_595 : memref<1x1x128xi32, #tpu.memory_space<vmem>> -> memref<128xi32, #tpu.memory_space<vmem>>
        %dma_wait3A_597 = arith.constant 0 : i32
        %dma_wait3A_598 = arith.constant 0 : i32
        %dma_wait3A_599 = tpu.memref_slice %arg7[%dma_wait3A_597, %dma_wait3A_598] : memref<100352x8xf32, #tpu.memory_space<vmem_shared>> -> memref<100352x8xf32, #tpu.memory_space<vmem_shared>>
        tpu.wait_indirect_dma semaphore(%arg13 : memref<!tpu.dma_semaphore, #tpu.memory_space<semaphore_mem>>) src(%dma_wait3A_593 : memref<128x8xf32, #tpu.memory_space<vmem>>) dst(%dma_wait3A_599 : memref<100352x8xf32, #tpu.memory_space<vmem_shared>>)
      } else {
      }
      %add3A_493 = arith.constant 2 : i32
      %add3A_494 = arith.addi %scan3A_177, %add3A_493 : i32
      %lt3A = arith.constant 196 : i32
      %lt3A_495 = arith.cmpi slt, %add3A_494, %lt3A : i32
      %convert_element_type3A_496 = arith.extui %lt3A_495 : i1 to i32
      %cond3A_497 = arith.constant 0 : i32
      %cond3A_498 = arith.cmpi ne, %convert_element_type3A_496, %cond3A_497 : i32
      scf.if %cond3A_498 {
        %add3A_499 = arith.constant 2 : i32
        %add3A_500 = arith.addi %scan3A_177, %add3A_499 : i32
        %add3A_501 = arith.constant 2 : i32
        %add3A_502 = arith.addi %scan3A_177, %add3A_501 : i32
        %rem3A_503 = arith.constant 4 : i32
        %rem3A_504 = arith.remsi %add3A_502, %rem3A_503 : i32
        %mul3A_505 = arith.constant 8 : i32
        %mul3A_506 = arith.muli %add3A_500, %mul3A_505 : i32
        %add3A_507 = arith.addi %mul3A_4, %mul3A_506 : i32
        %dma_start3A_508 = arith.constant 0 : i32
        %dma_start3A_509 = arith.constant 0 : i32
        %dma_start3A_510 = tpu.memref_slice %arg8[%rem3A_504, %dma_start3A_508, %dma_start3A_509] : memref<4x8x128xi32, #tpu.memory_space<vmem>> -> memref<1x8x128xi32, #tpu.memory_space<vmem>>
        %dma_start3A_511 = tpu.memref_squeeze %dma_start3A_510 : memref<1x8x128xi32, #tpu.memory_space<vmem>> -> memref<8x128xi32, #tpu.memory_space<vmem>>
        %dma_start3A_512 = arith.constant 0 : i32
        %dma_start3A_513 = tpu.memref_slice %arg2[%add3A_507, %dma_start3A_512] : memref<50176x128xi32, #tpu.memory_space<hbm>> -> memref<8x128xi32, #tpu.memory_space<hbm>>
        %dma_start3A_514 = arith.constant 0 : i32
        %dma_start3A_515 = arith.constant 0 : i32
        %dma_start3A_516 = tpu.memref_slice %arg8[%rem3A_504, %dma_start3A_514, %dma_start3A_515] : memref<4x8x128xi32, #tpu.memory_space<vmem>> -> memref<1x8x128xi32, #tpu.memory_space<vmem>>
        %dma_start3A_517 = tpu.memref_squeeze %dma_start3A_516 : memref<1x8x128xi32, #tpu.memory_space<vmem>> -> memref<8x128xi32, #tpu.memory_space<vmem>>
        %dma_start3A_518 = arith.constant 0 : i32
        %dma_start3A_519 = tpu.memref_slice %arg2[%add3A_507, %dma_start3A_518] : memref<50176x128xi32, #tpu.memory_space<hbm>> -> memref<8x128xi32, #tpu.memory_space<hbm>>
        tpu.enqueue_dma source(%dma_start3A_519 : memref<8x128xi32, #tpu.memory_space<hbm>>) target(%dma_start3A_517 : memref<8x128xi32, #tpu.memory_space<vmem>>) target_semaphore(%arg11 : memref<!tpu.dma_semaphore, #tpu.memory_space<semaphore_mem>>)
        %dma_start3A_520 = arith.constant 0 : i32
        %dma_start3A_521 = arith.constant 0 : i32
        %dma_start3A_522 = tpu.memref_slice %arg9[%rem3A_504, %dma_start3A_520, %dma_start3A_521] : memref<4x8x128xi32, #tpu.memory_space<vmem>> -> memref<1x8x128xi32, #tpu.memory_space<vmem>>
        %dma_start3A_523 = tpu.memref_squeeze %dma_start3A_522 : memref<1x8x128xi32, #tpu.memory_space<vmem>> -> memref<8x128xi32, #tpu.memory_space<vmem>>
        %dma_start3A_524 = arith.constant 0 : i32
        %dma_start3A_525 = tpu.memref_slice %arg3[%add3A_507, %dma_start3A_524] : memref<50176x128xi32, #tpu.memory_space<hbm>> -> memref<8x128xi32, #tpu.memory_space<hbm>>
        %dma_start3A_526 = arith.constant 0 : i32
        %dma_start3A_527 = arith.constant 0 : i32
        %dma_start3A_528 = tpu.memref_slice %arg9[%rem3A_504, %dma_start3A_526, %dma_start3A_527] : memref<4x8x128xi32, #tpu.memory_space<vmem>> -> memref<1x8x128xi32, #tpu.memory_space<vmem>>
        %dma_start3A_529 = tpu.memref_squeeze %dma_start3A_528 : memref<1x8x128xi32, #tpu.memory_space<vmem>> -> memref<8x128xi32, #tpu.memory_space<vmem>>
        %dma_start3A_530 = arith.constant 0 : i32
        %dma_start3A_531 = tpu.memref_slice %arg3[%add3A_507, %dma_start3A_530] : memref<50176x128xi32, #tpu.memory_space<hbm>> -> memref<8x128xi32, #tpu.memory_space<hbm>>
        tpu.enqueue_dma source(%dma_start3A_531 : memref<8x128xi32, #tpu.memory_space<hbm>>) target(%dma_start3A_529 : memref<8x128xi32, #tpu.memory_space<vmem>>) target_semaphore(%arg11 : memref<!tpu.dma_semaphore, #tpu.memory_space<semaphore_mem>>)
      } else {
      }
    }
    %scan3A_64 = arith.constant 196 : i32
    %dma_wait3A = arith.constant 3 : i32
    %dma_wait3A_65 = arith.constant 0 : i32
    %dma_wait3A_66 = arith.constant 3 : i32
    %dma_wait3A_67 = arith.constant 0 : i32
    %dma_wait3A_68 = arith.constant 0 : i32
    %dma_wait3A_69 = arith.constant 0 : i32
    %dma_wait3A_70 = tpu.memref_slice %arg10[%dma_wait3A, %dma_wait3A_65, %dma_wait3A_68, %dma_wait3A_69] : memref<4x8x128x8xf32, #tpu.memory_space<vmem>> -> memref<1x1x128x8xf32, #tpu.memory_space<vmem>>
    %dma_wait3A_71 = tpu.memref_squeeze %dma_wait3A_70 : memref<1x1x128x8xf32, #tpu.memory_space<vmem>> -> memref<128x8xf32, #tpu.memory_space<vmem>>
    %dma_wait3A_72 = arith.constant 0 : i32
    %dma_wait3A_73 = tpu.memref_slice %arg9[%dma_wait3A_66, %dma_wait3A_67, %dma_wait3A_72] : memref<4x8x128xi32, #tpu.memory_space<vmem>> -> memref<1x1x128xi32, #tpu.memory_space<vmem>>
    %dma_wait3A_74 = tpu.memref_squeeze %dma_wait3A_73 : memref<1x1x128xi32, #tpu.memory_space<vmem>> -> memref<128xi32, #tpu.memory_space<vmem>>
    %dma_wait3A_75 = arith.constant 0 : i32
    %dma_wait3A_76 = arith.constant 0 : i32
    %dma_wait3A_77 = tpu.memref_slice %arg7[%dma_wait3A_75, %dma_wait3A_76] : memref<100352x8xf32, #tpu.memory_space<vmem_shared>> -> memref<100352x8xf32, #tpu.memory_space<vmem_shared>>
    tpu.wait_indirect_dma semaphore(%arg13 : memref<!tpu.dma_semaphore, #tpu.memory_space<semaphore_mem>>) src(%dma_wait3A_71 : memref<128x8xf32, #tpu.memory_space<vmem>>) dst(%dma_wait3A_77 : memref<100352x8xf32, #tpu.memory_space<vmem_shared>>)
    %dma_wait3A_78 = arith.constant 3 : i32
    %dma_wait3A_79 = arith.constant 1 : i32
    %dma_wait3A_80 = arith.constant 3 : i32
    %dma_wait3A_81 = arith.constant 1 : i32
    %dma_wait3A_82 = arith.constant 0 : i32
    %dma_wait3A_83 = arith.constant 0 : i32
    %dma_wait3A_84 = tpu.memref_slice %arg10[%dma_wait3A_78, %dma_wait3A_79, %dma_wait3A_82, %dma_wait3A_83] : memref<4x8x128x8xf32, #tpu.memory_space<vmem>> -> memref<1x1x128x8xf32, #tpu.memory_space<vmem>>
    %dma_wait3A_85 = tpu.memref_squeeze %dma_wait3A_84 : memref<1x1x128x8xf32, #tpu.memory_space<vmem>> -> memref<128x8xf32, #tpu.memory_space<vmem>>
    %dma_wait3A_86 = arith.constant 0 : i32
    %dma_wait3A_87 = tpu.memref_slice %arg9[%dma_wait3A_80, %dma_wait3A_81, %dma_wait3A_86] : memref<4x8x128xi32, #tpu.memory_space<vmem>> -> memref<1x1x128xi32, #tpu.memory_space<vmem>>
    %dma_wait3A_88 = tpu.memref_squeeze %dma_wait3A_87 : memref<1x1x128xi32, #tpu.memory_space<vmem>> -> memref<128xi32, #tpu.memory_space<vmem>>
    %dma_wait3A_89 = arith.constant 0 : i32
    %dma_wait3A_90 = arith.constant 0 : i32
    %dma_wait3A_91 = tpu.memref_slice %arg7[%dma_wait3A_89, %dma_wait3A_90] : memref<100352x8xf32, #tpu.memory_space<vmem_shared>> -> memref<100352x8xf32, #tpu.memory_space<vmem_shared>>
    tpu.wait_indirect_dma semaphore(%arg13 : memref<!tpu.dma_semaphore, #tpu.memory_space<semaphore_mem>>) src(%dma_wait3A_85 : memref<128x8xf32, #tpu.memory_space<vmem>>) dst(%dma_wait3A_91 : memref<100352x8xf32, #tpu.memory_space<vmem_shared>>)
    %dma_wait3A_92 = arith.constant 3 : i32
    %dma_wait3A_93 = arith.constant 2 : i32
    %dma_wait3A_94 = arith.constant 3 : i32
    %dma_wait3A_95 = arith.constant 2 : i32
    %dma_wait3A_96 = arith.constant 0 : i32
    %dma_wait3A_97 = arith.constant 0 : i32
    %dma_wait3A_98 = tpu.memref_slice %arg10[%dma_wait3A_92, %dma_wait3A_93, %dma_wait3A_96, %dma_wait3A_97] : memref<4x8x128x8xf32, #tpu.memory_space<vmem>> -> memref<1x1x128x8xf32, #tpu.memory_space<vmem>>
    %dma_wait3A_99 = tpu.memref_squeeze %dma_wait3A_98 : memref<1x1x128x8xf32, #tpu.memory_space<vmem>> -> memref<128x8xf32, #tpu.memory_space<vmem>>
    %dma_wait3A_100 = arith.constant 0 : i32
    %dma_wait3A_101 = tpu.memref_slice %arg9[%dma_wait3A_94, %dma_wait3A_95, %dma_wait3A_100] : memref<4x8x128xi32, #tpu.memory_space<vmem>> -> memref<1x1x128xi32, #tpu.memory_space<vmem>>
    %dma_wait3A_102 = tpu.memref_squeeze %dma_wait3A_101 : memref<1x1x128xi32, #tpu.memory_space<vmem>> -> memref<128xi32, #tpu.memory_space<vmem>>
    %dma_wait3A_103 = arith.constant 0 : i32
    %dma_wait3A_104 = arith.constant 0 : i32
    %dma_wait3A_105 = tpu.memref_slice %arg7[%dma_wait3A_103, %dma_wait3A_104] : memref<100352x8xf32, #tpu.memory_space<vmem_shared>> -> memref<100352x8xf32, #tpu.memory_space<vmem_shared>>
    tpu.wait_indirect_dma semaphore(%arg13 : memref<!tpu.dma_semaphore, #tpu.memory_space<semaphore_mem>>) src(%dma_wait3A_99 : memref<128x8xf32, #tpu.memory_space<vmem>>) dst(%dma_wait3A_105 : memref<100352x8xf32, #tpu.memory_space<vmem_shared>>)
    %dma_wait3A_106 = arith.constant 3 : i32
    %dma_wait3A_107 = arith.constant 3 : i32
    %dma_wait3A_108 = arith.constant 3 : i32
    %dma_wait3A_109 = arith.constant 3 : i32
    %dma_wait3A_110 = arith.constant 0 : i32
    %dma_wait3A_111 = arith.constant 0 : i32
    %dma_wait3A_112 = tpu.memref_slice %arg10[%dma_wait3A_106, %dma_wait3A_107, %dma_wait3A_110, %dma_wait3A_111] : memref<4x8x128x8xf32, #tpu.memory_space<vmem>> -> memref<1x1x128x8xf32, #tpu.memory_space<vmem>>
    %dma_wait3A_113 = tpu.memref_squeeze %dma_wait3A_112 : memref<1x1x128x8xf32, #tpu.memory_space<vmem>> -> memref<128x8xf32, #tpu.memory_space<vmem>>
    %dma_wait3A_114 = arith.constant 0 : i32
    %dma_wait3A_115 = tpu.memref_slice %arg9[%dma_wait3A_108, %dma_wait3A_109, %dma_wait3A_114] : memref<4x8x128xi32, #tpu.memory_space<vmem>> -> memref<1x1x128xi32, #tpu.memory_space<vmem>>
    %dma_wait3A_116 = tpu.memref_squeeze %dma_wait3A_115 : memref<1x1x128xi32, #tpu.memory_space<vmem>> -> memref<128xi32, #tpu.memory_space<vmem>>
    %dma_wait3A_117 = arith.constant 0 : i32
    %dma_wait3A_118 = arith.constant 0 : i32
    %dma_wait3A_119 = tpu.memref_slice %arg7[%dma_wait3A_117, %dma_wait3A_118] : memref<100352x8xf32, #tpu.memory_space<vmem_shared>> -> memref<100352x8xf32, #tpu.memory_space<vmem_shared>>
    tpu.wait_indirect_dma semaphore(%arg13 : memref<!tpu.dma_semaphore, #tpu.memory_space<semaphore_mem>>) src(%dma_wait3A_113 : memref<128x8xf32, #tpu.memory_space<vmem>>) dst(%dma_wait3A_119 : memref<100352x8xf32, #tpu.memory_space<vmem_shared>>)
    %dma_wait3A_120 = arith.constant 3 : i32
    %dma_wait3A_121 = arith.constant 4 : i32
    %dma_wait3A_122 = arith.constant 3 : i32
    %dma_wait3A_123 = arith.constant 4 : i32
    %dma_wait3A_124 = arith.constant 0 : i32
    %dma_wait3A_125 = arith.constant 0 : i32
    %dma_wait3A_126 = tpu.memref_slice %arg10[%dma_wait3A_120, %dma_wait3A_121, %dma_wait3A_124, %dma_wait3A_125] : memref<4x8x128x8xf32, #tpu.memory_space<vmem>> -> memref<1x1x128x8xf32, #tpu.memory_space<vmem>>
    %dma_wait3A_127 = tpu.memref_squeeze %dma_wait3A_126 : memref<1x1x128x8xf32, #tpu.memory_space<vmem>> -> memref<128x8xf32, #tpu.memory_space<vmem>>
    %dma_wait3A_128 = arith.constant 0 : i32
    %dma_wait3A_129 = tpu.memref_slice %arg9[%dma_wait3A_122, %dma_wait3A_123, %dma_wait3A_128] : memref<4x8x128xi32, #tpu.memory_space<vmem>> -> memref<1x1x128xi32, #tpu.memory_space<vmem>>
    %dma_wait3A_130 = tpu.memref_squeeze %dma_wait3A_129 : memref<1x1x128xi32, #tpu.memory_space<vmem>> -> memref<128xi32, #tpu.memory_space<vmem>>
    %dma_wait3A_131 = arith.constant 0 : i32
    %dma_wait3A_132 = arith.constant 0 : i32
    %dma_wait3A_133 = tpu.memref_slice %arg7[%dma_wait3A_131, %dma_wait3A_132] : memref<100352x8xf32, #tpu.memory_space<vmem_shared>> -> memref<100352x8xf32, #tpu.memory_space<vmem_shared>>
    tpu.wait_indirect_dma semaphore(%arg13 : memref<!tpu.dma_semaphore, #tpu.memory_space<semaphore_mem>>) src(%dma_wait3A_127 : memref<128x8xf32, #tpu.memory_space<vmem>>) dst(%dma_wait3A_133 : memref<100352x8xf32, #tpu.memory_space<vmem_shared>>)
    %dma_wait3A_134 = arith.constant 3 : i32
    %dma_wait3A_135 = arith.constant 5 : i32
    %dma_wait3A_136 = arith.constant 3 : i32
    %dma_wait3A_137 = arith.constant 5 : i32
    %dma_wait3A_138 = arith.constant 0 : i32
    %dma_wait3A_139 = arith.constant 0 : i32
    %dma_wait3A_140 = tpu.memref_slice %arg10[%dma_wait3A_134, %dma_wait3A_135, %dma_wait3A_138, %dma_wait3A_139] : memref<4x8x128x8xf32, #tpu.memory_space<vmem>> -> memref<1x1x128x8xf32, #tpu.memory_space<vmem>>
    %dma_wait3A_141 = tpu.memref_squeeze %dma_wait3A_140 : memref<1x1x128x8xf32, #tpu.memory_space<vmem>> -> memref<128x8xf32, #tpu.memory_space<vmem>>
    %dma_wait3A_142 = arith.constant 0 : i32
    %dma_wait3A_143 = tpu.memref_slice %arg9[%dma_wait3A_136, %dma_wait3A_137, %dma_wait3A_142] : memref<4x8x128xi32, #tpu.memory_space<vmem>> -> memref<1x1x128xi32, #tpu.memory_space<vmem>>
    %dma_wait3A_144 = tpu.memref_squeeze %dma_wait3A_143 : memref<1x1x128xi32, #tpu.memory_space<vmem>> -> memref<128xi32, #tpu.memory_space<vmem>>
    %dma_wait3A_145 = arith.constant 0 : i32
    %dma_wait3A_146 = arith.constant 0 : i32
    %dma_wait3A_147 = tpu.memref_slice %arg7[%dma_wait3A_145, %dma_wait3A_146] : memref<100352x8xf32, #tpu.memory_space<vmem_shared>> -> memref<100352x8xf32, #tpu.memory_space<vmem_shared>>
    tpu.wait_indirect_dma semaphore(%arg13 : memref<!tpu.dma_semaphore, #tpu.memory_space<semaphore_mem>>) src(%dma_wait3A_141 : memref<128x8xf32, #tpu.memory_space<vmem>>) dst(%dma_wait3A_147 : memref<100352x8xf32, #tpu.memory_space<vmem_shared>>)
    %dma_wait3A_148 = arith.constant 3 : i32
    %dma_wait3A_149 = arith.constant 6 : i32
    %dma_wait3A_150 = arith.constant 3 : i32
    %dma_wait3A_151 = arith.constant 6 : i32
    %dma_wait3A_152 = arith.constant 0 : i32
    %dma_wait3A_153 = arith.constant 0 : i32
    %dma_wait3A_154 = tpu.memref_slice %arg10[%dma_wait3A_148, %dma_wait3A_149, %dma_wait3A_152, %dma_wait3A_153] : memref<4x8x128x8xf32, #tpu.memory_space<vmem>> -> memref<1x1x128x8xf32, #tpu.memory_space<vmem>>
    %dma_wait3A_155 = tpu.memref_squeeze %dma_wait3A_154 : memref<1x1x128x8xf32, #tpu.memory_space<vmem>> -> memref<128x8xf32, #tpu.memory_space<vmem>>
    %dma_wait3A_156 = arith.constant 0 : i32
    %dma_wait3A_157 = tpu.memref_slice %arg9[%dma_wait3A_150, %dma_wait3A_151, %dma_wait3A_156] : memref<4x8x128xi32, #tpu.memory_space<vmem>> -> memref<1x1x128xi32, #tpu.memory_space<vmem>>
    %dma_wait3A_158 = tpu.memref_squeeze %dma_wait3A_157 : memref<1x1x128xi32, #tpu.memory_space<vmem>> -> memref<128xi32, #tpu.memory_space<vmem>>
    %dma_wait3A_159 = arith.constant 0 : i32
    %dma_wait3A_160 = arith.constant 0 : i32
    %dma_wait3A_161 = tpu.memref_slice %arg7[%dma_wait3A_159, %dma_wait3A_160] : memref<100352x8xf32, #tpu.memory_space<vmem_shared>> -> memref<100352x8xf32, #tpu.memory_space<vmem_shared>>
    tpu.wait_indirect_dma semaphore(%arg13 : memref<!tpu.dma_semaphore, #tpu.memory_space<semaphore_mem>>) src(%dma_wait3A_155 : memref<128x8xf32, #tpu.memory_space<vmem>>) dst(%dma_wait3A_161 : memref<100352x8xf32, #tpu.memory_space<vmem_shared>>)
    %dma_wait3A_162 = arith.constant 3 : i32
    %dma_wait3A_163 = arith.constant 7 : i32
    %dma_wait3A_164 = arith.constant 3 : i32
    %dma_wait3A_165 = arith.constant 7 : i32
    %dma_wait3A_166 = arith.constant 0 : i32
    %dma_wait3A_167 = arith.constant 0 : i32
    %dma_wait3A_168 = tpu.memref_slice %arg10[%dma_wait3A_162, %dma_wait3A_163, %dma_wait3A_166, %dma_wait3A_167] : memref<4x8x128x8xf32, #tpu.memory_space<vmem>> -> memref<1x1x128x8xf32, #tpu.memory_space<vmem>>
    %dma_wait3A_169 = tpu.memref_squeeze %dma_wait3A_168 : memref<1x1x128x8xf32, #tpu.memory_space<vmem>> -> memref<128x8xf32, #tpu.memory_space<vmem>>
    %dma_wait3A_170 = arith.constant 0 : i32
    %dma_wait3A_171 = tpu.memref_slice %arg9[%dma_wait3A_164, %dma_wait3A_165, %dma_wait3A_170] : memref<4x8x128xi32, #tpu.memory_space<vmem>> -> memref<1x1x128xi32, #tpu.memory_space<vmem>>
    %dma_wait3A_172 = tpu.memref_squeeze %dma_wait3A_171 : memref<1x1x128xi32, #tpu.memory_space<vmem>> -> memref<128xi32, #tpu.memory_space<vmem>>
    %dma_wait3A_173 = arith.constant 0 : i32
    %dma_wait3A_174 = arith.constant 0 : i32
    %dma_wait3A_175 = tpu.memref_slice %arg7[%dma_wait3A_173, %dma_wait3A_174] : memref<100352x8xf32, #tpu.memory_space<vmem_shared>> -> memref<100352x8xf32, #tpu.memory_space<vmem_shared>>
    tpu.wait_indirect_dma semaphore(%arg13 : memref<!tpu.dma_semaphore, #tpu.memory_space<semaphore_mem>>) src(%dma_wait3A_169 : memref<128x8xf32, #tpu.memory_space<vmem>>) dst(%dma_wait3A_175 : memref<100352x8xf32, #tpu.memory_space<vmem_shared>>)
    %barrier3A_176 = arith.constant 0 : index
    tpu.barrier barrier_id(%barrier3A_176)
    "tpu.region"() ({
      %run_scoped3A = tpu.sem_alloc : memref<!tpu.dma_semaphore, #tpu.memory_space<semaphore_mem>>
      %dma_start3A_177 = arith.constant 0 : i32
      %dma_start3A_178 = tpu.memref_slice %arg6[%arg0, %mul3A_2, %dma_start3A_177] : memref<2x100352x8xf32, #tpu.memory_space<hbm>> -> memref<1x6272x8xf32, #tpu.memory_space<hbm>>
      %dma_start3A_179 = tpu.memref_squeeze %dma_start3A_178 : memref<1x6272x8xf32, #tpu.memory_space<hbm>> -> memref<6272x8xf32, #tpu.memory_space<hbm>>
      %dma_start3A_180 = arith.constant 0 : i32
      %dma_start3A_181 = tpu.memref_slice %arg7[%mul3A_2, %dma_start3A_180] : memref<100352x8xf32, #tpu.memory_space<vmem_shared>> -> memref<6272x8xf32, #tpu.memory_space<vmem_shared>>
      tpu.enqueue_dma source(%dma_start3A_181 : memref<6272x8xf32, #tpu.memory_space<vmem_shared>>) target(%dma_start3A_179 : memref<6272x8xf32, #tpu.memory_space<hbm>>) target_semaphore(%run_scoped3A : memref<!tpu.dma_semaphore, #tpu.memory_space<semaphore_mem>>)
      %dma_wait3A_182 = arith.constant 0 : i32
      %dma_wait3A_183 = tpu.memref_slice %arg6[%arg0, %mul3A_2, %dma_wait3A_182] : memref<2x100352x8xf32, #tpu.memory_space<hbm>> -> memref<1x6272x8xf32, #tpu.memory_space<hbm>>
      %dma_wait3A_184 = tpu.memref_squeeze %dma_wait3A_183 : memref<1x6272x8xf32, #tpu.memory_space<hbm>> -> memref<6272x8xf32, #tpu.memory_space<hbm>>
      %dma_wait3A_185 = arith.constant 0 : i32
      %dma_wait3A_186 = tpu.memref_slice %arg7[%mul3A_2, %dma_wait3A_185] : memref<100352x8xf32, #tpu.memory_space<vmem_shared>> -> memref<6272x8xf32, #tpu.memory_space<vmem_shared>>
      tpu.wait_dma2 semaphore(%run_scoped3A : memref<!tpu.dma_semaphore, #tpu.memory_space<semaphore_mem>>) src(%dma_wait3A_186 : memref<6272x8xf32, #tpu.memory_space<vmem_shared>>) dst(%dma_wait3A_184 : memref<6272x8xf32, #tpu.memory_space<hbm>>)
      tpu.yield
    }) : () -> ()
    return
  }
}

module attributes {stable_mosaic.version = 14 : i64} {
  func.func @_deg_body(%arg0: i32, %arg1: memref<32x2048xf32, #tpu.memory_space<vmem>>, %arg2: memref<2048x8xf32, #tpu.memory_space<vmem>>, %arg3: memref<2048x8xf32, #tpu.memory_space<vmem>>, %arg4: memref<2048x1xf32, #tpu.memory_space<vmem>>) attributes {dimension_semantics = [#tpu.dimension_semantics<arbitrary>], iteration_bounds = array<i64: 49>, scalar_prefetch = 0 : i64, scratch_operands = 0 : i64, tpu.core_type = #tpu.core_type<tc>, window_params = [{transform_indices = @transform_0, window_bounds = array<i64: 32, 2048>}, {transform_indices = @transform_1, window_bounds = array<i64: 2048, 8>}, {transform_indices = @transform_2, window_bounds = array<i64: 2048, 8>}, {transform_indices = @transform_3, window_bounds = array<i64: 2048, 1>}]} {
    %get3A = arith.constant 0 : index
    %get3A_0 = arith.constant 0 : index
    %get3A_1 = vector.load %arg1[%get3A, %get3A_0] : memref<32x2048xf32, #tpu.memory_space<vmem>>, vector<32x2048xf32>
    %reduce_sum3A = arith.constant dense<0.000000e+00> : vector<2048xf32>
    %reduce_sum3A_2 = vector.multi_reduction <add>, %get3A_1, %reduce_sum3A [0] : vector<32x2048xf32> to vector<2048xf32>
    %add3A = arith.constant 1.000000e+00 : f32
    %add3A_3 = vector.broadcast %add3A : f32 to vector<2048xf32>
    %add3A_4 = arith.addf %add3A_3, %reduce_sum3A_2 : vector<2048xf32>
    %rsqrt3A = math.rsqrt %add3A_4 : vector<2048xf32>
    %broadcast_in_dim3A = vector.shape_cast %rsqrt3A : vector<2048xf32> to vector<2048x1xf32>
    %swap3A = arith.constant 0 : index
    %swap3A_5 = arith.constant 0 : index
    %swap3A_6 = vector.load %arg4[%swap3A, %swap3A_5] : memref<2048x1xf32, #tpu.memory_space<vmem>>, vector<2048x1xf32>
    tpu.vector_store %arg4[%swap3A, %swap3A_5], %broadcast_in_dim3A {strides = array<i32>} : memref<2048x1xf32, #tpu.memory_space<vmem>>, vector<2048x1xf32>,
    %get3A_7 = arith.constant 0 : index
    %get3A_8 = arith.constant 0 : index
    %get3A_9 = vector.load %arg2[%get3A_7, %get3A_8] : memref<2048x8xf32, #tpu.memory_space<vmem>>, vector<2048x8xf32>
    %broadcast_in_dim3A_10 = vector.shape_cast %rsqrt3A : vector<2048xf32> to vector<2048x1xf32>
    %mul3A = vector.broadcast %broadcast_in_dim3A_10 : vector<2048x1xf32> to vector<2048x8xf32>
    %mul3A_11 = arith.mulf %get3A_9, %mul3A : vector<2048x8xf32>
    %swap3A_12 = arith.constant 0 : index
    %swap3A_13 = arith.constant 0 : index
    %swap3A_14 = vector.load %arg3[%swap3A_12, %swap3A_13] : memref<2048x8xf32, #tpu.memory_space<vmem>>, vector<2048x8xf32>
    tpu.vector_store %arg3[%swap3A_12, %swap3A_13], %mul3A_11 {strides = array<i32>} : memref<2048x8xf32, #tpu.memory_space<vmem>>, vector<2048x8xf32>,
    return
  }
  func.func @transform_0(%arg0: i32) -> (i32, i32) {
    %c0_i32 = arith.constant 0 : i32
    %c0_i32_0 = arith.constant 0 : i32
    return %c0_i32, %arg0 : i32, i32
  }
  func.func @transform_1(%arg0: i32) -> (i32, i32) {
    %c0_i32 = arith.constant 0 : i32
    %c0_i32_0 = arith.constant 0 : i32
    return %arg0, %c0_i32 : i32, i32
  }
  func.func @transform_2(%arg0: i32) -> (i32, i32) {
    %c0_i32 = arith.constant 0 : i32
    %c0_i32_0 = arith.constant 0 : i32
    return %arg0, %c0_i32 : i32, i32
  }
  func.func @transform_3(%arg0: i32) -> (i32, i32) {
    %c0_i32 = arith.constant 0 : i32
    %c0_i32_0 = arith.constant 0 : i32
    return %arg0, %c0_i32 : i32, i32
  }
}

module attributes {stable_mosaic.version = 14 : i64} {
  func.func @_mlp_body(%arg0: i32, %arg1: memref<2x2048x8xf32, #tpu.memory_space<vmem>>, %arg2: memref<2048x8xf32, #tpu.memory_space<vmem>>, %arg3: memref<2048x1xf32, #tpu.memory_space<vmem>>, %arg4: memref<8x128xf32, #tpu.memory_space<vmem>>, %arg5: memref<1x128xf32, #tpu.memory_space<vmem>>, %arg6: memref<128x8xf32, #tpu.memory_space<vmem>>, %arg7: memref<2048x8xf32, #tpu.memory_space<vmem>>) attributes {dimension_semantics = [#tpu.dimension_semantics<arbitrary>], iteration_bounds = array<i64: 49>, scalar_prefetch = 0 : i64, scratch_operands = 0 : i64, tpu.core_type = #tpu.core_type<tc>, window_params = [{transform_indices = @transform_0, window_bounds = array<i64: 2, 2048, 8>}, {transform_indices = @transform_1, window_bounds = array<i64: 2048, 8>}, {transform_indices = @transform_2, window_bounds = array<i64: 2048, 1>}, {pipeline_mode = #tpu.pipeline_mode<synchronous>, transform_indices = @transform_3, window_bounds = array<i64: 8, 128>}, {pipeline_mode = #tpu.pipeline_mode<synchronous>, transform_indices = @transform_4, window_bounds = array<i64: 1, 128>}, {pipeline_mode = #tpu.pipeline_mode<synchronous>, transform_indices = @transform_5, window_bounds = array<i64: 128, 8>}, {transform_indices = @transform_6, window_bounds = array<i64: 2048, 8>}]} {
    %get3A = arith.constant 0 : index
    %get3A_0 = arith.constant 0 : index
    %get3A_1 = vector.load %arg3[%get3A, %get3A_0] : memref<2048x1xf32, #tpu.memory_space<vmem>>, vector<2048x1xf32>
    %get3A_2 = arith.constant 0 : index
    %get3A_3 = arith.constant 0 : index
    %get3A_4 = arith.constant 0 : index
    %get3A_5 = vector.load %arg1[%get3A_2, %get3A_3, %get3A_4] : memref<2x2048x8xf32, #tpu.memory_space<vmem>>, vector<1x2048x8xf32>
    %get3A_6 = vector.shape_cast %get3A_5 : vector<1x2048x8xf32> to vector<2048x8xf32>
    %get3A_7 = arith.constant 1 : index
    %get3A_8 = arith.constant 0 : index
    %get3A_9 = arith.constant 0 : index
    %get3A_10 = vector.load %arg1[%get3A_7, %get3A_8, %get3A_9] : memref<2x2048x8xf32, #tpu.memory_space<vmem>>, vector<1x2048x8xf32>
    %get3A_11 = vector.shape_cast %get3A_10 : vector<1x2048x8xf32> to vector<2048x8xf32>
    %add3A = arith.addf %get3A_6, %get3A_11 : vector<2048x8xf32>
    %get3A_12 = arith.constant 0 : index
    %get3A_13 = arith.constant 0 : index
    %get3A_14 = vector.load %arg2[%get3A_12, %get3A_13] : memref<2048x8xf32, #tpu.memory_space<vmem>>, vector<2048x8xf32>
    %add3A_15 = arith.addf %add3A, %get3A_14 : vector<2048x8xf32>
    %mul3A = vector.broadcast %get3A_1 : vector<2048x1xf32> to vector<2048x8xf32>
    %mul3A_16 = arith.mulf %add3A_15, %mul3A : vector<2048x8xf32>
    %get3A_17 = arith.constant 0 : index
    %get3A_18 = arith.constant 0 : index
    %get3A_19 = vector.load %arg4[%get3A_17, %get3A_18] : memref<8x128xf32, #tpu.memory_space<vmem>>, vector<8x128xf32>
    %dot_general3A = arith.constant dense<0.000000e+00> : vector<2048x128xf32>
    %dot_general3A_20 = tpu.matmul %mul3A_16, %get3A_19, %dot_general3A {dimension_numbers = #tpu.dot_dimension_numbers<[1], [0], [0], [1], [0, 0, 1, 1], [], []>, transpose_lhs_hint = false} : vector<2048x8xf32>, vector<8x128xf32>, vector<2048x128xf32> -> vector<2048x128xf32>
    %get3A_21 = arith.constant 0 : index
    %get3A_22 = arith.constant 0 : index
    %get3A_23 = vector.load %arg5[%get3A_21, %get3A_22] : memref<1x128xf32, #tpu.memory_space<vmem>>, vector<1x128xf32>
    %add3A_24 = vector.broadcast %get3A_23 : vector<1x128xf32> to vector<2048x128xf32>
    %add3A_25 = arith.addf %dot_general3A_20, %add3A_24 : vector<2048x128xf32>
    %max3A = arith.constant 0.000000e+00 : f32
    %max3A_26 = vector.broadcast %max3A : f32 to vector<2048x128xf32>
    %max3A_27 = arith.maximumf %add3A_25, %max3A_26 : vector<2048x128xf32>
    %get3A_28 = arith.constant 0 : index
    %get3A_29 = arith.constant 0 : index
    %get3A_30 = vector.load %arg6[%get3A_28, %get3A_29] : memref<128x8xf32, #tpu.memory_space<vmem>>, vector<128x8xf32>
    %dot_general3A_31 = arith.constant dense<0.000000e+00> : vector<2048x8xf32>
    %dot_general3A_32 = tpu.matmul %max3A_27, %get3A_30, %dot_general3A_31 {dimension_numbers = #tpu.dot_dimension_numbers<[1], [0], [0], [1], [0, 0, 1, 1], [], []>, transpose_lhs_hint = false} : vector<2048x128xf32>, vector<128x8xf32>, vector<2048x8xf32> -> vector<2048x8xf32>
    %mul3A_33 = vector.broadcast %get3A_1 : vector<2048x1xf32> to vector<2048x8xf32>
    %mul3A_34 = arith.mulf %dot_general3A_32, %mul3A_33 : vector<2048x8xf32>
    %swap3A = arith.constant 0 : index
    %swap3A_35 = arith.constant 0 : index
    %swap3A_36 = vector.load %arg7[%swap3A, %swap3A_35] : memref<2048x8xf32, #tpu.memory_space<vmem>>, vector<2048x8xf32>
    tpu.vector_store %arg7[%swap3A, %swap3A_35], %mul3A_34 {strides = array<i32>} : memref<2048x8xf32, #tpu.memory_space<vmem>>, vector<2048x8xf32>,
    return
  }
  func.func @transform_0(%arg0: i32) -> (i32, i32, i32) {
    %c0_i32 = arith.constant 0 : i32
    %c0_i32_0 = arith.constant 0 : i32
    %c0_i32_1 = arith.constant 0 : i32
    return %c0_i32, %arg0, %c0_i32_0 : i32, i32, i32
  }
  func.func @transform_1(%arg0: i32) -> (i32, i32) {
    %c0_i32 = arith.constant 0 : i32
    %c0_i32_0 = arith.constant 0 : i32
    return %arg0, %c0_i32 : i32, i32
  }
  func.func @transform_2(%arg0: i32) -> (i32, i32) {
    %c0_i32 = arith.constant 0 : i32
    %c0_i32_0 = arith.constant 0 : i32
    return %arg0, %c0_i32 : i32, i32
  }
  func.func @transform_3(%arg0: i32) -> (i32, i32) {
    %c0_i32 = arith.constant 0 : i32
    %c0_i32_0 = arith.constant 0 : i32
    %c0_i32_1 = arith.constant 0 : i32
    return %c0_i32, %c0_i32_0 : i32, i32
  }
  func.func @transform_4(%arg0: i32) -> (i32, i32) {
    %c0_i32 = arith.constant 0 : i32
    %c0_i32_0 = arith.constant 0 : i32
    %c0_i32_1 = arith.constant 0 : i32
    return %c0_i32, %c0_i32_0 : i32, i32
  }
  func.func @transform_5(%arg0: i32) -> (i32, i32) {
    %c0_i32 = arith.constant 0 : i32
    %c0_i32_0 = arith.constant 0 : i32
    %c0_i32_1 = arith.constant 0 : i32
    return %c0_i32, %c0_i32_0 : i32, i32
  }
  func.func @transform_6(%arg0: i32) -> (i32, i32) {
    %c0_i32 = arith.constant 0 : i32
    %c0_i32_0 = arith.constant 0 : i32
    return %arg0, %c0_i32 : i32, i32
  }
}

module attributes {stable_mosaic.version = 14 : i64} {
  func.func @_out_body(%arg0: i32, %arg1: memref<2x2048x8xf32, #tpu.memory_space<vmem>>, %arg2: memref<2048x8xf32, #tpu.memory_space<vmem>>, %arg3: memref<2048x1xf32, #tpu.memory_space<vmem>>, %arg4: memref<1x2xf32, #tpu.memory_space<vmem>>, %arg5: memref<2048x2xf32, #tpu.memory_space<vmem>>) attributes {dimension_semantics = [#tpu.dimension_semantics<arbitrary>], iteration_bounds = array<i64: 49>, scalar_prefetch = 0 : i64, scratch_operands = 0 : i64, tpu.core_type = #tpu.core_type<tc>, window_params = [{transform_indices = @transform_0, window_bounds = array<i64: 2, 2048, 8>}, {transform_indices = @transform_1, window_bounds = array<i64: 2048, 8>}, {transform_indices = @transform_2, window_bounds = array<i64: 2048, 1>}, {pipeline_mode = #tpu.pipeline_mode<synchronous>, transform_indices = @transform_3, window_bounds = array<i64: 1, 2>}, {transform_indices = @transform_4, window_bounds = array<i64: 2048, 2>}]} {
    %get3A = arith.constant 0 : index
    %get3A_0 = arith.constant 0 : index
    %get3A_1 = arith.constant 0 : index
    %get3A_2 = vector.load %arg1[%get3A, %get3A_0, %get3A_1] : memref<2x2048x8xf32, #tpu.memory_space<vmem>>, vector<1x2048x8xf32>
    %get3A_3 = vector.shape_cast %get3A_2 : vector<1x2048x8xf32> to vector<2048x8xf32>
    %get3A_4 = arith.constant 1 : index
    %get3A_5 = arith.constant 0 : index
    %get3A_6 = arith.constant 0 : index
    %get3A_7 = vector.load %arg1[%get3A_4, %get3A_5, %get3A_6] : memref<2x2048x8xf32, #tpu.memory_space<vmem>>, vector<1x2048x8xf32>
    %get3A_8 = vector.shape_cast %get3A_7 : vector<1x2048x8xf32> to vector<2048x8xf32>
    %add3A = arith.addf %get3A_3, %get3A_8 : vector<2048x8xf32>
    %get3A_9 = arith.constant 0 : index
    %get3A_10 = arith.constant 0 : index
    %get3A_11 = vector.load %arg2[%get3A_9, %get3A_10] : memref<2048x8xf32, #tpu.memory_space<vmem>>, vector<2048x8xf32>
    %add3A_12 = arith.addf %add3A, %get3A_11 : vector<2048x8xf32>
    %get3A_13 = arith.constant 0 : index
    %get3A_14 = arith.constant 0 : index
    %get3A_15 = vector.load %arg3[%get3A_13, %get3A_14] : memref<2048x1xf32, #tpu.memory_space<vmem>>, vector<2048x1xf32>
    %mul3A = vector.broadcast %get3A_15 : vector<2048x1xf32> to vector<2048x8xf32>
    %mul3A_16 = arith.mulf %add3A_12, %mul3A : vector<2048x8xf32>
    %slice3A = vector.extract_strided_slice %mul3A_16 {offsets = [0, 0], sizes = [2048, 2], strides = [1, 1]} : vector<2048x8xf32> to vector<2048x2xf32>
    %get3A_17 = arith.constant 0 : index
    %get3A_18 = arith.constant 0 : index
    %get3A_19 = vector.load %arg4[%get3A_17, %get3A_18] : memref<1x2xf32, #tpu.memory_space<vmem>>, vector<1x2xf32>
    %add3A_20 = vector.broadcast %get3A_19 : vector<1x2xf32> to vector<2048x2xf32>
    %add3A_21 = arith.addf %slice3A, %add3A_20 : vector<2048x2xf32>
    %reduce_max3A = arith.constant dense<0xFF800000> : vector<2048xf32>
    %reduce_max3A_22 = vector.multi_reduction <maximumf>, %add3A_21, %reduce_max3A [1] : vector<2048x2xf32> to vector<2048xf32>
    %broadcast_in_dim3A = vector.shape_cast %reduce_max3A_22 : vector<2048xf32> to vector<2048x1xf32>
    %sub3A = vector.broadcast %broadcast_in_dim3A : vector<2048x1xf32> to vector<2048x2xf32>
    %sub3A_23 = arith.subf %add3A_21, %sub3A : vector<2048x2xf32>
    %exp3A = math.exp %sub3A_23 : vector<2048x2xf32>
    %reduce_sum3A = arith.constant dense<0.000000e+00> : vector<2048xf32>
    %reduce_sum3A_24 = vector.multi_reduction <add>, %exp3A, %reduce_sum3A [1] : vector<2048x2xf32> to vector<2048xf32>
    %broadcast_in_dim3A_25 = vector.shape_cast %reduce_sum3A_24 : vector<2048xf32> to vector<2048x1xf32>
    %log3A = math.log %broadcast_in_dim3A_25 : vector<2048x1xf32>
    %add3A_26 = arith.addf %broadcast_in_dim3A, %log3A : vector<2048x1xf32>
    %sub3A_27 = vector.broadcast %add3A_26 : vector<2048x1xf32> to vector<2048x2xf32>
    %sub3A_28 = arith.subf %add3A_21, %sub3A_27 : vector<2048x2xf32>
    %swap3A = arith.constant 0 : index
    %swap3A_29 = arith.constant 0 : index
    %swap3A_30 = vector.load %arg5[%swap3A, %swap3A_29] : memref<2048x2xf32, #tpu.memory_space<vmem>>, vector<2048x2xf32>
    tpu.vector_store %arg5[%swap3A, %swap3A_29], %sub3A_28 {strides = array<i32>} : memref<2048x2xf32, #tpu.memory_space<vmem>>, vector<2048x2xf32>,
    return
  }
  func.func @transform_0(%arg0: i32) -> (i32, i32, i32) {
    %c0_i32 = arith.constant 0 : i32
    %c0_i32_0 = arith.constant 0 : i32
    %c0_i32_1 = arith.constant 0 : i32
    return %c0_i32, %arg0, %c0_i32_0 : i32, i32, i32
  }
  func.func @transform_1(%arg0: i32) -> (i32, i32) {
    %c0_i32 = arith.constant 0 : i32
    %c0_i32_0 = arith.constant 0 : i32
    return %arg0, %c0_i32 : i32, i32
  }
  func.func @transform_2(%arg0: i32) -> (i32, i32) {
    %c0_i32 = arith.constant 0 : i32
    %c0_i32_0 = arith.constant 0 : i32
    return %arg0, %c0_i32 : i32, i32
  }
  func.func @transform_3(%arg0: i32) -> (i32, i32) {
    %c0_i32 = arith.constant 0 : i32
    %c0_i32_0 = arith.constant 0 : i32
    %c0_i32_1 = arith.constant 0 : i32
    return %c0_i32, %c0_i32_0 : i32, i32
  }
  func.func @transform_4(%arg0: i32) -> (i32, i32) {
    %c0_i32 = arith.constant 0 : i32
    %c0_i32_0 = arith.constant 0 : i32
    return %arg0, %c0_i32 : i32, i32
  }
}

</mosaic_0001>

<sc_bundles>
// kernel: kernel.11.cloned.1.call-start
scs
__scs_entry_jumppad:
0x0: {  	(pc) =	sbr.rel $0x88, $3  }
0x1: {  	(tag) =	ssettag $0x0;
	lr =	simm.s32 $0x1  }
0x2: {  	[smem:$0x3F9B] =	sst lr;
	_ =	strace $0xD0000000  }
0x3: {  	_ = 	snop  }
0x4: {  	_ = 	snop  }
0x5: {  	_ = 	snop  }
0x6: {  	_ = 	snop  }
0x7: {  	_ = 	snop  }
__scs_overlays_trampoline_lowered:
0x8: {  	[smem:$0x3FAA] =	sst s0  }
0x9: {  	[smem:$0x3FAB] =	sst s1  }
0xa: {  	[smem:$0x3FAC] =	sst s2  }
0xb: {  	[smem:$0x3FAD] =	sst s3  }
0xc: {  	[smem:$0x3FAE] =	sst s4  }
0xd: {  	[smem:$0x3FAF] =	sst s5  }
0xe: {  	[smem:$0x3FB0] =	sst s6  }
0xf: {  	[smem:$0x3FB1] =	sst s7  }
0x10: {  	[smem:$0x3FB2] =	sst s8  }
0x11: {  	[smem:$0x3FB3] =	sst s9;
	s0 =	simm.s32 @!p0 $0x0  }
0x12: {  	s1 =	sld [smem:$0x3F99];
	s0 =	simm.s32 @p0 $0x1  }
0x13: {  	[smem:$0x3FB4] =	sst s0;
	s0 =	simm.s32 @!p1 $0x0  }
0x14: {  	s2 =	sld [smem:$0x3F98];
	s0 =	simm.s32 @p1 $0x1  }
0x15: {  	[smem:$0x3FB5] =	sst s0;
	s0 =	simm.s32 @!p2 $0x0  }
0x16: {  	s3 =	sld [smem:$0x3FDB];
	s0 =	simm.s32 @p2 $0x1  }
0x17: {  	s4 =	simm.s32 $0x1BF5;
	[smem:$0x3FB7] =	sst s0  }
0x18: {  	s0 =	sld [smem:$0x3F9A];
	_ =	swait.ge [sflag:s4], $0x0  }
0x19: {  	s7 =	sld [smem:$0x3F9B]  }
0x1a: {  	s8 =	sadd.s32 $0xFFFFE003, lr  }
0x1b: {  	s9 =	sadd.s32 $0xFFFFFEF7, lr;
	s5 =	simm.s32 $0xFFFFFFFF;
	p2 =	slt.u32 s8, $0xFFFFF086  }
0x1c: {  	p1 =	slt.u32 s9, $0xF7A;
	s5 =	simm.s32 @!p2 $0x0  }
0x1d: {  	s5 =	simm.s32 @p1 $0x1;
	p0 =	seq.s32 s7, s2  }
0x1e: {  	s7 =	smul.u32 @!p0 $0xF7A, s2;
	p2 =	seq.s32 @!p0 s5, $0x0  }
0x1f: {  	s9 =	smul.u32 $0xF7A, s1;
	s8 =	simm.s32 @!p0 $0x1BF5;
	p2 =	por !p2, p0  }
0x20: {  	[sflag:s8] =	ssyncset.s32 @!p0 $0xFFFFF086;
	s6 =	sadd.s32 @!p0 s3, s7;
	s7 =	simm.s32 @!p0 $0x108  }
0x21: {  	s3 =	sadd.s32 s3, s9;
	s6 =	sadd.s32 @!p0 $0x88, s6;
	s7 =	simm.s32 @p2 $0x1082  }
0x22: {  	[simem:s7], [sflag:s8] =	dma.local @!p0 [hbm:s6], $0xF7A  }
0x23: {  	s9 =	sor.u32 $0xD0000000, s2;
	s6 =	simm.s32 $0x108;
	_ =	swait.ge @!p0 [sflag:s8], $0x0  }
0x24: {  	s3 =	sadd.s32 $0x88, s3;
	s6 =	simm.s32 @!p1 $0x1082;
	[sflag:s4] =	ssyncset.s32 $0xFFFFF086  }
0x25: {  	[simem:s6], [sflag:s4] =	dma.local [hbm:s3], $0xF7A  }
0x26: {  	[smem:$0x3F9B] =	sst s1;
	(tag) =	ssettag s2;
	_ =	strace s9  }
0x27: {  	s1 =	sld [smem:$0x3FAB]  }
0x28: {  	s2 =	sld [smem:$0x3FAC]  }
0x29: {  	s4 =	sld [smem:$0x3FAE]  }
0x2a: {  	p0 =	seq.s32 s5, $0x0;
	s5 =	sld [smem:$0x3FAF]  }
0x2b: {  	s6 =	sld [smem:$0x3FB0]  }
0x2c: {  	s7 =	sld [smem:$0x3FB1]  }
0x2d: {  	s3 =	simm.s32 $0x108;
	s8 =	sld [smem:$0x3FB2]  }
0x2e: {  	s3 =	simm.s32 @!p0 $0x1082;
	s9 =	sld [smem:$0x3FB3]  }
0x2f: {  	lr =	sadd.s32 s0, s3;
	s0 =	sld [smem:$0x3FAA]  }
0x30: {  	s3 =	sld [smem:$0x3FAD]  }
0x31: {  	[smem:$0x3FB6] =	sst s10  }
0x32: {  	s10 =	sld [smem:$0x3FB4];
	_ =	sdelay $0x3  }
0x33: {  	p0 =	seq.s32 s10, $0x1;
	s10 =	sld [smem:$0x3FB6];
	_ =	sdelay $0x3  }
0x34: {  	[smem:$0x3FB6] =	sst s10  }
0x35: {  	s10 =	sld [smem:$0x3FB5];
	_ =	sdelay $0x3  }
0x36: {  	p1 =	seq.s32 s10, $0x1;
	s10 =	sld [smem:$0x3FB6];
	_ =	sdelay $0x3  }
0x37: {  	[smem:$0x3FB6] =	sst s10  }
0x38: {  	s10 =	sld [smem:$0x3FB7]  }
0x39: {  	_ = 	snop;
	(pc) =	sbr.ind lr, $3  }
0x3a: {  	_ = 	snop  }
0x3b: {  	_ = 	snop  }
0x3c: {  	p2 =	seq.s32 s10, $0x1;
	s10 =	sld [smem:$0x3FB6]  }
0x3d: {  	_ =	shalt  }
0x3e: {  	_ =	shalt  }
0x3f: {  	_ =	shalt  }
0x40: {  	_ =	shalt  }
0x41: {  	_ =	shalt  }
0x42: {  	_ =	shalt  }
0x43: {  	_ =	shalt  }
0x44: {  	_ =	shalt  }
0x45: {  	_ =	shalt  }
0x46: {  	_ =	shalt  }
0x47: {  	_ =	shalt  }
0x48: {  	_ =	shalt  }
0x49: {  	_ =	shalt  }
0x4a: {  	_ =	shalt  }
0x4b: {  	_ =	shalt  }
0x4c: {  	_ =	shalt  }
0x4d: {  	_ =	shalt  }
0x4e: {  	_ =	shalt  }
0x4f: {  	_ =	shalt  }
0x50: {  	_ =	shalt  }
0x51: {  	_ =	shalt  }
0x52: {  	_ =	shalt  }
0x53: {  	_ =	shalt  }
0x54: {  	_ =	shalt  }
0x55: {  	_ =	shalt  }
0x56: {  	_ =	shalt  }
0x57: {  	_ =	shalt  }
0x58: {  	_ =	shalt  }
0x59: {  	_ =	shalt  }
0x5a: {  	_ =	shalt  }
0x5b: {  	_ =	shalt  }
0x5c: {  	_ =	shalt  }
0x5d: {  	_ =	shalt  }
0x5e: {  	_ =	shalt  }
0x5f: {  	_ =	shalt  }
0x60: {  	_ =	shalt  }
0x61: {  	_ =	shalt  }
0x62: {  	_ =	shalt  }
0x63: {  	_ =	shalt  }
0x64: {  	_ =	shalt  }
0x65: {  	_ =	shalt  }
0x66: {  	_ =	shalt  }
0x67: {  	_ =	shalt  }
0x68: {  	_ =	shalt  }
0x69: {  	_ =	shalt  }
0x6a: {  	_ =	shalt  }
0x6b: {  	_ =	shalt  }
0x6c: {  	_ =	shalt  }
0x6d: {  	_ =	shalt  }
0x6e: {  	_ =	shalt  }
0x6f: {  	_ =	shalt  }
0x70: {  	_ =	shalt  }
0x71: {  	_ =	shalt  }
0x72: {  	_ =	shalt  }
0x73: {  	_ =	shalt  }
0x74: {  	_ =	shalt  }
0x75: {  	_ =	shalt  }
0x76: {  	_ =	shalt  }
0x77: {  	_ =	shalt  }
0x78: {  	_ =	shalt  }
0x79: {  	_ =	shalt  }
0x7a: {  	_ =	shalt  }
0x7b: {  	_ =	shalt  }
0x7c: {  	_ =	shalt  }
0x7d: {  	_ =	shalt  }
0x7e: {  	_ =	shalt  }
0x7f: {  	_ =	shalt  }
0x80: {  	_ =	shalt  }
0x81: {  	_ =	shalt  }
0x82: {  	_ =	shalt  }
0x83: {  	_ =	shalt  }
0x84: {  	_ =	shalt  }
0x85: {  	_ =	shalt  }
0x86: {  	_ =	shalt  }
0x87: {  	_ =	shalt  }
.Lfunc_end0:
.L_simem_size_0:
called_computation.1_lowered:
.L_overlay_start_0:
0x88: {  	s2 =	sld [smem:$0x3FD9]  }
0x89: {  	s3 =	sld [smem:$0x3FFE];
	_ =	sdelay $0x1  }
0x8a: {  	s1 =	srdreg.scid  }
0x8b: {  	s0 =	sand.u32 $0x1, s1  }
0x8c: {  	s17 =	sshll.u32 s0, $0xA;
	s2 =	sadd.s32 s3, s2  }
0x8d: {  	s2 =	sadd.s32 s2, s17  }
0x8e: {  	[smem:$0x3FC2] =	sst s2  }
0x8f: {  	_ = 	snop  }
0x90: {  	s2 =	sld [smem:$0x3FD0];
	(tm) =	ssettm $0x1  }
0x91: {  	s18 =	sld [smem:$0x3FFB];
	_ =	sdelay $0x3  }
0x92: {  	_ =	strace s18  }
0x93: {  	s3 =	sld [smem:$0x3FFC];
	_ =	sdelay $0x3  }
0x94: {  	_ =	strace s3  }
0x95: {  	s3 =	sld [smem:$0x3FFD];
	_ =	sdelay $0x3  }
0x96: {  	_ =	strace s3  }
0x97: {  	_ =	strace $0x8FFFFFFF  }
0x98: {  	s19 =	sld [smem:$0x3FDB];
	_ =	sdelay $0x1  }
0x99: {  	s4 =	simm.s32 $_scs_section_size  }
0x9a: {  	s5 =	simm.s32 $_size__tile_overlayer_lowered;
	s6 =	simm.s32 $_tile_overlayer_lowered  }
0x9b: {  	s22 =	simm.s32 $0x1BFF;
	s21 =	sshll.u32 s6, $0x1;
	s3 =	sadd.s32 s4, s19  }
0x9c: {  	s7 =	simm.s32 $0x0;
	s20 =	sshll.u32 s5, $0x1;
	s5 =	sadd.s32 s21, s3  }
0x9d: {  	[timem:s7], [sflag:s22] =	dma.local [hbm:s5], s20  }
0x9e: {  	_ =	swait.ge [sflag:s22], s20  }
0x9f: {  	s4 =	ssub.s32 $0x0, s20;
	[sflag:s22] =	ssyncset.done $0x0  }
0xa0: {  	[sflag:s22] =	ssyncadd.s32 s4;
	_ =	sdelay $0x1  }
0xa1: {  	s23 =	simm.s32 $0x1B8B  }
0xa2: {  	_ =	swait.ge [sflag:s23], $0x1  }
0xa3: {  	[sflag:s23] =	ssyncset.done $0x0  }
0xa4: {  	s25 =	simm.s32 $0x1B8E;
	s24 =	sld [smem:$0x3FFE];
	[sflag:s23] =	ssyncadd.s32 $0xFFFFFFFF  }
0xa5: {  	s26 =	simm.s32 $execute0_lowered;
	[smem:$0x3FD2] =	sst s25  }
0xa6: {  	s5 =	sshll.u32 s26, $0x1;
	_ =	strace $0x80000049;
	[dreg:$0x1] =	wrdreg $0xFFFFFFFF  }
0xa7: {  	s28 =	simm.s32 $_size_execute0_lowered;
	s3 =	sadd.s32 s3, s5;
	[dreg:$0x0] =	wrdreg $0x0  }
0xa8: {  	s5 =	sshll.u32 s28, $0x1;
	[dreg:$0x2] =	wrdreg s3  }
0xa9: {  	[dreg:$0x3] =	wrdreg s5  }
0xaa: {  	[dreg:$0x4] =	wrdreg $0xC0  }
0xab: {  	_ =	task [dreg:s7], $0x5FFFF  }
0xac: {  	[dreg:$0x1] =	wrdreg $0xFFFFFFFF  }
0xad: {  	[dreg:$0x0] =	wrdreg $0x60  }
0xae: {  	[dreg:$0x2] =	wrdreg s24  }
0xaf: {  	[dreg:$0x3] =	wrdreg s2  }
0xb0: {  	[dreg:$0x4] =	wrdreg $0x0  }
0xb1: {  	[dreg:$0x5] =	wrdreg $0x9  }
0xb2: {  	_ =	task.clear_ibuf [dreg:s7], $0x6FFFF;
	_ =	strace $0x90000049  }
0xb3: {  	s29 =	simm.s32 $0x9;
	_ =	strace $0x8000004B  }
0xb4: {  	_ =	swait.ge [sflag:s29], $0x1  }
0xb5: {  	[sflag:s29] =	ssyncadd.s32 $0xFFFFFFFF  }
0xb6: {  	_ =	strace $0x9000004B  }
0xb7: {  	_ =	sfence  }
0xb8: {  	s30 =	sld [smem:$0x0];
	_ =	sdelay $0x2  }
0xb9: {  	s31 =	sshll.u32 s1, $0xD;
	s1 =	sshrl.u32 s1, $0x2  }
0xba: {  	s3 =	sand.u32 $0x4000, s31;
	s1 =	sadd.s32 s1, s30  }
0xbb: {  	s0 =	sor.u32 s3, s0;
	s1 =	sshll.u32 s1, $0x11  }
0xbc: {  	s0 =	sor.u32 s1, s0  }
0xbd: {  	s0 =	sadd.s32 $0x8F2B, s0  }
0xbe: {  	[sflag:s0] =	ssyncadd.remote.s32 $0x1  }
0xbf: {  	_ =	sfence.sel $0xFFFF  }
0xc0: {  	[dreg:$0x0] =	wrdreg $0xFFFFFFFF;
	(pc) =	sbr.abs _section_cstart, $3  }
0xc1: {  	[dreg:$0x1] =	wrdreg $0xFFFFFFFF  }
0xc2: {  	_ =	task.clear_ibuf [dreg:s7], $0x2FFFF;
	_ =	strace $0x9FFFFFFF  }
0xc3: {  	(tm) =	ssettm $0x7FFFFFFF  }
tec
execute0_lowered:
.L_overlay_start_1:
0x0: {  	(tag) =	ssettag $0x1  }
0x1: {  	s6 =	rddreg [dreg:$0x0]  }
0x2: {  	s3 =	rddreg [dreg:$0x2];
	s4 =	simm.s32 $0x0  }
0x3: {  	s5 =	srdreg.scid;
	s0 =	stileid.u32;
	s21 =	simm.s32 $0x1  }
0x4: {  	s22 =	simm.s32 $0x80;
	s23 =	simm.s32 $0x2;
	[smem:$0x7FF] =	sst s4  }
0x5: {  	s7 =	sand.u32 $0x1, s5;
	s8 =	smul.u32 $0xC400, s0;
	s24 =	sshll.u32 s0, $0x1  }
0x6: {  	s14 =	sadd.s32 $0x30F800, s6;
	s13 =	sadd.s32 $0xC4E00, s6;
	s12 =	smul.u32 $0x62000, s0  }
0x7: {  	s5 =	sadd.s32 $0x1800, s6;
	s28 =	sshll.u32 s0, $0x6;
	s9 =	smul.u32 $0xC4000, s7  }
0x8: {  	_ =	strace $0x8000004A;
	s10 =	sor.u32 s7, s24;
	s26 =	smul.u32 $0x31000, s7  }
0x9: {  	s11 =	ssub.s32 $0x2, s7;
	s24 =	simm.s32 $0x3;
	s10 =	smul.u32 $0x6200, s10  }
0xa: {  	s25 =	sshrl.u32 s11, $0x1;
	s17 =	sadd.s32 s8, s3;
	s9 =	sadd.s32 s8, s9  }
0xb: {  	s16 =	ssub.s32 s11, s25;
	s25 =	simm.s32 $0x0;
	s9 =	sshrl.u32 s9, $0x3  }
0xc: {  	s29 =	sadd.s32 s14, s10;
	s30 =	sadd.s32 s13, s10;
	s10 =	sor.u32 $0x80, s10  }
0xd: {  	s15 =	sadd.s32 s9, s6;
	s6 =	sor.u32 $0x1C04, s28;
	[dreg:$0x4] =	wrdreg s29  }
0xe: {  	s9 =	sadd.s32 s26, s12;
	[dreg:$0x5] =	wrdreg s30;
	s12 =	smax.u32 s16, $0x1  }
0xf: {  	s16 =	simm.s32 $0x4;
	s31 =	sor.u32 $0x800, s9;
	s9 =	sadd.s32 s14, s10  }
0x10: {  	s10 =	sadd.s32 s13, s10;
	s11 =	sadd.s32 $0x1A000, s15;
	s18 =	sshrl.u32 s31, $0x3  }
0x11: {  	s15 =	sshrl.u32 s17, $0x3;
	s13 =	sadd.s32 s18, s13;
	s14 =	sadd.s32 s18, s14  }
.LBB2_1:
0x12: {  	s0 =	rddreg [dreg:$0x1]  }
0x13: {  	[spmem:s15], [sflag:s6] =	dma.local [hbm:s0], $0x1880  }
0x14: {  	_ =	swait.ge [sflag:s16], $0x1880  }
0x15: {  	[sflag:s16] =	ssyncset.done $0x0  }
0x16: {  	[sflag:s16] =	ssyncadd.s32 $0xFFFFE780  }
0x17: {  	[bflag:$0x0] =	sbarrier.arrive $0xFFFF  }
0x18: {  	s1 =	simm.s32 $0xC400;
	s18 =	rddreg [dreg:$0x4]  }
0x19: {  	[tilespmem:s1], [sflag:$0x1] =	stream.linear.gather [hbm4b:s18+s4], $0x400, $0x38;
	[tilespmem:$0x16400] =	vst v63  }
0x1a: {  	s20 =	simm.s32 $0xD400;
	s19 =	rddreg [dreg:$0x5]  }
0x1b: {  	[tilespmem:s20], [sflag:$0x1] =	stream.linear.gather [hbm4b:s19+s4], $0x400, $0x38;
	[tilespmem:$0x16400] =	vst v63  }
0x1c: {  	s26 =	simm.s32 $0xC800;
	s31 =	simm.s32 $0xD800;
	s28 =	smov.u32 s14  }
0x1d: {  	[tilespmem:s26], [sflag:$0x1] =	stream.linear.gather [hbm4b:s9+s4], $0x400, $0x38;
	[tilespmem:$0x16400] =	vst v63  }
0x1e: {  	s29 =	smov.u32 s13;
	s30 =	simm.s32 $0x0;
	s26 =	simm.s32 $0x800  }
0x1f: {  	[tilespmem:s31], [sflag:$0x1] =	stream.linear.gather [hbm4b:s10+s4], $0x400, $0x38;
	[tilespmem:$0x16400] =	vst v63  }
.LBB2_2:
0x20: {  	_ =	swait.ge [sflag:s21], $0x400  }
0x21: {  	[sflag:s21] =	ssyncset.done $0x0  }
0x22: {  	[sflag:s21] =	ssyncadd.s32 $0xFFFFFC00  }
0x23: {  	s31 =	sand.u32 $0x3, s30;
	_ =	swait.ge [sflag:s21], $0x400  }
0x24: {  	s0 =	sshll.u32 s31, $0xD;
	s31 =	sshll.u32 s31, $0xA;
	[sflag:s21] =	ssyncset.done $0x0  }
0x25: {  	s2 =	sadd.s32 $0xE400, s0;
	s1 =	sadd.s32 $0xC400, s31;
	[sflag:s21] =	ssyncadd.s32 $0xFFFFFC00  }
0x26: {  	[tilespmem:s2], [sflag:$0x2] =	stream.indirect.gather [hbm4b:s5+s22], $0x8, s1, s22, $0xb8;
	[tilespmem:$0x16400] =	vst v63  }
0x27: {  	s17 =	sadd.s32 $0xC480, s31;
	s1 =	sadd.s32 $0xE800, s0  }
0x28: {  	[tilespmem:s1], [sflag:$0x2] =	stream.indirect.gather [hbm4b:s5+s22], $0x8, s17, s22, $0xb8;
	[tilespmem:$0x16400] =	vst v63  }
0x29: {  	s18 =	sadd.s32 $0xC500, s31;
	s17 =	sadd.s32 $0xEC00, s0  }
0x2a: {  	[tilespmem:s17], [sflag:$0x2] =	stream.indirect.gather [hbm4b:s5+s22], $0x8, s18, s22, $0xb8;
	[tilespmem:$0x16400] =	vst v63  }
0x2b: {  	s19 =	sadd.s32 $0xC580, s31;
	s18 =	sadd.s32 $0xF000, s0  }
0x2c: {  	[tilespmem:s18], [sflag:$0x2] =	stream.indirect.gather [hbm4b:s5+s22], $0x8, s19, s22, $0xb8;
	[tilespmem:$0x16400] =	vst v63  }
0x2d: {  	s20 =	sadd.s32 $0xC600, s31;
	s19 =	sadd.s32 $0xF400, s0  }
0x2e: {  	[tilespmem:s19], [sflag:$0x2] =	stream.indirect.gather [hbm4b:s5+s22], $0x8, s20, s22, $0xb8;
	[tilespmem:$0x16400] =	vst v63  }
0x2f: {  	s7 =	sadd.s32 $0xC680, s31;
	s20 =	sadd.s32 $0xF800, s0  }
0x30: {  	[tilespmem:s20], [sflag:$0x2] =	stream.indirect.gather [hbm4b:s5+s22], $0x8, s7, s22, $0xb8;
	[tilespmem:$0x16400] =	vst v63  }
0x31: {  	s8 =	sadd.s32 $0xC700, s31;
	s7 =	sadd.s32 $0xFC00, s0  }
0x32: {  	[tilespmem:s7], [sflag:$0x2] =	stream.indirect.gather [hbm4b:s5+s22], $0x8, s8, s22, $0xb8;
	[tilespmem:$0x16400] =	vst v63  }
0x33: {  	s0 =	sor.u32 $0x10000, s0;
	s8 =	sadd.s32 $0xC780, s31  }
0x34: {  	[tilespmem:s0], [sflag:$0x2] =	stream.indirect.gather [hbm4b:s5+s22], $0x8, s8, s22, $0xb8;
	[tilespmem:$0x16400] =	vst v63  }
0x35: {  	_ =	swait.ge [sflag:s23], $0x400  }
0x36: {  	[sflag:s23] =	ssyncset.done $0x0  }
0x37: {  	s8 =	sadd.s32 $0xD400, s31;
	[sflag:s23] =	ssyncadd.s32 $0xFFFFFC00  }
0x38: {  	[spmem:s3] =	stream.indirect.scatter.add.f32 [tilespmem:s2], [sflag:$0x3], $0x8, s8, s22, $0xb8;
	[tilespmem:$0x16400] =	vst v63  }
0x39: {  	_ =	swait.ge [sflag:s23], $0x400  }
0x3a: {  	[sflag:s23] =	ssyncset.done $0x0  }
0x3b: {  	s8 =	sadd.s32 $0xD480, s31;
	[sflag:s23] =	ssyncadd.s32 $0xFFFFFC00  }
0x3c: {  	[spmem:s3] =	stream.indirect.scatter.add.f32 [tilespmem:s1], [sflag:$0x3], $0x8, s8, s22, $0xb8;
	[tilespmem:$0x16400] =	vst v63  }
0x3d: {  	_ =	swait.ge [sflag:s23], $0x400  }
0x3e: {  	[sflag:s23] =	ssyncset.done $0x0  }
0x3f: {  	s8 =	sadd.s32 $0xD500, s31;
	[sflag:s23] =	ssyncadd.s32 $0xFFFFFC00  }
0x40: {  	[spmem:s3] =	stream.indirect.scatter.add.f32 [tilespmem:s17], [sflag:$0x3], $0x8, s8, s22, $0xb8;
	[tilespmem:$0x16400] =	vst v63  }
0x41: {  	_ =	swait.ge [sflag:s23], $0x400  }
0x42: {  	[sflag:s23] =	ssyncset.done $0x0  }
0x43: {  	s17 =	sadd.s32 $0xD580, s31;
	[sflag:s23] =	ssyncadd.s32 $0xFFFFFC00  }
0x44: {  	[spmem:s3] =	stream.indirect.scatter.add.f32 [tilespmem:s18], [sflag:$0x3], $0x8, s17, s22, $0xb8;
	[tilespmem:$0x16400] =	vst v63  }
0x45: {  	_ =	swait.ge [sflag:s23], $0x400  }
0x46: {  	[sflag:s23] =	ssyncset.done $0x0  }
0x47: {  	s18 =	sadd.s32 $0xD600, s31;
	[sflag:s23] =	ssyncadd.s32 $0xFFFFFC00  }
0x48: {  	[spmem:s3] =	stream.indirect.scatter.add.f32 [tilespmem:s19], [sflag:$0x3], $0x8, s18, s22, $0xb8;
	[tilespmem:$0x16400] =	vst v63  }
0x49: {  	_ =	swait.ge [sflag:s23], $0x400  }
0x4a: {  	[sflag:s23] =	ssyncset.done $0x0  }
0x4b: {  	s19 =	sadd.s32 $0xD680, s31;
	[sflag:s23] =	ssyncadd.s32 $0xFFFFFC00  }
0x4c: {  	[spmem:s3] =	stream.indirect.scatter.add.f32 [tilespmem:s20], [sflag:$0x3], $0x8, s19, s22, $0xb8;
	[tilespmem:$0x16400] =	vst v63  }
0x4d: {  	_ =	swait.ge [sflag:s23], $0x400  }
0x4e: {  	[sflag:s23] =	ssyncset.done $0x0  }
0x4f: {  	s20 =	sadd.s32 $0xD700, s31;
	[sflag:s23] =	ssyncadd.s32 $0xFFFFFC00  }
0x50: {  	[spmem:s3] =	stream.indirect.scatter.add.f32 [tilespmem:s7], [sflag:$0x3], $0x8, s20, s22, $0xb8;
	[tilespmem:$0x16400] =	vst v63  }
0x51: {  	_ =	swait.ge [sflag:s23], $0x400  }
0x52: {  	[sflag:s23] =	ssyncset.done $0x0  }
0x53: {  	p0 =	seq.s32 s30, $0x0;
	s31 =	sadd.s32 $0xD780, s31;
	[sflag:s23] =	ssyncadd.s32 $0xFFFFFC00  }
0x54: {  	[spmem:s3] =	stream.indirect.scatter.add.f32 [tilespmem:s0], [sflag:$0x3], $0x8, s31, s22, $0xb8;
	[tilespmem:$0x16400] =	vst v63  }
0x55: {  	s0 =	simm.s32 @!p0 $0x3  }
0x56: {  	_ =	swait.ge @!p0 [sflag:s0], $0x400  }
0x57: {  	[sflag:s0] =	ssyncset.done @!p0 $0x0  }
0x58: {  	[sflag:s0] =	ssyncadd.s32 @!p0 $0xFFFFFC00  }
0x59: {  	_ =	swait.ge @!p0 [sflag:s0], $0x400  }
0x5a: {  	[sflag:s0] =	ssyncset.done @!p0 $0x0  }
0x5b: {  	[sflag:s0] =	ssyncadd.s32 @!p0 $0xFFFFFC00  }
0x5c: {  	_ =	swait.ge @!p0 [sflag:s0], $0x400  }
0x5d: {  	[sflag:s0] =	ssyncset.done @!p0 $0x0  }
0x5e: {  	[sflag:s0] =	ssyncadd.s32 @!p0 $0xFFFFFC00  }
0x5f: {  	_ =	swait.ge @!p0 [sflag:s0], $0x400  }
0x60: {  	[sflag:s0] =	ssyncset.done @!p0 $0x0  }
0x61: {  	[sflag:s0] =	ssyncadd.s32 @!p0 $0xFFFFFC00  }
0x62: {  	_ =	swait.ge @!p0 [sflag:s0], $0x400  }
0x63: {  	[sflag:s0] =	ssyncset.done @!p0 $0x0  }
0x64: {  	[sflag:s0] =	ssyncadd.s32 @!p0 $0xFFFFFC00  }
0x65: {  	_ =	swait.ge @!p0 [sflag:s0], $0x400  }
0x66: {  	[sflag:s0] =	ssyncset.done @!p0 $0x0  }
0x67: {  	[sflag:s0] =	ssyncadd.s32 @!p0 $0xFFFFFC00  }
0x68: {  	_ =	swait.ge @!p0 [sflag:s0], $0x400  }
0x69: {  	[sflag:s0] =	ssyncset.done @!p0 $0x0  }
0x6a: {  	[sflag:s0] =	ssyncadd.s32 @!p0 $0xFFFFFC00  }
0x6b: {  	p1 =	sgt.u32 @!p0 s30, $0xC1;
	_ =	swait.ge @!p0 [sflag:s0], $0x400  }
0x6c: {  	s30 =	sadd.s32 $0x1, s30;
	p1 =	por p0, !p1;
	[sflag:s0] =	ssyncset.done @!p0 $0x0  }
0x6d: {  	[sflag:s0] =	ssyncadd.s32 @!p0 $0xFFFFFC00;
	s0 =	sand.u32 @p1 $0xC00, s26;
	p0 =	sne.s32 s30, $0xC4  }
.Ltmp0:
0x6e: {  	s1 =	sadd.s32 @p1 $0xC400, s0;
	(pc) =	sbr.rel @p0 .LBB2_2-.Ltmp0, $4  }
0x6f: {  	[tilespmem:s1], [sflag:$0x1] =	stream.linear.gather @p1 [hbm4b:s28+s4], $0x400, $0x38;
	[tilespmem:$0x16400] =	vst v63  }
0x70: {  	s0 =	sadd.s32 @p1 $0xD400, s0  }
0x71: {  	[tilespmem:s0], [sflag:$0x1] =	stream.linear.gather @p1 [hbm4b:s29+s4], $0x400, $0x38;
	[tilespmem:$0x16400] =	vst v63  }
0x72: {  	s26 =	sadd.s32 $0x400, s26;
	s28 =	sadd.s32 $0x80, s28;
	s29 =	sadd.s32 $0x80, s29  }
0x73: {  	_ =	swait.ge [sflag:s24], $0x400  }
0x74: {  	[sflag:s24] =	ssyncset.done $0x0  }
0x75: {  	[sflag:s24] =	ssyncadd.s32 $0xFFFFFC00  }
0x76: {  	_ =	swait.ge [sflag:s24], $0x400  }
0x77: {  	[sflag:s24] =	ssyncset.done $0x0  }
0x78: {  	[sflag:s24] =	ssyncadd.s32 $0xFFFFFC00  }
0x79: {  	_ =	swait.ge [sflag:s24], $0x400  }
0x7a: {  	[sflag:s24] =	ssyncset.done $0x0  }
0x7b: {  	[sflag:s24] =	ssyncadd.s32 $0xFFFFFC00  }
0x7c: {  	_ =	swait.ge [sflag:s24], $0x400  }
0x7d: {  	[sflag:s24] =	ssyncset.done $0x0  }
0x7e: {  	[sflag:s24] =	ssyncadd.s32 $0xFFFFFC00  }
0x7f: {  	_ =	swait.ge [sflag:s24], $0x400  }
0x80: {  	[sflag:s24] =	ssyncset.done $0x0  }
0x81: {  	[sflag:s24] =	ssyncadd.s32 $0xFFFFFC00  }
0x82: {  	_ =	swait.ge [sflag:s24], $0x400  }
0x83: {  	[sflag:s24] =	ssyncset.done $0x0  }
0x84: {  	[sflag:s24] =	ssyncadd.s32 $0xFFFFFC00  }
0x85: {  	_ =	swait.ge [sflag:s24], $0x400  }
0x86: {  	[sflag:s24] =	ssyncset.done $0x0  }
0x87: {  	[sflag:s24] =	ssyncadd.s32 $0xFFFFFC00  }
0x88: {  	_ =	swait.ge [sflag:s24], $0x400  }
0x89: {  	s25 =	sadd.s32 $0x1, s25;
	[sflag:s24] =	ssyncset.done $0x0  }
0x8a: {  	p0 =	sne.s32 s25, s12;
	[sflag:s24] =	ssyncadd.s32 $0xFFFFFC00  }
.Ltmp1:
0x8b: {  	[bflag:$0x0] =	sbarrier.arrive $0xFFFF;
	(pc) =	sbr.rel @p0 .LBB2_1-.Ltmp1, $4  }
0x8c: {  	[hbm:s11], [sflag:s6] =	dma.local [spmem:s15], $0x1880  }
0x8d: {  	_ =	swait.ge [sflag:s16], $0x1880  }
0x8e: {  	[sflag:s16] =	ssyncset.done $0x0  }
0x8f: {  	[sflag:s16] =	ssyncadd.s32 $0xFFFFE780  }
0x90: {  	_ =	sfence.sel $0x180000  }
0x91: {  	[bflag:$0x0] =	sbarrier.arrive $0xFFFF  }
0x92: {  	_ =	strace $0x9000004A  }
0x93: {  	s0 =	stileid.u32;
	[bflag:$0x2] =	sbarrier.arrive $0xFFFF  }
0x94: {  	p0 =	sne.s32 s0, $0x0;
	s0 =	rddreg [dreg:$0x3]  }
0x95: {  	s0 =	sadd.s32 @!p0 $0x100000, s0  }
0x96: {  	[sflag:s0] =	ssyncadd.tile.s32 @!p0 $0x1;
	_ =	shalt  }
.Lfunc_end2:
_tile_overlayer_lowered:
.L_overlay_start_2:
0x97: {  	(tag) =	ssettag $0x2  }
0x98: {  	s0 =	rddreg [dreg:$0x0];
	s2 =	stileid.u32  }
0x99: {  	s1 =	rddreg [dreg:$0x1];
	p0 =	sne.s32 s2, $0x0  }
0x9a: {  	s3 =	rddreg [dreg:$0x2];
	[bflag:$0x3] =	sbarrier.arrive $0xFFFF;
	s2 =	simm.s32 @!p0 $0x1C04  }
0x9b: {  	[timem:s3], [sflag:s2] =	dma.local @!p0 [hbm:s0], s1  }
0x9c: {  	s0 =	simm.s32 @!p0 $0x4  }
0x9d: {  	_ =	swait.ge @!p0 [sflag:s0], s1  }
0x9e: {  	s1 =	ssub.s32 @!p0 $0x0, s1;
	[sflag:s0] =	ssyncset.done @!p0 $0x0  }
0x9f: {  	[sflag:s0] =	ssyncadd.s32 @!p0 s1  }
0xa0: {  	[bflag:$0x3] =	sbarrier.arrive $0xFFFF  }
0xa1: {  	_ =	shalt  }

// kernel: kernel.14.cloned.1.call-start
scs
__scs_entry_jumppad:
0x0: {  	(pc) =	sbr.rel $0x88, $3  }
0x1: {  	(tag) =	ssettag $0x0;
	lr =	simm.s32 $0x1  }
0x2: {  	[smem:$0x3F9B] =	sst lr;
	_ =	strace $0xD0000000  }
0x3: {  	_ = 	snop  }
0x4: {  	_ = 	snop  }
0x5: {  	_ = 	snop  }
0x6: {  	_ = 	snop  }
0x7: {  	_ = 	snop  }
__scs_overlays_trampoline_lowered:
0x8: {  	[smem:$0x3FAA] =	sst s0  }
0x9: {  	[smem:$0x3FAB] =	sst s1  }
0xa: {  	[smem:$0x3FAC] =	sst s2  }
0xb: {  	[smem:$0x3FAD] =	sst s3  }
0xc: {  	[smem:$0x3FAE] =	sst s4  }
0xd: {  	[smem:$0x3FAF] =	sst s5  }
0xe: {  	[smem:$0x3FB0] =	sst s6  }
0xf: {  	[smem:$0x3FB1] =	sst s7  }
0x10: {  	[smem:$0x3FB2] =	sst s8  }
0x11: {  	[smem:$0x3FB3] =	sst s9;
	s0 =	simm.s32 @!p0 $0x0  }
0x12: {  	s1 =	sld [smem:$0x3F99];
	s0 =	simm.s32 @p0 $0x1  }
0x13: {  	[smem:$0x3FB4] =	sst s0;
	s0 =	simm.s32 @!p1 $0x0  }
0x14: {  	s2 =	sld [smem:$0x3F98];
	s0 =	simm.s32 @p1 $0x1  }
0x15: {  	[smem:$0x3FB5] =	sst s0;
	s0 =	simm.s32 @!p2 $0x0  }
0x16: {  	s3 =	sld [smem:$0x3FDB];
	s0 =	simm.s32 @p2 $0x1  }
0x17: {  	s4 =	simm.s32 $0x1BF5;
	[smem:$0x3FB7] =	sst s0  }
0x18: {  	s0 =	sld [smem:$0x3F9A];
	_ =	swait.ge [sflag:s4], $0x0  }
0x19: {  	s7 =	sld [smem:$0x3F9B]  }
0x1a: {  	s8 =	sadd.s32 $0xFFFFE003, lr  }
0x1b: {  	s9 =	sadd.s32 $0xFFFFFEF7, lr;
	s5 =	simm.s32 $0xFFFFFFFF;
	p2 =	slt.u32 s8, $0xFFFFF086  }
0x1c: {  	p1 =	slt.u32 s9, $0xF7A;
	s5 =	simm.s32 @!p2 $0x0  }
0x1d: {  	s5 =	simm.s32 @p1 $0x1;
	p0 =	seq.s32 s7, s2  }
0x1e: {  	s7 =	smul.u32 @!p0 $0xF7A, s2;
	p2 =	seq.s32 @!p0 s5, $0x0  }
0x1f: {  	s9 =	smul.u32 $0xF7A, s1;
	s8 =	simm.s32 @!p0 $0x1BF5;
	p2 =	por !p2, p0  }
0x20: {  	[sflag:s8] =	ssyncset.s32 @!p0 $0xFFFFF086;
	s6 =	sadd.s32 @!p0 s3, s7;
	s7 =	simm.s32 @!p0 $0x108  }
0x21: {  	s3 =	sadd.s32 s3, s9;
	s6 =	sadd.s32 @!p0 $0x88, s6;
	s7 =	simm.s32 @p2 $0x1082  }
0x22: {  	[simem:s7], [sflag:s8] =	dma.local @!p0 [hbm:s6], $0xF7A  }
0x23: {  	s9 =	sor.u32 $0xD0000000, s2;
	s6 =	simm.s32 $0x108;
	_ =	swait.ge @!p0 [sflag:s8], $0x0  }
0x24: {  	s3 =	sadd.s32 $0x88, s3;
	s6 =	simm.s32 @!p1 $0x1082;
	[sflag:s4] =	ssyncset.s32 $0xFFFFF086  }
0x25: {  	[simem:s6], [sflag:s4] =	dma.local [hbm:s3], $0xF7A  }
0x26: {  	[smem:$0x3F9B] =	sst s1;
	(tag) =	ssettag s2;
	_ =	strace s9  }
0x27: {  	s1 =	sld [smem:$0x3FAB]  }
0x28: {  	s2 =	sld [smem:$0x3FAC]  }
0x29: {  	s4 =	sld [smem:$0x3FAE]  }
0x2a: {  	p0 =	seq.s32 s5, $0x0;
	s5 =	sld [smem:$0x3FAF]  }
0x2b: {  	s6 =	sld [smem:$0x3FB0]  }
0x2c: {  	s7 =	sld [smem:$0x3FB1]  }
0x2d: {  	s3 =	simm.s32 $0x108;
	s8 =	sld [smem:$0x3FB2]  }
0x2e: {  	s3 =	simm.s32 @!p0 $0x1082;
	s9 =	sld [smem:$0x3FB3]  }
0x2f: {  	lr =	sadd.s32 s0, s3;
	s0 =	sld [smem:$0x3FAA]  }
0x30: {  	s3 =	sld [smem:$0x3FAD]  }
0x31: {  	[smem:$0x3FB6] =	sst s10  }
0x32: {  	s10 =	sld [smem:$0x3FB4];
	_ =	sdelay $0x3  }
0x33: {  	p0 =	seq.s32 s10, $0x1;
	s10 =	sld [smem:$0x3FB6];
	_ =	sdelay $0x3  }
0x34: {  	[smem:$0x3FB6] =	sst s10  }
0x35: {  	s10 =	sld [smem:$0x3FB5];
	_ =	sdelay $0x3  }
0x36: {  	p1 =	seq.s32 s10, $0x1;
	s10 =	sld [smem:$0x3FB6];
	_ =	sdelay $0x3  }
0x37: {  	[smem:$0x3FB6] =	sst s10  }
0x38: {  	s10 =	sld [smem:$0x3FB7]  }
0x39: {  	_ = 	snop;
	(pc) =	sbr.ind lr, $3  }
0x3a: {  	_ = 	snop  }
0x3b: {  	_ = 	snop  }
0x3c: {  	p2 =	seq.s32 s10, $0x1;
	s10 =	sld [smem:$0x3FB6]  }
0x3d: {  	_ =	shalt  }
0x3e: {  	_ =	shalt  }
0x3f: {  	_ =	shalt  }
0x40: {  	_ =	shalt  }
0x41: {  	_ =	shalt  }
0x42: {  	_ =	shalt  }
0x43: {  	_ =	shalt  }
0x44: {  	_ =	shalt  }
0x45: {  	_ =	shalt  }
0x46: {  	_ =	shalt  }
0x47: {  	_ =	shalt  }
0x48: {  	_ =	shalt  }
0x49: {  	_ =	shalt  }
0x4a: {  	_ =	shalt  }
0x4b: {  	_ =	shalt  }
0x4c: {  	_ =	shalt  }
0x4d: {  	_ =	shalt  }
0x4e: {  	_ =	shalt  }
0x4f: {  	_ =	shalt  }
0x50: {  	_ =	shalt  }
0x51: {  	_ =	shalt  }
0x52: {  	_ =	shalt  }
0x53: {  	_ =	shalt  }
0x54: {  	_ =	shalt  }
0x55: {  	_ =	shalt  }
0x56: {  	_ =	shalt  }
0x57: {  	_ =	shalt  }
0x58: {  	_ =	shalt  }
0x59: {  	_ =	shalt  }
0x5a: {  	_ =	shalt  }
0x5b: {  	_ =	shalt  }
0x5c: {  	_ =	shalt  }
0x5d: {  	_ =	shalt  }
0x5e: {  	_ =	shalt  }
0x5f: {  	_ =	shalt  }
0x60: {  	_ =	shalt  }
0x61: {  	_ =	shalt  }
0x62: {  	_ =	shalt  }
0x63: {  	_ =	shalt  }
0x64: {  	_ =	shalt  }
0x65: {  	_ =	shalt  }
0x66: {  	_ =	shalt  }
0x67: {  	_ =	shalt  }
0x68: {  	_ =	shalt  }
0x69: {  	_ =	shalt  }
0x6a: {  	_ =	shalt  }
0x6b: {  	_ =	shalt  }
0x6c: {  	_ =	shalt  }
0x6d: {  	_ =	shalt  }
0x6e: {  	_ =	shalt  }
0x6f: {  	_ =	shalt  }
0x70: {  	_ =	shalt  }
0x71: {  	_ =	shalt  }
0x72: {  	_ =	shalt  }
0x73: {  	_ =	shalt  }
0x74: {  	_ =	shalt  }
0x75: {  	_ =	shalt  }
0x76: {  	_ =	shalt  }
0x77: {  	_ =	shalt  }
0x78: {  	_ =	shalt  }
0x79: {  	_ =	shalt  }
0x7a: {  	_ =	shalt  }
0x7b: {  	_ =	shalt  }
0x7c: {  	_ =	shalt  }
0x7d: {  	_ =	shalt  }
0x7e: {  	_ =	shalt  }
0x7f: {  	_ =	shalt  }
0x80: {  	_ =	shalt  }
0x81: {  	_ =	shalt  }
0x82: {  	_ =	shalt  }
0x83: {  	_ =	shalt  }
0x84: {  	_ =	shalt  }
0x85: {  	_ =	shalt  }
0x86: {  	_ =	shalt  }
0x87: {  	_ =	shalt  }
.Lfunc_end0:
.L_simem_size_0:
called_computation.2_lowered:
.L_overlay_start_0:
0x88: {  	s2 =	sld [smem:$0x3FD9]  }
0x89: {  	s3 =	sld [smem:$0x3FFE];
	_ =	sdelay $0x1  }
0x8a: {  	s1 =	srdreg.scid  }
0x8b: {  	s0 =	sand.u32 $0x1, s1  }
0x8c: {  	s17 =	sshll.u32 s0, $0xA;
	s2 =	sadd.s32 s3, s2  }
0x8d: {  	s2 =	sadd.s32 s2, s17  }
0x8e: {  	[smem:$0x3FC2] =	sst s2  }
0x8f: {  	_ = 	snop  }
0x90: {  	s2 =	sld [smem:$0x3FD0];
	(tm) =	ssettm $0x1  }
0x91: {  	s18 =	sld [smem:$0x3FFB];
	_ =	sdelay $0x3  }
0x92: {  	_ =	strace s18  }
0x93: {  	s3 =	sld [smem:$0x3FFC];
	_ =	sdelay $0x3  }
0x94: {  	_ =	strace s3  }
0x95: {  	s3 =	sld [smem:$0x3FFD];
	_ =	sdelay $0x3  }
0x96: {  	_ =	strace s3  }
0x97: {  	_ =	strace $0x8FFFFFFF  }
0x98: {  	s19 =	sld [smem:$0x3FDB];
	_ =	sdelay $0x1  }
0x99: {  	s4 =	simm.s32 $_scs_section_size  }
0x9a: {  	s5 =	simm.s32 $_size__tile_overlayer_lowered;
	s6 =	simm.s32 $_tile_overlayer_lowered  }
0x9b: {  	s22 =	simm.s32 $0x1BFF;
	s21 =	sshll.u32 s6, $0x1;
	s3 =	sadd.s32 s4, s19  }
0x9c: {  	s7 =	simm.s32 $0x0;
	s20 =	sshll.u32 s5, $0x1;
	s5 =	sadd.s32 s21, s3  }
0x9d: {  	[timem:s7], [sflag:s22] =	dma.local [hbm:s5], s20  }
0x9e: {  	_ =	swait.ge [sflag:s22], s20  }
0x9f: {  	s4 =	ssub.s32 $0x0, s20;
	[sflag:s22] =	ssyncset.done $0x0  }
0xa0: {  	[sflag:s22] =	ssyncadd.s32 s4;
	_ =	sdelay $0x1  }
0xa1: {  	s23 =	simm.s32 $0x1B8B  }
0xa2: {  	_ =	swait.ge [sflag:s23], $0x1  }
0xa3: {  	[sflag:s23] =	ssyncset.done $0x0  }
0xa4: {  	s25 =	simm.s32 $0x1B8E;
	s24 =	sld [smem:$0x3FFE];
	[sflag:s23] =	ssyncadd.s32 $0xFFFFFFFF  }
0xa5: {  	s26 =	simm.s32 $execute0_lowered;
	[smem:$0x3FD2] =	sst s25  }
0xa6: {  	s5 =	sshll.u32 s26, $0x1;
	_ =	strace $0x8000004C;
	[dreg:$0x1] =	wrdreg $0xFFFFFFFF  }
0xa7: {  	s28 =	simm.s32 $_size_execute0_lowered;
	s3 =	sadd.s32 s3, s5;
	[dreg:$0x0] =	wrdreg $0x0  }
0xa8: {  	s5 =	sshll.u32 s28, $0x1;
	[dreg:$0x2] =	wrdreg s3  }
0xa9: {  	[dreg:$0x3] =	wrdreg s5  }
0xaa: {  	[dreg:$0x4] =	wrdreg $0xC0  }
0xab: {  	_ =	task [dreg:s7], $0x5FFFF  }
0xac: {  	[dreg:$0x1] =	wrdreg $0xFFFFFFFF  }
0xad: {  	[dreg:$0x0] =	wrdreg $0x60  }
0xae: {  	[dreg:$0x2] =	wrdreg s24  }
0xaf: {  	[dreg:$0x3] =	wrdreg s2  }
0xb0: {  	[dreg:$0x4] =	wrdreg $0x0  }
0xb1: {  	[dreg:$0x5] =	wrdreg $0x9  }
0xb2: {  	_ =	task.clear_ibuf [dreg:s7], $0x6FFFF;
	_ =	strace $0x9000004C  }
0xb3: {  	s29 =	simm.s32 $0x9;
	_ =	strace $0x8000004E  }
0xb4: {  	_ =	swait.ge [sflag:s29], $0x1  }
0xb5: {  	[sflag:s29] =	ssyncadd.s32 $0xFFFFFFFF  }
0xb6: {  	_ =	strace $0x9000004E  }
0xb7: {  	_ =	sfence  }
0xb8: {  	s30 =	sld [smem:$0x0];
	_ =	sdelay $0x2  }
0xb9: {  	s31 =	sshll.u32 s1, $0xD;
	s1 =	sshrl.u32 s1, $0x2  }
0xba: {  	s3 =	sand.u32 $0x4000, s31;
	s1 =	sadd.s32 s1, s30  }
0xbb: {  	s0 =	sor.u32 s3, s0;
	s1 =	sshll.u32 s1, $0x11  }
0xbc: {  	s0 =	sor.u32 s1, s0  }
0xbd: {  	s0 =	sadd.s32 $0x8F2B, s0  }
0xbe: {  	[sflag:s0] =	ssyncadd.remote.s32 $0x1  }
0xbf: {  	_ =	sfence.sel $0xFFFF  }
0xc0: {  	[dreg:$0x0] =	wrdreg $0xFFFFFFFF;
	(pc) =	sbr.abs _section_cstart, $3  }
0xc1: {  	[dreg:$0x1] =	wrdreg $0xFFFFFFFF  }
0xc2: {  	_ =	task.clear_ibuf [dreg:s7], $0x2FFFF;
	_ =	strace $0x9FFFFFFF  }
0xc3: {  	(tm) =	ssettm $0x7FFFFFFF  }
tec
execute0_lowered:
.L_overlay_start_1:
0x0: {  	(tag) =	ssettag $0x1  }
0x1: {  	s6 =	rddreg [dreg:$0x0]  }
0x2: {  	s3 =	rddreg [dreg:$0x2];
	s4 =	simm.s32 $0x0  }
0x3: {  	s5 =	srdreg.scid;
	s0 =	stileid.u32;
	s21 =	simm.s32 $0x1  }
0x4: {  	s22 =	simm.s32 $0x80;
	s23 =	simm.s32 $0x2;
	[smem:$0x7FF] =	sst s4  }
0x5: {  	s7 =	sand.u32 $0x1, s5;
	s8 =	smul.u32 $0xC400, s0;
	s24 =	sshll.u32 s0, $0x1  }
0x6: {  	s14 =	sadd.s32 $0x30F800, s6;
	s13 =	sadd.s32 $0xC4E00, s6;
	s12 =	smul.u32 $0x62000, s0  }
0x7: {  	s5 =	sadd.s32 $0x1800, s6;
	s28 =	sshll.u32 s0, $0x6;
	s9 =	smul.u32 $0xC4000, s7  }
0x8: {  	_ =	strace $0x8000004D;
	s10 =	sor.u32 s7, s24;
	s26 =	smul.u32 $0x31000, s7  }
0x9: {  	s11 =	ssub.s32 $0x2, s7;
	s24 =	simm.s32 $0x3;
	s10 =	smul.u32 $0x6200, s10  }
0xa: {  	s25 =	sshrl.u32 s11, $0x1;
	s17 =	sadd.s32 s8, s3;
	s9 =	sadd.s32 s8, s9  }
0xb: {  	s16 =	ssub.s32 s11, s25;
	s25 =	simm.s32 $0x0;
	s9 =	sshrl.u32 s9, $0x3  }
0xc: {  	s29 =	sadd.s32 s14, s10;
	s30 =	sadd.s32 s13, s10;
	s10 =	sor.u32 $0x80, s10  }
0xd: {  	s15 =	sadd.s32 s9, s6;
	s6 =	sor.u32 $0x1C04, s28;
	[dreg:$0x4] =	wrdreg s29  }
0xe: {  	s9 =	sadd.s32 s26, s12;
	[dreg:$0x5] =	wrdreg s30;
	s12 =	smax.u32 s16, $0x1  }
0xf: {  	s16 =	simm.s32 $0x4;
	s31 =	sor.u32 $0x800, s9;
	s9 =	sadd.s32 s14, s10  }
0x10: {  	s10 =	sadd.s32 s13, s10;
	s11 =	sadd.s32 $0x1A000, s15;
	s18 =	sshrl.u32 s31, $0x3  }
0x11: {  	s15 =	sshrl.u32 s17, $0x3;
	s13 =	sadd.s32 s18, s13;
	s14 =	sadd.s32 s18, s14  }
.LBB2_1:
0x12: {  	s0 =	rddreg [dreg:$0x1]  }
0x13: {  	[spmem:s15], [sflag:s6] =	dma.local [hbm:s0], $0x1880  }
0x14: {  	_ =	swait.ge [sflag:s16], $0x1880  }
0x15: {  	[sflag:s16] =	ssyncset.done $0x0  }
0x16: {  	[sflag:s16] =	ssyncadd.s32 $0xFFFFE780  }
0x17: {  	[bflag:$0x0] =	sbarrier.arrive $0xFFFF  }
0x18: {  	s1 =	simm.s32 $0xC400;
	s18 =	rddreg [dreg:$0x4]  }
0x19: {  	[tilespmem:s1], [sflag:$0x1] =	stream.linear.gather [hbm4b:s18+s4], $0x400, $0x38;
	[tilespmem:$0x16400] =	vst v63  }
0x1a: {  	s20 =	simm.s32 $0xD400;
	s19 =	rddreg [dreg:$0x5]  }
0x1b: {  	[tilespmem:s20], [sflag:$0x1] =	stream.linear.gather [hbm4b:s19+s4], $0x400, $0x38;
	[tilespmem:$0x16400] =	vst v63  }
0x1c: {  	s26 =	simm.s32 $0xC800;
	s31 =	simm.s32 $0xD800;
	s28 =	smov.u32 s14  }
0x1d: {  	[tilespmem:s26], [sflag:$0x1] =	stream.linear.gather [hbm4b:s9+s4], $0x400, $0x38;
	[tilespmem:$0x16400] =	vst v63  }
0x1e: {  	s29 =	smov.u32 s13;
	s30 =	simm.s32 $0x0;
	s26 =	simm.s32 $0x800  }
0x1f: {  	[tilespmem:s31], [sflag:$0x1] =	stream.linear.gather [hbm4b:s10+s4], $0x400, $0x38;
	[tilespmem:$0x16400] =	vst v63  }
.LBB2_2:
0x20: {  	_ =	swait.ge [sflag:s21], $0x400  }
0x21: {  	[sflag:s21] =	ssyncset.done $0x0  }
0x22: {  	[sflag:s21] =	ssyncadd.s32 $0xFFFFFC00  }
0x23: {  	s31 =	sand.u32 $0x3, s30;
	_ =	swait.ge [sflag:s21], $0x400  }
0x24: {  	s0 =	sshll.u32 s31, $0xD;
	s31 =	sshll.u32 s31, $0xA;
	[sflag:s21] =	ssyncset.done $0x0  }
0x25: {  	s2 =	sadd.s32 $0xE400, s0;
	s1 =	sadd.s32 $0xC400, s31;
	[sflag:s21] =	ssyncadd.s32 $0xFFFFFC00  }
0x26: {  	[tilespmem:s2], [sflag:$0x2] =	stream.indirect.gather [hbm4b:s5+s22], $0x8, s1, s22, $0xb8;
	[tilespmem:$0x16400] =	vst v63  }
0x27: {  	s17 =	sadd.s32 $0xC480, s31;
	s1 =	sadd.s32 $0xE800, s0  }
0x28: {  	[tilespmem:s1], [sflag:$0x2] =	stream.indirect.gather [hbm4b:s5+s22], $0x8, s17, s22, $0xb8;
	[tilespmem:$0x16400] =	vst v63  }
0x29: {  	s18 =	sadd.s32 $0xC500, s31;
	s17 =	sadd.s32 $0xEC00, s0  }
0x2a: {  	[tilespmem:s17], [sflag:$0x2] =	stream.indirect.gather [hbm4b:s5+s22], $0x8, s18, s22, $0xb8;
	[tilespmem:$0x16400] =	vst v63  }
0x2b: {  	s19 =	sadd.s32 $0xC580, s31;
	s18 =	sadd.s32 $0xF000, s0  }
0x2c: {  	[tilespmem:s18], [sflag:$0x2] =	stream.indirect.gather [hbm4b:s5+s22], $0x8, s19, s22, $0xb8;
	[tilespmem:$0x16400] =	vst v63  }
0x2d: {  	s20 =	sadd.s32 $0xC600, s31;
	s19 =	sadd.s32 $0xF400, s0  }
0x2e: {  	[tilespmem:s19], [sflag:$0x2] =	stream.indirect.gather [hbm4b:s5+s22], $0x8, s20, s22, $0xb8;
	[tilespmem:$0x16400] =	vst v63  }
0x2f: {  	s7 =	sadd.s32 $0xC680, s31;
	s20 =	sadd.s32 $0xF800, s0  }
0x30: {  	[tilespmem:s20], [sflag:$0x2] =	stream.indirect.gather [hbm4b:s5+s22], $0x8, s7, s22, $0xb8;
	[tilespmem:$0x16400] =	vst v63  }
0x31: {  	s8 =	sadd.s32 $0xC700, s31;
	s7 =	sadd.s32 $0xFC00, s0  }
0x32: {  	[tilespmem:s7], [sflag:$0x2] =	stream.indirect.gather [hbm4b:s5+s22], $0x8, s8, s22, $0xb8;
	[tilespmem:$0x16400] =	vst v63  }
0x33: {  	s0 =	sor.u32 $0x10000, s0;
	s8 =	sadd.s32 $0xC780, s31  }
0x34: {  	[tilespmem:s0], [sflag:$0x2] =	stream.indirect.gather [hbm4b:s5+s22], $0x8, s8, s22, $0xb8;
	[tilespmem:$0x16400] =	vst v63  }
0x35: {  	_ =	swait.ge [sflag:s23], $0x400  }
0x36: {  	[sflag:s23] =	ssyncset.done $0x0  }
0x37: {  	s8 =	sadd.s32 $0xD400, s31;
	[sflag:s23] =	ssyncadd.s32 $0xFFFFFC00  }
0x38: {  	[spmem:s3] =	stream.indirect.scatter.add.f32 [tilespmem:s2], [sflag:$0x3], $0x8, s8, s22, $0xb8;
	[tilespmem:$0x16400] =	vst v63  }
0x39: {  	_ =	swait.ge [sflag:s23], $0x400  }
0x3a: {  	[sflag:s23] =	ssyncset.done $0x0  }
0x3b: {  	s8 =	sadd.s32 $0xD480, s31;
	[sflag:s23] =	ssyncadd.s32 $0xFFFFFC00  }
0x3c: {  	[spmem:s3] =	stream.indirect.scatter.add.f32 [tilespmem:s1], [sflag:$0x3], $0x8, s8, s22, $0xb8;
	[tilespmem:$0x16400] =	vst v63  }
0x3d: {  	_ =	swait.ge [sflag:s23], $0x400  }
0x3e: {  	[sflag:s23] =	ssyncset.done $0x0  }
0x3f: {  	s8 =	sadd.s32 $0xD500, s31;
	[sflag:s23] =	ssyncadd.s32 $0xFFFFFC00  }
0x40: {  	[spmem:s3] =	stream.indirect.scatter.add.f32 [tilespmem:s17], [sflag:$0x3], $0x8, s8, s22, $0xb8;
	[tilespmem:$0x16400] =	vst v63  }
0x41: {  	_ =	swait.ge [sflag:s23], $0x400  }
0x42: {  	[sflag:s23] =	ssyncset.done $0x0  }
0x43: {  	s17 =	sadd.s32 $0xD580, s31;
	[sflag:s23] =	ssyncadd.s32 $0xFFFFFC00  }
0x44: {  	[spmem:s3] =	stream.indirect.scatter.add.f32 [tilespmem:s18], [sflag:$0x3], $0x8, s17, s22, $0xb8;
	[tilespmem:$0x16400] =	vst v63  }
0x45: {  	_ =	swait.ge [sflag:s23], $0x400  }
0x46: {  	[sflag:s23] =	ssyncset.done $0x0  }
0x47: {  	s18 =	sadd.s32 $0xD600, s31;
	[sflag:s23] =	ssyncadd.s32 $0xFFFFFC00  }
0x48: {  	[spmem:s3] =	stream.indirect.scatter.add.f32 [tilespmem:s19], [sflag:$0x3], $0x8, s18, s22, $0xb8;
	[tilespmem:$0x16400] =	vst v63  }
0x49: {  	_ =	swait.ge [sflag:s23], $0x400  }
0x4a: {  	[sflag:s23] =	ssyncset.done $0x0  }
0x4b: {  	s19 =	sadd.s32 $0xD680, s31;
	[sflag:s23] =	ssyncadd.s32 $0xFFFFFC00  }
0x4c: {  	[spmem:s3] =	stream.indirect.scatter.add.f32 [tilespmem:s20], [sflag:$0x3], $0x8, s19, s22, $0xb8;
	[tilespmem:$0x16400] =	vst v63  }
0x4d: {  	_ =	swait.ge [sflag:s23], $0x400  }
0x4e: {  	[sflag:s23] =	ssyncset.done $0x0  }
0x4f: {  	s20 =	sadd.s32 $0xD700, s31;
	[sflag:s23] =	ssyncadd.s32 $0xFFFFFC00  }
0x50: {  	[spmem:s3] =	stream.indirect.scatter.add.f32 [tilespmem:s7], [sflag:$0x3], $0x8, s20, s22, $0xb8;
	[tilespmem:$0x16400] =	vst v63  }
0x51: {  	_ =	swait.ge [sflag:s23], $0x400  }
0x52: {  	[sflag:s23] =	ssyncset.done $0x0  }
0x53: {  	p0 =	seq.s32 s30, $0x0;
	s31 =	sadd.s32 $0xD780, s31;
	[sflag:s23] =	ssyncadd.s32 $0xFFFFFC00  }
0x54: {  	[spmem:s3] =	stream.indirect.scatter.add.f32 [tilespmem:s0], [sflag:$0x3], $0x8, s31, s22, $0xb8;
	[tilespmem:$0x16400] =	vst v63  }
0x55: {  	s0 =	simm.s32 @!p0 $0x3  }
0x56: {  	_ =	swait.ge @!p0 [sflag:s0], $0x400  }
0x57: {  	[sflag:s0] =	ssyncset.done @!p0 $0x0  }
0x58: {  	[sflag:s0] =	ssyncadd.s32 @!p0 $0xFFFFFC00  }
0x59: {  	_ =	swait.ge @!p0 [sflag:s0], $0x400  }
0x5a: {  	[sflag:s0] =	ssyncset.done @!p0 $0x0  }
0x5b: {  	[sflag:s0] =	ssyncadd.s32 @!p0 $0xFFFFFC00  }
0x5c: {  	_ =	swait.ge @!p0 [sflag:s0], $0x400  }
0x5d: {  	[sflag:s0] =	ssyncset.done @!p0 $0x0  }
0x5e: {  	[sflag:s0] =	ssyncadd.s32 @!p0 $0xFFFFFC00  }
0x5f: {  	_ =	swait.ge @!p0 [sflag:s0], $0x400  }
0x60: {  	[sflag:s0] =	ssyncset.done @!p0 $0x0  }
0x61: {  	[sflag:s0] =	ssyncadd.s32 @!p0 $0xFFFFFC00  }
0x62: {  	_ =	swait.ge @!p0 [sflag:s0], $0x400  }
0x63: {  	[sflag:s0] =	ssyncset.done @!p0 $0x0  }
0x64: {  	[sflag:s0] =	ssyncadd.s32 @!p0 $0xFFFFFC00  }
0x65: {  	_ =	swait.ge @!p0 [sflag:s0], $0x400  }
0x66: {  	[sflag:s0] =	ssyncset.done @!p0 $0x0  }
0x67: {  	[sflag:s0] =	ssyncadd.s32 @!p0 $0xFFFFFC00  }
0x68: {  	_ =	swait.ge @!p0 [sflag:s0], $0x400  }
0x69: {  	[sflag:s0] =	ssyncset.done @!p0 $0x0  }
0x6a: {  	[sflag:s0] =	ssyncadd.s32 @!p0 $0xFFFFFC00  }
0x6b: {  	p1 =	sgt.u32 @!p0 s30, $0xC1;
	_ =	swait.ge @!p0 [sflag:s0], $0x400  }
0x6c: {  	s30 =	sadd.s32 $0x1, s30;
	p1 =	por p0, !p1;
	[sflag:s0] =	ssyncset.done @!p0 $0x0  }
0x6d: {  	[sflag:s0] =	ssyncadd.s32 @!p0 $0xFFFFFC00;
	s0 =	sand.u32 @p1 $0xC00, s26;
	p0 =	sne.s32 s30, $0xC4  }
.Ltmp0:
0x6e: {  	s1 =	sadd.s32 @p1 $0xC400, s0;
	(pc) =	sbr.rel @p0 .LBB2_2-.Ltmp0, $4  }
0x6f: {  	[tilespmem:s1], [sflag:$0x1] =	stream.linear.gather @p1 [hbm4b:s28+s4], $0x400, $0x38;
	[tilespmem:$0x16400] =	vst v63  }
0x70: {  	s0 =	sadd.s32 @p1 $0xD400, s0  }
0x71: {  	[tilespmem:s0], [sflag:$0x1] =	stream.linear.gather @p1 [hbm4b:s29+s4], $0x400, $0x38;
	[tilespmem:$0x16400] =	vst v63  }
0x72: {  	s26 =	sadd.s32 $0x400, s26;
	s28 =	sadd.s32 $0x80, s28;
	s29 =	sadd.s32 $0x80, s29  }
0x73: {  	_ =	swait.ge [sflag:s24], $0x400  }
0x74: {  	[sflag:s24] =	ssyncset.done $0x0  }
0x75: {  	[sflag:s24] =	ssyncadd.s32 $0xFFFFFC00  }
0x76: {  	_ =	swait.ge [sflag:s24], $0x400  }
0x77: {  	[sflag:s24] =	ssyncset.done $0x0  }
0x78: {  	[sflag:s24] =	ssyncadd.s32 $0xFFFFFC00  }
0x79: {  	_ =	swait.ge [sflag:s24], $0x400  }
0x7a: {  	[sflag:s24] =	ssyncset.done $0x0  }
0x7b: {  	[sflag:s24] =	ssyncadd.s32 $0xFFFFFC00  }
0x7c: {  	_ =	swait.ge [sflag:s24], $0x400  }
0x7d: {  	[sflag:s24] =	ssyncset.done $0x0  }
0x7e: {  	[sflag:s24] =	ssyncadd.s32 $0xFFFFFC00  }
0x7f: {  	_ =	swait.ge [sflag:s24], $0x400  }
0x80: {  	[sflag:s24] =	ssyncset.done $0x0  }
0x81: {  	[sflag:s24] =	ssyncadd.s32 $0xFFFFFC00  }
0x82: {  	_ =	swait.ge [sflag:s24], $0x400  }
0x83: {  	[sflag:s24] =	ssyncset.done $0x0  }
0x84: {  	[sflag:s24] =	ssyncadd.s32 $0xFFFFFC00  }
0x85: {  	_ =	swait.ge [sflag:s24], $0x400  }
0x86: {  	[sflag:s24] =	ssyncset.done $0x0  }
0x87: {  	[sflag:s24] =	ssyncadd.s32 $0xFFFFFC00  }
0x88: {  	_ =	swait.ge [sflag:s24], $0x400  }
0x89: {  	s25 =	sadd.s32 $0x1, s25;
	[sflag:s24] =	ssyncset.done $0x0  }
0x8a: {  	p0 =	sne.s32 s25, s12;
	[sflag:s24] =	ssyncadd.s32 $0xFFFFFC00  }
.Ltmp1:
0x8b: {  	[bflag:$0x0] =	sbarrier.arrive $0xFFFF;
	(pc) =	sbr.rel @p0 .LBB2_1-.Ltmp1, $4  }
0x8c: {  	[hbm:s11], [sflag:s6] =	dma.local [spmem:s15], $0x1880  }
0x8d: {  	_ =	swait.ge [sflag:s16], $0x1880  }
0x8e: {  	[sflag:s16] =	ssyncset.done $0x0  }
0x8f: {  	[sflag:s16] =	ssyncadd.s32 $0xFFFFE780  }
0x90: {  	_ =	sfence.sel $0x180000  }
0x91: {  	[bflag:$0x0] =	sbarrier.arrive $0xFFFF  }
0x92: {  	_ =	strace $0x9000004D  }
0x93: {  	s0 =	stileid.u32;
	[bflag:$0x2] =	sbarrier.arrive $0xFFFF  }
0x94: {  	p0 =	sne.s32 s0, $0x0;
	s0 =	rddreg [dreg:$0x3]  }
0x95: {  	s0 =	sadd.s32 @!p0 $0x100000, s0  }
0x96: {  	[sflag:s0] =	ssyncadd.tile.s32 @!p0 $0x1;
	_ =	shalt  }
.Lfunc_end2:
_tile_overlayer_lowered:
.L_overlay_start_2:
0x97: {  	(tag) =	ssettag $0x2  }
0x98: {  	s0 =	rddreg [dreg:$0x0];
	s2 =	stileid.u32  }
0x99: {  	s1 =	rddreg [dreg:$0x1];
	p0 =	sne.s32 s2, $0x0  }
0x9a: {  	s3 =	rddreg [dreg:$0x2];
	[bflag:$0x3] =	sbarrier.arrive $0xFFFF;
	s2 =	simm.s32 @!p0 $0x1C04  }
0x9b: {  	[timem:s3], [sflag:s2] =	dma.local @!p0 [hbm:s0], s1  }
0x9c: {  	s0 =	simm.s32 @!p0 $0x4  }
0x9d: {  	_ =	swait.ge @!p0 [sflag:s0], s1  }
0x9e: {  	s1 =	ssub.s32 @!p0 $0x0, s1;
	[sflag:s0] =	ssyncset.done @!p0 $0x0  }
0x9f: {  	[sflag:s0] =	ssyncadd.s32 @!p0 s1  }
0xa0: {  	[bflag:$0x3] =	sbarrier.arrive $0xFFFF  }
0xa1: {  	_ =	shalt  }

// kernel: kernel.8.cloned.1.call-start
scs
__scs_entry_jumppad:
0x0: {  	(pc) =	sbr.rel $0x88, $3  }
0x1: {  	(tag) =	ssettag $0x0;
	lr =	simm.s32 $0x1  }
0x2: {  	[smem:$0x3F9B] =	sst lr;
	_ =	strace $0xD0000000  }
0x3: {  	_ = 	snop  }
0x4: {  	_ = 	snop  }
0x5: {  	_ = 	snop  }
0x6: {  	_ = 	snop  }
0x7: {  	_ = 	snop  }
__scs_overlays_trampoline_lowered:
0x8: {  	[smem:$0x3FAA] =	sst s0  }
0x9: {  	[smem:$0x3FAB] =	sst s1  }
0xa: {  	[smem:$0x3FAC] =	sst s2  }
0xb: {  	[smem:$0x3FAD] =	sst s3  }
0xc: {  	[smem:$0x3FAE] =	sst s4  }
0xd: {  	[smem:$0x3FAF] =	sst s5  }
0xe: {  	[smem:$0x3FB0] =	sst s6  }
0xf: {  	[smem:$0x3FB1] =	sst s7  }
0x10: {  	[smem:$0x3FB2] =	sst s8  }
0x11: {  	[smem:$0x3FB3] =	sst s9;
	s0 =	simm.s32 @!p0 $0x0  }
0x12: {  	s1 =	sld [smem:$0x3F99];
	s0 =	simm.s32 @p0 $0x1  }
0x13: {  	[smem:$0x3FB4] =	sst s0;
	s0 =	simm.s32 @!p1 $0x0  }
0x14: {  	s2 =	sld [smem:$0x3F98];
	s0 =	simm.s32 @p1 $0x1  }
0x15: {  	[smem:$0x3FB5] =	sst s0;
	s0 =	simm.s32 @!p2 $0x0  }
0x16: {  	s3 =	sld [smem:$0x3FDB];
	s0 =	simm.s32 @p2 $0x1  }
0x17: {  	s4 =	simm.s32 $0x1BF5;
	[smem:$0x3FB7] =	sst s0  }
0x18: {  	s0 =	sld [smem:$0x3F9A];
	_ =	swait.ge [sflag:s4], $0x0  }
0x19: {  	s7 =	sld [smem:$0x3F9B]  }
0x1a: {  	s8 =	sadd.s32 $0xFFFFE003, lr  }
0x1b: {  	s9 =	sadd.s32 $0xFFFFFEF7, lr;
	s5 =	simm.s32 $0xFFFFFFFF;
	p2 =	slt.u32 s8, $0xFFFFF086  }
0x1c: {  	p1 =	slt.u32 s9, $0xF7A;
	s5 =	simm.s32 @!p2 $0x0  }
0x1d: {  	s5 =	simm.s32 @p1 $0x1;
	p0 =	seq.s32 s7, s2  }
0x1e: {  	s7 =	smul.u32 @!p0 $0xF7A, s2;
	p2 =	seq.s32 @!p0 s5, $0x0  }
0x1f: {  	s9 =	smul.u32 $0xF7A, s1;
	s8 =	simm.s32 @!p0 $0x1BF5;
	p2 =	por !p2, p0  }
0x20: {  	[sflag:s8] =	ssyncset.s32 @!p0 $0xFFFFF086;
	s6 =	sadd.s32 @!p0 s3, s7;
	s7 =	simm.s32 @!p0 $0x108  }
0x21: {  	s3 =	sadd.s32 s3, s9;
	s6 =	sadd.s32 @!p0 $0x88, s6;
	s7 =	simm.s32 @p2 $0x1082  }
0x22: {  	[simem:s7], [sflag:s8] =	dma.local @!p0 [hbm:s6], $0xF7A  }
0x23: {  	s9 =	sor.u32 $0xD0000000, s2;
	s6 =	simm.s32 $0x108;
	_ =	swait.ge @!p0 [sflag:s8], $0x0  }
0x24: {  	s3 =	sadd.s32 $0x88, s3;
	s6 =	simm.s32 @!p1 $0x1082;
	[sflag:s4] =	ssyncset.s32 $0xFFFFF086  }
0x25: {  	[simem:s6], [sflag:s4] =	dma.local [hbm:s3], $0xF7A  }
0x26: {  	[smem:$0x3F9B] =	sst s1;
	(tag) =	ssettag s2;
	_ =	strace s9  }
0x27: {  	s1 =	sld [smem:$0x3FAB]  }
0x28: {  	s2 =	sld [smem:$0x3FAC]  }
0x29: {  	s4 =	sld [smem:$0x3FAE]  }
0x2a: {  	p0 =	seq.s32 s5, $0x0;
	s5 =	sld [smem:$0x3FAF]  }
0x2b: {  	s6 =	sld [smem:$0x3FB0]  }
0x2c: {  	s7 =	sld [smem:$0x3FB1]  }
0x2d: {  	s3 =	simm.s32 $0x108;
	s8 =	sld [smem:$0x3FB2]  }
0x2e: {  	s3 =	simm.s32 @!p0 $0x1082;
	s9 =	sld [smem:$0x3FB3]  }
0x2f: {  	lr =	sadd.s32 s0, s3;
	s0 =	sld [smem:$0x3FAA]  }
0x30: {  	s3 =	sld [smem:$0x3FAD]  }
0x31: {  	[smem:$0x3FB6] =	sst s10  }
0x32: {  	s10 =	sld [smem:$0x3FB4];
	_ =	sdelay $0x3  }
0x33: {  	p0 =	seq.s32 s10, $0x1;
	s10 =	sld [smem:$0x3FB6];
	_ =	sdelay $0x3  }
0x34: {  	[smem:$0x3FB6] =	sst s10  }
0x35: {  	s10 =	sld [smem:$0x3FB5];
	_ =	sdelay $0x3  }
0x36: {  	p1 =	seq.s32 s10, $0x1;
	s10 =	sld [smem:$0x3FB6];
	_ =	sdelay $0x3  }
0x37: {  	[smem:$0x3FB6] =	sst s10  }
0x38: {  	s10 =	sld [smem:$0x3FB7]  }
0x39: {  	_ = 	snop;
	(pc) =	sbr.ind lr, $3  }
0x3a: {  	_ = 	snop  }
0x3b: {  	_ = 	snop  }
0x3c: {  	p2 =	seq.s32 s10, $0x1;
	s10 =	sld [smem:$0x3FB6]  }
0x3d: {  	_ =	shalt  }
0x3e: {  	_ =	shalt  }
0x3f: {  	_ =	shalt  }
0x40: {  	_ =	shalt  }
0x41: {  	_ =	shalt  }
0x42: {  	_ =	shalt  }
0x43: {  	_ =	shalt  }
0x44: {  	_ =	shalt  }
0x45: {  	_ =	shalt  }
0x46: {  	_ =	shalt  }
0x47: {  	_ =	shalt  }
0x48: {  	_ =	shalt  }
0x49: {  	_ =	shalt  }
0x4a: {  	_ =	shalt  }
0x4b: {  	_ =	shalt  }
0x4c: {  	_ =	shalt  }
0x4d: {  	_ =	shalt  }
0x4e: {  	_ =	shalt  }
0x4f: {  	_ =	shalt  }
0x50: {  	_ =	shalt  }
0x51: {  	_ =	shalt  }
0x52: {  	_ =	shalt  }
0x53: {  	_ =	shalt  }
0x54: {  	_ =	shalt  }
0x55: {  	_ =	shalt  }
0x56: {  	_ =	shalt  }
0x57: {  	_ =	shalt  }
0x58: {  	_ =	shalt  }
0x59: {  	_ =	shalt  }
0x5a: {  	_ =	shalt  }
0x5b: {  	_ =	shalt  }
0x5c: {  	_ =	shalt  }
0x5d: {  	_ =	shalt  }
0x5e: {  	_ =	shalt  }
0x5f: {  	_ =	shalt  }
0x60: {  	_ =	shalt  }
0x61: {  	_ =	shalt  }
0x62: {  	_ =	shalt  }
0x63: {  	_ =	shalt  }
0x64: {  	_ =	shalt  }
0x65: {  	_ =	shalt  }
0x66: {  	_ =	shalt  }
0x67: {  	_ =	shalt  }
0x68: {  	_ =	shalt  }
0x69: {  	_ =	shalt  }
0x6a: {  	_ =	shalt  }
0x6b: {  	_ =	shalt  }
0x6c: {  	_ =	shalt  }
0x6d: {  	_ =	shalt  }
0x6e: {  	_ =	shalt  }
0x6f: {  	_ =	shalt  }
0x70: {  	_ =	shalt  }
0x71: {  	_ =	shalt  }
0x72: {  	_ =	shalt  }
0x73: {  	_ =	shalt  }
0x74: {  	_ =	shalt  }
0x75: {  	_ =	shalt  }
0x76: {  	_ =	shalt  }
0x77: {  	_ =	shalt  }
0x78: {  	_ =	shalt  }
0x79: {  	_ =	shalt  }
0x7a: {  	_ =	shalt  }
0x7b: {  	_ =	shalt  }
0x7c: {  	_ =	shalt  }
0x7d: {  	_ =	shalt  }
0x7e: {  	_ =	shalt  }
0x7f: {  	_ =	shalt  }
0x80: {  	_ =	shalt  }
0x81: {  	_ =	shalt  }
0x82: {  	_ =	shalt  }
0x83: {  	_ =	shalt  }
0x84: {  	_ =	shalt  }
0x85: {  	_ =	shalt  }
0x86: {  	_ =	shalt  }
0x87: {  	_ =	shalt  }
.Lfunc_end0:
.L_simem_size_0:
called_computation_lowered:
.L_overlay_start_0:
0x88: {  	s2 =	sld [smem:$0x3FD9]  }
0x89: {  	s3 =	sld [smem:$0x3FFE];
	_ =	sdelay $0x1  }
0x8a: {  	s1 =	srdreg.scid  }
0x8b: {  	s0 =	sand.u32 $0x1, s1  }
0x8c: {  	s16 =	sshll.u32 s0, $0xA;
	s2 =	sadd.s32 s3, s2  }
0x8d: {  	s2 =	sadd.s32 s2, s16  }
0x8e: {  	[smem:$0x3FC2] =	sst s2  }
0x8f: {  	_ = 	snop  }
0x90: {  	(tm) =	ssettm $0x1  }
0x91: {  	s17 =	sld [smem:$0x3FFB];
	_ =	sdelay $0x3  }
0x92: {  	_ =	strace s17  }
0x93: {  	s2 =	sld [smem:$0x3FFC];
	_ =	sdelay $0x3  }
0x94: {  	_ =	strace s2  }
0x95: {  	s2 =	sld [smem:$0x3FFD];
	_ =	sdelay $0x3  }
0x96: {  	_ =	strace s2  }
0x97: {  	_ =	strace $0x8FFFFFFF  }
0x98: {  	s18 =	sld [smem:$0x3FDB];
	_ =	sdelay $0x1  }
0x99: {  	s19 =	simm.s32 $_scs_section_size  }
0x9a: {  	s4 =	simm.s32 $_size__tile_overlayer_lowered;
	s5 =	simm.s32 $_tile_overlayer_lowered  }
0x9b: {  	s22 =	simm.s32 $0x1BFF;
	s21 =	sshll.u32 s5, $0x1;
	s2 =	sadd.s32 s19, s18  }
0x9c: {  	s6 =	simm.s32 $0x0;
	s20 =	sshll.u32 s4, $0x1;
	s4 =	sadd.s32 s21, s2  }
0x9d: {  	[timem:s6], [sflag:s22] =	dma.local [hbm:s4], s20  }
0x9e: {  	_ =	swait.ge [sflag:s22], s20  }
0x9f: {  	s3 =	ssub.s32 $0x0, s20;
	[sflag:s22] =	ssyncset.done $0x0  }
0xa0: {  	[sflag:s22] =	ssyncadd.s32 s3;
	_ =	sdelay $0x1  }
0xa1: {  	s23 =	simm.s32 $0x1B8B  }
0xa2: {  	_ =	swait.ge [sflag:s23], $0x1  }
0xa3: {  	[sflag:s23] =	ssyncset.done $0x0  }
0xa4: {  	s25 =	simm.s32 $0x1B8E;
	s24 =	sld [smem:$0x3FFE];
	[sflag:s23] =	ssyncadd.s32 $0xFFFFFFFF  }
0xa5: {  	s26 =	simm.s32 $execute0_lowered;
	[smem:$0x3FD2] =	sst s25  }
0xa6: {  	s4 =	sshll.u32 s26, $0x1;
	_ =	strace $0x80000046;
	[dreg:$0x1] =	wrdreg $0xFFFFFFFF  }
0xa7: {  	s28 =	simm.s32 $_size_execute0_lowered;
	s2 =	sadd.s32 s2, s4;
	[dreg:$0x0] =	wrdreg $0x0  }
0xa8: {  	s4 =	sshll.u32 s28, $0x1;
	[dreg:$0x2] =	wrdreg s2  }
0xa9: {  	[dreg:$0x3] =	wrdreg s4  }
0xaa: {  	[dreg:$0x4] =	wrdreg $0xC0  }
0xab: {  	_ =	task [dreg:s6], $0x5FFFF  }
0xac: {  	[dreg:$0x1] =	wrdreg $0xFFFFFFFF  }
0xad: {  	[dreg:$0x0] =	wrdreg $0x60  }
0xae: {  	[dreg:$0x2] =	wrdreg s24  }
0xaf: {  	[dreg:$0x3] =	wrdreg $0x9  }
0xb0: {  	_ =	task.clear_ibuf [dreg:s6], $0x4FFFF;
	_ =	strace $0x90000046  }
0xb1: {  	s29 =	simm.s32 $0x9;
	_ =	strace $0x80000048  }
0xb2: {  	_ =	swait.ge [sflag:s29], $0x1  }
0xb3: {  	[sflag:s29] =	ssyncadd.s32 $0xFFFFFFFF  }
0xb4: {  	_ =	strace $0x90000048  }
0xb5: {  	_ =	sfence  }
0xb6: {  	s30 =	sld [smem:$0x0];
	_ =	sdelay $0x2  }
0xb7: {  	s31 =	sshll.u32 s1, $0xD;
	s1 =	sshrl.u32 s1, $0x2  }
0xb8: {  	s3 =	sand.u32 $0x4000, s31;
	s1 =	sadd.s32 s1, s30  }
0xb9: {  	s0 =	sor.u32 s3, s0;
	s1 =	sshll.u32 s1, $0x11  }
0xba: {  	s0 =	sor.u32 s1, s0  }
0xbb: {  	s0 =	sadd.s32 $0x8F2B, s0  }
0xbc: {  	[sflag:s0] =	ssyncadd.remote.s32 $0x1  }
0xbd: {  	_ =	sfence.sel $0xFFFF  }
0xbe: {  	[dreg:$0x0] =	wrdreg $0xFFFFFFFF;
	(pc) =	sbr.abs _section_cstart, $3  }
0xbf: {  	[dreg:$0x1] =	wrdreg $0xFFFFFFFF  }
0xc0: {  	_ =	task.clear_ibuf [dreg:s6], $0x2FFFF;
	_ =	strace $0x9FFFFFFF  }
0xc1: {  	(tm) =	ssettm $0x7FFFFFFF  }
tec
execute0_lowered:
.L_overlay_start_1:
0x0: {  	(tag) =	ssettag $0x1  }
0x1: {  	s0 =	rddreg [dreg:$0x0];
	s1 =	srdreg.scid  }
0x2: {  	s8 =	stileid.u32;
	s2 =	simm.s32 $0x0;
	s28 =	simm.s32 $0x1  }
0x3: {  	s30 =	simm.s32 $0x400;
	s31 =	simm.s32 $0x2;
	s1 =	sand.u32 $0x1, s1  }
0x4: {  	s3 =	sshll.u32 s8, $0x1;
	s4 =	sshrl.u32 s8, $0x2;
	[smem:$0x7FF] =	sst s2  }
0x5: {  	s21 =	sadd.s32 $0xC4E00, s0;
	s29 =	smul.u32 $0x62000, s8;
	s3 =	sor.u32 s1, s3  }
0x6: {  	s4 =	smul.u32 $0xC4000, s4;
	_ =	strace $0x80000047;
	s5 =	sshll.u32 s3, $0x7  }
0x7: {  	s26 =	ssub.s32 $0x2, s1;
	s3 =	smul.u32 $0x31000, s3;
	s5 =	sand.u32 $0x380, s5  }
0x8: {  	s1 =	smul.u32 $0x31000, s1;
	s6 =	sshrl.u32 s26, $0x1;
	s4 =	sor.u32 s4, s5  }
0x9: {  	s5 =	ssub.s32 s26, s6;
	s3 =	sshrl.u32 s3, $0x3;
	s4 =	sshrl.u32 s4, $0x3  }
0xa: {  	s3 =	sadd.s32 s21, s3;
	s5 =	smax.u32 s5, $0x1;
	s0 =	sadd.s32 s4, s0  }
0xb: {  	s6 =	sadd.s32 $0x10, s3;
	s7 =	sadd.s32 $0x20, s3;
	s8 =	sadd.s32 $0x30, s3  }
0xc: {  	s9 =	sadd.s32 $0x40, s3;
	s10 =	sadd.s32 $0x50, s3;
	s11 =	sadd.s32 $0x60, s3  }
0xd: {  	s12 =	sadd.s32 $0x70, s3;
	s13 =	sadd.s32 $0x80, s3;
	s14 =	sadd.s32 $0x90, s3  }
0xe: {  	s15 =	sadd.s32 $0xA0, s3;
	s4 =	sadd.s32 $0x1800, s0;
	s0 =	sadd.s32 s1, s29  }
0xf: {  	s16 =	sadd.s32 $0xB0, s3;
	s17 =	sadd.s32 $0xC0, s3;
	s0 =	sor.u32 $0x800, s0  }
0x10: {  	s18 =	sadd.s32 $0xD0, s3;
	s19 =	sadd.s32 $0xE0, s3;
	s0 =	sshrl.u32 s0, $0x3  }
0x11: {  	v0 =	vimm.f32 $0.0e+00;
	v1 =	vimm.f32 $1.000000000e+00;
	s20 =	sadd.s32 $0xF0, s3;
	s22 =	sadd.s32 s0, s21;
	s0 =	simm.s32 $0x0  }
.LBB2_1:
0x12: {  	s1 =	simm.s32 $0x40;
	s21 =	simm.s32 $0x0  }
.LBB2_2:
0x13: {  	p0 =	sne.s32 s1, $0x61FC0;
	[tilespmem:s21+$0x0] =	vst v0;
	s21 =	smov.u32 s1;
	s1 =	sadd.s32 $0x40, s1  }
.Ltmp0:
0x14: {  	(pc) =	sbr.rel @p0 .LBB2_2-.Ltmp0, $2  }
0x15: {  	_ =	sdelay $0x2  }
0x16: {  	s21 =	sshra.s32 s21, $0x2  }
0x17: {  	[tilespmem:s21+$0x0] =	vst v0;
	s1 =	simm.s32 $0x0;
	s29 =	simm.s32 $0x18800  }
0x18: {  	[tilespmem:s29], [sflag:$0x1] =	stream.linear.gather [hbm4b:s3+s1], $0x80, $0x38;
	[tilespmem:$0x19800] =	vst v63  }
0x19: {  	s23 =	simm.s32 $0x18900  }
0x1a: {  	[tilespmem:s23], [sflag:$0x1] =	stream.linear.gather [hbm4b:s6+s1], $0x80, $0x38;
	[tilespmem:$0x19800] =	vst v63  }
0x1b: {  	s24 =	simm.s32 $0x18A00  }
0x1c: {  	[tilespmem:s24], [sflag:$0x1] =	stream.linear.gather [hbm4b:s7+s1], $0x80, $0x38;
	[tilespmem:$0x19800] =	vst v63  }
0x1d: {  	s25 =	simm.s32 $0x18B00  }
0x1e: {  	[tilespmem:s25], [sflag:$0x1] =	stream.linear.gather [hbm4b:s8+s1], $0x80, $0x38;
	[tilespmem:$0x19800] =	vst v63  }
0x1f: {  	s26 =	simm.s32 $0x18C00  }
0x20: {  	[tilespmem:s26], [sflag:$0x1] =	stream.linear.gather [hbm4b:s9+s1], $0x80, $0x38;
	[tilespmem:$0x19800] =	vst v63  }
0x21: {  	s29 =	simm.s32 $0x18D00  }
0x22: {  	[tilespmem:s29], [sflag:$0x1] =	stream.linear.gather [hbm4b:s10+s1], $0x80, $0x38;
	[tilespmem:$0x19800] =	vst v63  }
0x23: {  	s23 =	simm.s32 $0x18E00  }
0x24: {  	[tilespmem:s23], [sflag:$0x1] =	stream.linear.gather [hbm4b:s11+s1], $0x80, $0x38;
	[tilespmem:$0x19800] =	vst v63  }
0x25: {  	s24 =	simm.s32 $0x18F00  }
0x26: {  	[tilespmem:s24], [sflag:$0x1] =	stream.linear.gather [hbm4b:s12+s1], $0x80, $0x38;
	[tilespmem:$0x19800] =	vst v63  }
0x27: {  	s25 =	simm.s32 $0x19000  }
0x28: {  	[tilespmem:s25], [sflag:$0x1] =	stream.linear.gather [hbm4b:s13+s1], $0x80, $0x38;
	[tilespmem:$0x19800] =	vst v63  }
0x29: {  	s26 =	simm.s32 $0x19100  }
0x2a: {  	[tilespmem:s26], [sflag:$0x1] =	stream.linear.gather [hbm4b:s14+s1], $0x80, $0x38;
	[tilespmem:$0x19800] =	vst v63  }
0x2b: {  	s29 =	simm.s32 $0x19200  }
0x2c: {  	[tilespmem:s29], [sflag:$0x1] =	stream.linear.gather [hbm4b:s15+s1], $0x80, $0x38;
	[tilespmem:$0x19800] =	vst v63  }
0x2d: {  	s23 =	simm.s32 $0x19300  }
0x2e: {  	[tilespmem:s23], [sflag:$0x1] =	stream.linear.gather [hbm4b:s16+s1], $0x80, $0x38;
	[tilespmem:$0x19800] =	vst v63  }
0x2f: {  	s24 =	simm.s32 $0x19400  }
0x30: {  	[tilespmem:s24], [sflag:$0x1] =	stream.linear.gather [hbm4b:s17+s1], $0x80, $0x38;
	[tilespmem:$0x19800] =	vst v63  }
0x31: {  	s25 =	simm.s32 $0x19500  }
0x32: {  	[tilespmem:s25], [sflag:$0x1] =	stream.linear.gather [hbm4b:s18+s1], $0x80, $0x38;
	[tilespmem:$0x19800] =	vst v63  }
0x33: {  	s26 =	simm.s32 $0x19600  }
0x34: {  	[tilespmem:s26], [sflag:$0x1] =	stream.linear.gather [hbm4b:s19+s1], $0x80, $0x38;
	[tilespmem:$0x19800] =	vst v63  }
0x35: {  	s21 =	smov.u32 s22;
	s29 =	simm.s32 $0x19700  }
0x36: {  	[tilespmem:s29], [sflag:$0x1] =	stream.linear.gather [hbm4b:s20+s1], $0x80, $0x38;
	[tilespmem:$0x19800] =	vst v63  }
.LBB2_4:
0x37: {  	p0 =	seq.s32 s1, $0x3080  }
0x38: {  	_ =	swait.ge [sflag:s28], $0x800;
	s23 =	sand.u32 @!p0 $0x80, s1  }
0x39: {  	[sflag:s28] =	ssyncset.done $0x0;
	s24 =	sxor.u32 @!p0 $0x80, s23  }
0x3a: {  	s26 =	simm.s32 @!p0 $0x0;
	[sflag:s28] =	ssyncadd.s32 $0xFFFFF800;
	s25 =	sor.u32 @!p0 $0x18800, s24  }
0x3b: {  	[tilespmem:s25], [sflag:$0x1] =	stream.linear.gather @!p0 [hbm4b:s21+s26], $0x80, $0x38;
	[tilespmem:$0x19800] =	vst v63  }
0x3c: {  	s29 =	sor.u32 @!p0 $0x18900, s24;
	s25 =	sadd.s32 @!p0 $0x10, s21  }
0x3d: {  	[tilespmem:s29], [sflag:$0x1] =	stream.linear.gather @!p0 [hbm4b:s25+s26], $0x80, $0x38;
	[tilespmem:$0x19800] =	vst v63  }
0x3e: {  	s25 =	sadd.s32 @!p0 $0x20, s21;
	s29 =	sor.u32 @!p0 $0x18A00, s24  }
0x3f: {  	[tilespmem:s29], [sflag:$0x1] =	stream.linear.gather @!p0 [hbm4b:s25+s26], $0x80, $0x38;
	[tilespmem:$0x19800] =	vst v63  }
0x40: {  	s25 =	sadd.s32 @!p0 $0x30, s21;
	s29 =	sor.u32 @!p0 $0x18B00, s24  }
0x41: {  	[tilespmem:s29], [sflag:$0x1] =	stream.linear.gather @!p0 [hbm4b:s25+s26], $0x80, $0x38;
	[tilespmem:$0x19800] =	vst v63  }
0x42: {  	s25 =	sadd.s32 @!p0 $0x40, s21;
	s29 =	sor.u32 @!p0 $0x18C00, s24  }
0x43: {  	[tilespmem:s29], [sflag:$0x1] =	stream.linear.gather @!p0 [hbm4b:s25+s26], $0x80, $0x38;
	[tilespmem:$0x19800] =	vst v63  }
0x44: {  	s25 =	sadd.s32 @!p0 $0x50, s21;
	s29 =	sor.u32 @!p0 $0x18D00, s24  }
0x45: {  	[tilespmem:s29], [sflag:$0x1] =	stream.linear.gather @!p0 [hbm4b:s25+s26], $0x80, $0x38;
	[tilespmem:$0x19800] =	vst v63  }
0x46: {  	s25 =	sadd.s32 @!p0 $0x60, s21;
	s29 =	sor.u32 @!p0 $0x18E00, s24  }
0x47: {  	[tilespmem:s29], [sflag:$0x1] =	stream.linear.gather @!p0 [hbm4b:s25+s26], $0x80, $0x38;
	[tilespmem:$0x19800] =	vst v63  }
0x48: {  	s25 =	sadd.s32 @!p0 $0x70, s21;
	s29 =	sor.u32 @!p0 $0x18F00, s24  }
0x49: {  	[tilespmem:s29], [sflag:$0x1] =	stream.linear.gather @!p0 [hbm4b:s25+s26], $0x80, $0x38;
	[tilespmem:$0x19800] =	vst v63  }
0x4a: {  	s25 =	sadd.s32 @!p0 $0x80, s21;
	s29 =	sor.u32 @!p0 $0x19000, s24  }
0x4b: {  	[tilespmem:s29], [sflag:$0x1] =	stream.linear.gather @!p0 [hbm4b:s25+s26], $0x80, $0x38;
	[tilespmem:$0x19800] =	vst v63  }
0x4c: {  	s25 =	sadd.s32 @!p0 $0x90, s21;
	s29 =	sor.u32 @!p0 $0x19100, s24  }
0x4d: {  	[tilespmem:s29], [sflag:$0x1] =	stream.linear.gather @!p0 [hbm4b:s25+s26], $0x80, $0x38;
	[tilespmem:$0x19800] =	vst v63  }
0x4e: {  	s25 =	sadd.s32 @!p0 $0xA0, s21;
	s29 =	sor.u32 @!p0 $0x19200, s24  }
0x4f: {  	[tilespmem:s29], [sflag:$0x1] =	stream.linear.gather @!p0 [hbm4b:s25+s26], $0x80, $0x38;
	[tilespmem:$0x19800] =	vst v63  }
0x50: {  	s25 =	sadd.s32 @!p0 $0xB0, s21;
	s29 =	sor.u32 @!p0 $0x19300, s24  }
0x51: {  	[tilespmem:s29], [sflag:$0x1] =	stream.linear.gather @!p0 [hbm4b:s25+s26], $0x80, $0x38;
	[tilespmem:$0x19800] =	vst v63  }
0x52: {  	s25 =	sadd.s32 @!p0 $0xC0, s21;
	s29 =	sor.u32 @!p0 $0x19400, s24  }
0x53: {  	[tilespmem:s29], [sflag:$0x1] =	stream.linear.gather @!p0 [hbm4b:s25+s26], $0x80, $0x38;
	[tilespmem:$0x19800] =	vst v63  }
0x54: {  	s25 =	sadd.s32 @!p0 $0xD0, s21;
	s29 =	sor.u32 @!p0 $0x19500, s24  }
0x55: {  	[tilespmem:s29], [sflag:$0x1] =	stream.linear.gather @!p0 [hbm4b:s25+s26], $0x80, $0x38;
	[tilespmem:$0x19800] =	vst v63  }
0x56: {  	s25 =	sadd.s32 @!p0 $0xE0, s21;
	s29 =	sor.u32 @!p0 $0x19600, s24  }
0x57: {  	[tilespmem:s29], [sflag:$0x1] =	stream.linear.gather @!p0 [hbm4b:s25+s26], $0x80, $0x38;
	[tilespmem:$0x19800] =	vst v63  }
0x58: {  	s23 =	simm.s32 @p0 $0x80;
	s24 =	sor.u32 @!p0 $0x19700, s24;
	s25 =	sadd.s32 @!p0 $0xF0, s21  }
0x59: {  	[tilespmem:s24], [sflag:$0x1] =	stream.linear.gather @!p0 [hbm4b:s25+s26], $0x80, $0x38;
	[tilespmem:$0x19800] =	vst v63  }
0x5a: {  	v2 =	vld [tilespmem:s23+$0x18800];
	_ =	sdelay $0x7  }
0x5b: {  	[tilespmem:v2+s2+$0x0] =	vst.idx.add.f32.msk $0xffff, v1  }
0x5c: {  	v2 =	vld [tilespmem:s23+$0x18810];
	_ =	sdelay $0x7  }
0x5d: {  	[tilespmem:v2+s2+$0x0] =	vst.idx.add.f32.msk $0xffff, v1  }
0x5e: {  	v2 =	vld [tilespmem:s23+$0x18820];
	_ =	sdelay $0x7  }
0x5f: {  	[tilespmem:v2+s2+$0x0] =	vst.idx.add.f32.msk $0xffff, v1  }
0x60: {  	v2 =	vld [tilespmem:s23+$0x18830];
	_ =	sdelay $0x7  }
0x61: {  	[tilespmem:v2+s2+$0x0] =	vst.idx.add.f32.msk $0xffff, v1  }
0x62: {  	v2 =	vld [tilespmem:s23+$0x18840];
	_ =	sdelay $0x7  }
0x63: {  	[tilespmem:v2+s2+$0x0] =	vst.idx.add.f32.msk $0xffff, v1  }
0x64: {  	v2 =	vld [tilespmem:s23+$0x18850];
	_ =	sdelay $0x7  }
0x65: {  	[tilespmem:v2+s2+$0x0] =	vst.idx.add.f32.msk $0xffff, v1  }
0x66: {  	v2 =	vld [tilespmem:s23+$0x18860];
	_ =	sdelay $0x7  }
0x67: {  	[tilespmem:v2+s2+$0x0] =	vst.idx.add.f32.msk $0xffff, v1  }
0x68: {  	v2 =	vld [tilespmem:s23+$0x18870];
	_ =	sdelay $0x7  }
0x69: {  	[tilespmem:v2+s2+$0x0] =	vst.idx.add.f32.msk $0xffff, v1  }
0x6a: {  	v2 =	vld [tilespmem:s23+$0x18900];
	_ =	sdelay $0x7  }
0x6b: {  	[tilespmem:v2+s2+$0x0] =	vst.idx.add.f32.msk $0xffff, v1  }
0x6c: {  	v2 =	vld [tilespmem:s23+$0x18910];
	_ =	sdelay $0x7  }
0x6d: {  	[tilespmem:v2+s2+$0x0] =	vst.idx.add.f32.msk $0xffff, v1  }
0x6e: {  	v2 =	vld [tilespmem:s23+$0x18920];
	_ =	sdelay $0x7  }
0x6f: {  	[tilespmem:v2+s2+$0x0] =	vst.idx.add.f32.msk $0xffff, v1  }
0x70: {  	v2 =	vld [tilespmem:s23+$0x18930];
	_ =	sdelay $0x7  }
0x71: {  	[tilespmem:v2+s2+$0x0] =	vst.idx.add.f32.msk $0xffff, v1  }
0x72: {  	v2 =	vld [tilespmem:s23+$0x18940];
	_ =	sdelay $0x7  }
0x73: {  	[tilespmem:v2+s2+$0x0] =	vst.idx.add.f32.msk $0xffff, v1  }
0x74: {  	v2 =	vld [tilespmem:s23+$0x18950];
	_ =	sdelay $0x7  }
0x75: {  	[tilespmem:v2+s2+$0x0] =	vst.idx.add.f32.msk $0xffff, v1  }
0x76: {  	v2 =	vld [tilespmem:s23+$0x18960];
	_ =	sdelay $0x7  }
0x77: {  	[tilespmem:v2+s2+$0x0] =	vst.idx.add.f32.msk $0xffff, v1  }
0x78: {  	v2 =	vld [tilespmem:s23+$0x18970];
	_ =	sdelay $0x7  }
0x79: {  	[tilespmem:v2+s2+$0x0] =	vst.idx.add.f32.msk $0xffff, v1  }
0x7a: {  	v2 =	vld [tilespmem:s23+$0x18A00];
	_ =	sdelay $0x7  }
0x7b: {  	[tilespmem:v2+s2+$0x0] =	vst.idx.add.f32.msk $0xffff, v1  }
0x7c: {  	v2 =	vld [tilespmem:s23+$0x18A10];
	_ =	sdelay $0x7  }
0x7d: {  	[tilespmem:v2+s2+$0x0] =	vst.idx.add.f32.msk $0xffff, v1  }
0x7e: {  	v2 =	vld [tilespmem:s23+$0x18A20];
	_ =	sdelay $0x7  }
0x7f: {  	[tilespmem:v2+s2+$0x0] =	vst.idx.add.f32.msk $0xffff, v1  }
0x80: {  	v2 =	vld [tilespmem:s23+$0x18A30];
	_ =	sdelay $0x7  }
0x81: {  	[tilespmem:v2+s2+$0x0] =	vst.idx.add.f32.msk $0xffff, v1  }
0x82: {  	v2 =	vld [tilespmem:s23+$0x18A40];
	_ =	sdelay $0x7  }
0x83: {  	[tilespmem:v2+s2+$0x0] =	vst.idx.add.f32.msk $0xffff, v1  }
0x84: {  	v2 =	vld [tilespmem:s23+$0x18A50];
	_ =	sdelay $0x7  }
0x85: {  	[tilespmem:v2+s2+$0x0] =	vst.idx.add.f32.msk $0xffff, v1  }
0x86: {  	v2 =	vld [tilespmem:s23+$0x18A60];
	_ =	sdelay $0x7  }
0x87: {  	[tilespmem:v2+s2+$0x0] =	vst.idx.add.f32.msk $0xffff, v1  }
0x88: {  	v2 =	vld [tilespmem:s23+$0x18A70];
	_ =	sdelay $0x7  }
0x89: {  	[tilespmem:v2+s2+$0x0] =	vst.idx.add.f32.msk $0xffff, v1  }
0x8a: {  	v2 =	vld [tilespmem:s23+$0x18B00];
	_ =	sdelay $0x7  }
0x8b: {  	[tilespmem:v2+s2+$0x0] =	vst.idx.add.f32.msk $0xffff, v1  }
0x8c: {  	v2 =	vld [tilespmem:s23+$0x18B10];
	_ =	sdelay $0x7  }
0x8d: {  	[tilespmem:v2+s2+$0x0] =	vst.idx.add.f32.msk $0xffff, v1  }
0x8e: {  	v2 =	vld [tilespmem:s23+$0x18B20];
	_ =	sdelay $0x7  }
0x8f: {  	[tilespmem:v2+s2+$0x0] =	vst.idx.add.f32.msk $0xffff, v1  }
0x90: {  	v2 =	vld [tilespmem:s23+$0x18B30];
	_ =	sdelay $0x7  }
0x91: {  	[tilespmem:v2+s2+$0x0] =	vst.idx.add.f32.msk $0xffff, v1  }
0x92: {  	v2 =	vld [tilespmem:s23+$0x18B40];
	_ =	sdelay $0x7  }
0x93: {  	[tilespmem:v2+s2+$0x0] =	vst.idx.add.f32.msk $0xffff, v1  }
0x94: {  	v2 =	vld [tilespmem:s23+$0x18B50];
	_ =	sdelay $0x7  }
0x95: {  	[tilespmem:v2+s2+$0x0] =	vst.idx.add.f32.msk $0xffff, v1  }
0x96: {  	v2 =	vld [tilespmem:s23+$0x18B60];
	_ =	sdelay $0x7  }
0x97: {  	[tilespmem:v2+s2+$0x0] =	vst.idx.add.f32.msk $0xffff, v1  }
0x98: {  	v2 =	vld [tilespmem:s23+$0x18B70];
	_ =	sdelay $0x7  }
0x99: {  	[tilespmem:v2+s2+$0x0] =	vst.idx.add.f32.msk $0xffff, v1  }
0x9a: {  	v2 =	vld [tilespmem:s23+$0x18C00];
	_ =	sdelay $0x7  }
0x9b: {  	[tilespmem:v2+s2+$0x0] =	vst.idx.add.f32.msk $0xffff, v1  }
0x9c: {  	v2 =	vld [tilespmem:s23+$0x18C10];
	_ =	sdelay $0x7  }
0x9d: {  	[tilespmem:v2+s2+$0x0] =	vst.idx.add.f32.msk $0xffff, v1  }
0x9e: {  	v2 =	vld [tilespmem:s23+$0x18C20];
	_ =	sdelay $0x7  }
0x9f: {  	[tilespmem:v2+s2+$0x0] =	vst.idx.add.f32.msk $0xffff, v1  }
0xa0: {  	v2 =	vld [tilespmem:s23+$0x18C30];
	_ =	sdelay $0x7  }
0xa1: {  	[tilespmem:v2+s2+$0x0] =	vst.idx.add.f32.msk $0xffff, v1  }
0xa2: {  	v2 =	vld [tilespmem:s23+$0x18C40];
	_ =	sdelay $0x7  }
0xa3: {  	[tilespmem:v2+s2+$0x0] =	vst.idx.add.f32.msk $0xffff, v1  }
0xa4: {  	v2 =	vld [tilespmem:s23+$0x18C50];
	_ =	sdelay $0x7  }
0xa5: {  	[tilespmem:v2+s2+$0x0] =	vst.idx.add.f32.msk $0xffff, v1  }
0xa6: {  	v2 =	vld [tilespmem:s23+$0x18C60];
	_ =	sdelay $0x7  }
0xa7: {  	[tilespmem:v2+s2+$0x0] =	vst.idx.add.f32.msk $0xffff, v1  }
0xa8: {  	v2 =	vld [tilespmem:s23+$0x18C70];
	_ =	sdelay $0x7  }
0xa9: {  	[tilespmem:v2+s2+$0x0] =	vst.idx.add.f32.msk $0xffff, v1  }
0xaa: {  	v2 =	vld [tilespmem:s23+$0x18D00];
	_ =	sdelay $0x7  }
0xab: {  	[tilespmem:v2+s2+$0x0] =	vst.idx.add.f32.msk $0xffff, v1  }
0xac: {  	v2 =	vld [tilespmem:s23+$0x18D10];
	_ =	sdelay $0x7  }
0xad: {  	[tilespmem:v2+s2+$0x0] =	vst.idx.add.f32.msk $0xffff, v1  }
0xae: {  	v2 =	vld [tilespmem:s23+$0x18D20];
	_ =	sdelay $0x7  }
0xaf: {  	[tilespmem:v2+s2+$0x0] =	vst.idx.add.f32.msk $0xffff, v1  }
0xb0: {  	v2 =	vld [tilespmem:s23+$0x18D30];
	_ =	sdelay $0x7  }
0xb1: {  	[tilespmem:v2+s2+$0x0] =	vst.idx.add.f32.msk $0xffff, v1  }
0xb2: {  	v2 =	vld [tilespmem:s23+$0x18D40];
	_ =	sdelay $0x7  }
0xb3: {  	[tilespmem:v2+s2+$0x0] =	vst.idx.add.f32.msk $0xffff, v1  }
0xb4: {  	v2 =	vld [tilespmem:s23+$0x18D50];
	_ =	sdelay $0x7  }
0xb5: {  	[tilespmem:v2+s2+$0x0] =	vst.idx.add.f32.msk $0xffff, v1  }
0xb6: {  	v2 =	vld [tilespmem:s23+$0x18D60];
	_ =	sdelay $0x7  }
0xb7: {  	[tilespmem:v2+s2+$0x0] =	vst.idx.add.f32.msk $0xffff, v1  }
0xb8: {  	v2 =	vld [tilespmem:s23+$0x18D70];
	_ =	sdelay $0x7  }
0xb9: {  	[tilespmem:v2+s2+$0x0] =	vst.idx.add.f32.msk $0xffff, v1  }
0xba: {  	v2 =	vld [tilespmem:s23+$0x18E00];
	_ =	sdelay $0x7  }
0xbb: {  	[tilespmem:v2+s2+$0x0] =	vst.idx.add.f32.msk $0xffff, v1  }
0xbc: {  	v2 =	vld [tilespmem:s23+$0x18E10];
	_ =	sdelay $0x7  }
0xbd: {  	[tilespmem:v2+s2+$0x0] =	vst.idx.add.f32.msk $0xffff, v1  }
0xbe: {  	v2 =	vld [tilespmem:s23+$0x18E20];
	_ =	sdelay $0x7  }
0xbf: {  	[tilespmem:v2+s2+$0x0] =	vst.idx.add.f32.msk $0xffff, v1  }
0xc0: {  	v2 =	vld [tilespmem:s23+$0x18E30];
	_ =	sdelay $0x7  }
0xc1: {  	[tilespmem:v2+s2+$0x0] =	vst.idx.add.f32.msk $0xffff, v1  }
0xc2: {  	v2 =	vld [tilespmem:s23+$0x18E40];
	_ =	sdelay $0x7  }
0xc3: {  	[tilespmem:v2+s2+$0x0] =	vst.idx.add.f32.msk $0xffff, v1  }
0xc4: {  	v2 =	vld [tilespmem:s23+$0x18E50];
	_ =	sdelay $0x7  }
0xc5: {  	[tilespmem:v2+s2+$0x0] =	vst.idx.add.f32.msk $0xffff, v1  }
0xc6: {  	v2 =	vld [tilespmem:s23+$0x18E60];
	_ =	sdelay $0x7  }
0xc7: {  	[tilespmem:v2+s2+$0x0] =	vst.idx.add.f32.msk $0xffff, v1  }
0xc8: {  	v2 =	vld [tilespmem:s23+$0x18E70];
	_ =	sdelay $0x7  }
0xc9: {  	[tilespmem:v2+s2+$0x0] =	vst.idx.add.f32.msk $0xffff, v1  }
0xca: {  	v2 =	vld [tilespmem:s23+$0x18F00];
	_ =	sdelay $0x7  }
0xcb: {  	[tilespmem:v2+s2+$0x0] =	vst.idx.add.f32.msk $0xffff, v1  }
0xcc: {  	v2 =	vld [tilespmem:s23+$0x18F10];
	_ =	sdelay $0x7  }
0xcd: {  	[tilespmem:v2+s2+$0x0] =	vst.idx.add.f32.msk $0xffff, v1  }
0xce: {  	v2 =	vld [tilespmem:s23+$0x18F20];
	_ =	sdelay $0x7  }
0xcf: {  	[tilespmem:v2+s2+$0x0] =	vst.idx.add.f32.msk $0xffff, v1  }
0xd0: {  	v2 =	vld [tilespmem:s23+$0x18F30];
	_ =	sdelay $0x7  }
0xd1: {  	[tilespmem:v2+s2+$0x0] =	vst.idx.add.f32.msk $0xffff, v1  }
0xd2: {  	v2 =	vld [tilespmem:s23+$0x18F40];
	_ =	sdelay $0x7  }
0xd3: {  	[tilespmem:v2+s2+$0x0] =	vst.idx.add.f32.msk $0xffff, v1  }
0xd4: {  	v2 =	vld [tilespmem:s23+$0x18F50];
	_ =	sdelay $0x7  }
0xd5: {  	[tilespmem:v2+s2+$0x0] =	vst.idx.add.f32.msk $0xffff, v1  }
0xd6: {  	v2 =	vld [tilespmem:s23+$0x18F60];
	_ =	sdelay $0x7  }
0xd7: {  	[tilespmem:v2+s2+$0x0] =	vst.idx.add.f32.msk $0xffff, v1  }
0xd8: {  	v2 =	vld [tilespmem:s23+$0x18F70];
	_ =	sdelay $0x7  }
0xd9: {  	[tilespmem:v2+s2+$0x0] =	vst.idx.add.f32.msk $0xffff, v1  }
0xda: {  	v2 =	vld [tilespmem:s23+$0x19000];
	_ =	sdelay $0x7  }
0xdb: {  	[tilespmem:v2+s2+$0x0] =	vst.idx.add.f32.msk $0xffff, v1  }
0xdc: {  	v2 =	vld [tilespmem:s23+$0x19010];
	_ =	sdelay $0x7  }
0xdd: {  	[tilespmem:v2+s2+$0x0] =	vst.idx.add.f32.msk $0xffff, v1  }
0xde: {  	v2 =	vld [tilespmem:s23+$0x19020];
	_ =	sdelay $0x7  }
0xdf: {  	[tilespmem:v2+s2+$0x0] =	vst.idx.add.f32.msk $0xffff, v1  }
0xe0: {  	v2 =	vld [tilespmem:s23+$0x19030];
	_ =	sdelay $0x7  }
0xe1: {  	[tilespmem:v2+s2+$0x0] =	vst.idx.add.f32.msk $0xffff, v1  }
0xe2: {  	v2 =	vld [tilespmem:s23+$0x19040];
	_ =	sdelay $0x7  }
0xe3: {  	[tilespmem:v2+s2+$0x0] =	vst.idx.add.f32.msk $0xffff, v1  }
0xe4: {  	v2 =	vld [tilespmem:s23+$0x19050];
	_ =	sdelay $0x7  }
0xe5: {  	[tilespmem:v2+s2+$0x0] =	vst.idx.add.f32.msk $0xffff, v1  }
0xe6: {  	v2 =	vld [tilespmem:s23+$0x19060];
	_ =	sdelay $0x7  }
0xe7: {  	[tilespmem:v2+s2+$0x0] =	vst.idx.add.f32.msk $0xffff, v1  }
0xe8: {  	v2 =	vld [tilespmem:s23+$0x19070];
	_ =	sdelay $0x7  }
0xe9: {  	[tilespmem:v2+s2+$0x0] =	vst.idx.add.f32.msk $0xffff, v1  }
0xea: {  	v2 =	vld [tilespmem:s23+$0x19100];
	_ =	sdelay $0x7  }
0xeb: {  	[tilespmem:v2+s2+$0x0] =	vst.idx.add.f32.msk $0xffff, v1  }
0xec: {  	v2 =	vld [tilespmem:s23+$0x19110];
	_ =	sdelay $0x7  }
0xed: {  	[tilespmem:v2+s2+$0x0] =	vst.idx.add.f32.msk $0xffff, v1  }
0xee: {  	v2 =	vld [tilespmem:s23+$0x19120];
	_ =	sdelay $0x7  }
0xef: {  	[tilespmem:v2+s2+$0x0] =	vst.idx.add.f32.msk $0xffff, v1  }
0xf0: {  	v2 =	vld [tilespmem:s23+$0x19130];
	_ =	sdelay $0x7  }
0xf1: {  	[tilespmem:v2+s2+$0x0] =	vst.idx.add.f32.msk $0xffff, v1  }
0xf2: {  	v2 =	vld [tilespmem:s23+$0x19140];
	_ =	sdelay $0x7  }
0xf3: {  	[tilespmem:v2+s2+$0x0] =	vst.idx.add.f32.msk $0xffff, v1  }
0xf4: {  	v2 =	vld [tilespmem:s23+$0x19150];
	_ =	sdelay $0x7  }
0xf5: {  	[tilespmem:v2+s2+$0x0] =	vst.idx.add.f32.msk $0xffff, v1  }
0xf6: {  	v2 =	vld [tilespmem:s23+$0x19160];
	_ =	sdelay $0x7  }
0xf7: {  	[tilespmem:v2+s2+$0x0] =	vst.idx.add.f32.msk $0xffff, v1  }
0xf8: {  	v2 =	vld [tilespmem:s23+$0x19170];
	_ =	sdelay $0x7  }
0xf9: {  	[tilespmem:v2+s2+$0x0] =	vst.idx.add.f32.msk $0xffff, v1  }
0xfa: {  	v2 =	vld [tilespmem:s23+$0x19200];
	_ =	sdelay $0x7  }
0xfb: {  	[tilespmem:v2+s2+$0x0] =	vst.idx.add.f32.msk $0xffff, v1  }
0xfc: {  	v2 =	vld [tilespmem:s23+$0x19210];
	_ =	sdelay $0x7  }
0xfd: {  	[tilespmem:v2+s2+$0x0] =	vst.idx.add.f32.msk $0xffff, v1  }
0xfe: {  	v2 =	vld [tilespmem:s23+$0x19220];
	_ =	sdelay $0x7  }
0xff: {  	[tilespmem:v2+s2+$0x0] =	vst.idx.add.f32.msk $0xffff, v1  }
0x100: {  	v2 =	vld [tilespmem:s23+$0x19230];
	_ =	sdelay $0x7  }
0x101: {  	[tilespmem:v2+s2+$0x0] =	vst.idx.add.f32.msk $0xffff, v1  }
0x102: {  	v2 =	vld [tilespmem:s23+$0x19240];
	_ =	sdelay $0x7  }
0x103: {  	[tilespmem:v2+s2+$0x0] =	vst.idx.add.f32.msk $0xffff, v1  }
0x104: {  	v2 =	vld [tilespmem:s23+$0x19250];
	_ =	sdelay $0x7  }
0x105: {  	[tilespmem:v2+s2+$0x0] =	vst.idx.add.f32.msk $0xffff, v1  }
0x106: {  	v2 =	vld [tilespmem:s23+$0x19260];
	_ =	sdelay $0x7  }
0x107: {  	[tilespmem:v2+s2+$0x0] =	vst.idx.add.f32.msk $0xffff, v1  }
0x108: {  	v2 =	vld [tilespmem:s23+$0x19270];
	_ =	sdelay $0x7  }
0x109: {  	[tilespmem:v2+s2+$0x0] =	vst.idx.add.f32.msk $0xffff, v1  }
0x10a: {  	v2 =	vld [tilespmem:s23+$0x19300];
	_ =	sdelay $0x7  }
0x10b: {  	[tilespmem:v2+s2+$0x0] =	vst.idx.add.f32.msk $0xffff, v1  }
0x10c: {  	v2 =	vld [tilespmem:s23+$0x19310];
	_ =	sdelay $0x7  }
0x10d: {  	[tilespmem:v2+s2+$0x0] =	vst.idx.add.f32.msk $0xffff, v1  }
0x10e: {  	v2 =	vld [tilespmem:s23+$0x19320];
	_ =	sdelay $0x7  }
0x10f: {  	[tilespmem:v2+s2+$0x0] =	vst.idx.add.f32.msk $0xffff, v1  }
0x110: {  	v2 =	vld [tilespmem:s23+$0x19330];
	_ =	sdelay $0x7  }
0x111: {  	[tilespmem:v2+s2+$0x0] =	vst.idx.add.f32.msk $0xffff, v1  }
0x112: {  	v2 =	vld [tilespmem:s23+$0x19340];
	_ =	sdelay $0x7  }
0x113: {  	[tilespmem:v2+s2+$0x0] =	vst.idx.add.f32.msk $0xffff, v1  }
0x114: {  	v2 =	vld [tilespmem:s23+$0x19350];
	_ =	sdelay $0x7  }
0x115: {  	[tilespmem:v2+s2+$0x0] =	vst.idx.add.f32.msk $0xffff, v1  }
0x116: {  	v2 =	vld [tilespmem:s23+$0x19360];
	_ =	sdelay $0x7  }
0x117: {  	[tilespmem:v2+s2+$0x0] =	vst.idx.add.f32.msk $0xffff, v1  }
0x118: {  	v2 =	vld [tilespmem:s23+$0x19370];
	_ =	sdelay $0x7  }
0x119: {  	[tilespmem:v2+s2+$0x0] =	vst.idx.add.f32.msk $0xffff, v1  }
0x11a: {  	v2 =	vld [tilespmem:s23+$0x19400];
	_ =	sdelay $0x7  }
0x11b: {  	[tilespmem:v2+s2+$0x0] =	vst.idx.add.f32.msk $0xffff, v1  }
0x11c: {  	v2 =	vld [tilespmem:s23+$0x19410];
	_ =	sdelay $0x7  }
0x11d: {  	[tilespmem:v2+s2+$0x0] =	vst.idx.add.f32.msk $0xffff, v1  }
0x11e: {  	v2 =	vld [tilespmem:s23+$0x19420];
	_ =	sdelay $0x7  }
0x11f: {  	[tilespmem:v2+s2+$0x0] =	vst.idx.add.f32.msk $0xffff, v1  }
0x120: {  	v2 =	vld [tilespmem:s23+$0x19430];
	_ =	sdelay $0x7  }
0x121: {  	[tilespmem:v2+s2+$0x0] =	vst.idx.add.f32.msk $0xffff, v1  }
0x122: {  	v2 =	vld [tilespmem:s23+$0x19440];
	_ =	sdelay $0x7  }
0x123: {  	[tilespmem:v2+s2+$0x0] =	vst.idx.add.f32.msk $0xffff, v1  }
0x124: {  	v2 =	vld [tilespmem:s23+$0x19450];
	_ =	sdelay $0x7  }
0x125: {  	[tilespmem:v2+s2+$0x0] =	vst.idx.add.f32.msk $0xffff, v1  }
0x126: {  	v2 =	vld [tilespmem:s23+$0x19460];
	_ =	sdelay $0x7  }
0x127: {  	[tilespmem:v2+s2+$0x0] =	vst.idx.add.f32.msk $0xffff, v1  }
0x128: {  	v2 =	vld [tilespmem:s23+$0x19470];
	_ =	sdelay $0x7  }
0x129: {  	[tilespmem:v2+s2+$0x0] =	vst.idx.add.f32.msk $0xffff, v1  }
0x12a: {  	v2 =	vld [tilespmem:s23+$0x19500];
	_ =	sdelay $0x7  }
0x12b: {  	[tilespmem:v2+s2+$0x0] =	vst.idx.add.f32.msk $0xffff, v1  }
0x12c: {  	v2 =	vld [tilespmem:s23+$0x19510];
	_ =	sdelay $0x7  }
0x12d: {  	[tilespmem:v2+s2+$0x0] =	vst.idx.add.f32.msk $0xffff, v1  }
0x12e: {  	v2 =	vld [tilespmem:s23+$0x19520];
	_ =	sdelay $0x7  }
0x12f: {  	[tilespmem:v2+s2+$0x0] =	vst.idx.add.f32.msk $0xffff, v1  }
0x130: {  	v2 =	vld [tilespmem:s23+$0x19530];
	_ =	sdelay $0x7  }
0x131: {  	[tilespmem:v2+s2+$0x0] =	vst.idx.add.f32.msk $0xffff, v1  }
0x132: {  	v2 =	vld [tilespmem:s23+$0x19540];
	_ =	sdelay $0x7  }
0x133: {  	[tilespmem:v2+s2+$0x0] =	vst.idx.add.f32.msk $0xffff, v1  }
0x134: {  	v2 =	vld [tilespmem:s23+$0x19550];
	_ =	sdelay $0x7  }
0x135: {  	[tilespmem:v2+s2+$0x0] =	vst.idx.add.f32.msk $0xffff, v1  }
0x136: {  	v2 =	vld [tilespmem:s23+$0x19560];
	_ =	sdelay $0x7  }
0x137: {  	[tilespmem:v2+s2+$0x0] =	vst.idx.add.f32.msk $0xffff, v1  }
0x138: {  	v2 =	vld [tilespmem:s23+$0x19570];
	_ =	sdelay $0x7  }
0x139: {  	[tilespmem:v2+s2+$0x0] =	vst.idx.add.f32.msk $0xffff, v1  }
0x13a: {  	v2 =	vld [tilespmem:s23+$0x19600];
	_ =	sdelay $0x7  }
0x13b: {  	[tilespmem:v2+s2+$0x0] =	vst.idx.add.f32.msk $0xffff, v1  }
0x13c: {  	v2 =	vld [tilespmem:s23+$0x19610];
	_ =	sdelay $0x7  }
0x13d: {  	[tilespmem:v2+s2+$0x0] =	vst.idx.add.f32.msk $0xffff, v1  }
0x13e: {  	v2 =	vld [tilespmem:s23+$0x19620];
	_ =	sdelay $0x7  }
0x13f: {  	[tilespmem:v2+s2+$0x0] =	vst.idx.add.f32.msk $0xffff, v1  }
0x140: {  	v2 =	vld [tilespmem:s23+$0x19630];
	_ =	sdelay $0x7  }
0x141: {  	[tilespmem:v2+s2+$0x0] =	vst.idx.add.f32.msk $0xffff, v1  }
0x142: {  	v2 =	vld [tilespmem:s23+$0x19640];
	_ =	sdelay $0x7  }
0x143: {  	[tilespmem:v2+s2+$0x0] =	vst.idx.add.f32.msk $0xffff, v1  }
0x144: {  	v2 =	vld [tilespmem:s23+$0x19650];
	_ =	sdelay $0x7  }
0x145: {  	[tilespmem:v2+s2+$0x0] =	vst.idx.add.f32.msk $0xffff, v1  }
0x146: {  	v2 =	vld [tilespmem:s23+$0x19660];
	_ =	sdelay $0x7  }
0x147: {  	[tilespmem:v2+s2+$0x0] =	vst.idx.add.f32.msk $0xffff, v1  }
0x148: {  	v2 =	vld [tilespmem:s23+$0x19670];
	_ =	sdelay $0x7  }
0x149: {  	[tilespmem:v2+s2+$0x0] =	vst.idx.add.f32.msk $0xffff, v1  }
0x14a: {  	v2 =	vld [tilespmem:s23+$0x19700];
	_ =	sdelay $0x7  }
0x14b: {  	[tilespmem:v2+s2+$0x0] =	vst.idx.add.f32.msk $0xffff, v1  }
0x14c: {  	v2 =	vld [tilespmem:s23+$0x19710];
	_ =	sdelay $0x7  }
0x14d: {  	[tilespmem:v2+s2+$0x0] =	vst.idx.add.f32.msk $0xffff, v1  }
0x14e: {  	v2 =	vld [tilespmem:s23+$0x19720];
	_ =	sdelay $0x7  }
0x14f: {  	[tilespmem:v2+s2+$0x0] =	vst.idx.add.f32.msk $0xffff, v1  }
0x150: {  	v2 =	vld [tilespmem:s23+$0x19730];
	_ =	sdelay $0x7  }
0x151: {  	[tilespmem:v2+s2+$0x0] =	vst.idx.add.f32.msk $0xffff, v1  }
0x152: {  	v2 =	vld [tilespmem:s23+$0x19740];
	_ =	sdelay $0x7  }
0x153: {  	[tilespmem:v2+s2+$0x0] =	vst.idx.add.f32.msk $0xffff, v1  }
0x154: {  	v2 =	vld [tilespmem:s23+$0x19750];
	_ =	sdelay $0x7  }
0x155: {  	[tilespmem:v2+s2+$0x0] =	vst.idx.add.f32.msk $0xffff, v1  }
0x156: {  	v2 =	vld [tilespmem:s23+$0x19760];
	_ =	sdelay $0x7  }
0x157: {  	[tilespmem:v2+s2+$0x0] =	vst.idx.add.f32.msk $0xffff, v1  }
0x158: {  	v2 =	vld [tilespmem:s23+$0x19770];
	_ =	sdelay $0x1  }
0x159: {  	s1 =	sadd.s32 $0x80, s1  }
0x15a: {  	p0 =	sne.s32 s1, $0x3100  }
.Ltmp1:
0x15b: {  	_ = 	snop;
	(pc) =	sbr.rel @p0 .LBB2_4-.Ltmp1, $2  }
0x15c: {  	_ =	sdelay $0x2  }
0x15d: {  	s21 =	sadd.s32 $0x100, s21;
	[tilespmem:v2+s2+$0x0] =	vst.idx.add.f32.msk $0xffff, v1  }
0x15e: {  	s0 =	sadd.s32 $0x1, s0  }
0x15f: {  	p0 =	sne.s32 s0, s5  }
.Ltmp2:
0x160: {  	s1 =	simm.s32 $0x80;
	(pc) =	sbr.rel @p0 .LBB2_1-.Ltmp2, $4  }
0x161: {  	[hbm4b:s4+s1] =	stream.strided.scatter [tilespmem:s2], [sflag:$0x2], $0x18800, s30, s1, $0x38;
	[tilespmem:$0x19800] =	vst v63  }
0x162: {  	_ =	swait.ge [sflag:s31], $0x18800  }
0x163: {  	[sflag:s31] =	ssyncset.done $0x0  }
0x164: {  	[sflag:s31] =	ssyncadd.s32 $0xFFFE7800  }
0x165: {  	_ =	sfence.sel $0x180000  }
0x166: {  	[bflag:$0x0] =	sbarrier.arrive $0xFFFF  }
0x167: {  	_ =	strace $0x90000047  }
0x168: {  	s0 =	stileid.u32;
	[bflag:$0x2] =	sbarrier.arrive $0xFFFF  }
0x169: {  	p0 =	sne.s32 s0, $0x0;
	s0 =	rddreg [dreg:$0x1]  }
0x16a: {  	s0 =	sadd.s32 @!p0 $0x100000, s0  }
0x16b: {  	[sflag:s0] =	ssyncadd.tile.s32 @!p0 $0x1;
	_ =	shalt  }
.Lfunc_end2:
_tile_overlayer_lowered:
.L_overlay_start_2:
0x16c: {  	(tag) =	ssettag $0x2  }
0x16d: {  	s0 =	rddreg [dreg:$0x0];
	s2 =	stileid.u32  }
0x16e: {  	s1 =	rddreg [dreg:$0x1];
	p0 =	sne.s32 s2, $0x0  }
0x16f: {  	s3 =	rddreg [dreg:$0x2];
	[bflag:$0x3] =	sbarrier.arrive $0xFFFF;
	s2 =	simm.s32 @!p0 $0x1C02  }
0x170: {  	[timem:s3], [sflag:s2] =	dma.local @!p0 [hbm:s0], s1  }
0x171: {  	s0 =	simm.s32 @!p0 $0x2  }
0x172: {  	_ =	swait.ge @!p0 [sflag:s0], s1  }
0x173: {  	s1 =	ssub.s32 @!p0 $0x0, s1;
	[sflag:s0] =	ssyncset.done @!p0 $0x0  }
0x174: {  	[sflag:s0] =	ssyncadd.s32 @!p0 s1  }
0x175: {  	[bflag:$0x3] =	sbarrier.arrive $0xFFFF  }
0x176: {  	_ =	shalt  }

</sc_bundles>
